<compile_context>
chip_gen: v7x
topology: tpu7x:2x2x1
jax: 0.10.2.dev20260603
libtpu: 0.0.44.dev20260713+nightly
codegen_flags: <defaults>
</compile_context>

<pallas_src>
import functools

import jax
import jax.numpy as jnp
from jax import lax
from jax.experimental import pallas as pl
from jax.experimental.pallas import tpu as pltpu
from jax.experimental.pallas import tpu_sc as plsc

N = 10000
E = 160000
F = 128
HEADS = 10
NPAD = 10240
NC = 2
NS = 16
NTILES = NC * NS
BB = 128
NB = 42
EPAD = NTILES * NB * BB
FH = 64
FW = 80
BM = 256
RPT = NPAD // NS
NZ = RPT // BB



def _make_edge_sc(H):
    mesh = plsc.VectorSubcoreMesh(core_axis_name="c", subcore_axis_name="s")

    @functools.partial(
        pl.kernel,
        out_type=(
            jax.ShapeDtypeStruct((NC, 2 * H, NPAD, FW), jnp.float32),
            jax.ShapeDtypeStruct((NTILES, NB, BB, 16), jnp.float32),
        ),
        mesh=mesh,
        compiler_params=pltpu.CompilerParams(use_tc_tiling_on_sc=False),
        scratch_types=[
            pltpu.VMEM((NB, BB), jnp.int32),
            pltpu.VMEM((NB, BB), jnp.int32),
            pltpu.VMEM((BB, 16), jnp.float32),
            pltpu.VMEM((BB, 16), jnp.float32),
            pltpu.VMEM((BB, 16), jnp.float32),
            pltpu.VMEM((BB, 16), jnp.float32),
            pltpu.VMEM((BB, FW), jnp.float32),
            pltpu.VMEM((BB, FW), jnp.float32),
            pltpu.VMEM((BB, FW), jnp.float32),
            pltpu.VMEM_SHARED((NPAD, FW), jnp.float32),
            pltpu.SemaphoreType.DMA,
            pltpu.SemaphoreType.DMA,
            pltpu.SemaphoreType.DMA,
            pltpu.SemaphoreType.DMA,
            pltpu.SemaphoreType.DMA,
            pltpu.SemaphoreType.DMA,
        ],
    )
    def edge_kernel(feat, a_s, a_d, srcs, dsts, parts, wout,
                    idx_s, idx_d, ar, ad, wb0, wb1, rows0, rows1, zbuf, acc,
                    semr0, semr1, semw0, semw1, sems0, sems1):
        cid = lax.axis_index("c")
        sid = lax.axis_index("s")
        tid = cid * NS + sid
        fzero = jnp.zeros((16,), jnp.float32)

        def zb(j, _):
            for k2 in range(FW // 16):
                zbuf[j, k2 * 16:(k2 + 1) * 16] = fzero
            return 0
        lax.fori_loop(0, BB, zb, 0)

        pltpu.sync_copy(srcs.at[tid], idx_s)
        pltpu.sync_copy(dsts.at[tid], idx_d)

        def batch_a(b, _):
            ga = pltpu.async_copy(a_s.at[idx_s.at[b]], ar, semr0)
            gb = pltpu.async_copy(a_d.at[idx_d.at[b]], ad, semr1)
            ga.wait()
            gb.wait()

            def row_a(j, _):
                e = ar[j, :] + ad[j, :]
                e = jnp.where(e >= 0.0, e, e * 0.2)
                wb0[j, :] = jnp.exp(e)
                return 0
            lax.fori_loop(0, BB, row_a, 0, unroll=4)
            pltpu.sync_copy(wb0, wout.at[tid, b])
            return 0
        lax.fori_loop(0, NB, batch_a, 0)

        def head(hh, _):
            def zc(i, _):
                pltpu.sync_copy(zbuf, acc.at[pl.ds(sid * RPT + i * BB, BB)])
                return 0
            lax.fori_loop(0, NZ, zc, 0)
            plsc.subcore_barrier()

            hvec = jnp.full((16,), hh // 2, jnp.int32)

            def start(b, rbuf, wbuf, sr, sw):
                pltpu.async_copy(wout.at[tid, b], wbuf, sw)
                pltpu.async_copy(feat.at[hh].at[idx_s.at[b]], rbuf, sr)

            def scale(b, rbuf, wbuf, sr, sw):
                pltpu.make_async_copy(wout.at[tid, b], wbuf, sw).wait()
                pltpu.make_async_copy(
                    feat.at[hh].at[idx_s.at[b]], rbuf, sr).wait()

                def row_b(j, _):
                    wrow = wbuf[j, :]
                    ws = wrow.at[hvec].get(mode="promise_in_bounds")
                    for k2 in range(FW // 16):
                        sl = slice(k2 * 16, (k2 + 1) * 16)
                        rbuf[j, sl] = rbuf[j, sl] * ws
                    return 0
                lax.fori_loop(0, BB, row_b, 0, unroll=4)

            def scat_start(b, rbuf, ss):
                pltpu.async_copy(rbuf, acc.at[idx_d.at[b]], ss, add=True)

            def scat_wait(b, rbuf, ss):
                pltpu.make_async_copy(
                    rbuf, acc.at[idx_d.at[b]], ss).wait()

            start(0, rows0, wb0, semr0, semw0)

            def pair(bb, _):
                b0 = 2 * bb

                @pl.when(bb > 0)
                def _():
                    scat_wait(b0 - 1, rows1, sems1)
                start(b0 + 1, rows1, wb1, semr1, semw1)
                scale(b0, rows0, wb0, semr0, semw0)
                scat_start(b0, rows0, sems0)
                scale(b0 + 1, rows1, wb1, semr1, semw1)
                scat_wait(b0, rows0, sems0)

                @pl.when(b0 + 2 < NB)
                def _():
                    start(b0 + 2, rows0, wb0, semr0, semw0)
                scat_start(b0 + 1, rows1, sems1)
                return 0
            lax.fori_loop(0, NB // 2, pair, 0)
            scat_wait(NB - 1, rows1, sems1)
            plsc.subcore_barrier()

            def dc(i, _):
                base = sid * RPT + i * BB
                pltpu.sync_copy(acc.at[pl.ds(base, BB)], rows0)
                pltpu.sync_copy(rows0, parts.at[cid, hh].at[pl.ds(base, BB)])
                return 0
            lax.fori_loop(0, NZ, dc, 0)
            plsc.subcore_barrier()
            return 0
        lax.fori_loop(0, 2 * H, head, 0)

    return edge_kernel



def _feat1_k(x_ref, w_ref, o_ref):
    mm = jnp.dot(x_ref[...], w_ref[...], preferred_element_type=jnp.float32)
    col = lax.broadcasted_iota(jnp.int32, (BM, FW - FH), 1)
    pad1 = jnp.where(col == 0, 1.0, 0.0)
    pad0 = jnp.zeros((BM, FW - FH), jnp.float32)
    for hh in range(2 * HEADS):
        pad = pad1 if hh % 2 == 0 else pad0
        o_ref[hh] = jnp.concatenate(
            [mm[:, hh * FH:(hh + 1) * FH], pad], axis=1)


def _feat1(xp, w1c):
    return pl.pallas_call(
        _feat1_k,
        grid=(NPAD // BM,),
        in_specs=[
            pl.BlockSpec((BM, F), lambda i: (i, 0)),
            pl.BlockSpec((F, 2 * HEADS * FH), lambda i: (0, 0)),
        ],
        out_specs=pl.BlockSpec((2 * HEADS, BM, FW), lambda i: (0, i, 0)),
        out_shape=jax.ShapeDtypeStruct((2 * HEADS, NPAD, FW), jnp.float32),
    )(xp, w1c)


def _alpha_k(x_ref, ws_ref, wd_ref, os_ref, od_ref):
    os_ref[...] = jnp.dot(x_ref[...], ws_ref[...],
                          preferred_element_type=jnp.float32)
    od_ref[...] = jnp.dot(x_ref[...], wd_ref[...],
                          preferred_element_type=jnp.float32)


def _alphas(xp, wsp, wdp):
    return pl.pallas_call(
        _alpha_k,
        grid=(NPAD // BM,),
        in_specs=[
            pl.BlockSpec((BM, F), lambda i: (i, 0)),
            pl.BlockSpec((F, 16), lambda i: (0, 0)),
            pl.BlockSpec((F, 16), lambda i: (0, 0)),
        ],
        out_specs=[
            pl.BlockSpec((BM, 16), lambda i: (i, 0)),
            pl.BlockSpec((BM, 16), lambda i: (i, 0)),
        ],
        out_shape=[
            jax.ShapeDtypeStruct((NPAD, 16), jnp.float32),
            jax.ShapeDtypeStruct((NPAD, 16), jnp.float32),
        ],
    )(xp, wsp, wdp)


def _comb1_k(p_ref, b1_ref, w2_ref, a2s_ref, a2d_ref,
             of_ref, os_ref, od_ref):
    acc = jnp.zeros((BM, F), jnp.float32)
    for h in range(HEADS):
        e0 = p_ref[0, 2 * h] + p_ref[1, 2 * h]
        e1 = p_ref[0, 2 * h + 1] + p_ref[1, 2 * h + 1]
        den = e0[:, FH:FH + 1] + 1e-16
        v = jnp.concatenate([e0[:, :FH], e1[:, :FH]], axis=1) / den
        v = v + b1_ref[0, h]
        v = jnp.where(v > 0, v, jnp.exp(v) - 1.0)
        acc = acc + jnp.dot(v, w2_ref[h], preferred_element_type=jnp.float32)
    ones = jnp.ones((BM, 1), jnp.float32)
    z15 = jnp.zeros((BM, FW - FH - 1), jnp.float32)
    z16 = jnp.zeros((BM, FW - FH), jnp.float32)
    f_even = jnp.concatenate([acc[:, :FH], ones, z15], axis=1)
    f_odd = jnp.concatenate([acc[:, FH:], z16], axis=1)
    of_ref[...] = jnp.stack([f_even, f_odd], axis=0)
    s = jnp.sum(acc * a2s_ref[...], axis=1, keepdims=True)
    d = jnp.sum(acc * a2d_ref[...], axis=1, keepdims=True)
    za = jnp.zeros((BM, 15), jnp.float32)
    os_ref[...] = jnp.concatenate([s, za], axis=1)
    od_ref[...] = jnp.concatenate([d, za], axis=1)


def _comb1(parts1, b1r, w2r, a2s, a2d):
    return pl.pallas_call(
        _comb1_k,
        grid=(NPAD // BM,),
        in_specs=[
            pl.BlockSpec((NC, 2 * HEADS, BM, FW), lambda i: (0, 0, i, 0)),
            pl.BlockSpec((1, HEADS, F), lambda i: (0, 0, 0)),
            pl.BlockSpec((HEADS, F, F), lambda i: (0, 0, 0)),
            pl.BlockSpec((1, F), lambda i: (0, 0)),
            pl.BlockSpec((1, F), lambda i: (0, 0)),
        ],
        out_specs=[
            pl.BlockSpec((2, BM, FW), lambda i: (0, i, 0)),
            pl.BlockSpec((BM, 16), lambda i: (i, 0)),
            pl.BlockSpec((BM, 16), lambda i: (i, 0)),
        ],
        out_shape=[
            jax.ShapeDtypeStruct((2, NPAD, FW), jnp.float32),
            jax.ShapeDtypeStruct((NPAD, 16), jnp.float32),
            jax.ShapeDtypeStruct((NPAD, 16), jnp.float32),
        ],
    )(parts1, b1r, w2r, a2s, a2d)


def _pool_k(p_ref, b2_ref, o_ref):
    i = pl.program_id(0)
    e0 = p_ref[0, 0] + p_ref[1, 0]
    e1 = p_ref[0, 1] + p_ref[1, 1]
    den = e0[:, FH:FH + 1] + 1e-16
    v = jnp.concatenate([e0[:, :FH], e1[:, :FH]], axis=1) / den
    v = jnp.maximum(v + b2_ref[...], 0.0)
    rid = i * BM + lax.broadcasted_iota(jnp.int32, (BM, 1), 0)
    v = jnp.where(rid < N, v, 0.0)
    m = jnp.max(v.reshape(BM // 8, 8, F), axis=0)

    @pl.when(i == 0)
    def _():
        o_ref[...] = m

    @pl.when(i > 0)
    def _():
        o_ref[...] = jnp.maximum(o_ref[...], m)


def _pool(parts2, b2r):
    return pl.pallas_call(
        _pool_k,
        grid=(NPAD // BM,),
        in_specs=[
            pl.BlockSpec((NC, 2, BM, FW), lambda i: (0, 0, i, 0)),
            pl.BlockSpec((1, F), lambda i: (0, 0)),
        ],
        out_specs=pl.BlockSpec((8, F), lambda i: (0, 0)),
        out_shape=jax.ShapeDtypeStruct((8, F), jnp.float32),
    )(parts2, b2r)


def _mlp_k(g_ref, w0_ref, b0_ref, w1_ref, b1_ref, w2_ref, b2_ref,
           w3_ref, b3_ref, o_ref):
    g = jnp.max(g_ref[...], axis=0, keepdims=True)
    g = jnp.maximum(jnp.dot(g, w0_ref[...],
                            preferred_element_type=jnp.float32)
                    + b0_ref[...], 0.0)
    g = jnp.maximum(jnp.dot(g, w1_ref[...],
                            preferred_element_type=jnp.float32)
                    + b1_ref[...], 0.0)
    g = jnp.maximum(jnp.dot(g, w2_ref[...],
                            preferred_element_type=jnp.float32)
                    + b2_ref[...], 0.0)
    o_ref[...] = (jnp.dot(g, w3_ref[...], preferred_element_type=jnp.float32)
                  + b3_ref[...])


def _mlp(g8, fcg_w, fcg_b, fc1_w, fc1_b, fc2_w, fc2_b, out_w, out_b):
    return pl.pallas_call(
        _mlp_k,
        out_shape=jax.ShapeDtypeStruct((1, 128), jnp.float32),
    )(g8, fcg_w, fcg_b.reshape(1, -1), fc1_w, fc1_b.reshape(1, -1),
      fc2_w, fc2_b.reshape(1, -1), out_w, out_b.reshape(1, -1))



def kernel(x, edge_index, W1, a1_src, a1_dst, b1, W2, a2_src, a2_dst, b2,
           fcg_w, fcg_b, fc1_w, fc1_b, fc2_w, fc2_b, out_w, out_b):
    loop = jnp.arange(N, dtype=edge_index.dtype)
    ndum = EPAD - E - N
    dum = N + (jnp.arange(ndum, dtype=jnp.int32) % (NPAD - N))
    src = jnp.concatenate([edge_index[0], loop, dum])
    dst = jnp.concatenate([edge_index[1], loop, dum])
    srcs = src.reshape(NTILES, NB, BB)
    dsts = dst.reshape(NTILES, NB, BB)

    xp = jnp.pad(x, ((0, NPAD - N), (0, 0)))

    w1r = W1.reshape(F, HEADS, F).transpose(1, 0, 2)
    w1h = w1r.reshape(HEADS, F, 2, FH).transpose(0, 2, 1, 3)
    w1c = w1h.reshape(2 * HEADS, F, FH).transpose(1, 0, 2)
    w1c = w1c.reshape(F, 2 * HEADS * FH)
    ws1 = jnp.einsum("fhc,hc->fh", W1.reshape(F, HEADS, F), a1_src)
    wd1 = jnp.einsum("fhc,hc->fh", W1.reshape(F, HEADS, F), a1_dst)
    wsp = jnp.pad(ws1, ((0, 0), (0, 6)))
    wdp = jnp.pad(wd1, ((0, 0), (0, 6)))
    w2r = W2.reshape(HEADS, F, F)
    b1r = b1.reshape(1, HEADS, F)
    b2r = b2.reshape(1, F)

    feat1 = _feat1(xp, w1c)
    a_s1, a_d1 = _alphas(xp, wsp, wdp)
    parts1, _ = _make_edge_sc(HEADS)(feat1, a_s1, a_d1, srcs, dsts)

    feat2, a_s2, a_d2 = _comb1(parts1, b1r, w2r, a2_src, a2_dst)
    parts2, _ = _make_edge_sc(1)(feat2, a_s2, a_d2, srcs, dsts)

    g8 = _pool(parts2, b2r)
    return _mlp(g8, fcg_w, fcg_b, fc1_w, fc1_b, fc2_w, fc2_b, out_w, out_b)

# --- scband reference (transcript-rebuilt; emitter-appended) ---
"""Pipeline reference for scband-gatnet-18382460027424 (READ-ONLY COPY).

The authoritative reference and input builder live on the scoring server;
editing this copy changes nothing except your own understanding.
"""

import jax, jax.numpy as jnp
import numpy as np

N = 10000
E = 160000
F_IN = 128
HEADS = 10
OUT = 128


def setup_inputs(seed: int = 0) -> dict:
    key = jax.random.key(seed)
    ks = jax.random.split(key, 20)
    s = 0.05
    inp = {}
    inp["x"] = jax.random.normal(ks[0], (N, F_IN), dtype=jnp.float32)
    inp["edge_index"] = jax.random.randint(ks[1], (2, E), 0, N, dtype=jnp.int32)
    # GATConv layer 1: in=128, out=128, heads=10, concat
    inp["W1"] = jax.random.normal(ks[2], (F_IN, HEADS * F_IN), dtype=jnp.float32) * s
    inp["a1_src"] = jax.random.normal(ks[3], (HEADS, F_IN), dtype=jnp.float32) * s
    inp["a1_dst"] = jax.random.normal(ks[4], (HEADS, F_IN), dtype=jnp.float32) * s
    inp["b1"] = jnp.zeros((HEADS * F_IN,), dtype=jnp.float32)
    # GATConv layer 2: in=1280, out=128, heads=1
    inp["W2"] = jax.random.normal(ks[5], (HEADS * F_IN, OUT), dtype=jnp.float32) * s
    inp["a2_src"] = jax.random.normal(ks[6], (1, OUT), dtype=jnp.float32) * s
    inp["a2_dst"] = jax.random.normal(ks[7], (1, OUT), dtype=jnp.float32) * s
    inp["b2"] = jnp.zeros((OUT,), dtype=jnp.float32)
    # MLP head
    inp["fcg_w"] = jax.random.normal(ks[8], (OUT, OUT), dtype=jnp.float32) * s
    inp["fcg_b"] = jnp.zeros((OUT,), dtype=jnp.float32)
    inp["fc1_w"] = jax.random.normal(ks[9], (128, 512), dtype=jnp.float32) * s
    inp["fc1_b"] = jnp.zeros((512,), dtype=jnp.float32)
    inp["fc2_w"] = jax.random.normal(ks[10], (512, 128), dtype=jnp.float32) * s
    inp["fc2_b"] = jnp.zeros((128,), dtype=jnp.float32)
    inp["out_w"] = jax.random.normal(ks[11], (128, 128), dtype=jnp.float32) * s
    inp["out_b"] = jnp.zeros((128,), dtype=jnp.float32)
    return inp


def _gat_conv(x, edge_index, W, a_src, a_dst, b, heads, out_ch, concat):
    n = x.shape[0]
    loop = jnp.arange(n, dtype=edge_index.dtype)
    src = jnp.concatenate([edge_index[0], loop])
    dst = jnp.concatenate([edge_index[1], loop])
    h = (x @ W).reshape(n, heads, out_ch)
    alpha_s = jnp.sum(h * a_src[None, :, :], axis=-1)  # [N, H]
    alpha_d = jnp.sum(h * a_dst[None, :, :], axis=-1)  # [N, H]
    e = jax.nn.leaky_relu(alpha_s[src] + alpha_d[dst], 0.2)  # [E', H]
    e_max = jax.lax.stop_gradient(jax.ops.segment_max(e, dst, num_segments=n))
    ee = jnp.exp(e - e_max[dst])
    denom = jax.ops.segment_sum(ee, dst, num_segments=n)
    alpha = ee / (denom[dst] + 1e-16)
    msg = h[src] * alpha[:, :, None]
    out = jax.ops.segment_sum(msg, dst, num_segments=n)
    if concat:
        out = out.reshape(n, heads * out_ch)
    else:
        out = out.mean(axis=1)
    return out + b


def reference(x, edge_index, W1, a1_src, a1_dst, b1, W2, a2_src, a2_dst, b2, fcg_w, fcg_b, fc1_w, fc1_b, fc2_w, fc2_b, out_w, out_b):
    # eval mode: dropout disabled
    h = jax.nn.elu(_gat_conv(x, edge_index, W1, a1_src, a1_dst, b1, HEADS, F_IN, True))
    h = jax.nn.relu(_gat_conv(h, edge_index, W2, a2_src, a2_dst, b2, 1, OUT, True))
    # global max pool, batch = all zeros -> single graph
    g = jnp.max(h, axis=0, keepdims=True)  # [1, 128]
    g = jax.nn.relu(g @ fcg_w + fcg_b)
    g = jax.nn.relu(g @ fc1_w + fc1_b)
    g = jax.nn.relu(g @ fc2_w + fc2_b)
    out = g @ out_w + out_b
    return out

if __name__ == "__main__":
    import jax
    _d = setup_inputs()
    print(jax.jit(kernel)(*tuple(_d.values())))

</pallas_src>

<mosaic_0001>
#map = affine_map<(d0, d1) -> (0, 0, 0)>
#map1 = affine_map<(d0, d1) -> (0, 0)>
#map2 = affine_map<(d0, d1) -> (0, 0, 0, 0)>
module attributes {stable_mosaic.version = 14 : i64} {
  func.func @edge_kernel(%arg0: i32, %arg1: i32, %arg2: memref<20x10240x80xf32, #tpu.memory_space<hbm>>, %arg3: memref<10240x16xf32, #tpu.memory_space<hbm>>, %arg4: memref<10240x16xf32, #tpu.memory_space<hbm>>, %arg5: memref<32x42x128xi32, #tpu.memory_space<hbm>>, %arg6: memref<32x42x128xi32, #tpu.memory_space<hbm>>, %arg7: memref<2x20x10240x80xf32, #tpu.memory_space<hbm>>, %arg8: memref<32x42x128x16xf32, #tpu.memory_space<hbm>>, %arg9: memref<42x128xi32, #tpu.memory_space<vmem>>, %arg10: memref<42x128xi32, #tpu.memory_space<vmem>>, %arg11: memref<128x16xf32, #tpu.memory_space<vmem>>, %arg12: memref<128x16xf32, #tpu.memory_space<vmem>>, %arg13: memref<128x16xf32, #tpu.memory_space<vmem>>, %arg14: memref<128x16xf32, #tpu.memory_space<vmem>>, %arg15: memref<128x80xf32, #tpu.memory_space<vmem>>, %arg16: memref<128x80xf32, #tpu.memory_space<vmem>>, %arg17: memref<128x80xf32, #tpu.memory_space<vmem>>, %arg18: memref<10240x80xf32, #tpu.memory_space<vmem_shared>>, %arg19: memref<!tpu.dma_semaphore, #tpu.memory_space<semaphore_mem>>, %arg20: memref<!tpu.dma_semaphore, #tpu.memory_space<semaphore_mem>>, %arg21: memref<!tpu.dma_semaphore, #tpu.memory_space<semaphore_mem>>, %arg22: memref<!tpu.dma_semaphore, #tpu.memory_space<semaphore_mem>>, %arg23: memref<!tpu.dma_semaphore, #tpu.memory_space<semaphore_mem>>, %arg24: memref<!tpu.dma_semaphore, #tpu.memory_space<semaphore_mem>>) attributes {dimension_semantics = [#tpu.dimension_semantics<core_parallel>, #tpu.dimension_semantics<subcore_parallel>], iteration_bounds = array<i64: 2, 16>, scalar_prefetch = 0 : i64, scratch_operands = 16 : i64, tpu.core_type = #tpu.core_type<sc_vector_subcore>, window_params = [{transform_indices = #map}, {transform_indices = #map1}, {transform_indices = #map1}, {transform_indices = #map}, {transform_indices = #map}, {transform_indices = #map2}, {transform_indices = #map2}]} {
    %mul3A = arith.constant 16 : i32
    %mul3A_0 = arith.muli %arg0, %mul3A : i32
    %add3A = arith.addi %mul3A_0, %arg1 : i32
    %broadcast_in_dim3A = arith.constant 0.000000e+00 : f32
    %broadcast_in_dim3A_1 = vector.broadcast %broadcast_in_dim3A : f32 to vector<16xf32>
    %scan3A = arith.constant 0 : i32
    %scan3A_2 = arith.constant 0 : i32
    %scan3A_3 = arith.constant 128 : i32
    %scan3A_4 = arith.addi %scan3A_2, %scan3A_3 : i32
    %scan3A_5 = arith.constant 1 : i32
    %scan3A_6 = scf.for %scan3A_22 = %scan3A_2 to %scan3A_4 step %scan3A_5 iter_args(%scan3A_23 = %scan3A) -> (i32)  : i32 {
      %swap3A = arith.index_cast %scan3A_22 : i32 to index
      %swap3A_24 = arith.constant 0 : index
      %swap3A_25 = tpu.vector_load %arg17[%swap3A, %swap3A_24] {strides = array<i32>} : memref<128x80xf32, #tpu.memory_space<vmem>>, vector<1x16xf32>,
      %swap3A_26 = vector.shape_cast %swap3A_25 : vector<1x16xf32> to vector<16xf32>
      %swap3A_27 = vector.shape_cast %broadcast_in_dim3A_1 : vector<16xf32> to vector<1x16xf32>
      tpu.vector_store %arg17[%swap3A, %swap3A_24], %swap3A_27 {strides = array<i32>} : memref<128x80xf32, #tpu.memory_space<vmem>>, vector<1x16xf32>,
      %swap3A_28 = arith.index_cast %scan3A_22 : i32 to index
      %swap3A_29 = arith.constant 16 : index
      %swap3A_30 = tpu.vector_load %arg17[%swap3A_28, %swap3A_29] {strides = array<i32>} : memref<128x80xf32, #tpu.memory_space<vmem>>, vector<1x16xf32>,
      %swap3A_31 = vector.shape_cast %swap3A_30 : vector<1x16xf32> to vector<16xf32>
      %swap3A_32 = vector.shape_cast %broadcast_in_dim3A_1 : vector<16xf32> to vector<1x16xf32>
      tpu.vector_store %arg17[%swap3A_28, %swap3A_29], %swap3A_32 {strides = array<i32>} : memref<128x80xf32, #tpu.memory_space<vmem>>, vector<1x16xf32>,
      %swap3A_33 = arith.index_cast %scan3A_22 : i32 to index
      %swap3A_34 = arith.constant 32 : index
      %swap3A_35 = tpu.vector_load %arg17[%swap3A_33, %swap3A_34] {strides = array<i32>} : memref<128x80xf32, #tpu.memory_space<vmem>>, vector<1x16xf32>,
      %swap3A_36 = vector.shape_cast %swap3A_35 : vector<1x16xf32> to vector<16xf32>
      %swap3A_37 = vector.shape_cast %broadcast_in_dim3A_1 : vector<16xf32> to vector<1x16xf32>
      tpu.vector_store %arg17[%swap3A_33, %swap3A_34], %swap3A_37 {strides = array<i32>} : memref<128x80xf32, #tpu.memory_space<vmem>>, vector<1x16xf32>,
      %swap3A_38 = arith.index_cast %scan3A_22 : i32 to index
      %swap3A_39 = arith.constant 48 : index
      %swap3A_40 = tpu.vector_load %arg17[%swap3A_38, %swap3A_39] {strides = array<i32>} : memref<128x80xf32, #tpu.memory_space<vmem>>, vector<1x16xf32>,
      %swap3A_41 = vector.shape_cast %swap3A_40 : vector<1x16xf32> to vector<16xf32>
      %swap3A_42 = vector.shape_cast %broadcast_in_dim3A_1 : vector<16xf32> to vector<1x16xf32>
      tpu.vector_store %arg17[%swap3A_38, %swap3A_39], %swap3A_42 {strides = array<i32>} : memref<128x80xf32, #tpu.memory_space<vmem>>, vector<1x16xf32>,
      %swap3A_43 = arith.index_cast %scan3A_22 : i32 to index
      %swap3A_44 = arith.constant 64 : index
      %swap3A_45 = tpu.vector_load %arg17[%swap3A_43, %swap3A_44] {strides = array<i32>} : memref<128x80xf32, #tpu.memory_space<vmem>>, vector<1x16xf32>,
      %swap3A_46 = vector.shape_cast %swap3A_45 : vector<1x16xf32> to vector<16xf32>
      %swap3A_47 = vector.shape_cast %broadcast_in_dim3A_1 : vector<16xf32> to vector<1x16xf32>
      tpu.vector_store %arg17[%swap3A_43, %swap3A_44], %swap3A_47 {strides = array<i32>} : memref<128x80xf32, #tpu.memory_space<vmem>>, vector<1x16xf32>,
      %scan3A_48 = arith.constant 0 : i32
      scf.yield %scan3A_48 : i32
    }
    %scan3A_7 = arith.constant 128 : i32
    "tpu.region"() ({
      %run_scoped3A = tpu.sem_alloc : memref<!tpu.dma_semaphore, #tpu.memory_space<semaphore_mem>>
      %dma_start3A = arith.constant 0 : i32
      %dma_start3A_22 = arith.constant 0 : i32
      %dma_start3A_23 = tpu.memref_slice %arg5[%add3A, %dma_start3A, %dma_start3A_22] : memref<32x42x128xi32, #tpu.memory_space<hbm>> -> memref<1x42x128xi32, #tpu.memory_space<hbm>>
      %dma_start3A_24 = tpu.memref_squeeze %dma_start3A_23 : memref<1x42x128xi32, #tpu.memory_space<hbm>> -> memref<42x128xi32, #tpu.memory_space<hbm>>
      %dma_start3A_25 = arith.constant 0 : i32
      %dma_start3A_26 = arith.constant 0 : i32
      %dma_start3A_27 = tpu.memref_slice %arg5[%add3A, %dma_start3A_25, %dma_start3A_26] : memref<32x42x128xi32, #tpu.memory_space<hbm>> -> memref<1x42x128xi32, #tpu.memory_space<hbm>>
      %dma_start3A_28 = tpu.memref_squeeze %dma_start3A_27 : memref<1x42x128xi32, #tpu.memory_space<hbm>> -> memref<42x128xi32, #tpu.memory_space<hbm>>
      tpu.enqueue_dma source(%dma_start3A_28 : memref<42x128xi32, #tpu.memory_space<hbm>>) target(%arg9 : memref<42x128xi32, #tpu.memory_space<vmem>>) target_semaphore(%run_scoped3A : memref<!tpu.dma_semaphore, #tpu.memory_space<semaphore_mem>>)
      %dma_wait3A = arith.constant 0 : i32
      %dma_wait3A_29 = arith.constant 0 : i32
      %dma_wait3A_30 = tpu.memref_slice %arg5[%add3A, %dma_wait3A, %dma_wait3A_29] : memref<32x42x128xi32, #tpu.memory_space<hbm>> -> memref<1x42x128xi32, #tpu.memory_space<hbm>>
      %dma_wait3A_31 = tpu.memref_squeeze %dma_wait3A_30 : memref<1x42x128xi32, #tpu.memory_space<hbm>> -> memref<42x128xi32, #tpu.memory_space<hbm>>
      %dma_wait3A_32 = arith.constant 0 : i32
      %dma_wait3A_33 = arith.constant 0 : i32
      %dma_wait3A_34 = tpu.memref_slice %arg5[%add3A, %dma_wait3A_32, %dma_wait3A_33] : memref<32x42x128xi32, #tpu.memory_space<hbm>> -> memref<1x42x128xi32, #tpu.memory_space<hbm>>
      %dma_wait3A_35 = tpu.memref_squeeze %dma_wait3A_34 : memref<1x42x128xi32, #tpu.memory_space<hbm>> -> memref<42x128xi32, #tpu.memory_space<hbm>>
      tpu.wait_dma2 semaphore(%run_scoped3A : memref<!tpu.dma_semaphore, #tpu.memory_space<semaphore_mem>>) src(%dma_wait3A_35 : memref<42x128xi32, #tpu.memory_space<hbm>>) dst(%arg9 : memref<42x128xi32, #tpu.memory_space<vmem>>)
      tpu.yield
    }) : () -> ()
    "tpu.region"() ({
      %run_scoped3A = tpu.sem_alloc : memref<!tpu.dma_semaphore, #tpu.memory_space<semaphore_mem>>
      %dma_start3A = arith.constant 0 : i32
      %dma_start3A_22 = arith.constant 0 : i32
      %dma_start3A_23 = tpu.memref_slice %arg6[%add3A, %dma_start3A, %dma_start3A_22] : memref<32x42x128xi32, #tpu.memory_space<hbm>> -> memref<1x42x128xi32, #tpu.memory_space<hbm>>
      %dma_start3A_24 = tpu.memref_squeeze %dma_start3A_23 : memref<1x42x128xi32, #tpu.memory_space<hbm>> -> memref<42x128xi32, #tpu.memory_space<hbm>>
      %dma_start3A_25 = arith.constant 0 : i32
      %dma_start3A_26 = arith.constant 0 : i32
      %dma_start3A_27 = tpu.memref_slice %arg6[%add3A, %dma_start3A_25, %dma_start3A_26] : memref<32x42x128xi32, #tpu.memory_space<hbm>> -> memref<1x42x128xi32, #tpu.memory_space<hbm>>
      %dma_start3A_28 = tpu.memref_squeeze %dma_start3A_27 : memref<1x42x128xi32, #tpu.memory_space<hbm>> -> memref<42x128xi32, #tpu.memory_space<hbm>>
      tpu.enqueue_dma source(%dma_start3A_28 : memref<42x128xi32, #tpu.memory_space<hbm>>) target(%arg10 : memref<42x128xi32, #tpu.memory_space<vmem>>) target_semaphore(%run_scoped3A : memref<!tpu.dma_semaphore, #tpu.memory_space<semaphore_mem>>)
      %dma_wait3A = arith.constant 0 : i32
      %dma_wait3A_29 = arith.constant 0 : i32
      %dma_wait3A_30 = tpu.memref_slice %arg6[%add3A, %dma_wait3A, %dma_wait3A_29] : memref<32x42x128xi32, #tpu.memory_space<hbm>> -> memref<1x42x128xi32, #tpu.memory_space<hbm>>
      %dma_wait3A_31 = tpu.memref_squeeze %dma_wait3A_30 : memref<1x42x128xi32, #tpu.memory_space<hbm>> -> memref<42x128xi32, #tpu.memory_space<hbm>>
      %dma_wait3A_32 = arith.constant 0 : i32
      %dma_wait3A_33 = arith.constant 0 : i32
      %dma_wait3A_34 = tpu.memref_slice %arg6[%add3A, %dma_wait3A_32, %dma_wait3A_33] : memref<32x42x128xi32, #tpu.memory_space<hbm>> -> memref<1x42x128xi32, #tpu.memory_space<hbm>>
      %dma_wait3A_35 = tpu.memref_squeeze %dma_wait3A_34 : memref<1x42x128xi32, #tpu.memory_space<hbm>> -> memref<42x128xi32, #tpu.memory_space<hbm>>
      tpu.wait_dma2 semaphore(%run_scoped3A : memref<!tpu.dma_semaphore, #tpu.memory_space<semaphore_mem>>) src(%dma_wait3A_35 : memref<42x128xi32, #tpu.memory_space<hbm>>) dst(%arg10 : memref<42x128xi32, #tpu.memory_space<vmem>>)
      tpu.yield
    }) : () -> ()
    %scan3A_8 = arith.constant 0 : i32
    %scan3A_9 = arith.constant 0 : i32
    %scan3A_10 = arith.constant 42 : i32
    %scan3A_11 = arith.addi %scan3A_9, %scan3A_10 : i32
    %scan3A_12 = arith.constant 1 : i32
    %scan3A_13 = scf.for %scan3A_22 = %scan3A_9 to %scan3A_11 step %scan3A_12 iter_args(%scan3A_23 = %scan3A_8) -> (i32)  : i32 {
      %dma_start3A = arith.constant 0 : i32
      %dma_start3A_24 = tpu.memref_slice %arg9[%scan3A_22, %dma_start3A] : memref<42x128xi32, #tpu.memory_space<vmem>> -> memref<1x128xi32, #tpu.memory_space<vmem>>
      %dma_start3A_25 = tpu.memref_squeeze %dma_start3A_24 : memref<1x128xi32, #tpu.memory_space<vmem>> -> memref<128xi32, #tpu.memory_space<vmem>>
      %dma_start3A_26 = arith.constant 0 : i32
      %dma_start3A_27 = arith.constant 0 : i32
      %dma_start3A_28 = tpu.memref_slice %arg3[%dma_start3A_26, %dma_start3A_27] : memref<10240x16xf32, #tpu.memory_space<hbm>> -> memref<10240x16xf32, #tpu.memory_space<hbm>>
      tpu.enqueue_indirect_dma source(%dma_start3A_28 : memref<10240x16xf32, #tpu.memory_space<hbm>>) target(%arg11 : memref<128x16xf32, #tpu.memory_space<vmem>>) offsets(%dma_start3A_25 : memref<128xi32, #tpu.memory_space<vmem>>) semaphore(%arg19 : memref<!tpu.dma_semaphore, #tpu.memory_space<semaphore_mem>>)
      %dma_start3A_29 = arith.constant 0 : i32
      %dma_start3A_30 = tpu.memref_slice %arg10[%scan3A_22, %dma_start3A_29] : memref<42x128xi32, #tpu.memory_space<vmem>> -> memref<1x128xi32, #tpu.memory_space<vmem>>
      %dma_start3A_31 = tpu.memref_squeeze %dma_start3A_30 : memref<1x128xi32, #tpu.memory_space<vmem>> -> memref<128xi32, #tpu.memory_space<vmem>>
      %dma_start3A_32 = arith.constant 0 : i32
      %dma_start3A_33 = arith.constant 0 : i32
      %dma_start3A_34 = tpu.memref_slice %arg4[%dma_start3A_32, %dma_start3A_33] : memref<10240x16xf32, #tpu.memory_space<hbm>> -> memref<10240x16xf32, #tpu.memory_space<hbm>>
      tpu.enqueue_indirect_dma source(%dma_start3A_34 : memref<10240x16xf32, #tpu.memory_space<hbm>>) target(%arg12 : memref<128x16xf32, #tpu.memory_space<vmem>>) offsets(%dma_start3A_31 : memref<128xi32, #tpu.memory_space<vmem>>) semaphore(%arg20 : memref<!tpu.dma_semaphore, #tpu.memory_space<semaphore_mem>>)
      %dma_wait3A = arith.constant 0 : i32
      %dma_wait3A_35 = tpu.memref_slice %arg9[%scan3A_22, %dma_wait3A] : memref<42x128xi32, #tpu.memory_space<vmem>> -> memref<1x128xi32, #tpu.memory_space<vmem>>
      %dma_wait3A_36 = tpu.memref_squeeze %dma_wait3A_35 : memref<1x128xi32, #tpu.memory_space<vmem>> -> memref<128xi32, #tpu.memory_space<vmem>>
      %dma_wait3A_37 = arith.constant 0 : i32
      %dma_wait3A_38 = arith.constant 0 : i32
      %dma_wait3A_39 = tpu.memref_slice %arg3[%dma_wait3A_37, %dma_wait3A_38] : memref<10240x16xf32, #tpu.memory_space<hbm>> -> memref<10240x16xf32, #tpu.memory_space<hbm>>
      tpu.wait_indirect_dma semaphore(%arg19 : memref<!tpu.dma_semaphore, #tpu.memory_space<semaphore_mem>>) src(%dma_wait3A_39 : memref<10240x16xf32, #tpu.memory_space<hbm>>) dst(%arg11 : memref<128x16xf32, #tpu.memory_space<vmem>>)
      %dma_wait3A_40 = arith.constant 0 : i32
      %dma_wait3A_41 = tpu.memref_slice %arg10[%scan3A_22, %dma_wait3A_40] : memref<42x128xi32, #tpu.memory_space<vmem>> -> memref<1x128xi32, #tpu.memory_space<vmem>>
      %dma_wait3A_42 = tpu.memref_squeeze %dma_wait3A_41 : memref<1x128xi32, #tpu.memory_space<vmem>> -> memref<128xi32, #tpu.memory_space<vmem>>
      %dma_wait3A_43 = arith.constant 0 : i32
      %dma_wait3A_44 = arith.constant 0 : i32
      %dma_wait3A_45 = tpu.memref_slice %arg4[%dma_wait3A_43, %dma_wait3A_44] : memref<10240x16xf32, #tpu.memory_space<hbm>> -> memref<10240x16xf32, #tpu.memory_space<hbm>>
      tpu.wait_indirect_dma semaphore(%arg20 : memref<!tpu.dma_semaphore, #tpu.memory_space<semaphore_mem>>) src(%dma_wait3A_45 : memref<10240x16xf32, #tpu.memory_space<hbm>>) dst(%arg12 : memref<128x16xf32, #tpu.memory_space<vmem>>)
      %scan3A_46 = arith.constant 0 : i32
      %scan3A_47 = arith.constant 0 : i32
      %scan3A_48 = arith.constant 128 : i32
      %scan3A_49 = arith.addi %scan3A_47, %scan3A_48 : i32
      %scan3A_50 = arith.constant 4 : i32
      %scan3A_51 = scf.for %scan3A_54 = %scan3A_47 to %scan3A_49 step %scan3A_50 iter_args(%scan3A_55 = %scan3A_46) -> (i32)  : i32 {
        %get3A = arith.index_cast %scan3A_54 : i32 to index
        %get3A_56 = arith.constant 0 : index
        %get3A_57 = tpu.vector_load %arg11[%get3A, %get3A_56] {strides = array<i32>} : memref<128x16xf32, #tpu.memory_space<vmem>>, vector<1x16xf32>,
        %get3A_58 = vector.shape_cast %get3A_57 : vector<1x16xf32> to vector<16xf32>
        %get3A_59 = arith.index_cast %scan3A_54 : i32 to index
        %get3A_60 = arith.constant 0 : index
        %get3A_61 = tpu.vector_load %arg12[%get3A_59, %get3A_60] {strides = array<i32>} : memref<128x16xf32, #tpu.memory_space<vmem>>, vector<1x16xf32>,
        %get3A_62 = vector.shape_cast %get3A_61 : vector<1x16xf32> to vector<16xf32>
        %add3A_63 = arith.addf %get3A_58, %get3A_62 : vector<16xf32>
        %ge3A = arith.constant 0.000000e+00 : f32
        %ge3A_64 = vector.broadcast %ge3A : f32 to vector<16xf32>
        %ge3A_65 = arith.cmpf oge, %add3A_63, %ge3A_64 : vector<16xf32>
        %mul3A_66 = arith.constant 2.000000e-01 : f32
        %mul3A_67 = vector.broadcast %mul3A_66 : f32 to vector<16xf32>
        %mul3A_68 = arith.mulf %add3A_63, %mul3A_67 : vector<16xf32>
        %select_n3A = arith.select %ge3A_65, %add3A_63, %mul3A_68 : vector<16xi1>, vector<16xf32>
        %exp3A = math.exp %select_n3A : vector<16xf32>
        %swap3A = arith.index_cast %scan3A_54 : i32 to index
        %swap3A_69 = arith.constant 0 : index
        %swap3A_70 = tpu.vector_load %arg13[%swap3A, %swap3A_69] {strides = array<i32>} : memref<128x16xf32, #tpu.memory_space<vmem>>, vector<1x16xf32>,
        %swap3A_71 = vector.shape_cast %swap3A_70 : vector<1x16xf32> to vector<16xf32>
        %swap3A_72 = vector.shape_cast %exp3A : vector<16xf32> to vector<1x16xf32>
        tpu.vector_store %arg13[%swap3A, %swap3A_69], %swap3A_72 {strides = array<i32>} : memref<128x16xf32, #tpu.memory_space<vmem>>, vector<1x16xf32>,
        %scan3A_73 = arith.constant 0 : i32
        %scan3A_74 = arith.constant 1 : i32
        %scan3A_75 = arith.addi %scan3A_54, %scan3A_74 : i32
        %get3A_76 = arith.index_cast %scan3A_75 : i32 to index
        %get3A_77 = arith.constant 0 : index
        %get3A_78 = tpu.vector_load %arg11[%get3A_76, %get3A_77] {strides = array<i32>} : memref<128x16xf32, #tpu.memory_space<vmem>>, vector<1x16xf32>,
        %get3A_79 = vector.shape_cast %get3A_78 : vector<1x16xf32> to vector<16xf32>
        %get3A_80 = arith.index_cast %scan3A_75 : i32 to index
        %get3A_81 = arith.constant 0 : index
        %get3A_82 = tpu.vector_load %arg12[%get3A_80, %get3A_81] {strides = array<i32>} : memref<128x16xf32, #tpu.memory_space<vmem>>, vector<1x16xf32>,
        %get3A_83 = vector.shape_cast %get3A_82 : vector<1x16xf32> to vector<16xf32>
        %add3A_84 = arith.addf %get3A_79, %get3A_83 : vector<16xf32>
        %ge3A_85 = arith.constant 0.000000e+00 : f32
        %ge3A_86 = vector.broadcast %ge3A_85 : f32 to vector<16xf32>
        %ge3A_87 = arith.cmpf oge, %add3A_84, %ge3A_86 : vector<16xf32>
        %mul3A_88 = arith.constant 2.000000e-01 : f32
        %mul3A_89 = vector.broadcast %mul3A_88 : f32 to vector<16xf32>
        %mul3A_90 = arith.mulf %add3A_84, %mul3A_89 : vector<16xf32>
        %select_n3A_91 = arith.select %ge3A_87, %add3A_84, %mul3A_90 : vector<16xi1>, vector<16xf32>
        %exp3A_92 = math.exp %select_n3A_91 : vector<16xf32>
        %swap3A_93 = arith.index_cast %scan3A_75 : i32 to index
        %swap3A_94 = arith.constant 0 : index
        %swap3A_95 = tpu.vector_load %arg13[%swap3A_93, %swap3A_94] {strides = array<i32>} : memref<128x16xf32, #tpu.memory_space<vmem>>, vector<1x16xf32>,
        %swap3A_96 = vector.shape_cast %swap3A_95 : vector<1x16xf32> to vector<16xf32>
        %swap3A_97 = vector.shape_cast %exp3A_92 : vector<16xf32> to vector<1x16xf32>
        tpu.vector_store %arg13[%swap3A_93, %swap3A_94], %swap3A_97 {strides = array<i32>} : memref<128x16xf32, #tpu.memory_space<vmem>>, vector<1x16xf32>,
        %scan3A_98 = arith.constant 0 : i32
        %scan3A_99 = arith.constant 2 : i32
        %scan3A_100 = arith.addi %scan3A_54, %scan3A_99 : i32
        %get3A_101 = arith.index_cast %scan3A_100 : i32 to index
        %get3A_102 = arith.constant 0 : index
        %get3A_103 = tpu.vector_load %arg11[%get3A_101, %get3A_102] {strides = array<i32>} : memref<128x16xf32, #tpu.memory_space<vmem>>, vector<1x16xf32>,
        %get3A_104 = vector.shape_cast %get3A_103 : vector<1x16xf32> to vector<16xf32>
        %get3A_105 = arith.index_cast %scan3A_100 : i32 to index
        %get3A_106 = arith.constant 0 : index
        %get3A_107 = tpu.vector_load %arg12[%get3A_105, %get3A_106] {strides = array<i32>} : memref<128x16xf32, #tpu.memory_space<vmem>>, vector<1x16xf32>,
        %get3A_108 = vector.shape_cast %get3A_107 : vector<1x16xf32> to vector<16xf32>
        %add3A_109 = arith.addf %get3A_104, %get3A_108 : vector<16xf32>
        %ge3A_110 = arith.constant 0.000000e+00 : f32
        %ge3A_111 = vector.broadcast %ge3A_110 : f32 to vector<16xf32>
        %ge3A_112 = arith.cmpf oge, %add3A_109, %ge3A_111 : vector<16xf32>
        %mul3A_113 = arith.constant 2.000000e-01 : f32
        %mul3A_114 = vector.broadcast %mul3A_113 : f32 to vector<16xf32>
        %mul3A_115 = arith.mulf %add3A_109, %mul3A_114 : vector<16xf32>
        %select_n3A_116 = arith.select %ge3A_112, %add3A_109, %mul3A_115 : vector<16xi1>, vector<16xf32>
        %exp3A_117 = math.exp %select_n3A_116 : vector<16xf32>
        %swap3A_118 = arith.index_cast %scan3A_100 : i32 to index
        %swap3A_119 = arith.constant 0 : index
        %swap3A_120 = tpu.vector_load %arg13[%swap3A_118, %swap3A_119] {strides = array<i32>} : memref<128x16xf32, #tpu.memory_space<vmem>>, vector<1x16xf32>,
        %swap3A_121 = vector.shape_cast %swap3A_120 : vector<1x16xf32> to vector<16xf32>
        %swap3A_122 = vector.shape_cast %exp3A_117 : vector<16xf32> to vector<1x16xf32>
        tpu.vector_store %arg13[%swap3A_118, %swap3A_119], %swap3A_122 {strides = array<i32>} : memref<128x16xf32, #tpu.memory_space<vmem>>, vector<1x16xf32>,
        %scan3A_123 = arith.constant 0 : i32
        %scan3A_124 = arith.constant 3 : i32
        %scan3A_125 = arith.addi %scan3A_54, %scan3A_124 : i32
        %get3A_126 = arith.index_cast %scan3A_125 : i32 to index
        %get3A_127 = arith.constant 0 : index
        %get3A_128 = tpu.vector_load %arg11[%get3A_126, %get3A_127] {strides = array<i32>} : memref<128x16xf32, #tpu.memory_space<vmem>>, vector<1x16xf32>,
        %get3A_129 = vector.shape_cast %get3A_128 : vector<1x16xf32> to vector<16xf32>
        %get3A_130 = arith.index_cast %scan3A_125 : i32 to index
        %get3A_131 = arith.constant 0 : index
        %get3A_132 = tpu.vector_load %arg12[%get3A_130, %get3A_131] {strides = array<i32>} : memref<128x16xf32, #tpu.memory_space<vmem>>, vector<1x16xf32>,
        %get3A_133 = vector.shape_cast %get3A_132 : vector<1x16xf32> to vector<16xf32>
        %add3A_134 = arith.addf %get3A_129, %get3A_133 : vector<16xf32>
        %ge3A_135 = arith.constant 0.000000e+00 : f32
        %ge3A_136 = vector.broadcast %ge3A_135 : f32 to vector<16xf32>
        %ge3A_137 = arith.cmpf oge, %add3A_134, %ge3A_136 : vector<16xf32>
        %mul3A_138 = arith.constant 2.000000e-01 : f32
        %mul3A_139 = vector.broadcast %mul3A_138 : f32 to vector<16xf32>
        %mul3A_140 = arith.mulf %add3A_134, %mul3A_139 : vector<16xf32>
        %select_n3A_141 = arith.select %ge3A_137, %add3A_134, %mul3A_140 : vector<16xi1>, vector<16xf32>
        %exp3A_142 = math.exp %select_n3A_141 : vector<16xf32>
        %swap3A_143 = arith.index_cast %scan3A_125 : i32 to index
        %swap3A_144 = arith.constant 0 : index
        %swap3A_145 = tpu.vector_load %arg13[%swap3A_143, %swap3A_144] {strides = array<i32>} : memref<128x16xf32, #tpu.memory_space<vmem>>, vector<1x16xf32>,
        %swap3A_146 = vector.shape_cast %swap3A_145 : vector<1x16xf32> to vector<16xf32>
        %swap3A_147 = vector.shape_cast %exp3A_142 : vector<16xf32> to vector<1x16xf32>
        tpu.vector_store %arg13[%swap3A_143, %swap3A_144], %swap3A_147 {strides = array<i32>} : memref<128x16xf32, #tpu.memory_space<vmem>>, vector<1x16xf32>,
        %scan3A_148 = arith.constant 0 : i32
        scf.yield %scan3A_148 : i32
      }
      %scan3A_52 = arith.constant 128 : i32
      "tpu.region"() ({
        %run_scoped3A = tpu.sem_alloc : memref<!tpu.dma_semaphore, #tpu.memory_space<semaphore_mem>>
        %dma_start3A_54 = arith.constant 0 : i32
        %dma_start3A_55 = arith.constant 0 : i32
        %dma_start3A_56 = tpu.memref_slice %arg8[%add3A, %scan3A_22, %dma_start3A_54, %dma_start3A_55] : memref<32x42x128x16xf32, #tpu.memory_space<hbm>> -> memref<1x1x128x16xf32, #tpu.memory_space<hbm>>
        %dma_start3A_57 = tpu.memref_squeeze %dma_start3A_56 : memref<1x1x128x16xf32, #tpu.memory_space<hbm>> -> memref<128x16xf32, #tpu.memory_space<hbm>>
        %dma_start3A_58 = arith.constant 0 : i32
        %dma_start3A_59 = arith.constant 0 : i32
        %dma_start3A_60 = tpu.memref_slice %arg8[%add3A, %scan3A_22, %dma_start3A_58, %dma_start3A_59] : memref<32x42x128x16xf32, #tpu.memory_space<hbm>> -> memref<1x1x128x16xf32, #tpu.memory_space<hbm>>
        %dma_start3A_61 = tpu.memref_squeeze %dma_start3A_60 : memref<1x1x128x16xf32, #tpu.memory_space<hbm>> -> memref<128x16xf32, #tpu.memory_space<hbm>>
        tpu.enqueue_dma source(%arg13 : memref<128x16xf32, #tpu.memory_space<vmem>>) target(%dma_start3A_61 : memref<128x16xf32, #tpu.memory_space<hbm>>) target_semaphore(%run_scoped3A : memref<!tpu.dma_semaphore, #tpu.memory_space<semaphore_mem>>)
        %dma_wait3A_62 = arith.constant 0 : i32
        %dma_wait3A_63 = arith.constant 0 : i32
        %dma_wait3A_64 = tpu.memref_slice %arg8[%add3A, %scan3A_22, %dma_wait3A_62, %dma_wait3A_63] : memref<32x42x128x16xf32, #tpu.memory_space<hbm>> -> memref<1x1x128x16xf32, #tpu.memory_space<hbm>>
        %dma_wait3A_65 = tpu.memref_squeeze %dma_wait3A_64 : memref<1x1x128x16xf32, #tpu.memory_space<hbm>> -> memref<128x16xf32, #tpu.memory_space<hbm>>
        %dma_wait3A_66 = arith.constant 0 : i32
        %dma_wait3A_67 = arith.constant 0 : i32
        %dma_wait3A_68 = tpu.memref_slice %arg8[%add3A, %scan3A_22, %dma_wait3A_66, %dma_wait3A_67] : memref<32x42x128x16xf32, #tpu.memory_space<hbm>> -> memref<1x1x128x16xf32, #tpu.memory_space<hbm>>
        %dma_wait3A_69 = tpu.memref_squeeze %dma_wait3A_68 : memref<1x1x128x16xf32, #tpu.memory_space<hbm>> -> memref<128x16xf32, #tpu.memory_space<hbm>>
        tpu.wait_dma2 semaphore(%run_scoped3A : memref<!tpu.dma_semaphore, #tpu.memory_space<semaphore_mem>>) src(%arg13 : memref<128x16xf32, #tpu.memory_space<vmem>>) dst(%dma_wait3A_69 : memref<128x16xf32, #tpu.memory_space<hbm>>)
        tpu.yield
      }) : () -> ()
      %scan3A_53 = arith.constant 0 : i32
      scf.yield %scan3A_53 : i32
    }
    %scan3A_14 = arith.constant 42 : i32
    %scan3A_15 = arith.constant 0 : i32
    %scan3A_16 = arith.constant 0 : i32
    %scan3A_17 = arith.constant 20 : i32
    %scan3A_18 = arith.addi %scan3A_16, %scan3A_17 : i32
    %scan3A_19 = arith.constant 1 : i32
    %scan3A_20 = scf.for %scan3A_22 = %scan3A_16 to %scan3A_18 step %scan3A_19 iter_args(%scan3A_23 = %scan3A_15) -> (i32)  : i32 {
      %scan3A_24 = arith.constant 0 : i32
      %scan3A_25 = arith.constant 0 : i32
      %scan3A_26 = arith.constant 5 : i32
      %scan3A_27 = arith.addi %scan3A_25, %scan3A_26 : i32
      %scan3A_28 = arith.constant 1 : i32
      %scan3A_29 = scf.for %scan3A_90 = %scan3A_25 to %scan3A_27 step %scan3A_28 iter_args(%scan3A_91 = %scan3A_24) -> (i32)  : i32 {
        %mul3A_92 = arith.constant 640 : i32
        %mul3A_93 = arith.muli %arg1, %mul3A_92 : i32
        %mul3A_94 = arith.constant 128 : i32
        %mul3A_95 = arith.muli %scan3A_90, %mul3A_94 : i32
        %add3A_96 = arith.addi %mul3A_93, %mul3A_95 : i32
        "tpu.region"() ({
          %run_scoped3A = tpu.sem_alloc : memref<!tpu.dma_semaphore, #tpu.memory_space<semaphore_mem>>
          %dma_start3A_98 = arith.constant 0 : i32
          %dma_start3A_99 = tpu.memref_slice %arg18[%add3A_96, %dma_start3A_98] : memref<10240x80xf32, #tpu.memory_space<vmem_shared>> -> memref<128x80xf32, #tpu.memory_space<vmem_shared>>
          %dma_start3A_100 = arith.constant 0 : i32
          %dma_start3A_101 = tpu.memref_slice %arg18[%add3A_96, %dma_start3A_100] : memref<10240x80xf32, #tpu.memory_space<vmem_shared>> -> memref<128x80xf32, #tpu.memory_space<vmem_shared>>
          tpu.enqueue_dma source(%arg17 : memref<128x80xf32, #tpu.memory_space<vmem>>) target(%dma_start3A_101 : memref<128x80xf32, #tpu.memory_space<vmem_shared>>) target_semaphore(%run_scoped3A : memref<!tpu.dma_semaphore, #tpu.memory_space<semaphore_mem>>)
          %dma_wait3A_102 = arith.constant 0 : i32
          %dma_wait3A_103 = tpu.memref_slice %arg18[%add3A_96, %dma_wait3A_102] : memref<10240x80xf32, #tpu.memory_space<vmem_shared>> -> memref<128x80xf32, #tpu.memory_space<vmem_shared>>
          %dma_wait3A_104 = arith.constant 0 : i32
          %dma_wait3A_105 = tpu.memref_slice %arg18[%add3A_96, %dma_wait3A_104] : memref<10240x80xf32, #tpu.memory_space<vmem_shared>> -> memref<128x80xf32, #tpu.memory_space<vmem_shared>>
          tpu.wait_dma2 semaphore(%run_scoped3A : memref<!tpu.dma_semaphore, #tpu.memory_space<semaphore_mem>>) src(%arg17 : memref<128x80xf32, #tpu.memory_space<vmem>>) dst(%dma_wait3A_105 : memref<128x80xf32, #tpu.memory_space<vmem_shared>>)
          tpu.yield
        }) : () -> ()
        %scan3A_97 = arith.constant 0 : i32
        scf.yield %scan3A_97 : i32
      }
      %scan3A_30 = arith.constant 5 : i32
      %barrier3A = arith.constant 0 : index
      tpu.barrier barrier_id(%barrier3A)
      %jit3A = arith.constant 2 : i32
      %div3A = arith.divsi %scan3A_22, %jit3A : i32
      %sign3A = arith.constant 0 : i32
      %sign3A_31 = arith.cmpi sgt, %scan3A_22, %sign3A : i32
      %sign3A_32 = arith.extui %sign3A_31 : i1 to i32
      %sign3A_33 = arith.constant 0 : i32
      %sign3A_34 = arith.cmpi slt, %scan3A_22, %sign3A_33 : i32
      %sign3A_35 = arith.extui %sign3A_34 : i1 to i32
      %sign3A_36 = arith.subi %sign3A_32, %sign3A_35 : i32
      %sign3A_37 = arith.constant 0 : i32
      %sign3A_38 = arith.cmpi sgt, %jit3A, %sign3A_37 : i32
      %sign3A_39 = arith.extui %sign3A_38 : i1 to i32
      %sign3A_40 = arith.constant 0 : i32
      %sign3A_41 = arith.cmpi slt, %jit3A, %sign3A_40 : i32
      %sign3A_42 = arith.extui %sign3A_41 : i1 to i32
      %sign3A_43 = arith.subi %sign3A_39, %sign3A_42 : i32
      %ne3A = arith.cmpi ne, %sign3A_36, %sign3A_43 : i32
      %rem3A = arith.remsi %scan3A_22, %jit3A : i32
      %ne3A_44 = arith.constant 0 : i32
      %ne3A_45 = arith.cmpi ne, %rem3A, %ne3A_44 : i32
      %and3A = arith.andi %ne3A, %ne3A_45 : i1
      %sub3A = arith.constant 1 : i32
      %sub3A_46 = arith.subi %div3A, %sub3A : i32
      %select_n3A = arith.select %and3A, %sub3A_46, %div3A : i32
      %broadcast_in_dim3A_47 = vector.broadcast %select_n3A : i32 to vector<16xi32>
      %dma_start3A = arith.constant 0 : i32
      %dma_start3A_48 = arith.constant 0 : i32
      %dma_start3A_49 = arith.constant 0 : i32
      %dma_start3A_50 = tpu.memref_slice %arg8[%add3A, %dma_start3A, %dma_start3A_48, %dma_start3A_49] : memref<32x42x128x16xf32, #tpu.memory_space<hbm>> -> memref<1x1x128x16xf32, #tpu.memory_space<hbm>>
      %dma_start3A_51 = tpu.memref_squeeze %dma_start3A_50 : memref<1x1x128x16xf32, #tpu.memory_space<hbm>> -> memref<128x16xf32, #tpu.memory_space<hbm>>
      %dma_start3A_52 = arith.constant 0 : i32
      %dma_start3A_53 = arith.constant 0 : i32
      %dma_start3A_54 = tpu.memref_slice %arg8[%add3A, %dma_start3A, %dma_start3A_52, %dma_start3A_53] : memref<32x42x128x16xf32, #tpu.memory_space<hbm>> -> memref<1x1x128x16xf32, #tpu.memory_space<hbm>>
      %dma_start3A_55 = tpu.memref_squeeze %dma_start3A_54 : memref<1x1x128x16xf32, #tpu.memory_space<hbm>> -> memref<128x16xf32, #tpu.memory_space<hbm>>
      tpu.enqueue_dma source(%dma_start3A_55 : memref<128x16xf32, #tpu.memory_space<hbm>>) target(%arg13 : memref<128x16xf32, #tpu.memory_space<vmem>>) target_semaphore(%arg21 : memref<!tpu.dma_semaphore, #tpu.memory_space<semaphore_mem>>)
      %dma_start3A_56 = arith.constant 0 : i32
      %dma_start3A_57 = arith.constant 0 : i32
      %dma_start3A_58 = tpu.memref_slice %arg9[%dma_start3A_56, %dma_start3A_57] : memref<42x128xi32, #tpu.memory_space<vmem>> -> memref<1x128xi32, #tpu.memory_space<vmem>>
      %dma_start3A_59 = tpu.memref_squeeze %dma_start3A_58 : memref<1x128xi32, #tpu.memory_space<vmem>> -> memref<128xi32, #tpu.memory_space<vmem>>
      %dma_start3A_60 = arith.constant 0 : i32
      %dma_start3A_61 = arith.constant 0 : i32
      %dma_start3A_62 = tpu.memref_slice %arg2[%scan3A_22, %dma_start3A_60, %dma_start3A_61] : memref<20x10240x80xf32, #tpu.memory_space<hbm>> -> memref<1x10240x80xf32, #tpu.memory_space<hbm>>
      %dma_start3A_63 = tpu.memref_squeeze %dma_start3A_62 : memref<1x10240x80xf32, #tpu.memory_space<hbm>> -> memref<10240x80xf32, #tpu.memory_space<hbm>>
      %dma_start3A_64 = arith.constant 0 : i32
      %dma_start3A_65 = arith.constant 0 : i32
      %dma_start3A_66 = tpu.memref_slice %dma_start3A_63[%dma_start3A_64, %dma_start3A_65] : memref<10240x80xf32, #tpu.memory_space<hbm>> -> memref<10240x80xf32, #tpu.memory_space<hbm>>
      tpu.enqueue_indirect_dma source(%dma_start3A_66 : memref<10240x80xf32, #tpu.memory_space<hbm>>) target(%arg15 : memref<128x80xf32, #tpu.memory_space<vmem>>) offsets(%dma_start3A_59 : memref<128xi32, #tpu.memory_space<vmem>>) semaphore(%arg19 : memref<!tpu.dma_semaphore, #tpu.memory_space<semaphore_mem>>)
      %scan3A_67 = arith.constant 0 : i32
      %scan3A_68 = arith.constant 0 : i32
      %scan3A_69 = arith.constant 21 : i32
      %scan3A_70 = arith.addi %scan3A_68, %scan3A_69 : i32
      %scan3A_71 = arith.constant 1 : i32
      %scan3A_72 = scf.for %scan3A_90 = %scan3A_68 to %scan3A_70 step %scan3A_71 iter_args(%scan3A_91 = %scan3A_67) -> (i32)  : i32 {
        %mul3A_92 = arith.constant 2 : i32
        %mul3A_93 = arith.muli %mul3A_92, %scan3A_90 : i32
        %gt3A = arith.constant 0 : i32
        %gt3A_94 = arith.cmpi sgt, %scan3A_90, %gt3A : i32
        %convert_element_type3A = arith.extui %gt3A_94 : i1 to i32
        %cond3A = arith.constant 0 : i32
        %cond3A_95 = arith.cmpi ne, %convert_element_type3A, %cond3A : i32
        scf.if %cond3A_95 {
          %sub3A_195 = arith.constant 1 : i32
          %sub3A_196 = arith.subi %mul3A_93, %sub3A_195 : i32
          %dma_wait3A_197 = arith.constant 0 : i32
          %dma_wait3A_198 = tpu.memref_slice %arg10[%sub3A_196, %dma_wait3A_197] : memref<42x128xi32, #tpu.memory_space<vmem>> -> memref<1x128xi32, #tpu.memory_space<vmem>>
          %dma_wait3A_199 = tpu.memref_squeeze %dma_wait3A_198 : memref<1x128xi32, #tpu.memory_space<vmem>> -> memref<128xi32, #tpu.memory_space<vmem>>
          %dma_wait3A_200 = arith.constant 0 : i32
          %dma_wait3A_201 = arith.constant 0 : i32
          %dma_wait3A_202 = tpu.memref_slice %arg18[%dma_wait3A_200, %dma_wait3A_201] : memref<10240x80xf32, #tpu.memory_space<vmem_shared>> -> memref<10240x80xf32, #tpu.memory_space<vmem_shared>>
          tpu.wait_indirect_dma semaphore(%arg24 : memref<!tpu.dma_semaphore, #tpu.memory_space<semaphore_mem>>) src(%arg16 : memref<128x80xf32, #tpu.memory_space<vmem>>) dst(%dma_wait3A_202 : memref<10240x80xf32, #tpu.memory_space<vmem_shared>>)
        } else {
        }
        %add3A_96 = arith.constant 1 : i32
        %add3A_97 = arith.addi %mul3A_93, %add3A_96 : i32
        %dma_start3A_98 = arith.constant 0 : i32
        %dma_start3A_99 = arith.constant 0 : i32
        %dma_start3A_100 = tpu.memref_slice %arg8[%add3A, %add3A_97, %dma_start3A_98, %dma_start3A_99] : memref<32x42x128x16xf32, #tpu.memory_space<hbm>> -> memref<1x1x128x16xf32, #tpu.memory_space<hbm>>
        %dma_start3A_101 = tpu.memref_squeeze %dma_start3A_100 : memref<1x1x128x16xf32, #tpu.memory_space<hbm>> -> memref<128x16xf32, #tpu.memory_space<hbm>>
        %dma_start3A_102 = arith.constant 0 : i32
        %dma_start3A_103 = arith.constant 0 : i32
        %dma_start3A_104 = tpu.memref_slice %arg8[%add3A, %add3A_97, %dma_start3A_102, %dma_start3A_103] : memref<32x42x128x16xf32, #tpu.memory_space<hbm>> -> memref<1x1x128x16xf32, #tpu.memory_space<hbm>>
        %dma_start3A_105 = tpu.memref_squeeze %dma_start3A_104 : memref<1x1x128x16xf32, #tpu.memory_space<hbm>> -> memref<128x16xf32, #tpu.memory_space<hbm>>
        tpu.enqueue_dma source(%dma_start3A_105 : memref<128x16xf32, #tpu.memory_space<hbm>>) target(%arg14 : memref<128x16xf32, #tpu.memory_space<vmem>>) target_semaphore(%arg22 : memref<!tpu.dma_semaphore, #tpu.memory_space<semaphore_mem>>)
        %dma_start3A_106 = arith.constant 0 : i32
        %dma_start3A_107 = tpu.memref_slice %arg9[%add3A_97, %dma_start3A_106] : memref<42x128xi32, #tpu.memory_space<vmem>> -> memref<1x128xi32, #tpu.memory_space<vmem>>
        %dma_start3A_108 = tpu.memref_squeeze %dma_start3A_107 : memref<1x128xi32, #tpu.memory_space<vmem>> -> memref<128xi32, #tpu.memory_space<vmem>>
        %dma_start3A_109 = arith.constant 0 : i32
        %dma_start3A_110 = arith.constant 0 : i32
        %dma_start3A_111 = tpu.memref_slice %arg2[%scan3A_22, %dma_start3A_109, %dma_start3A_110] : memref<20x10240x80xf32, #tpu.memory_space<hbm>> -> memref<1x10240x80xf32, #tpu.memory_space<hbm>>
        %dma_start3A_112 = tpu.memref_squeeze %dma_start3A_111 : memref<1x10240x80xf32, #tpu.memory_space<hbm>> -> memref<10240x80xf32, #tpu.memory_space<hbm>>
        %dma_start3A_113 = arith.constant 0 : i32
        %dma_start3A_114 = arith.constant 0 : i32
        %dma_start3A_115 = tpu.memref_slice %dma_start3A_112[%dma_start3A_113, %dma_start3A_114] : memref<10240x80xf32, #tpu.memory_space<hbm>> -> memref<10240x80xf32, #tpu.memory_space<hbm>>
        tpu.enqueue_indirect_dma source(%dma_start3A_115 : memref<10240x80xf32, #tpu.memory_space<hbm>>) target(%arg16 : memref<128x80xf32, #tpu.memory_space<vmem>>) offsets(%dma_start3A_108 : memref<128xi32, #tpu.memory_space<vmem>>) semaphore(%arg20 : memref<!tpu.dma_semaphore, #tpu.memory_space<semaphore_mem>>)
        %dma_wait3A_116 = arith.constant 0 : i32
        %dma_wait3A_117 = arith.constant 0 : i32
        %dma_wait3A_118 = tpu.memref_slice %arg8[%add3A, %mul3A_93, %dma_wait3A_116, %dma_wait3A_117] : memref<32x42x128x16xf32, #tpu.memory_space<hbm>> -> memref<1x1x128x16xf32, #tpu.memory_space<hbm>>
        %dma_wait3A_119 = tpu.memref_squeeze %dma_wait3A_118 : memref<1x1x128x16xf32, #tpu.memory_space<hbm>> -> memref<128x16xf32, #tpu.memory_space<hbm>>
        %dma_wait3A_120 = arith.constant 0 : i32
        %dma_wait3A_121 = arith.constant 0 : i32
        %dma_wait3A_122 = tpu.memref_slice %arg8[%add3A, %mul3A_93, %dma_wait3A_120, %dma_wait3A_121] : memref<32x42x128x16xf32, #tpu.memory_space<hbm>> -> memref<1x1x128x16xf32, #tpu.memory_space<hbm>>
        %dma_wait3A_123 = tpu.memref_squeeze %dma_wait3A_122 : memref<1x1x128x16xf32, #tpu.memory_space<hbm>> -> memref<128x16xf32, #tpu.memory_space<hbm>>
        tpu.wait_dma2 semaphore(%arg21 : memref<!tpu.dma_semaphore, #tpu.memory_space<semaphore_mem>>) src(%dma_wait3A_123 : memref<128x16xf32, #tpu.memory_space<hbm>>) dst(%arg13 : memref<128x16xf32, #tpu.memory_space<vmem>>)
        %dma_wait3A_124 = arith.constant 0 : i32
        %dma_wait3A_125 = tpu.memref_slice %arg9[%mul3A_93, %dma_wait3A_124] : memref<42x128xi32, #tpu.memory_space<vmem>> -> memref<1x128xi32, #tpu.memory_space<vmem>>
        %dma_wait3A_126 = tpu.memref_squeeze %dma_wait3A_125 : memref<1x128xi32, #tpu.memory_space<vmem>> -> memref<128xi32, #tpu.memory_space<vmem>>
        %dma_wait3A_127 = arith.constant 0 : i32
        %dma_wait3A_128 = arith.constant 0 : i32
        %dma_wait3A_129 = tpu.memref_slice %arg2[%scan3A_22, %dma_wait3A_127, %dma_wait3A_128] : memref<20x10240x80xf32, #tpu.memory_space<hbm>> -> memref<1x10240x80xf32, #tpu.memory_space<hbm>>
        %dma_wait3A_130 = tpu.memref_squeeze %dma_wait3A_129 : memref<1x10240x80xf32, #tpu.memory_space<hbm>> -> memref<10240x80xf32, #tpu.memory_space<hbm>>
        %dma_wait3A_131 = arith.constant 0 : i32
        %dma_wait3A_132 = arith.constant 0 : i32
        %dma_wait3A_133 = tpu.memref_slice %dma_wait3A_130[%dma_wait3A_131, %dma_wait3A_132] : memref<10240x80xf32, #tpu.memory_space<hbm>> -> memref<10240x80xf32, #tpu.memory_space<hbm>>
        tpu.wait_indirect_dma semaphore(%arg19 : memref<!tpu.dma_semaphore, #tpu.memory_space<semaphore_mem>>) src(%dma_wait3A_133 : memref<10240x80xf32, #tpu.memory_space<hbm>>) dst(%arg15 : memref<128x80xf32, #tpu.memory_space<vmem>>)
        %scan3A_134 = arith.constant 0 : i32
        %scan3A_135 = arith.constant 0 : i32
        %scan3A_136 = arith.constant 128 : i32
        %scan3A_137 = arith.addi %scan3A_135, %scan3A_136 : i32
        %scan3A_138 = arith.constant 4 : i32
        %scan3A_139 = scf.for %scan3A_195 = %scan3A_135 to %scan3A_137 step %scan3A_138 iter_args(%scan3A_196 = %scan3A_134) -> (i32)  : i32 {
          %get3A = arith.index_cast %scan3A_195 : i32 to index
          %get3A_197 = arith.constant 0 : index
          %get3A_198 = tpu.vector_load %arg13[%get3A, %get3A_197] {strides = array<i32>} : memref<128x16xf32, #tpu.memory_space<vmem>>, vector<1x16xf32>,
          %get3A_199 = vector.shape_cast %get3A_198 : vector<1x16xf32> to vector<16xf32>
          %lt3A_200 = arith.constant 0 : i32
          %lt3A_201 = vector.broadcast %lt3A_200 : i32 to vector<16xi32>
          %lt3A_202 = arith.cmpi slt, %broadcast_in_dim3A_47, %lt3A_201 : vector<16xi32>
          %add3A_203 = arith.constant 16 : i32
          %add3A_204 = vector.broadcast %add3A_203 : i32 to vector<16xi32>
          %add3A_205 = arith.addi %broadcast_in_dim3A_47, %add3A_204 : vector<16xi32>
          %select_n3A_206 = arith.select %lt3A_202, %add3A_205, %broadcast_in_dim3A_47 : vector<16xi1>, vector<16xi32>
          %broadcast_in_dim3A_207 = vector.shape_cast %select_n3A_206 : vector<16xi32> to vector<16x1xi32>
          %gather3A = vector.shape_cast %broadcast_in_dim3A_207 : vector<16x1xi32> to vector<16xi32>
          %gather3A_208 = tpu.dynamic_gather %get3A_199[%gather3A] in [0] : vector<16xf32>, vector<16xi32> -> vector<16xf32>
          %get3A_209 = arith.index_cast %scan3A_195 : i32 to index
          %get3A_210 = arith.constant 0 : index
          %get3A_211 = tpu.vector_load %arg15[%get3A_209, %get3A_210] {strides = array<i32>} : memref<128x80xf32, #tpu.memory_space<vmem>>, vector<1x16xf32>,
          %get3A_212 = vector.shape_cast %get3A_211 : vector<1x16xf32> to vector<16xf32>
          %mul3A_213 = arith.mulf %get3A_212, %gather3A_208 : vector<16xf32>
          %swap3A = arith.index_cast %scan3A_195 : i32 to index
          %swap3A_214 = arith.constant 0 : index
          %swap3A_215 = tpu.vector_load %arg15[%swap3A, %swap3A_214] {strides = array<i32>} : memref<128x80xf32, #tpu.memory_space<vmem>>, vector<1x16xf32>,
          %swap3A_216 = vector.shape_cast %swap3A_215 : vector<1x16xf32> to vector<16xf32>
          %swap3A_217 = vector.shape_cast %mul3A_213 : vector<16xf32> to vector<1x16xf32>
          tpu.vector_store %arg15[%swap3A, %swap3A_214], %swap3A_217 {strides = array<i32>} : memref<128x80xf32, #tpu.memory_space<vmem>>, vector<1x16xf32>,
          %get3A_218 = arith.index_cast %scan3A_195 : i32 to index
          %get3A_219 = arith.constant 16 : index
          %get3A_220 = tpu.vector_load %arg15[%get3A_218, %get3A_219] {strides = array<i32>} : memref<128x80xf32, #tpu.memory_space<vmem>>, vector<1x16xf32>,
          %get3A_221 = vector.shape_cast %get3A_220 : vector<1x16xf32> to vector<16xf32>
          %mul3A_222 = arith.mulf %get3A_221, %gather3A_208 : vector<16xf32>
          %swap3A_223 = arith.index_cast %scan3A_195 : i32 to index
          %swap3A_224 = arith.constant 16 : index
          %swap3A_225 = tpu.vector_load %arg15[%swap3A_223, %swap3A_224] {strides = array<i32>} : memref<128x80xf32, #tpu.memory_space<vmem>>, vector<1x16xf32>,
          %swap3A_226 = vector.shape_cast %swap3A_225 : vector<1x16xf32> to vector<16xf32>
          %swap3A_227 = vector.shape_cast %mul3A_222 : vector<16xf32> to vector<1x16xf32>
          tpu.vector_store %arg15[%swap3A_223, %swap3A_224], %swap3A_227 {strides = array<i32>} : memref<128x80xf32, #tpu.memory_space<vmem>>, vector<1x16xf32>,
          %get3A_228 = arith.index_cast %scan3A_195 : i32 to index
          %get3A_229 = arith.constant 32 : index
          %get3A_230 = tpu.vector_load %arg15[%get3A_228, %get3A_229] {strides = array<i32>} : memref<128x80xf32, #tpu.memory_space<vmem>>, vector<1x16xf32>,
          %get3A_231 = vector.shape_cast %get3A_230 : vector<1x16xf32> to vector<16xf32>
          %mul3A_232 = arith.mulf %get3A_231, %gather3A_208 : vector<16xf32>
          %swap3A_233 = arith.index_cast %scan3A_195 : i32 to index
          %swap3A_234 = arith.constant 32 : index
          %swap3A_235 = tpu.vector_load %arg15[%swap3A_233, %swap3A_234] {strides = array<i32>} : memref<128x80xf32, #tpu.memory_space<vmem>>, vector<1x16xf32>,
          %swap3A_236 = vector.shape_cast %swap3A_235 : vector<1x16xf32> to vector<16xf32>
          %swap3A_237 = vector.shape_cast %mul3A_232 : vector<16xf32> to vector<1x16xf32>
          tpu.vector_store %arg15[%swap3A_233, %swap3A_234], %swap3A_237 {strides = array<i32>} : memref<128x80xf32, #tpu.memory_space<vmem>>, vector<1x16xf32>,
          %get3A_238 = arith.index_cast %scan3A_195 : i32 to index
          %get3A_239 = arith.constant 48 : index
          %get3A_240 = tpu.vector_load %arg15[%get3A_238, %get3A_239] {strides = array<i32>} : memref<128x80xf32, #tpu.memory_space<vmem>>, vector<1x16xf32>,
          %get3A_241 = vector.shape_cast %get3A_240 : vector<1x16xf32> to vector<16xf32>
          %mul3A_242 = arith.mulf %get3A_241, %gather3A_208 : vector<16xf32>
          %swap3A_243 = arith.index_cast %scan3A_195 : i32 to index
          %swap3A_244 = arith.constant 48 : index
          %swap3A_245 = tpu.vector_load %arg15[%swap3A_243, %swap3A_244] {strides = array<i32>} : memref<128x80xf32, #tpu.memory_space<vmem>>, vector<1x16xf32>,
          %swap3A_246 = vector.shape_cast %swap3A_245 : vector<1x16xf32> to vector<16xf32>
          %swap3A_247 = vector.shape_cast %mul3A_242 : vector<16xf32> to vector<1x16xf32>
          tpu.vector_store %arg15[%swap3A_243, %swap3A_244], %swap3A_247 {strides = array<i32>} : memref<128x80xf32, #tpu.memory_space<vmem>>, vector<1x16xf32>,
          %get3A_248 = arith.index_cast %scan3A_195 : i32 to index
          %get3A_249 = arith.constant 64 : index
          %get3A_250 = tpu.vector_load %arg15[%get3A_248, %get3A_249] {strides = array<i32>} : memref<128x80xf32, #tpu.memory_space<vmem>>, vector<1x16xf32>,
          %get3A_251 = vector.shape_cast %get3A_250 : vector<1x16xf32> to vector<16xf32>
          %mul3A_252 = arith.mulf %get3A_251, %gather3A_208 : vector<16xf32>
          %swap3A_253 = arith.index_cast %scan3A_195 : i32 to index
          %swap3A_254 = arith.constant 64 : index
          %swap3A_255 = tpu.vector_load %arg15[%swap3A_253, %swap3A_254] {strides = array<i32>} : memref<128x80xf32, #tpu.memory_space<vmem>>, vector<1x16xf32>,
          %swap3A_256 = vector.shape_cast %swap3A_255 : vector<1x16xf32> to vector<16xf32>
          %swap3A_257 = vector.shape_cast %mul3A_252 : vector<16xf32> to vector<1x16xf32>
          tpu.vector_store %arg15[%swap3A_253, %swap3A_254], %swap3A_257 {strides = array<i32>} : memref<128x80xf32, #tpu.memory_space<vmem>>, vector<1x16xf32>,
          %scan3A_258 = arith.constant 0 : i32
          %scan3A_259 = arith.constant 1 : i32
          %scan3A_260 = arith.addi %scan3A_195, %scan3A_259 : i32
          %get3A_261 = arith.index_cast %scan3A_260 : i32 to index
          %get3A_262 = arith.constant 0 : index
          %get3A_263 = tpu.vector_load %arg13[%get3A_261, %get3A_262] {strides = array<i32>} : memref<128x16xf32, #tpu.memory_space<vmem>>, vector<1x16xf32>,
          %get3A_264 = vector.shape_cast %get3A_263 : vector<1x16xf32> to vector<16xf32>
          %lt3A_265 = arith.constant 0 : i32
          %lt3A_266 = vector.broadcast %lt3A_265 : i32 to vector<16xi32>
          %lt3A_267 = arith.cmpi slt, %broadcast_in_dim3A_47, %lt3A_266 : vector<16xi32>
          %add3A_268 = arith.constant 16 : i32
          %add3A_269 = vector.broadcast %add3A_268 : i32 to vector<16xi32>
          %add3A_270 = arith.addi %broadcast_in_dim3A_47, %add3A_269 : vector<16xi32>
          %select_n3A_271 = arith.select %lt3A_267, %add3A_270, %broadcast_in_dim3A_47 : vector<16xi1>, vector<16xi32>
          %broadcast_in_dim3A_272 = vector.shape_cast %select_n3A_271 : vector<16xi32> to vector<16x1xi32>
          %gather3A_273 = vector.shape_cast %broadcast_in_dim3A_272 : vector<16x1xi32> to vector<16xi32>
          %gather3A_274 = tpu.dynamic_gather %get3A_264[%gather3A_273] in [0] : vector<16xf32>, vector<16xi32> -> vector<16xf32>
          %get3A_275 = arith.index_cast %scan3A_260 : i32 to index
          %get3A_276 = arith.constant 0 : index
          %get3A_277 = tpu.vector_load %arg15[%get3A_275, %get3A_276] {strides = array<i32>} : memref<128x80xf32, #tpu.memory_space<vmem>>, vector<1x16xf32>,
          %get3A_278 = vector.shape_cast %get3A_277 : vector<1x16xf32> to vector<16xf32>
          %mul3A_279 = arith.mulf %get3A_278, %gather3A_274 : vector<16xf32>
          %swap3A_280 = arith.index_cast %scan3A_260 : i32 to index
          %swap3A_281 = arith.constant 0 : index
          %swap3A_282 = tpu.vector_load %arg15[%swap3A_280, %swap3A_281] {strides = array<i32>} : memref<128x80xf32, #tpu.memory_space<vmem>>, vector<1x16xf32>,
          %swap3A_283 = vector.shape_cast %swap3A_282 : vector<1x16xf32> to vector<16xf32>
          %swap3A_284 = vector.shape_cast %mul3A_279 : vector<16xf32> to vector<1x16xf32>
          tpu.vector_store %arg15[%swap3A_280, %swap3A_281], %swap3A_284 {strides = array<i32>} : memref<128x80xf32, #tpu.memory_space<vmem>>, vector<1x16xf32>,
          %get3A_285 = arith.index_cast %scan3A_260 : i32 to index
          %get3A_286 = arith.constant 16 : index
          %get3A_287 = tpu.vector_load %arg15[%get3A_285, %get3A_286] {strides = array<i32>} : memref<128x80xf32, #tpu.memory_space<vmem>>, vector<1x16xf32>,
          %get3A_288 = vector.shape_cast %get3A_287 : vector<1x16xf32> to vector<16xf32>
          %mul3A_289 = arith.mulf %get3A_288, %gather3A_274 : vector<16xf32>
          %swap3A_290 = arith.index_cast %scan3A_260 : i32 to index
          %swap3A_291 = arith.constant 16 : index
          %swap3A_292 = tpu.vector_load %arg15[%swap3A_290, %swap3A_291] {strides = array<i32>} : memref<128x80xf32, #tpu.memory_space<vmem>>, vector<1x16xf32>,
          %swap3A_293 = vector.shape_cast %swap3A_292 : vector<1x16xf32> to vector<16xf32>
          %swap3A_294 = vector.shape_cast %mul3A_289 : vector<16xf32> to vector<1x16xf32>
          tpu.vector_store %arg15[%swap3A_290, %swap3A_291], %swap3A_294 {strides = array<i32>} : memref<128x80xf32, #tpu.memory_space<vmem>>, vector<1x16xf32>,
          %get3A_295 = arith.index_cast %scan3A_260 : i32 to index
          %get3A_296 = arith.constant 32 : index
          %get3A_297 = tpu.vector_load %arg15[%get3A_295, %get3A_296] {strides = array<i32>} : memref<128x80xf32, #tpu.memory_space<vmem>>, vector<1x16xf32>,
          %get3A_298 = vector.shape_cast %get3A_297 : vector<1x16xf32> to vector<16xf32>
          %mul3A_299 = arith.mulf %get3A_298, %gather3A_274 : vector<16xf32>
          %swap3A_300 = arith.index_cast %scan3A_260 : i32 to index
          %swap3A_301 = arith.constant 32 : index
          %swap3A_302 = tpu.vector_load %arg15[%swap3A_300, %swap3A_301] {strides = array<i32>} : memref<128x80xf32, #tpu.memory_space<vmem>>, vector<1x16xf32>,
          %swap3A_303 = vector.shape_cast %swap3A_302 : vector<1x16xf32> to vector<16xf32>
          %swap3A_304 = vector.shape_cast %mul3A_299 : vector<16xf32> to vector<1x16xf32>
          tpu.vector_store %arg15[%swap3A_300, %swap3A_301], %swap3A_304 {strides = array<i32>} : memref<128x80xf32, #tpu.memory_space<vmem>>, vector<1x16xf32>,
          %get3A_305 = arith.index_cast %scan3A_260 : i32 to index
          %get3A_306 = arith.constant 48 : index
          %get3A_307 = tpu.vector_load %arg15[%get3A_305, %get3A_306] {strides = array<i32>} : memref<128x80xf32, #tpu.memory_space<vmem>>, vector<1x16xf32>,
          %get3A_308 = vector.shape_cast %get3A_307 : vector<1x16xf32> to vector<16xf32>
          %mul3A_309 = arith.mulf %get3A_308, %gather3A_274 : vector<16xf32>
          %swap3A_310 = arith.index_cast %scan3A_260 : i32 to index
          %swap3A_311 = arith.constant 48 : index
          %swap3A_312 = tpu.vector_load %arg15[%swap3A_310, %swap3A_311] {strides = array<i32>} : memref<128x80xf32, #tpu.memory_space<vmem>>, vector<1x16xf32>,
          %swap3A_313 = vector.shape_cast %swap3A_312 : vector<1x16xf32> to vector<16xf32>
          %swap3A_314 = vector.shape_cast %mul3A_309 : vector<16xf32> to vector<1x16xf32>
          tpu.vector_store %arg15[%swap3A_310, %swap3A_311], %swap3A_314 {strides = array<i32>} : memref<128x80xf32, #tpu.memory_space<vmem>>, vector<1x16xf32>,
          %get3A_315 = arith.index_cast %scan3A_260 : i32 to index
          %get3A_316 = arith.constant 64 : index
          %get3A_317 = tpu.vector_load %arg15[%get3A_315, %get3A_316] {strides = array<i32>} : memref<128x80xf32, #tpu.memory_space<vmem>>, vector<1x16xf32>,
          %get3A_318 = vector.shape_cast %get3A_317 : vector<1x16xf32> to vector<16xf32>
          %mul3A_319 = arith.mulf %get3A_318, %gather3A_274 : vector<16xf32>
          %swap3A_320 = arith.index_cast %scan3A_260 : i32 to index
          %swap3A_321 = arith.constant 64 : index
          %swap3A_322 = tpu.vector_load %arg15[%swap3A_320, %swap3A_321] {strides = array<i32>} : memref<128x80xf32, #tpu.memory_space<vmem>>, vector<1x16xf32>,
          %swap3A_323 = vector.shape_cast %swap3A_322 : vector<1x16xf32> to vector<16xf32>
          %swap3A_324 = vector.shape_cast %mul3A_319 : vector<16xf32> to vector<1x16xf32>
          tpu.vector_store %arg15[%swap3A_320, %swap3A_321], %swap3A_324 {strides = array<i32>} : memref<128x80xf32, #tpu.memory_space<vmem>>, vector<1x16xf32>,
          %scan3A_325 = arith.constant 0 : i32
          %scan3A_326 = arith.constant 2 : i32
          %scan3A_327 = arith.addi %scan3A_195, %scan3A_326 : i32
          %get3A_328 = arith.index_cast %scan3A_327 : i32 to index
          %get3A_329 = arith.constant 0 : index
          %get3A_330 = tpu.vector_load %arg13[%get3A_328, %get3A_329] {strides = array<i32>} : memref<128x16xf32, #tpu.memory_space<vmem>>, vector<1x16xf32>,
          %get3A_331 = vector.shape_cast %get3A_330 : vector<1x16xf32> to vector<16xf32>
          %lt3A_332 = arith.constant 0 : i32
          %lt3A_333 = vector.broadcast %lt3A_332 : i32 to vector<16xi32>
          %lt3A_334 = arith.cmpi slt, %broadcast_in_dim3A_47, %lt3A_333 : vector<16xi32>
          %add3A_335 = arith.constant 16 : i32
          %add3A_336 = vector.broadcast %add3A_335 : i32 to vector<16xi32>
          %add3A_337 = arith.addi %broadcast_in_dim3A_47, %add3A_336 : vector<16xi32>
          %select_n3A_338 = arith.select %lt3A_334, %add3A_337, %broadcast_in_dim3A_47 : vector<16xi1>, vector<16xi32>
          %broadcast_in_dim3A_339 = vector.shape_cast %select_n3A_338 : vector<16xi32> to vector<16x1xi32>
          %gather3A_340 = vector.shape_cast %broadcast_in_dim3A_339 : vector<16x1xi32> to vector<16xi32>
          %gather3A_341 = tpu.dynamic_gather %get3A_331[%gather3A_340] in [0] : vector<16xf32>, vector<16xi32> -> vector<16xf32>
          %get3A_342 = arith.index_cast %scan3A_327 : i32 to index
          %get3A_343 = arith.constant 0 : index
          %get3A_344 = tpu.vector_load %arg15[%get3A_342, %get3A_343] {strides = array<i32>} : memref<128x80xf32, #tpu.memory_space<vmem>>, vector<1x16xf32>,
          %get3A_345 = vector.shape_cast %get3A_344 : vector<1x16xf32> to vector<16xf32>
          %mul3A_346 = arith.mulf %get3A_345, %gather3A_341 : vector<16xf32>
          %swap3A_347 = arith.index_cast %scan3A_327 : i32 to index
          %swap3A_348 = arith.constant 0 : index
          %swap3A_349 = tpu.vector_load %arg15[%swap3A_347, %swap3A_348] {strides = array<i32>} : memref<128x80xf32, #tpu.memory_space<vmem>>, vector<1x16xf32>,
          %swap3A_350 = vector.shape_cast %swap3A_349 : vector<1x16xf32> to vector<16xf32>
          %swap3A_351 = vector.shape_cast %mul3A_346 : vector<16xf32> to vector<1x16xf32>
          tpu.vector_store %arg15[%swap3A_347, %swap3A_348], %swap3A_351 {strides = array<i32>} : memref<128x80xf32, #tpu.memory_space<vmem>>, vector<1x16xf32>,
          %get3A_352 = arith.index_cast %scan3A_327 : i32 to index
          %get3A_353 = arith.constant 16 : index
          %get3A_354 = tpu.vector_load %arg15[%get3A_352, %get3A_353] {strides = array<i32>} : memref<128x80xf32, #tpu.memory_space<vmem>>, vector<1x16xf32>,
          %get3A_355 = vector.shape_cast %get3A_354 : vector<1x16xf32> to vector<16xf32>
          %mul3A_356 = arith.mulf %get3A_355, %gather3A_341 : vector<16xf32>
          %swap3A_357 = arith.index_cast %scan3A_327 : i32 to index
          %swap3A_358 = arith.constant 16 : index
          %swap3A_359 = tpu.vector_load %arg15[%swap3A_357, %swap3A_358] {strides = array<i32>} : memref<128x80xf32, #tpu.memory_space<vmem>>, vector<1x16xf32>,
          %swap3A_360 = vector.shape_cast %swap3A_359 : vector<1x16xf32> to vector<16xf32>
          %swap3A_361 = vector.shape_cast %mul3A_356 : vector<16xf32> to vector<1x16xf32>
          tpu.vector_store %arg15[%swap3A_357, %swap3A_358], %swap3A_361 {strides = array<i32>} : memref<128x80xf32, #tpu.memory_space<vmem>>, vector<1x16xf32>,
          %get3A_362 = arith.index_cast %scan3A_327 : i32 to index
          %get3A_363 = arith.constant 32 : index
          %get3A_364 = tpu.vector_load %arg15[%get3A_362, %get3A_363] {strides = array<i32>} : memref<128x80xf32, #tpu.memory_space<vmem>>, vector<1x16xf32>,
          %get3A_365 = vector.shape_cast %get3A_364 : vector<1x16xf32> to vector<16xf32>
          %mul3A_366 = arith.mulf %get3A_365, %gather3A_341 : vector<16xf32>
          %swap3A_367 = arith.index_cast %scan3A_327 : i32 to index
          %swap3A_368 = arith.constant 32 : index
          %swap3A_369 = tpu.vector_load %arg15[%swap3A_367, %swap3A_368] {strides = array<i32>} : memref<128x80xf32, #tpu.memory_space<vmem>>, vector<1x16xf32>,
          %swap3A_370 = vector.shape_cast %swap3A_369 : vector<1x16xf32> to vector<16xf32>
          %swap3A_371 = vector.shape_cast %mul3A_366 : vector<16xf32> to vector<1x16xf32>
          tpu.vector_store %arg15[%swap3A_367, %swap3A_368], %swap3A_371 {strides = array<i32>} : memref<128x80xf32, #tpu.memory_space<vmem>>, vector<1x16xf32>,
          %get3A_372 = arith.index_cast %scan3A_327 : i32 to index
          %get3A_373 = arith.constant 48 : index
          %get3A_374 = tpu.vector_load %arg15[%get3A_372, %get3A_373] {strides = array<i32>} : memref<128x80xf32, #tpu.memory_space<vmem>>, vector<1x16xf32>,
          %get3A_375 = vector.shape_cast %get3A_374 : vector<1x16xf32> to vector<16xf32>
          %mul3A_376 = arith.mulf %get3A_375, %gather3A_341 : vector<16xf32>
          %swap3A_377 = arith.index_cast %scan3A_327 : i32 to index
          %swap3A_378 = arith.constant 48 : index
          %swap3A_379 = tpu.vector_load %arg15[%swap3A_377, %swap3A_378] {strides = array<i32>} : memref<128x80xf32, #tpu.memory_space<vmem>>, vector<1x16xf32>,
          %swap3A_380 = vector.shape_cast %swap3A_379 : vector<1x16xf32> to vector<16xf32>
          %swap3A_381 = vector.shape_cast %mul3A_376 : vector<16xf32> to vector<1x16xf32>
          tpu.vector_store %arg15[%swap3A_377, %swap3A_378], %swap3A_381 {strides = array<i32>} : memref<128x80xf32, #tpu.memory_space<vmem>>, vector<1x16xf32>,
          %get3A_382 = arith.index_cast %scan3A_327 : i32 to index
          %get3A_383 = arith.constant 64 : index
          %get3A_384 = tpu.vector_load %arg15[%get3A_382, %get3A_383] {strides = array<i32>} : memref<128x80xf32, #tpu.memory_space<vmem>>, vector<1x16xf32>,
          %get3A_385 = vector.shape_cast %get3A_384 : vector<1x16xf32> to vector<16xf32>
          %mul3A_386 = arith.mulf %get3A_385, %gather3A_341 : vector<16xf32>
          %swap3A_387 = arith.index_cast %scan3A_327 : i32 to index
          %swap3A_388 = arith.constant 64 : index
          %swap3A_389 = tpu.vector_load %arg15[%swap3A_387, %swap3A_388] {strides = array<i32>} : memref<128x80xf32, #tpu.memory_space<vmem>>, vector<1x16xf32>,
          %swap3A_390 = vector.shape_cast %swap3A_389 : vector<1x16xf32> to vector<16xf32>
          %swap3A_391 = vector.shape_cast %mul3A_386 : vector<16xf32> to vector<1x16xf32>
          tpu.vector_store %arg15[%swap3A_387, %swap3A_388], %swap3A_391 {strides = array<i32>} : memref<128x80xf32, #tpu.memory_space<vmem>>, vector<1x16xf32>,
          %scan3A_392 = arith.constant 0 : i32
          %scan3A_393 = arith.constant 3 : i32
          %scan3A_394 = arith.addi %scan3A_195, %scan3A_393 : i32
          %get3A_395 = arith.index_cast %scan3A_394 : i32 to index
          %get3A_396 = arith.constant 0 : index
          %get3A_397 = tpu.vector_load %arg13[%get3A_395, %get3A_396] {strides = array<i32>} : memref<128x16xf32, #tpu.memory_space<vmem>>, vector<1x16xf32>,
          %get3A_398 = vector.shape_cast %get3A_397 : vector<1x16xf32> to vector<16xf32>
          %lt3A_399 = arith.constant 0 : i32
          %lt3A_400 = vector.broadcast %lt3A_399 : i32 to vector<16xi32>
          %lt3A_401 = arith.cmpi slt, %broadcast_in_dim3A_47, %lt3A_400 : vector<16xi32>
          %add3A_402 = arith.constant 16 : i32
          %add3A_403 = vector.broadcast %add3A_402 : i32 to vector<16xi32>
          %add3A_404 = arith.addi %broadcast_in_dim3A_47, %add3A_403 : vector<16xi32>
          %select_n3A_405 = arith.select %lt3A_401, %add3A_404, %broadcast_in_dim3A_47 : vector<16xi1>, vector<16xi32>
          %broadcast_in_dim3A_406 = vector.shape_cast %select_n3A_405 : vector<16xi32> to vector<16x1xi32>
          %gather3A_407 = vector.shape_cast %broadcast_in_dim3A_406 : vector<16x1xi32> to vector<16xi32>
          %gather3A_408 = tpu.dynamic_gather %get3A_398[%gather3A_407] in [0] : vector<16xf32>, vector<16xi32> -> vector<16xf32>
          %get3A_409 = arith.index_cast %scan3A_394 : i32 to index
          %get3A_410 = arith.constant 0 : index
          %get3A_411 = tpu.vector_load %arg15[%get3A_409, %get3A_410] {strides = array<i32>} : memref<128x80xf32, #tpu.memory_space<vmem>>, vector<1x16xf32>,
          %get3A_412 = vector.shape_cast %get3A_411 : vector<1x16xf32> to vector<16xf32>
          %mul3A_413 = arith.mulf %get3A_412, %gather3A_408 : vector<16xf32>
          %swap3A_414 = arith.index_cast %scan3A_394 : i32 to index
          %swap3A_415 = arith.constant 0 : index
          %swap3A_416 = tpu.vector_load %arg15[%swap3A_414, %swap3A_415] {strides = array<i32>} : memref<128x80xf32, #tpu.memory_space<vmem>>, vector<1x16xf32>,
          %swap3A_417 = vector.shape_cast %swap3A_416 : vector<1x16xf32> to vector<16xf32>
          %swap3A_418 = vector.shape_cast %mul3A_413 : vector<16xf32> to vector<1x16xf32>
          tpu.vector_store %arg15[%swap3A_414, %swap3A_415], %swap3A_418 {strides = array<i32>} : memref<128x80xf32, #tpu.memory_space<vmem>>, vector<1x16xf32>,
          %get3A_419 = arith.index_cast %scan3A_394 : i32 to index
          %get3A_420 = arith.constant 16 : index
          %get3A_421 = tpu.vector_load %arg15[%get3A_419, %get3A_420] {strides = array<i32>} : memref<128x80xf32, #tpu.memory_space<vmem>>, vector<1x16xf32>,
          %get3A_422 = vector.shape_cast %get3A_421 : vector<1x16xf32> to vector<16xf32>
          %mul3A_423 = arith.mulf %get3A_422, %gather3A_408 : vector<16xf32>
          %swap3A_424 = arith.index_cast %scan3A_394 : i32 to index
          %swap3A_425 = arith.constant 16 : index
          %swap3A_426 = tpu.vector_load %arg15[%swap3A_424, %swap3A_425] {strides = array<i32>} : memref<128x80xf32, #tpu.memory_space<vmem>>, vector<1x16xf32>,
          %swap3A_427 = vector.shape_cast %swap3A_426 : vector<1x16xf32> to vector<16xf32>
          %swap3A_428 = vector.shape_cast %mul3A_423 : vector<16xf32> to vector<1x16xf32>
          tpu.vector_store %arg15[%swap3A_424, %swap3A_425], %swap3A_428 {strides = array<i32>} : memref<128x80xf32, #tpu.memory_space<vmem>>, vector<1x16xf32>,
          %get3A_429 = arith.index_cast %scan3A_394 : i32 to index
          %get3A_430 = arith.constant 32 : index
          %get3A_431 = tpu.vector_load %arg15[%get3A_429, %get3A_430] {strides = array<i32>} : memref<128x80xf32, #tpu.memory_space<vmem>>, vector<1x16xf32>,
          %get3A_432 = vector.shape_cast %get3A_431 : vector<1x16xf32> to vector<16xf32>
          %mul3A_433 = arith.mulf %get3A_432, %gather3A_408 : vector<16xf32>
          %swap3A_434 = arith.index_cast %scan3A_394 : i32 to index
          %swap3A_435 = arith.constant 32 : index
          %swap3A_436 = tpu.vector_load %arg15[%swap3A_434, %swap3A_435] {strides = array<i32>} : memref<128x80xf32, #tpu.memory_space<vmem>>, vector<1x16xf32>,
          %swap3A_437 = vector.shape_cast %swap3A_436 : vector<1x16xf32> to vector<16xf32>
          %swap3A_438 = vector.shape_cast %mul3A_433 : vector<16xf32> to vector<1x16xf32>
          tpu.vector_store %arg15[%swap3A_434, %swap3A_435], %swap3A_438 {strides = array<i32>} : memref<128x80xf32, #tpu.memory_space<vmem>>, vector<1x16xf32>,
          %get3A_439 = arith.index_cast %scan3A_394 : i32 to index
          %get3A_440 = arith.constant 48 : index
          %get3A_441 = tpu.vector_load %arg15[%get3A_439, %get3A_440] {strides = array<i32>} : memref<128x80xf32, #tpu.memory_space<vmem>>, vector<1x16xf32>,
          %get3A_442 = vector.shape_cast %get3A_441 : vector<1x16xf32> to vector<16xf32>
          %mul3A_443 = arith.mulf %get3A_442, %gather3A_408 : vector<16xf32>
          %swap3A_444 = arith.index_cast %scan3A_394 : i32 to index
          %swap3A_445 = arith.constant 48 : index
          %swap3A_446 = tpu.vector_load %arg15[%swap3A_444, %swap3A_445] {strides = array<i32>} : memref<128x80xf32, #tpu.memory_space<vmem>>, vector<1x16xf32>,
          %swap3A_447 = vector.shape_cast %swap3A_446 : vector<1x16xf32> to vector<16xf32>
          %swap3A_448 = vector.shape_cast %mul3A_443 : vector<16xf32> to vector<1x16xf32>
          tpu.vector_store %arg15[%swap3A_444, %swap3A_445], %swap3A_448 {strides = array<i32>} : memref<128x80xf32, #tpu.memory_space<vmem>>, vector<1x16xf32>,
          %get3A_449 = arith.index_cast %scan3A_394 : i32 to index
          %get3A_450 = arith.constant 64 : index
          %get3A_451 = tpu.vector_load %arg15[%get3A_449, %get3A_450] {strides = array<i32>} : memref<128x80xf32, #tpu.memory_space<vmem>>, vector<1x16xf32>,
          %get3A_452 = vector.shape_cast %get3A_451 : vector<1x16xf32> to vector<16xf32>
          %mul3A_453 = arith.mulf %get3A_452, %gather3A_408 : vector<16xf32>
          %swap3A_454 = arith.index_cast %scan3A_394 : i32 to index
          %swap3A_455 = arith.constant 64 : index
          %swap3A_456 = tpu.vector_load %arg15[%swap3A_454, %swap3A_455] {strides = array<i32>} : memref<128x80xf32, #tpu.memory_space<vmem>>, vector<1x16xf32>,
          %swap3A_457 = vector.shape_cast %swap3A_456 : vector<1x16xf32> to vector<16xf32>
          %swap3A_458 = vector.shape_cast %mul3A_453 : vector<16xf32> to vector<1x16xf32>
          tpu.vector_store %arg15[%swap3A_454, %swap3A_455], %swap3A_458 {strides = array<i32>} : memref<128x80xf32, #tpu.memory_space<vmem>>, vector<1x16xf32>,
          %scan3A_459 = arith.constant 0 : i32
          scf.yield %scan3A_459 : i32
        }
        %scan3A_140 = arith.constant 128 : i32
        %dma_start3A_141 = arith.constant 0 : i32
        %dma_start3A_142 = tpu.memref_slice %arg10[%mul3A_93, %dma_start3A_141] : memref<42x128xi32, #tpu.memory_space<vmem>> -> memref<1x128xi32, #tpu.memory_space<vmem>>
        %dma_start3A_143 = tpu.memref_squeeze %dma_start3A_142 : memref<1x128xi32, #tpu.memory_space<vmem>> -> memref<128xi32, #tpu.memory_space<vmem>>
        %dma_start3A_144 = arith.constant 0 : i32
        %dma_start3A_145 = arith.constant 0 : i32
        %dma_start3A_146 = tpu.memref_slice %arg18[%dma_start3A_144, %dma_start3A_145] : memref<10240x80xf32, #tpu.memory_space<vmem_shared>> -> memref<10240x80xf32, #tpu.memory_space<vmem_shared>>
        tpu.enqueue_indirect_dma source(%arg15 : memref<128x80xf32, #tpu.memory_space<vmem>>) target(%dma_start3A_146 : memref<10240x80xf32, #tpu.memory_space<vmem_shared>>) offsets(%dma_start3A_143 : memref<128xi32, #tpu.memory_space<vmem>>) semaphore(%arg23 : memref<!tpu.dma_semaphore, #tpu.memory_space<semaphore_mem>>) {add = true}
        %add3A_147 = arith.constant 1 : i32
        %add3A_148 = arith.addi %mul3A_93, %add3A_147 : i32
        %dma_wait3A_149 = arith.constant 0 : i32
        %dma_wait3A_150 = arith.constant 0 : i32
        %dma_wait3A_151 = tpu.memref_slice %arg8[%add3A, %add3A_148, %dma_wait3A_149, %dma_wait3A_150] : memref<32x42x128x16xf32, #tpu.memory_space<hbm>> -> memref<1x1x128x16xf32, #tpu.memory_space<hbm>>
        %dma_wait3A_152 = tpu.memref_squeeze %dma_wait3A_151 : memref<1x1x128x16xf32, #tpu.memory_space<hbm>> -> memref<128x16xf32, #tpu.memory_space<hbm>>
        %dma_wait3A_153 = arith.constant 0 : i32
        %dma_wait3A_154 = arith.constant 0 : i32
        %dma_wait3A_155 = tpu.memref_slice %arg8[%add3A, %add3A_148, %dma_wait3A_153, %dma_wait3A_154] : memref<32x42x128x16xf32, #tpu.memory_space<hbm>> -> memref<1x1x128x16xf32, #tpu.memory_space<hbm>>
        %dma_wait3A_156 = tpu.memref_squeeze %dma_wait3A_155 : memref<1x1x128x16xf32, #tpu.memory_space<hbm>> -> memref<128x16xf32, #tpu.memory_space<hbm>>
        tpu.wait_dma2 semaphore(%arg22 : memref<!tpu.dma_semaphore, #tpu.memory_space<semaphore_mem>>) src(%dma_wait3A_156 : memref<128x16xf32, #tpu.memory_space<hbm>>) dst(%arg14 : memref<128x16xf32, #tpu.memory_space<vmem>>)
        %dma_wait3A_157 = arith.constant 0 : i32
        %dma_wait3A_158 = tpu.memref_slice %arg9[%add3A_148, %dma_wait3A_157] : memref<42x128xi32, #tpu.memory_space<vmem>> -> memref<1x128xi32, #tpu.memory_space<vmem>>
        %dma_wait3A_159 = tpu.memref_squeeze %dma_wait3A_158 : memref<1x128xi32, #tpu.memory_space<vmem>> -> memref<128xi32, #tpu.memory_space<vmem>>
        %dma_wait3A_160 = arith.constant 0 : i32
        %dma_wait3A_161 = arith.constant 0 : i32
        %dma_wait3A_162 = tpu.memref_slice %arg2[%scan3A_22, %dma_wait3A_160, %dma_wait3A_161] : memref<20x10240x80xf32, #tpu.memory_space<hbm>> -> memref<1x10240x80xf32, #tpu.memory_space<hbm>>
        %dma_wait3A_163 = tpu.memref_squeeze %dma_wait3A_162 : memref<1x10240x80xf32, #tpu.memory_space<hbm>> -> memref<10240x80xf32, #tpu.memory_space<hbm>>
        %dma_wait3A_164 = arith.constant 0 : i32
        %dma_wait3A_165 = arith.constant 0 : i32
        %dma_wait3A_166 = tpu.memref_slice %dma_wait3A_163[%dma_wait3A_164, %dma_wait3A_165] : memref<10240x80xf32, #tpu.memory_space<hbm>> -> memref<10240x80xf32, #tpu.memory_space<hbm>>
        tpu.wait_indirect_dma semaphore(%arg20 : memref<!tpu.dma_semaphore, #tpu.memory_space<semaphore_mem>>) src(%dma_wait3A_166 : memref<10240x80xf32, #tpu.memory_space<hbm>>) dst(%arg16 : memref<128x80xf32, #tpu.memory_space<vmem>>)
        %scan3A_167 = arith.constant 0 : i32
        %scan3A_168 = arith.constant 0 : i32
        %scan3A_169 = arith.constant 128 : i32
        %scan3A_170 = arith.addi %scan3A_168, %scan3A_169 : i32
        %scan3A_171 = arith.constant 4 : i32
        %scan3A_172 = scf.for %scan3A_195 = %scan3A_168 to %scan3A_170 step %scan3A_171 iter_args(%scan3A_196 = %scan3A_167) -> (i32)  : i32 {
          %get3A = arith.index_cast %scan3A_195 : i32 to index
          %get3A_197 = arith.constant 0 : index
          %get3A_198 = tpu.vector_load %arg14[%get3A, %get3A_197] {strides = array<i32>} : memref<128x16xf32, #tpu.memory_space<vmem>>, vector<1x16xf32>,
          %get3A_199 = vector.shape_cast %get3A_198 : vector<1x16xf32> to vector<16xf32>
          %lt3A_200 = arith.constant 0 : i32
          %lt3A_201 = vector.broadcast %lt3A_200 : i32 to vector<16xi32>
          %lt3A_202 = arith.cmpi slt, %broadcast_in_dim3A_47, %lt3A_201 : vector<16xi32>
          %add3A_203 = arith.constant 16 : i32
          %add3A_204 = vector.broadcast %add3A_203 : i32 to vector<16xi32>
          %add3A_205 = arith.addi %broadcast_in_dim3A_47, %add3A_204 : vector<16xi32>
          %select_n3A_206 = arith.select %lt3A_202, %add3A_205, %broadcast_in_dim3A_47 : vector<16xi1>, vector<16xi32>
          %broadcast_in_dim3A_207 = vector.shape_cast %select_n3A_206 : vector<16xi32> to vector<16x1xi32>
          %gather3A = vector.shape_cast %broadcast_in_dim3A_207 : vector<16x1xi32> to vector<16xi32>
          %gather3A_208 = tpu.dynamic_gather %get3A_199[%gather3A] in [0] : vector<16xf32>, vector<16xi32> -> vector<16xf32>
          %get3A_209 = arith.index_cast %scan3A_195 : i32 to index
          %get3A_210 = arith.constant 0 : index
          %get3A_211 = tpu.vector_load %arg16[%get3A_209, %get3A_210] {strides = array<i32>} : memref<128x80xf32, #tpu.memory_space<vmem>>, vector<1x16xf32>,
          %get3A_212 = vector.shape_cast %get3A_211 : vector<1x16xf32> to vector<16xf32>
          %mul3A_213 = arith.mulf %get3A_212, %gather3A_208 : vector<16xf32>
          %swap3A = arith.index_cast %scan3A_195 : i32 to index
          %swap3A_214 = arith.constant 0 : index
          %swap3A_215 = tpu.vector_load %arg16[%swap3A, %swap3A_214] {strides = array<i32>} : memref<128x80xf32, #tpu.memory_space<vmem>>, vector<1x16xf32>,
          %swap3A_216 = vector.shape_cast %swap3A_215 : vector<1x16xf32> to vector<16xf32>
          %swap3A_217 = vector.shape_cast %mul3A_213 : vector<16xf32> to vector<1x16xf32>
          tpu.vector_store %arg16[%swap3A, %swap3A_214], %swap3A_217 {strides = array<i32>} : memref<128x80xf32, #tpu.memory_space<vmem>>, vector<1x16xf32>,
          %get3A_218 = arith.index_cast %scan3A_195 : i32 to index
          %get3A_219 = arith.constant 16 : index
          %get3A_220 = tpu.vector_load %arg16[%get3A_218, %get3A_219] {strides = array<i32>} : memref<128x80xf32, #tpu.memory_space<vmem>>, vector<1x16xf32>,
          %get3A_221 = vector.shape_cast %get3A_220 : vector<1x16xf32> to vector<16xf32>
          %mul3A_222 = arith.mulf %get3A_221, %gather3A_208 : vector<16xf32>
          %swap3A_223 = arith.index_cast %scan3A_195 : i32 to index
          %swap3A_224 = arith.constant 16 : index
          %swap3A_225 = tpu.vector_load %arg16[%swap3A_223, %swap3A_224] {strides = array<i32>} : memref<128x80xf32, #tpu.memory_space<vmem>>, vector<1x16xf32>,
          %swap3A_226 = vector.shape_cast %swap3A_225 : vector<1x16xf32> to vector<16xf32>
          %swap3A_227 = vector.shape_cast %mul3A_222 : vector<16xf32> to vector<1x16xf32>
          tpu.vector_store %arg16[%swap3A_223, %swap3A_224], %swap3A_227 {strides = array<i32>} : memref<128x80xf32, #tpu.memory_space<vmem>>, vector<1x16xf32>,
          %get3A_228 = arith.index_cast %scan3A_195 : i32 to index
          %get3A_229 = arith.constant 32 : index
          %get3A_230 = tpu.vector_load %arg16[%get3A_228, %get3A_229] {strides = array<i32>} : memref<128x80xf32, #tpu.memory_space<vmem>>, vector<1x16xf32>,
          %get3A_231 = vector.shape_cast %get3A_230 : vector<1x16xf32> to vector<16xf32>
          %mul3A_232 = arith.mulf %get3A_231, %gather3A_208 : vector<16xf32>
          %swap3A_233 = arith.index_cast %scan3A_195 : i32 to index
          %swap3A_234 = arith.constant 32 : index
          %swap3A_235 = tpu.vector_load %arg16[%swap3A_233, %swap3A_234] {strides = array<i32>} : memref<128x80xf32, #tpu.memory_space<vmem>>, vector<1x16xf32>,
          %swap3A_236 = vector.shape_cast %swap3A_235 : vector<1x16xf32> to vector<16xf32>
          %swap3A_237 = vector.shape_cast %mul3A_232 : vector<16xf32> to vector<1x16xf32>
          tpu.vector_store %arg16[%swap3A_233, %swap3A_234], %swap3A_237 {strides = array<i32>} : memref<128x80xf32, #tpu.memory_space<vmem>>, vector<1x16xf32>,
          %get3A_238 = arith.index_cast %scan3A_195 : i32 to index
          %get3A_239 = arith.constant 48 : index
          %get3A_240 = tpu.vector_load %arg16[%get3A_238, %get3A_239] {strides = array<i32>} : memref<128x80xf32, #tpu.memory_space<vmem>>, vector<1x16xf32>,
          %get3A_241 = vector.shape_cast %get3A_240 : vector<1x16xf32> to vector<16xf32>
          %mul3A_242 = arith.mulf %get3A_241, %gather3A_208 : vector<16xf32>
          %swap3A_243 = arith.index_cast %scan3A_195 : i32 to index
          %swap3A_244 = arith.constant 48 : index
          %swap3A_245 = tpu.vector_load %arg16[%swap3A_243, %swap3A_244] {strides = array<i32>} : memref<128x80xf32, #tpu.memory_space<vmem>>, vector<1x16xf32>,
          %swap3A_246 = vector.shape_cast %swap3A_245 : vector<1x16xf32> to vector<16xf32>
          %swap3A_247 = vector.shape_cast %mul3A_242 : vector<16xf32> to vector<1x16xf32>
          tpu.vector_store %arg16[%swap3A_243, %swap3A_244], %swap3A_247 {strides = array<i32>} : memref<128x80xf32, #tpu.memory_space<vmem>>, vector<1x16xf32>,
          %get3A_248 = arith.index_cast %scan3A_195 : i32 to index
          %get3A_249 = arith.constant 64 : index
          %get3A_250 = tpu.vector_load %arg16[%get3A_248, %get3A_249] {strides = array<i32>} : memref<128x80xf32, #tpu.memory_space<vmem>>, vector<1x16xf32>,
          %get3A_251 = vector.shape_cast %get3A_250 : vector<1x16xf32> to vector<16xf32>
          %mul3A_252 = arith.mulf %get3A_251, %gather3A_208 : vector<16xf32>
          %swap3A_253 = arith.index_cast %scan3A_195 : i32 to index
          %swap3A_254 = arith.constant 64 : index
          %swap3A_255 = tpu.vector_load %arg16[%swap3A_253, %swap3A_254] {strides = array<i32>} : memref<128x80xf32, #tpu.memory_space<vmem>>, vector<1x16xf32>,
          %swap3A_256 = vector.shape_cast %swap3A_255 : vector<1x16xf32> to vector<16xf32>
          %swap3A_257 = vector.shape_cast %mul3A_252 : vector<16xf32> to vector<1x16xf32>
          tpu.vector_store %arg16[%swap3A_253, %swap3A_254], %swap3A_257 {strides = array<i32>} : memref<128x80xf32, #tpu.memory_space<vmem>>, vector<1x16xf32>,
          %scan3A_258 = arith.constant 0 : i32
          %scan3A_259 = arith.constant 1 : i32
          %scan3A_260 = arith.addi %scan3A_195, %scan3A_259 : i32
          %get3A_261 = arith.index_cast %scan3A_260 : i32 to index
          %get3A_262 = arith.constant 0 : index
          %get3A_263 = tpu.vector_load %arg14[%get3A_261, %get3A_262] {strides = array<i32>} : memref<128x16xf32, #tpu.memory_space<vmem>>, vector<1x16xf32>,
          %get3A_264 = vector.shape_cast %get3A_263 : vector<1x16xf32> to vector<16xf32>
          %lt3A_265 = arith.constant 0 : i32
          %lt3A_266 = vector.broadcast %lt3A_265 : i32 to vector<16xi32>
          %lt3A_267 = arith.cmpi slt, %broadcast_in_dim3A_47, %lt3A_266 : vector<16xi32>
          %add3A_268 = arith.constant 16 : i32
          %add3A_269 = vector.broadcast %add3A_268 : i32 to vector<16xi32>
          %add3A_270 = arith.addi %broadcast_in_dim3A_47, %add3A_269 : vector<16xi32>
          %select_n3A_271 = arith.select %lt3A_267, %add3A_270, %broadcast_in_dim3A_47 : vector<16xi1>, vector<16xi32>
          %broadcast_in_dim3A_272 = vector.shape_cast %select_n3A_271 : vector<16xi32> to vector<16x1xi32>
          %gather3A_273 = vector.shape_cast %broadcast_in_dim3A_272 : vector<16x1xi32> to vector<16xi32>
          %gather3A_274 = tpu.dynamic_gather %get3A_264[%gather3A_273] in [0] : vector<16xf32>, vector<16xi32> -> vector<16xf32>
          %get3A_275 = arith.index_cast %scan3A_260 : i32 to index
          %get3A_276 = arith.constant 0 : index
          %get3A_277 = tpu.vector_load %arg16[%get3A_275, %get3A_276] {strides = array<i32>} : memref<128x80xf32, #tpu.memory_space<vmem>>, vector<1x16xf32>,
          %get3A_278 = vector.shape_cast %get3A_277 : vector<1x16xf32> to vector<16xf32>
          %mul3A_279 = arith.mulf %get3A_278, %gather3A_274 : vector<16xf32>
          %swap3A_280 = arith.index_cast %scan3A_260 : i32 to index
          %swap3A_281 = arith.constant 0 : index
          %swap3A_282 = tpu.vector_load %arg16[%swap3A_280, %swap3A_281] {strides = array<i32>} : memref<128x80xf32, #tpu.memory_space<vmem>>, vector<1x16xf32>,
          %swap3A_283 = vector.shape_cast %swap3A_282 : vector<1x16xf32> to vector<16xf32>
          %swap3A_284 = vector.shape_cast %mul3A_279 : vector<16xf32> to vector<1x16xf32>
          tpu.vector_store %arg16[%swap3A_280, %swap3A_281], %swap3A_284 {strides = array<i32>} : memref<128x80xf32, #tpu.memory_space<vmem>>, vector<1x16xf32>,
          %get3A_285 = arith.index_cast %scan3A_260 : i32 to index
          %get3A_286 = arith.constant 16 : index
          %get3A_287 = tpu.vector_load %arg16[%get3A_285, %get3A_286] {strides = array<i32>} : memref<128x80xf32, #tpu.memory_space<vmem>>, vector<1x16xf32>,
          %get3A_288 = vector.shape_cast %get3A_287 : vector<1x16xf32> to vector<16xf32>
          %mul3A_289 = arith.mulf %get3A_288, %gather3A_274 : vector<16xf32>
          %swap3A_290 = arith.index_cast %scan3A_260 : i32 to index
          %swap3A_291 = arith.constant 16 : index
          %swap3A_292 = tpu.vector_load %arg16[%swap3A_290, %swap3A_291] {strides = array<i32>} : memref<128x80xf32, #tpu.memory_space<vmem>>, vector<1x16xf32>,
          %swap3A_293 = vector.shape_cast %swap3A_292 : vector<1x16xf32> to vector<16xf32>
          %swap3A_294 = vector.shape_cast %mul3A_289 : vector<16xf32> to vector<1x16xf32>
          tpu.vector_store %arg16[%swap3A_290, %swap3A_291], %swap3A_294 {strides = array<i32>} : memref<128x80xf32, #tpu.memory_space<vmem>>, vector<1x16xf32>,
          %get3A_295 = arith.index_cast %scan3A_260 : i32 to index
          %get3A_296 = arith.constant 32 : index
          %get3A_297 = tpu.vector_load %arg16[%get3A_295, %get3A_296] {strides = array<i32>} : memref<128x80xf32, #tpu.memory_space<vmem>>, vector<1x16xf32>,
          %get3A_298 = vector.shape_cast %get3A_297 : vector<1x16xf32> to vector<16xf32>
          %mul3A_299 = arith.mulf %get3A_298, %gather3A_274 : vector<16xf32>
          %swap3A_300 = arith.index_cast %scan3A_260 : i32 to index
          %swap3A_301 = arith.constant 32 : index
          %swap3A_302 = tpu.vector_load %arg16[%swap3A_300, %swap3A_301] {strides = array<i32>} : memref<128x80xf32, #tpu.memory_space<vmem>>, vector<1x16xf32>,
          %swap3A_303 = vector.shape_cast %swap3A_302 : vector<1x16xf32> to vector<16xf32>
          %swap3A_304 = vector.shape_cast %mul3A_299 : vector<16xf32> to vector<1x16xf32>
          tpu.vector_store %arg16[%swap3A_300, %swap3A_301], %swap3A_304 {strides = array<i32>} : memref<128x80xf32, #tpu.memory_space<vmem>>, vector<1x16xf32>,
          %get3A_305 = arith.index_cast %scan3A_260 : i32 to index
          %get3A_306 = arith.constant 48 : index
          %get3A_307 = tpu.vector_load %arg16[%get3A_305, %get3A_306] {strides = array<i32>} : memref<128x80xf32, #tpu.memory_space<vmem>>, vector<1x16xf32>,
          %get3A_308 = vector.shape_cast %get3A_307 : vector<1x16xf32> to vector<16xf32>
          %mul3A_309 = arith.mulf %get3A_308, %gather3A_274 : vector<16xf32>
          %swap3A_310 = arith.index_cast %scan3A_260 : i32 to index
          %swap3A_311 = arith.constant 48 : index
          %swap3A_312 = tpu.vector_load %arg16[%swap3A_310, %swap3A_311] {strides = array<i32>} : memref<128x80xf32, #tpu.memory_space<vmem>>, vector<1x16xf32>,
          %swap3A_313 = vector.shape_cast %swap3A_312 : vector<1x16xf32> to vector<16xf32>
          %swap3A_314 = vector.shape_cast %mul3A_309 : vector<16xf32> to vector<1x16xf32>
          tpu.vector_store %arg16[%swap3A_310, %swap3A_311], %swap3A_314 {strides = array<i32>} : memref<128x80xf32, #tpu.memory_space<vmem>>, vector<1x16xf32>,
          %get3A_315 = arith.index_cast %scan3A_260 : i32 to index
          %get3A_316 = arith.constant 64 : index
          %get3A_317 = tpu.vector_load %arg16[%get3A_315, %get3A_316] {strides = array<i32>} : memref<128x80xf32, #tpu.memory_space<vmem>>, vector<1x16xf32>,
          %get3A_318 = vector.shape_cast %get3A_317 : vector<1x16xf32> to vector<16xf32>
          %mul3A_319 = arith.mulf %get3A_318, %gather3A_274 : vector<16xf32>
          %swap3A_320 = arith.index_cast %scan3A_260 : i32 to index
          %swap3A_321 = arith.constant 64 : index
          %swap3A_322 = tpu.vector_load %arg16[%swap3A_320, %swap3A_321] {strides = array<i32>} : memref<128x80xf32, #tpu.memory_space<vmem>>, vector<1x16xf32>,
          %swap3A_323 = vector.shape_cast %swap3A_322 : vector<1x16xf32> to vector<16xf32>
          %swap3A_324 = vector.shape_cast %mul3A_319 : vector<16xf32> to vector<1x16xf32>
          tpu.vector_store %arg16[%swap3A_320, %swap3A_321], %swap3A_324 {strides = array<i32>} : memref<128x80xf32, #tpu.memory_space<vmem>>, vector<1x16xf32>,
          %scan3A_325 = arith.constant 0 : i32
          %scan3A_326 = arith.constant 2 : i32
          %scan3A_327 = arith.addi %scan3A_195, %scan3A_326 : i32
          %get3A_328 = arith.index_cast %scan3A_327 : i32 to index
          %get3A_329 = arith.constant 0 : index
          %get3A_330 = tpu.vector_load %arg14[%get3A_328, %get3A_329] {strides = array<i32>} : memref<128x16xf32, #tpu.memory_space<vmem>>, vector<1x16xf32>,
          %get3A_331 = vector.shape_cast %get3A_330 : vector<1x16xf32> to vector<16xf32>
          %lt3A_332 = arith.constant 0 : i32
          %lt3A_333 = vector.broadcast %lt3A_332 : i32 to vector<16xi32>
          %lt3A_334 = arith.cmpi slt, %broadcast_in_dim3A_47, %lt3A_333 : vector<16xi32>
          %add3A_335 = arith.constant 16 : i32
          %add3A_336 = vector.broadcast %add3A_335 : i32 to vector<16xi32>
          %add3A_337 = arith.addi %broadcast_in_dim3A_47, %add3A_336 : vector<16xi32>
          %select_n3A_338 = arith.select %lt3A_334, %add3A_337, %broadcast_in_dim3A_47 : vector<16xi1>, vector<16xi32>
          %broadcast_in_dim3A_339 = vector.shape_cast %select_n3A_338 : vector<16xi32> to vector<16x1xi32>
          %gather3A_340 = vector.shape_cast %broadcast_in_dim3A_339 : vector<16x1xi32> to vector<16xi32>
          %gather3A_341 = tpu.dynamic_gather %get3A_331[%gather3A_340] in [0] : vector<16xf32>, vector<16xi32> -> vector<16xf32>
          %get3A_342 = arith.index_cast %scan3A_327 : i32 to index
          %get3A_343 = arith.constant 0 : index
          %get3A_344 = tpu.vector_load %arg16[%get3A_342, %get3A_343] {strides = array<i32>} : memref<128x80xf32, #tpu.memory_space<vmem>>, vector<1x16xf32>,
          %get3A_345 = vector.shape_cast %get3A_344 : vector<1x16xf32> to vector<16xf32>
          %mul3A_346 = arith.mulf %get3A_345, %gather3A_341 : vector<16xf32>
          %swap3A_347 = arith.index_cast %scan3A_327 : i32 to index
          %swap3A_348 = arith.constant 0 : index
          %swap3A_349 = tpu.vector_load %arg16[%swap3A_347, %swap3A_348] {strides = array<i32>} : memref<128x80xf32, #tpu.memory_space<vmem>>, vector<1x16xf32>,
          %swap3A_350 = vector.shape_cast %swap3A_349 : vector<1x16xf32> to vector<16xf32>
          %swap3A_351 = vector.shape_cast %mul3A_346 : vector<16xf32> to vector<1x16xf32>
          tpu.vector_store %arg16[%swap3A_347, %swap3A_348], %swap3A_351 {strides = array<i32>} : memref<128x80xf32, #tpu.memory_space<vmem>>, vector<1x16xf32>,
          %get3A_352 = arith.index_cast %scan3A_327 : i32 to index
          %get3A_353 = arith.constant 16 : index
          %get3A_354 = tpu.vector_load %arg16[%get3A_352, %get3A_353] {strides = array<i32>} : memref<128x80xf32, #tpu.memory_space<vmem>>, vector<1x16xf32>,
          %get3A_355 = vector.shape_cast %get3A_354 : vector<1x16xf32> to vector<16xf32>
          %mul3A_356 = arith.mulf %get3A_355, %gather3A_341 : vector<16xf32>
          %swap3A_357 = arith.index_cast %scan3A_327 : i32 to index
          %swap3A_358 = arith.constant 16 : index
          %swap3A_359 = tpu.vector_load %arg16[%swap3A_357, %swap3A_358] {strides = array<i32>} : memref<128x80xf32, #tpu.memory_space<vmem>>, vector<1x16xf32>,
          %swap3A_360 = vector.shape_cast %swap3A_359 : vector<1x16xf32> to vector<16xf32>
          %swap3A_361 = vector.shape_cast %mul3A_356 : vector<16xf32> to vector<1x16xf32>
          tpu.vector_store %arg16[%swap3A_357, %swap3A_358], %swap3A_361 {strides = array<i32>} : memref<128x80xf32, #tpu.memory_space<vmem>>, vector<1x16xf32>,
          %get3A_362 = arith.index_cast %scan3A_327 : i32 to index
          %get3A_363 = arith.constant 32 : index
          %get3A_364 = tpu.vector_load %arg16[%get3A_362, %get3A_363] {strides = array<i32>} : memref<128x80xf32, #tpu.memory_space<vmem>>, vector<1x16xf32>,
          %get3A_365 = vector.shape_cast %get3A_364 : vector<1x16xf32> to vector<16xf32>
          %mul3A_366 = arith.mulf %get3A_365, %gather3A_341 : vector<16xf32>
          %swap3A_367 = arith.index_cast %scan3A_327 : i32 to index
          %swap3A_368 = arith.constant 32 : index
          %swap3A_369 = tpu.vector_load %arg16[%swap3A_367, %swap3A_368] {strides = array<i32>} : memref<128x80xf32, #tpu.memory_space<vmem>>, vector<1x16xf32>,
          %swap3A_370 = vector.shape_cast %swap3A_369 : vector<1x16xf32> to vector<16xf32>
          %swap3A_371 = vector.shape_cast %mul3A_366 : vector<16xf32> to vector<1x16xf32>
          tpu.vector_store %arg16[%swap3A_367, %swap3A_368], %swap3A_371 {strides = array<i32>} : memref<128x80xf32, #tpu.memory_space<vmem>>, vector<1x16xf32>,
          %get3A_372 = arith.index_cast %scan3A_327 : i32 to index
          %get3A_373 = arith.constant 48 : index
          %get3A_374 = tpu.vector_load %arg16[%get3A_372, %get3A_373] {strides = array<i32>} : memref<128x80xf32, #tpu.memory_space<vmem>>, vector<1x16xf32>,
          %get3A_375 = vector.shape_cast %get3A_374 : vector<1x16xf32> to vector<16xf32>
          %mul3A_376 = arith.mulf %get3A_375, %gather3A_341 : vector<16xf32>
          %swap3A_377 = arith.index_cast %scan3A_327 : i32 to index
          %swap3A_378 = arith.constant 48 : index
          %swap3A_379 = tpu.vector_load %arg16[%swap3A_377, %swap3A_378] {strides = array<i32>} : memref<128x80xf32, #tpu.memory_space<vmem>>, vector<1x16xf32>,
          %swap3A_380 = vector.shape_cast %swap3A_379 : vector<1x16xf32> to vector<16xf32>
          %swap3A_381 = vector.shape_cast %mul3A_376 : vector<16xf32> to vector<1x16xf32>
          tpu.vector_store %arg16[%swap3A_377, %swap3A_378], %swap3A_381 {strides = array<i32>} : memref<128x80xf32, #tpu.memory_space<vmem>>, vector<1x16xf32>,
          %get3A_382 = arith.index_cast %scan3A_327 : i32 to index
          %get3A_383 = arith.constant 64 : index
          %get3A_384 = tpu.vector_load %arg16[%get3A_382, %get3A_383] {strides = array<i32>} : memref<128x80xf32, #tpu.memory_space<vmem>>, vector<1x16xf32>,
          %get3A_385 = vector.shape_cast %get3A_384 : vector<1x16xf32> to vector<16xf32>
          %mul3A_386 = arith.mulf %get3A_385, %gather3A_341 : vector<16xf32>
          %swap3A_387 = arith.index_cast %scan3A_327 : i32 to index
          %swap3A_388 = arith.constant 64 : index
          %swap3A_389 = tpu.vector_load %arg16[%swap3A_387, %swap3A_388] {strides = array<i32>} : memref<128x80xf32, #tpu.memory_space<vmem>>, vector<1x16xf32>,
          %swap3A_390 = vector.shape_cast %swap3A_389 : vector<1x16xf32> to vector<16xf32>
          %swap3A_391 = vector.shape_cast %mul3A_386 : vector<16xf32> to vector<1x16xf32>
          tpu.vector_store %arg16[%swap3A_387, %swap3A_388], %swap3A_391 {strides = array<i32>} : memref<128x80xf32, #tpu.memory_space<vmem>>, vector<1x16xf32>,
          %scan3A_392 = arith.constant 0 : i32
          %scan3A_393 = arith.constant 3 : i32
          %scan3A_394 = arith.addi %scan3A_195, %scan3A_393 : i32
          %get3A_395 = arith.index_cast %scan3A_394 : i32 to index
          %get3A_396 = arith.constant 0 : index
          %get3A_397 = tpu.vector_load %arg14[%get3A_395, %get3A_396] {strides = array<i32>} : memref<128x16xf32, #tpu.memory_space<vmem>>, vector<1x16xf32>,
          %get3A_398 = vector.shape_cast %get3A_397 : vector<1x16xf32> to vector<16xf32>
          %lt3A_399 = arith.constant 0 : i32
          %lt3A_400 = vector.broadcast %lt3A_399 : i32 to vector<16xi32>
          %lt3A_401 = arith.cmpi slt, %broadcast_in_dim3A_47, %lt3A_400 : vector<16xi32>
          %add3A_402 = arith.constant 16 : i32
          %add3A_403 = vector.broadcast %add3A_402 : i32 to vector<16xi32>
          %add3A_404 = arith.addi %broadcast_in_dim3A_47, %add3A_403 : vector<16xi32>
          %select_n3A_405 = arith.select %lt3A_401, %add3A_404, %broadcast_in_dim3A_47 : vector<16xi1>, vector<16xi32>
          %broadcast_in_dim3A_406 = vector.shape_cast %select_n3A_405 : vector<16xi32> to vector<16x1xi32>
          %gather3A_407 = vector.shape_cast %broadcast_in_dim3A_406 : vector<16x1xi32> to vector<16xi32>
          %gather3A_408 = tpu.dynamic_gather %get3A_398[%gather3A_407] in [0] : vector<16xf32>, vector<16xi32> -> vector<16xf32>
          %get3A_409 = arith.index_cast %scan3A_394 : i32 to index
          %get3A_410 = arith.constant 0 : index
          %get3A_411 = tpu.vector_load %arg16[%get3A_409, %get3A_410] {strides = array<i32>} : memref<128x80xf32, #tpu.memory_space<vmem>>, vector<1x16xf32>,
          %get3A_412 = vector.shape_cast %get3A_411 : vector<1x16xf32> to vector<16xf32>
          %mul3A_413 = arith.mulf %get3A_412, %gather3A_408 : vector<16xf32>
          %swap3A_414 = arith.index_cast %scan3A_394 : i32 to index
          %swap3A_415 = arith.constant 0 : index
          %swap3A_416 = tpu.vector_load %arg16[%swap3A_414, %swap3A_415] {strides = array<i32>} : memref<128x80xf32, #tpu.memory_space<vmem>>, vector<1x16xf32>,
          %swap3A_417 = vector.shape_cast %swap3A_416 : vector<1x16xf32> to vector<16xf32>
          %swap3A_418 = vector.shape_cast %mul3A_413 : vector<16xf32> to vector<1x16xf32>
          tpu.vector_store %arg16[%swap3A_414, %swap3A_415], %swap3A_418 {strides = array<i32>} : memref<128x80xf32, #tpu.memory_space<vmem>>, vector<1x16xf32>,
          %get3A_419 = arith.index_cast %scan3A_394 : i32 to index
          %get3A_420 = arith.constant 16 : index
          %get3A_421 = tpu.vector_load %arg16[%get3A_419, %get3A_420] {strides = array<i32>} : memref<128x80xf32, #tpu.memory_space<vmem>>, vector<1x16xf32>,
          %get3A_422 = vector.shape_cast %get3A_421 : vector<1x16xf32> to vector<16xf32>
          %mul3A_423 = arith.mulf %get3A_422, %gather3A_408 : vector<16xf32>
          %swap3A_424 = arith.index_cast %scan3A_394 : i32 to index
          %swap3A_425 = arith.constant 16 : index
          %swap3A_426 = tpu.vector_load %arg16[%swap3A_424, %swap3A_425] {strides = array<i32>} : memref<128x80xf32, #tpu.memory_space<vmem>>, vector<1x16xf32>,
          %swap3A_427 = vector.shape_cast %swap3A_426 : vector<1x16xf32> to vector<16xf32>
          %swap3A_428 = vector.shape_cast %mul3A_423 : vector<16xf32> to vector<1x16xf32>
          tpu.vector_store %arg16[%swap3A_424, %swap3A_425], %swap3A_428 {strides = array<i32>} : memref<128x80xf32, #tpu.memory_space<vmem>>, vector<1x16xf32>,
          %get3A_429 = arith.index_cast %scan3A_394 : i32 to index
          %get3A_430 = arith.constant 32 : index
          %get3A_431 = tpu.vector_load %arg16[%get3A_429, %get3A_430] {strides = array<i32>} : memref<128x80xf32, #tpu.memory_space<vmem>>, vector<1x16xf32>,
          %get3A_432 = vector.shape_cast %get3A_431 : vector<1x16xf32> to vector<16xf32>
          %mul3A_433 = arith.mulf %get3A_432, %gather3A_408 : vector<16xf32>
          %swap3A_434 = arith.index_cast %scan3A_394 : i32 to index
          %swap3A_435 = arith.constant 32 : index
          %swap3A_436 = tpu.vector_load %arg16[%swap3A_434, %swap3A_435] {strides = array<i32>} : memref<128x80xf32, #tpu.memory_space<vmem>>, vector<1x16xf32>,
          %swap3A_437 = vector.shape_cast %swap3A_436 : vector<1x16xf32> to vector<16xf32>
          %swap3A_438 = vector.shape_cast %mul3A_433 : vector<16xf32> to vector<1x16xf32>
          tpu.vector_store %arg16[%swap3A_434, %swap3A_435], %swap3A_438 {strides = array<i32>} : memref<128x80xf32, #tpu.memory_space<vmem>>, vector<1x16xf32>,
          %get3A_439 = arith.index_cast %scan3A_394 : i32 to index
          %get3A_440 = arith.constant 48 : index
          %get3A_441 = tpu.vector_load %arg16[%get3A_439, %get3A_440] {strides = array<i32>} : memref<128x80xf32, #tpu.memory_space<vmem>>, vector<1x16xf32>,
          %get3A_442 = vector.shape_cast %get3A_441 : vector<1x16xf32> to vector<16xf32>
          %mul3A_443 = arith.mulf %get3A_442, %gather3A_408 : vector<16xf32>
          %swap3A_444 = arith.index_cast %scan3A_394 : i32 to index
          %swap3A_445 = arith.constant 48 : index
          %swap3A_446 = tpu.vector_load %arg16[%swap3A_444, %swap3A_445] {strides = array<i32>} : memref<128x80xf32, #tpu.memory_space<vmem>>, vector<1x16xf32>,
          %swap3A_447 = vector.shape_cast %swap3A_446 : vector<1x16xf32> to vector<16xf32>
          %swap3A_448 = vector.shape_cast %mul3A_443 : vector<16xf32> to vector<1x16xf32>
          tpu.vector_store %arg16[%swap3A_444, %swap3A_445], %swap3A_448 {strides = array<i32>} : memref<128x80xf32, #tpu.memory_space<vmem>>, vector<1x16xf32>,
          %get3A_449 = arith.index_cast %scan3A_394 : i32 to index
          %get3A_450 = arith.constant 64 : index
          %get3A_451 = tpu.vector_load %arg16[%get3A_449, %get3A_450] {strides = array<i32>} : memref<128x80xf32, #tpu.memory_space<vmem>>, vector<1x16xf32>,
          %get3A_452 = vector.shape_cast %get3A_451 : vector<1x16xf32> to vector<16xf32>
          %mul3A_453 = arith.mulf %get3A_452, %gather3A_408 : vector<16xf32>
          %swap3A_454 = arith.index_cast %scan3A_394 : i32 to index
          %swap3A_455 = arith.constant 64 : index
          %swap3A_456 = tpu.vector_load %arg16[%swap3A_454, %swap3A_455] {strides = array<i32>} : memref<128x80xf32, #tpu.memory_space<vmem>>, vector<1x16xf32>,
          %swap3A_457 = vector.shape_cast %swap3A_456 : vector<1x16xf32> to vector<16xf32>
          %swap3A_458 = vector.shape_cast %mul3A_453 : vector<16xf32> to vector<1x16xf32>
          tpu.vector_store %arg16[%swap3A_454, %swap3A_455], %swap3A_458 {strides = array<i32>} : memref<128x80xf32, #tpu.memory_space<vmem>>, vector<1x16xf32>,
          %scan3A_459 = arith.constant 0 : i32
          scf.yield %scan3A_459 : i32
        }
        %scan3A_173 = arith.constant 128 : i32
        %dma_wait3A_174 = arith.constant 0 : i32
        %dma_wait3A_175 = tpu.memref_slice %arg10[%mul3A_93, %dma_wait3A_174] : memref<42x128xi32, #tpu.memory_space<vmem>> -> memref<1x128xi32, #tpu.memory_space<vmem>>
        %dma_wait3A_176 = tpu.memref_squeeze %dma_wait3A_175 : memref<1x128xi32, #tpu.memory_space<vmem>> -> memref<128xi32, #tpu.memory_space<vmem>>
        %dma_wait3A_177 = arith.constant 0 : i32
        %dma_wait3A_178 = arith.constant 0 : i32
        %dma_wait3A_179 = tpu.memref_slice %arg18[%dma_wait3A_177, %dma_wait3A_178] : memref<10240x80xf32, #tpu.memory_space<vmem_shared>> -> memref<10240x80xf32, #tpu.memory_space<vmem_shared>>
        tpu.wait_indirect_dma semaphore(%arg23 : memref<!tpu.dma_semaphore, #tpu.memory_space<semaphore_mem>>) src(%arg15 : memref<128x80xf32, #tpu.memory_space<vmem>>) dst(%dma_wait3A_179 : memref<10240x80xf32, #tpu.memory_space<vmem_shared>>)
        %add3A_180 = arith.constant 2 : i32
        %add3A_181 = arith.addi %mul3A_93, %add3A_180 : i32
        %lt3A = arith.constant 42 : i32
        %lt3A_182 = arith.cmpi slt, %add3A_181, %lt3A : i32
        %convert_element_type3A_183 = arith.extui %lt3A_182 : i1 to i32
        %cond3A_184 = arith.constant 0 : i32
        %cond3A_185 = arith.cmpi ne, %convert_element_type3A_183, %cond3A_184 : i32
        scf.if %cond3A_185 {
          %add3A_195 = arith.constant 2 : i32
          %add3A_196 = arith.addi %mul3A_93, %add3A_195 : i32
          %dma_start3A_197 = arith.constant 0 : i32
          %dma_start3A_198 = arith.constant 0 : i32
          %dma_start3A_199 = tpu.memref_slice %arg8[%add3A, %add3A_196, %dma_start3A_197, %dma_start3A_198] : memref<32x42x128x16xf32, #tpu.memory_space<hbm>> -> memref<1x1x128x16xf32, #tpu.memory_space<hbm>>
          %dma_start3A_200 = tpu.memref_squeeze %dma_start3A_199 : memref<1x1x128x16xf32, #tpu.memory_space<hbm>> -> memref<128x16xf32, #tpu.memory_space<hbm>>
          %dma_start3A_201 = arith.constant 0 : i32
          %dma_start3A_202 = arith.constant 0 : i32
          %dma_start3A_203 = tpu.memref_slice %arg8[%add3A, %add3A_196, %dma_start3A_201, %dma_start3A_202] : memref<32x42x128x16xf32, #tpu.memory_space<hbm>> -> memref<1x1x128x16xf32, #tpu.memory_space<hbm>>
          %dma_start3A_204 = tpu.memref_squeeze %dma_start3A_203 : memref<1x1x128x16xf32, #tpu.memory_space<hbm>> -> memref<128x16xf32, #tpu.memory_space<hbm>>
          tpu.enqueue_dma source(%dma_start3A_204 : memref<128x16xf32, #tpu.memory_space<hbm>>) target(%arg13 : memref<128x16xf32, #tpu.memory_space<vmem>>) target_semaphore(%arg21 : memref<!tpu.dma_semaphore, #tpu.memory_space<semaphore_mem>>)
          %dma_start3A_205 = arith.constant 0 : i32
          %dma_start3A_206 = tpu.memref_slice %arg9[%add3A_196, %dma_start3A_205] : memref<42x128xi32, #tpu.memory_space<vmem>> -> memref<1x128xi32, #tpu.memory_space<vmem>>
          %dma_start3A_207 = tpu.memref_squeeze %dma_start3A_206 : memref<1x128xi32, #tpu.memory_space<vmem>> -> memref<128xi32, #tpu.memory_space<vmem>>
          %dma_start3A_208 = arith.constant 0 : i32
          %dma_start3A_209 = arith.constant 0 : i32
          %dma_start3A_210 = tpu.memref_slice %arg2[%scan3A_22, %dma_start3A_208, %dma_start3A_209] : memref<20x10240x80xf32, #tpu.memory_space<hbm>> -> memref<1x10240x80xf32, #tpu.memory_space<hbm>>
          %dma_start3A_211 = tpu.memref_squeeze %dma_start3A_210 : memref<1x10240x80xf32, #tpu.memory_space<hbm>> -> memref<10240x80xf32, #tpu.memory_space<hbm>>
          %dma_start3A_212 = arith.constant 0 : i32
          %dma_start3A_213 = arith.constant 0 : i32
          %dma_start3A_214 = tpu.memref_slice %dma_start3A_211[%dma_start3A_212, %dma_start3A_213] : memref<10240x80xf32, #tpu.memory_space<hbm>> -> memref<10240x80xf32, #tpu.memory_space<hbm>>
          tpu.enqueue_indirect_dma source(%dma_start3A_214 : memref<10240x80xf32, #tpu.memory_space<hbm>>) target(%arg15 : memref<128x80xf32, #tpu.memory_space<vmem>>) offsets(%dma_start3A_207 : memref<128xi32, #tpu.memory_space<vmem>>) semaphore(%arg19 : memref<!tpu.dma_semaphore, #tpu.memory_space<semaphore_mem>>)
        } else {
        }
        %add3A_186 = arith.constant 1 : i32
        %add3A_187 = arith.addi %mul3A_93, %add3A_186 : i32
        %dma_start3A_188 = arith.constant 0 : i32
        %dma_start3A_189 = tpu.memref_slice %arg10[%add3A_187, %dma_start3A_188] : memref<42x128xi32, #tpu.memory_space<vmem>> -> memref<1x128xi32, #tpu.memory_space<vmem>>
        %dma_start3A_190 = tpu.memref_squeeze %dma_start3A_189 : memref<1x128xi32, #tpu.memory_space<vmem>> -> memref<128xi32, #tpu.memory_space<vmem>>
        %dma_start3A_191 = arith.constant 0 : i32
        %dma_start3A_192 = arith.constant 0 : i32
        %dma_start3A_193 = tpu.memref_slice %arg18[%dma_start3A_191, %dma_start3A_192] : memref<10240x80xf32, #tpu.memory_space<vmem_shared>> -> memref<10240x80xf32, #tpu.memory_space<vmem_shared>>
        tpu.enqueue_indirect_dma source(%arg16 : memref<128x80xf32, #tpu.memory_space<vmem>>) target(%dma_start3A_193 : memref<10240x80xf32, #tpu.memory_space<vmem_shared>>) offsets(%dma_start3A_190 : memref<128xi32, #tpu.memory_space<vmem>>) semaphore(%arg24 : memref<!tpu.dma_semaphore, #tpu.memory_space<semaphore_mem>>) {add = true}
        %scan3A_194 = arith.constant 0 : i32
        scf.yield %scan3A_194 : i32
      }
      %scan3A_73 = arith.constant 21 : i32
      %dma_wait3A = arith.constant 41 : i32
      %dma_wait3A_74 = arith.constant 0 : i32
      %dma_wait3A_75 = tpu.memref_slice %arg10[%dma_wait3A, %dma_wait3A_74] : memref<42x128xi32, #tpu.memory_space<vmem>> -> memref<1x128xi32, #tpu.memory_space<vmem>>
      %dma_wait3A_76 = tpu.memref_squeeze %dma_wait3A_75 : memref<1x128xi32, #tpu.memory_space<vmem>> -> memref<128xi32, #tpu.memory_space<vmem>>
      %dma_wait3A_77 = arith.constant 0 : i32
      %dma_wait3A_78 = arith.constant 0 : i32
      %dma_wait3A_79 = tpu.memref_slice %arg18[%dma_wait3A_77, %dma_wait3A_78] : memref<10240x80xf32, #tpu.memory_space<vmem_shared>> -> memref<10240x80xf32, #tpu.memory_space<vmem_shared>>
      tpu.wait_indirect_dma semaphore(%arg24 : memref<!tpu.dma_semaphore, #tpu.memory_space<semaphore_mem>>) src(%arg16 : memref<128x80xf32, #tpu.memory_space<vmem>>) dst(%dma_wait3A_79 : memref<10240x80xf32, #tpu.memory_space<vmem_shared>>)
      %barrier3A_80 = arith.constant 0 : index
      tpu.barrier barrier_id(%barrier3A_80)
      %scan3A_81 = arith.constant 0 : i32
      %scan3A_82 = arith.constant 0 : i32
      %scan3A_83 = arith.constant 5 : i32
      %scan3A_84 = arith.addi %scan3A_82, %scan3A_83 : i32
      %scan3A_85 = arith.constant 1 : i32
      %scan3A_86 = scf.for %scan3A_90 = %scan3A_82 to %scan3A_84 step %scan3A_85 iter_args(%scan3A_91 = %scan3A_81) -> (i32)  : i32 {
        %mul3A_92 = arith.constant 640 : i32
        %mul3A_93 = arith.muli %arg1, %mul3A_92 : i32
        %mul3A_94 = arith.constant 128 : i32
        %mul3A_95 = arith.muli %scan3A_90, %mul3A_94 : i32
        %add3A_96 = arith.addi %mul3A_93, %mul3A_95 : i32
        "tpu.region"() ({
          %run_scoped3A = tpu.sem_alloc : memref<!tpu.dma_semaphore, #tpu.memory_space<semaphore_mem>>
          %dma_start3A_98 = arith.constant 0 : i32
          %dma_start3A_99 = tpu.memref_slice %arg18[%add3A_96, %dma_start3A_98] : memref<10240x80xf32, #tpu.memory_space<vmem_shared>> -> memref<128x80xf32, #tpu.memory_space<vmem_shared>>
          %dma_start3A_100 = arith.constant 0 : i32
          %dma_start3A_101 = tpu.memref_slice %arg18[%add3A_96, %dma_start3A_100] : memref<10240x80xf32, #tpu.memory_space<vmem_shared>> -> memref<128x80xf32, #tpu.memory_space<vmem_shared>>
          tpu.enqueue_dma source(%dma_start3A_101 : memref<128x80xf32, #tpu.memory_space<vmem_shared>>) target(%arg15 : memref<128x80xf32, #tpu.memory_space<vmem>>) target_semaphore(%run_scoped3A : memref<!tpu.dma_semaphore, #tpu.memory_space<semaphore_mem>>)
          %dma_wait3A_102 = arith.constant 0 : i32
          %dma_wait3A_103 = tpu.memref_slice %arg18[%add3A_96, %dma_wait3A_102] : memref<10240x80xf32, #tpu.memory_space<vmem_shared>> -> memref<128x80xf32, #tpu.memory_space<vmem_shared>>
          %dma_wait3A_104 = arith.constant 0 : i32
          %dma_wait3A_105 = tpu.memref_slice %arg18[%add3A_96, %dma_wait3A_104] : memref<10240x80xf32, #tpu.memory_space<vmem_shared>> -> memref<128x80xf32, #tpu.memory_space<vmem_shared>>
          tpu.wait_dma2 semaphore(%run_scoped3A : memref<!tpu.dma_semaphore, #tpu.memory_space<semaphore_mem>>) src(%dma_wait3A_105 : memref<128x80xf32, #tpu.memory_space<vmem_shared>>) dst(%arg15 : memref<128x80xf32, #tpu.memory_space<vmem>>)
          tpu.yield
        }) : () -> ()
        "tpu.region"() ({
          %run_scoped3A = tpu.sem_alloc : memref<!tpu.dma_semaphore, #tpu.memory_space<semaphore_mem>>
          %dma_start3A_98 = arith.constant 0 : i32
          %dma_start3A_99 = arith.constant 0 : i32
          %dma_start3A_100 = tpu.memref_slice %arg7[%arg0, %scan3A_22, %dma_start3A_98, %dma_start3A_99] : memref<2x20x10240x80xf32, #tpu.memory_space<hbm>> -> memref<1x1x10240x80xf32, #tpu.memory_space<hbm>>
          %dma_start3A_101 = tpu.memref_squeeze %dma_start3A_100 : memref<1x1x10240x80xf32, #tpu.memory_space<hbm>> -> memref<10240x80xf32, #tpu.memory_space<hbm>>
          %dma_start3A_102 = arith.constant 0 : i32
          %dma_start3A_103 = tpu.memref_slice %dma_start3A_101[%add3A_96, %dma_start3A_102] : memref<10240x80xf32, #tpu.memory_space<hbm>> -> memref<128x80xf32, #tpu.memory_space<hbm>>
          %dma_start3A_104 = arith.constant 0 : i32
          %dma_start3A_105 = arith.constant 0 : i32
          %dma_start3A_106 = tpu.memref_slice %arg7[%arg0, %scan3A_22, %dma_start3A_104, %dma_start3A_105] : memref<2x20x10240x80xf32, #tpu.memory_space<hbm>> -> memref<1x1x10240x80xf32, #tpu.memory_space<hbm>>
          %dma_start3A_107 = tpu.memref_squeeze %dma_start3A_106 : memref<1x1x10240x80xf32, #tpu.memory_space<hbm>> -> memref<10240x80xf32, #tpu.memory_space<hbm>>
          %dma_start3A_108 = arith.constant 0 : i32
          %dma_start3A_109 = tpu.memref_slice %dma_start3A_107[%add3A_96, %dma_start3A_108] : memref<10240x80xf32, #tpu.memory_space<hbm>> -> memref<128x80xf32, #tpu.memory_space<hbm>>
          tpu.enqueue_dma source(%arg15 : memref<128x80xf32, #tpu.memory_space<vmem>>) target(%dma_start3A_109 : memref<128x80xf32, #tpu.memory_space<hbm>>) target_semaphore(%run_scoped3A : memref<!tpu.dma_semaphore, #tpu.memory_space<semaphore_mem>>)
          %dma_wait3A_110 = arith.constant 0 : i32
          %dma_wait3A_111 = arith.constant 0 : i32
          %dma_wait3A_112 = tpu.memref_slice %arg7[%arg0, %scan3A_22, %dma_wait3A_110, %dma_wait3A_111] : memref<2x20x10240x80xf32, #tpu.memory_space<hbm>> -> memref<1x1x10240x80xf32, #tpu.memory_space<hbm>>
          %dma_wait3A_113 = tpu.memref_squeeze %dma_wait3A_112 : memref<1x1x10240x80xf32, #tpu.memory_space<hbm>> -> memref<10240x80xf32, #tpu.memory_space<hbm>>
          %dma_wait3A_114 = arith.constant 0 : i32
          %dma_wait3A_115 = tpu.memref_slice %dma_wait3A_113[%add3A_96, %dma_wait3A_114] : memref<10240x80xf32, #tpu.memory_space<hbm>> -> memref<128x80xf32, #tpu.memory_space<hbm>>
          %dma_wait3A_116 = arith.constant 0 : i32
          %dma_wait3A_117 = arith.constant 0 : i32
          %dma_wait3A_118 = tpu.memref_slice %arg7[%arg0, %scan3A_22, %dma_wait3A_116, %dma_wait3A_117] : memref<2x20x10240x80xf32, #tpu.memory_space<hbm>> -> memref<1x1x10240x80xf32, #tpu.memory_space<hbm>>
          %dma_wait3A_119 = tpu.memref_squeeze %dma_wait3A_118 : memref<1x1x10240x80xf32, #tpu.memory_space<hbm>> -> memref<10240x80xf32, #tpu.memory_space<hbm>>
          %dma_wait3A_120 = arith.constant 0 : i32
          %dma_wait3A_121 = tpu.memref_slice %dma_wait3A_119[%add3A_96, %dma_wait3A_120] : memref<10240x80xf32, #tpu.memory_space<hbm>> -> memref<128x80xf32, #tpu.memory_space<hbm>>
          tpu.wait_dma2 semaphore(%run_scoped3A : memref<!tpu.dma_semaphore, #tpu.memory_space<semaphore_mem>>) src(%arg15 : memref<128x80xf32, #tpu.memory_space<vmem>>) dst(%dma_wait3A_121 : memref<128x80xf32, #tpu.memory_space<hbm>>)
          tpu.yield
        }) : () -> ()
        %scan3A_97 = arith.constant 0 : i32
        scf.yield %scan3A_97 : i32
      }
      %scan3A_87 = arith.constant 5 : i32
      %barrier3A_88 = arith.constant 0 : index
      tpu.barrier barrier_id(%barrier3A_88)
      %scan3A_89 = arith.constant 0 : i32
      scf.yield %scan3A_89 : i32
    }
    %scan3A_21 = arith.constant 20 : i32
    return
  }
}

#map = affine_map<(d0, d1) -> (0, 0, 0)>
#map1 = affine_map<(d0, d1) -> (0, 0)>
#map2 = affine_map<(d0, d1) -> (0, 0, 0, 0)>
module attributes {stable_mosaic.version = 14 : i64} {
  func.func @edge_kernel(%arg0: i32, %arg1: i32, %arg2: memref<2x10240x80xf32, #tpu.memory_space<hbm>>, %arg3: memref<10240x16xf32, #tpu.memory_space<hbm>>, %arg4: memref<10240x16xf32, #tpu.memory_space<hbm>>, %arg5: memref<32x42x128xi32, #tpu.memory_space<hbm>>, %arg6: memref<32x42x128xi32, #tpu.memory_space<hbm>>, %arg7: memref<2x2x10240x80xf32, #tpu.memory_space<hbm>>, %arg8: memref<32x42x128x16xf32, #tpu.memory_space<hbm>>, %arg9: memref<42x128xi32, #tpu.memory_space<vmem>>, %arg10: memref<42x128xi32, #tpu.memory_space<vmem>>, %arg11: memref<128x16xf32, #tpu.memory_space<vmem>>, %arg12: memref<128x16xf32, #tpu.memory_space<vmem>>, %arg13: memref<128x16xf32, #tpu.memory_space<vmem>>, %arg14: memref<128x16xf32, #tpu.memory_space<vmem>>, %arg15: memref<128x80xf32, #tpu.memory_space<vmem>>, %arg16: memref<128x80xf32, #tpu.memory_space<vmem>>, %arg17: memref<128x80xf32, #tpu.memory_space<vmem>>, %arg18: memref<10240x80xf32, #tpu.memory_space<vmem_shared>>, %arg19: memref<!tpu.dma_semaphore, #tpu.memory_space<semaphore_mem>>, %arg20: memref<!tpu.dma_semaphore, #tpu.memory_space<semaphore_mem>>, %arg21: memref<!tpu.dma_semaphore, #tpu.memory_space<semaphore_mem>>, %arg22: memref<!tpu.dma_semaphore, #tpu.memory_space<semaphore_mem>>, %arg23: memref<!tpu.dma_semaphore, #tpu.memory_space<semaphore_mem>>, %arg24: memref<!tpu.dma_semaphore, #tpu.memory_space<semaphore_mem>>) attributes {dimension_semantics = [#tpu.dimension_semantics<core_parallel>, #tpu.dimension_semantics<subcore_parallel>], iteration_bounds = array<i64: 2, 16>, scalar_prefetch = 0 : i64, scratch_operands = 16 : i64, tpu.core_type = #tpu.core_type<sc_vector_subcore>, window_params = [{transform_indices = #map}, {transform_indices = #map1}, {transform_indices = #map1}, {transform_indices = #map}, {transform_indices = #map}, {transform_indices = #map2}, {transform_indices = #map2}]} {
    %mul3A = arith.constant 16 : i32
    %mul3A_0 = arith.muli %arg0, %mul3A : i32
    %add3A = arith.addi %mul3A_0, %arg1 : i32
    %broadcast_in_dim3A = arith.constant 0.000000e+00 : f32
    %broadcast_in_dim3A_1 = vector.broadcast %broadcast_in_dim3A : f32 to vector<16xf32>
    %scan3A = arith.constant 0 : i32
    %scan3A_2 = arith.constant 0 : i32
    %scan3A_3 = arith.constant 128 : i32
    %scan3A_4 = arith.addi %scan3A_2, %scan3A_3 : i32
    %scan3A_5 = arith.constant 1 : i32
    %scan3A_6 = scf.for %scan3A_22 = %scan3A_2 to %scan3A_4 step %scan3A_5 iter_args(%scan3A_23 = %scan3A) -> (i32)  : i32 {
      %swap3A = arith.index_cast %scan3A_22 : i32 to index
      %swap3A_24 = arith.constant 0 : index
      %swap3A_25 = tpu.vector_load %arg17[%swap3A, %swap3A_24] {strides = array<i32>} : memref<128x80xf32, #tpu.memory_space<vmem>>, vector<1x16xf32>,
      %swap3A_26 = vector.shape_cast %swap3A_25 : vector<1x16xf32> to vector<16xf32>
      %swap3A_27 = vector.shape_cast %broadcast_in_dim3A_1 : vector<16xf32> to vector<1x16xf32>
      tpu.vector_store %arg17[%swap3A, %swap3A_24], %swap3A_27 {strides = array<i32>} : memref<128x80xf32, #tpu.memory_space<vmem>>, vector<1x16xf32>,
      %swap3A_28 = arith.index_cast %scan3A_22 : i32 to index
      %swap3A_29 = arith.constant 16 : index
      %swap3A_30 = tpu.vector_load %arg17[%swap3A_28, %swap3A_29] {strides = array<i32>} : memref<128x80xf32, #tpu.memory_space<vmem>>, vector<1x16xf32>,
      %swap3A_31 = vector.shape_cast %swap3A_30 : vector<1x16xf32> to vector<16xf32>
      %swap3A_32 = vector.shape_cast %broadcast_in_dim3A_1 : vector<16xf32> to vector<1x16xf32>
      tpu.vector_store %arg17[%swap3A_28, %swap3A_29], %swap3A_32 {strides = array<i32>} : memref<128x80xf32, #tpu.memory_space<vmem>>, vector<1x16xf32>,
      %swap3A_33 = arith.index_cast %scan3A_22 : i32 to index
      %swap3A_34 = arith.constant 32 : index
      %swap3A_35 = tpu.vector_load %arg17[%swap3A_33, %swap3A_34] {strides = array<i32>} : memref<128x80xf32, #tpu.memory_space<vmem>>, vector<1x16xf32>,
      %swap3A_36 = vector.shape_cast %swap3A_35 : vector<1x16xf32> to vector<16xf32>
      %swap3A_37 = vector.shape_cast %broadcast_in_dim3A_1 : vector<16xf32> to vector<1x16xf32>
      tpu.vector_store %arg17[%swap3A_33, %swap3A_34], %swap3A_37 {strides = array<i32>} : memref<128x80xf32, #tpu.memory_space<vmem>>, vector<1x16xf32>,
      %swap3A_38 = arith.index_cast %scan3A_22 : i32 to index
      %swap3A_39 = arith.constant 48 : index
      %swap3A_40 = tpu.vector_load %arg17[%swap3A_38, %swap3A_39] {strides = array<i32>} : memref<128x80xf32, #tpu.memory_space<vmem>>, vector<1x16xf32>,
      %swap3A_41 = vector.shape_cast %swap3A_40 : vector<1x16xf32> to vector<16xf32>
      %swap3A_42 = vector.shape_cast %broadcast_in_dim3A_1 : vector<16xf32> to vector<1x16xf32>
      tpu.vector_store %arg17[%swap3A_38, %swap3A_39], %swap3A_42 {strides = array<i32>} : memref<128x80xf32, #tpu.memory_space<vmem>>, vector<1x16xf32>,
      %swap3A_43 = arith.index_cast %scan3A_22 : i32 to index
      %swap3A_44 = arith.constant 64 : index
      %swap3A_45 = tpu.vector_load %arg17[%swap3A_43, %swap3A_44] {strides = array<i32>} : memref<128x80xf32, #tpu.memory_space<vmem>>, vector<1x16xf32>,
      %swap3A_46 = vector.shape_cast %swap3A_45 : vector<1x16xf32> to vector<16xf32>
      %swap3A_47 = vector.shape_cast %broadcast_in_dim3A_1 : vector<16xf32> to vector<1x16xf32>
      tpu.vector_store %arg17[%swap3A_43, %swap3A_44], %swap3A_47 {strides = array<i32>} : memref<128x80xf32, #tpu.memory_space<vmem>>, vector<1x16xf32>,
      %scan3A_48 = arith.constant 0 : i32
      scf.yield %scan3A_48 : i32
    }
    %scan3A_7 = arith.constant 128 : i32
    "tpu.region"() ({
      %run_scoped3A = tpu.sem_alloc : memref<!tpu.dma_semaphore, #tpu.memory_space<semaphore_mem>>
      %dma_start3A = arith.constant 0 : i32
      %dma_start3A_22 = arith.constant 0 : i32
      %dma_start3A_23 = tpu.memref_slice %arg5[%add3A, %dma_start3A, %dma_start3A_22] : memref<32x42x128xi32, #tpu.memory_space<hbm>> -> memref<1x42x128xi32, #tpu.memory_space<hbm>>
      %dma_start3A_24 = tpu.memref_squeeze %dma_start3A_23 : memref<1x42x128xi32, #tpu.memory_space<hbm>> -> memref<42x128xi32, #tpu.memory_space<hbm>>
      %dma_start3A_25 = arith.constant 0 : i32
      %dma_start3A_26 = arith.constant 0 : i32
      %dma_start3A_27 = tpu.memref_slice %arg5[%add3A, %dma_start3A_25, %dma_start3A_26] : memref<32x42x128xi32, #tpu.memory_space<hbm>> -> memref<1x42x128xi32, #tpu.memory_space<hbm>>
      %dma_start3A_28 = tpu.memref_squeeze %dma_start3A_27 : memref<1x42x128xi32, #tpu.memory_space<hbm>> -> memref<42x128xi32, #tpu.memory_space<hbm>>
      tpu.enqueue_dma source(%dma_start3A_28 : memref<42x128xi32, #tpu.memory_space<hbm>>) target(%arg9 : memref<42x128xi32, #tpu.memory_space<vmem>>) target_semaphore(%run_scoped3A : memref<!tpu.dma_semaphore, #tpu.memory_space<semaphore_mem>>)
      %dma_wait3A = arith.constant 0 : i32
      %dma_wait3A_29 = arith.constant 0 : i32
      %dma_wait3A_30 = tpu.memref_slice %arg5[%add3A, %dma_wait3A, %dma_wait3A_29] : memref<32x42x128xi32, #tpu.memory_space<hbm>> -> memref<1x42x128xi32, #tpu.memory_space<hbm>>
      %dma_wait3A_31 = tpu.memref_squeeze %dma_wait3A_30 : memref<1x42x128xi32, #tpu.memory_space<hbm>> -> memref<42x128xi32, #tpu.memory_space<hbm>>
      %dma_wait3A_32 = arith.constant 0 : i32
      %dma_wait3A_33 = arith.constant 0 : i32
      %dma_wait3A_34 = tpu.memref_slice %arg5[%add3A, %dma_wait3A_32, %dma_wait3A_33] : memref<32x42x128xi32, #tpu.memory_space<hbm>> -> memref<1x42x128xi32, #tpu.memory_space<hbm>>
      %dma_wait3A_35 = tpu.memref_squeeze %dma_wait3A_34 : memref<1x42x128xi32, #tpu.memory_space<hbm>> -> memref<42x128xi32, #tpu.memory_space<hbm>>
      tpu.wait_dma2 semaphore(%run_scoped3A : memref<!tpu.dma_semaphore, #tpu.memory_space<semaphore_mem>>) src(%dma_wait3A_35 : memref<42x128xi32, #tpu.memory_space<hbm>>) dst(%arg9 : memref<42x128xi32, #tpu.memory_space<vmem>>)
      tpu.yield
    }) : () -> ()
    "tpu.region"() ({
      %run_scoped3A = tpu.sem_alloc : memref<!tpu.dma_semaphore, #tpu.memory_space<semaphore_mem>>
      %dma_start3A = arith.constant 0 : i32
      %dma_start3A_22 = arith.constant 0 : i32
      %dma_start3A_23 = tpu.memref_slice %arg6[%add3A, %dma_start3A, %dma_start3A_22] : memref<32x42x128xi32, #tpu.memory_space<hbm>> -> memref<1x42x128xi32, #tpu.memory_space<hbm>>
      %dma_start3A_24 = tpu.memref_squeeze %dma_start3A_23 : memref<1x42x128xi32, #tpu.memory_space<hbm>> -> memref<42x128xi32, #tpu.memory_space<hbm>>
      %dma_start3A_25 = arith.constant 0 : i32
      %dma_start3A_26 = arith.constant 0 : i32
      %dma_start3A_27 = tpu.memref_slice %arg6[%add3A, %dma_start3A_25, %dma_start3A_26] : memref<32x42x128xi32, #tpu.memory_space<hbm>> -> memref<1x42x128xi32, #tpu.memory_space<hbm>>
      %dma_start3A_28 = tpu.memref_squeeze %dma_start3A_27 : memref<1x42x128xi32, #tpu.memory_space<hbm>> -> memref<42x128xi32, #tpu.memory_space<hbm>>
      tpu.enqueue_dma source(%dma_start3A_28 : memref<42x128xi32, #tpu.memory_space<hbm>>) target(%arg10 : memref<42x128xi32, #tpu.memory_space<vmem>>) target_semaphore(%run_scoped3A : memref<!tpu.dma_semaphore, #tpu.memory_space<semaphore_mem>>)
      %dma_wait3A = arith.constant 0 : i32
      %dma_wait3A_29 = arith.constant 0 : i32
      %dma_wait3A_30 = tpu.memref_slice %arg6[%add3A, %dma_wait3A, %dma_wait3A_29] : memref<32x42x128xi32, #tpu.memory_space<hbm>> -> memref<1x42x128xi32, #tpu.memory_space<hbm>>
      %dma_wait3A_31 = tpu.memref_squeeze %dma_wait3A_30 : memref<1x42x128xi32, #tpu.memory_space<hbm>> -> memref<42x128xi32, #tpu.memory_space<hbm>>
      %dma_wait3A_32 = arith.constant 0 : i32
      %dma_wait3A_33 = arith.constant 0 : i32
      %dma_wait3A_34 = tpu.memref_slice %arg6[%add3A, %dma_wait3A_32, %dma_wait3A_33] : memref<32x42x128xi32, #tpu.memory_space<hbm>> -> memref<1x42x128xi32, #tpu.memory_space<hbm>>
      %dma_wait3A_35 = tpu.memref_squeeze %dma_wait3A_34 : memref<1x42x128xi32, #tpu.memory_space<hbm>> -> memref<42x128xi32, #tpu.memory_space<hbm>>
      tpu.wait_dma2 semaphore(%run_scoped3A : memref<!tpu.dma_semaphore, #tpu.memory_space<semaphore_mem>>) src(%dma_wait3A_35 : memref<42x128xi32, #tpu.memory_space<hbm>>) dst(%arg10 : memref<42x128xi32, #tpu.memory_space<vmem>>)
      tpu.yield
    }) : () -> ()
    %scan3A_8 = arith.constant 0 : i32
    %scan3A_9 = arith.constant 0 : i32
    %scan3A_10 = arith.constant 42 : i32
    %scan3A_11 = arith.addi %scan3A_9, %scan3A_10 : i32
    %scan3A_12 = arith.constant 1 : i32
    %scan3A_13 = scf.for %scan3A_22 = %scan3A_9 to %scan3A_11 step %scan3A_12 iter_args(%scan3A_23 = %scan3A_8) -> (i32)  : i32 {
      %dma_start3A = arith.constant 0 : i32
      %dma_start3A_24 = tpu.memref_slice %arg9[%scan3A_22, %dma_start3A] : memref<42x128xi32, #tpu.memory_space<vmem>> -> memref<1x128xi32, #tpu.memory_space<vmem>>
      %dma_start3A_25 = tpu.memref_squeeze %dma_start3A_24 : memref<1x128xi32, #tpu.memory_space<vmem>> -> memref<128xi32, #tpu.memory_space<vmem>>
      %dma_start3A_26 = arith.constant 0 : i32
      %dma_start3A_27 = arith.constant 0 : i32
      %dma_start3A_28 = tpu.memref_slice %arg3[%dma_start3A_26, %dma_start3A_27] : memref<10240x16xf32, #tpu.memory_space<hbm>> -> memref<10240x16xf32, #tpu.memory_space<hbm>>
      tpu.enqueue_indirect_dma source(%dma_start3A_28 : memref<10240x16xf32, #tpu.memory_space<hbm>>) target(%arg11 : memref<128x16xf32, #tpu.memory_space<vmem>>) offsets(%dma_start3A_25 : memref<128xi32, #tpu.memory_space<vmem>>) semaphore(%arg19 : memref<!tpu.dma_semaphore, #tpu.memory_space<semaphore_mem>>)
      %dma_start3A_29 = arith.constant 0 : i32
      %dma_start3A_30 = tpu.memref_slice %arg10[%scan3A_22, %dma_start3A_29] : memref<42x128xi32, #tpu.memory_space<vmem>> -> memref<1x128xi32, #tpu.memory_space<vmem>>
      %dma_start3A_31 = tpu.memref_squeeze %dma_start3A_30 : memref<1x128xi32, #tpu.memory_space<vmem>> -> memref<128xi32, #tpu.memory_space<vmem>>
      %dma_start3A_32 = arith.constant 0 : i32
      %dma_start3A_33 = arith.constant 0 : i32
      %dma_start3A_34 = tpu.memref_slice %arg4[%dma_start3A_32, %dma_start3A_33] : memref<10240x16xf32, #tpu.memory_space<hbm>> -> memref<10240x16xf32, #tpu.memory_space<hbm>>
      tpu.enqueue_indirect_dma source(%dma_start3A_34 : memref<10240x16xf32, #tpu.memory_space<hbm>>) target(%arg12 : memref<128x16xf32, #tpu.memory_space<vmem>>) offsets(%dma_start3A_31 : memref<128xi32, #tpu.memory_space<vmem>>) semaphore(%arg20 : memref<!tpu.dma_semaphore, #tpu.memory_space<semaphore_mem>>)
      %dma_wait3A = arith.constant 0 : i32
      %dma_wait3A_35 = tpu.memref_slice %arg9[%scan3A_22, %dma_wait3A] : memref<42x128xi32, #tpu.memory_space<vmem>> -> memref<1x128xi32, #tpu.memory_space<vmem>>
      %dma_wait3A_36 = tpu.memref_squeeze %dma_wait3A_35 : memref<1x128xi32, #tpu.memory_space<vmem>> -> memref<128xi32, #tpu.memory_space<vmem>>
      %dma_wait3A_37 = arith.constant 0 : i32
      %dma_wait3A_38 = arith.constant 0 : i32
      %dma_wait3A_39 = tpu.memref_slice %arg3[%dma_wait3A_37, %dma_wait3A_38] : memref<10240x16xf32, #tpu.memory_space<hbm>> -> memref<10240x16xf32, #tpu.memory_space<hbm>>
      tpu.wait_indirect_dma semaphore(%arg19 : memref<!tpu.dma_semaphore, #tpu.memory_space<semaphore_mem>>) src(%dma_wait3A_39 : memref<10240x16xf32, #tpu.memory_space<hbm>>) dst(%arg11 : memref<128x16xf32, #tpu.memory_space<vmem>>)
      %dma_wait3A_40 = arith.constant 0 : i32
      %dma_wait3A_41 = tpu.memref_slice %arg10[%scan3A_22, %dma_wait3A_40] : memref<42x128xi32, #tpu.memory_space<vmem>> -> memref<1x128xi32, #tpu.memory_space<vmem>>
      %dma_wait3A_42 = tpu.memref_squeeze %dma_wait3A_41 : memref<1x128xi32, #tpu.memory_space<vmem>> -> memref<128xi32, #tpu.memory_space<vmem>>
      %dma_wait3A_43 = arith.constant 0 : i32
      %dma_wait3A_44 = arith.constant 0 : i32
      %dma_wait3A_45 = tpu.memref_slice %arg4[%dma_wait3A_43, %dma_wait3A_44] : memref<10240x16xf32, #tpu.memory_space<hbm>> -> memref<10240x16xf32, #tpu.memory_space<hbm>>
      tpu.wait_indirect_dma semaphore(%arg20 : memref<!tpu.dma_semaphore, #tpu.memory_space<semaphore_mem>>) src(%dma_wait3A_45 : memref<10240x16xf32, #tpu.memory_space<hbm>>) dst(%arg12 : memref<128x16xf32, #tpu.memory_space<vmem>>)
      %scan3A_46 = arith.constant 0 : i32
      %scan3A_47 = arith.constant 0 : i32
      %scan3A_48 = arith.constant 128 : i32
      %scan3A_49 = arith.addi %scan3A_47, %scan3A_48 : i32
      %scan3A_50 = arith.constant 4 : i32
      %scan3A_51 = scf.for %scan3A_54 = %scan3A_47 to %scan3A_49 step %scan3A_50 iter_args(%scan3A_55 = %scan3A_46) -> (i32)  : i32 {
        %get3A = arith.index_cast %scan3A_54 : i32 to index
        %get3A_56 = arith.constant 0 : index
        %get3A_57 = tpu.vector_load %arg11[%get3A, %get3A_56] {strides = array<i32>} : memref<128x16xf32, #tpu.memory_space<vmem>>, vector<1x16xf32>,
        %get3A_58 = vector.shape_cast %get3A_57 : vector<1x16xf32> to vector<16xf32>
        %get3A_59 = arith.index_cast %scan3A_54 : i32 to index
        %get3A_60 = arith.constant 0 : index
        %get3A_61 = tpu.vector_load %arg12[%get3A_59, %get3A_60] {strides = array<i32>} : memref<128x16xf32, #tpu.memory_space<vmem>>, vector<1x16xf32>,
        %get3A_62 = vector.shape_cast %get3A_61 : vector<1x16xf32> to vector<16xf32>
        %add3A_63 = arith.addf %get3A_58, %get3A_62 : vector<16xf32>
        %ge3A = arith.constant 0.000000e+00 : f32
        %ge3A_64 = vector.broadcast %ge3A : f32 to vector<16xf32>
        %ge3A_65 = arith.cmpf oge, %add3A_63, %ge3A_64 : vector<16xf32>
        %mul3A_66 = arith.constant 2.000000e-01 : f32
        %mul3A_67 = vector.broadcast %mul3A_66 : f32 to vector<16xf32>
        %mul3A_68 = arith.mulf %add3A_63, %mul3A_67 : vector<16xf32>
        %select_n3A = arith.select %ge3A_65, %add3A_63, %mul3A_68 : vector<16xi1>, vector<16xf32>
        %exp3A = math.exp %select_n3A : vector<16xf32>
        %swap3A = arith.index_cast %scan3A_54 : i32 to index
        %swap3A_69 = arith.constant 0 : index
        %swap3A_70 = tpu.vector_load %arg13[%swap3A, %swap3A_69] {strides = array<i32>} : memref<128x16xf32, #tpu.memory_space<vmem>>, vector<1x16xf32>,
        %swap3A_71 = vector.shape_cast %swap3A_70 : vector<1x16xf32> to vector<16xf32>
        %swap3A_72 = vector.shape_cast %exp3A : vector<16xf32> to vector<1x16xf32>
        tpu.vector_store %arg13[%swap3A, %swap3A_69], %swap3A_72 {strides = array<i32>} : memref<128x16xf32, #tpu.memory_space<vmem>>, vector<1x16xf32>,
        %scan3A_73 = arith.constant 0 : i32
        %scan3A_74 = arith.constant 1 : i32
        %scan3A_75 = arith.addi %scan3A_54, %scan3A_74 : i32
        %get3A_76 = arith.index_cast %scan3A_75 : i32 to index
        %get3A_77 = arith.constant 0 : index
        %get3A_78 = tpu.vector_load %arg11[%get3A_76, %get3A_77] {strides = array<i32>} : memref<128x16xf32, #tpu.memory_space<vmem>>, vector<1x16xf32>,
        %get3A_79 = vector.shape_cast %get3A_78 : vector<1x16xf32> to vector<16xf32>
        %get3A_80 = arith.index_cast %scan3A_75 : i32 to index
        %get3A_81 = arith.constant 0 : index
        %get3A_82 = tpu.vector_load %arg12[%get3A_80, %get3A_81] {strides = array<i32>} : memref<128x16xf32, #tpu.memory_space<vmem>>, vector<1x16xf32>,
        %get3A_83 = vector.shape_cast %get3A_82 : vector<1x16xf32> to vector<16xf32>
        %add3A_84 = arith.addf %get3A_79, %get3A_83 : vector<16xf32>
        %ge3A_85 = arith.constant 0.000000e+00 : f32
        %ge3A_86 = vector.broadcast %ge3A_85 : f32 to vector<16xf32>
        %ge3A_87 = arith.cmpf oge, %add3A_84, %ge3A_86 : vector<16xf32>
        %mul3A_88 = arith.constant 2.000000e-01 : f32
        %mul3A_89 = vector.broadcast %mul3A_88 : f32 to vector<16xf32>
        %mul3A_90 = arith.mulf %add3A_84, %mul3A_89 : vector<16xf32>
        %select_n3A_91 = arith.select %ge3A_87, %add3A_84, %mul3A_90 : vector<16xi1>, vector<16xf32>
        %exp3A_92 = math.exp %select_n3A_91 : vector<16xf32>
        %swap3A_93 = arith.index_cast %scan3A_75 : i32 to index
        %swap3A_94 = arith.constant 0 : index
        %swap3A_95 = tpu.vector_load %arg13[%swap3A_93, %swap3A_94] {strides = array<i32>} : memref<128x16xf32, #tpu.memory_space<vmem>>, vector<1x16xf32>,
        %swap3A_96 = vector.shape_cast %swap3A_95 : vector<1x16xf32> to vector<16xf32>
        %swap3A_97 = vector.shape_cast %exp3A_92 : vector<16xf32> to vector<1x16xf32>
        tpu.vector_store %arg13[%swap3A_93, %swap3A_94], %swap3A_97 {strides = array<i32>} : memref<128x16xf32, #tpu.memory_space<vmem>>, vector<1x16xf32>,
        %scan3A_98 = arith.constant 0 : i32
        %scan3A_99 = arith.constant 2 : i32
        %scan3A_100 = arith.addi %scan3A_54, %scan3A_99 : i32
        %get3A_101 = arith.index_cast %scan3A_100 : i32 to index
        %get3A_102 = arith.constant 0 : index
        %get3A_103 = tpu.vector_load %arg11[%get3A_101, %get3A_102] {strides = array<i32>} : memref<128x16xf32, #tpu.memory_space<vmem>>, vector<1x16xf32>,
        %get3A_104 = vector.shape_cast %get3A_103 : vector<1x16xf32> to vector<16xf32>
        %get3A_105 = arith.index_cast %scan3A_100 : i32 to index
        %get3A_106 = arith.constant 0 : index
        %get3A_107 = tpu.vector_load %arg12[%get3A_105, %get3A_106] {strides = array<i32>} : memref<128x16xf32, #tpu.memory_space<vmem>>, vector<1x16xf32>,
        %get3A_108 = vector.shape_cast %get3A_107 : vector<1x16xf32> to vector<16xf32>
        %add3A_109 = arith.addf %get3A_104, %get3A_108 : vector<16xf32>
        %ge3A_110 = arith.constant 0.000000e+00 : f32
        %ge3A_111 = vector.broadcast %ge3A_110 : f32 to vector<16xf32>
        %ge3A_112 = arith.cmpf oge, %add3A_109, %ge3A_111 : vector<16xf32>
        %mul3A_113 = arith.constant 2.000000e-01 : f32
        %mul3A_114 = vector.broadcast %mul3A_113 : f32 to vector<16xf32>
        %mul3A_115 = arith.mulf %add3A_109, %mul3A_114 : vector<16xf32>
        %select_n3A_116 = arith.select %ge3A_112, %add3A_109, %mul3A_115 : vector<16xi1>, vector<16xf32>
        %exp3A_117 = math.exp %select_n3A_116 : vector<16xf32>
        %swap3A_118 = arith.index_cast %scan3A_100 : i32 to index
        %swap3A_119 = arith.constant 0 : index
        %swap3A_120 = tpu.vector_load %arg13[%swap3A_118, %swap3A_119] {strides = array<i32>} : memref<128x16xf32, #tpu.memory_space<vmem>>, vector<1x16xf32>,
        %swap3A_121 = vector.shape_cast %swap3A_120 : vector<1x16xf32> to vector<16xf32>
        %swap3A_122 = vector.shape_cast %exp3A_117 : vector<16xf32> to vector<1x16xf32>
        tpu.vector_store %arg13[%swap3A_118, %swap3A_119], %swap3A_122 {strides = array<i32>} : memref<128x16xf32, #tpu.memory_space<vmem>>, vector<1x16xf32>,
        %scan3A_123 = arith.constant 0 : i32
        %scan3A_124 = arith.constant 3 : i32
        %scan3A_125 = arith.addi %scan3A_54, %scan3A_124 : i32
        %get3A_126 = arith.index_cast %scan3A_125 : i32 to index
        %get3A_127 = arith.constant 0 : index
        %get3A_128 = tpu.vector_load %arg11[%get3A_126, %get3A_127] {strides = array<i32>} : memref<128x16xf32, #tpu.memory_space<vmem>>, vector<1x16xf32>,
        %get3A_129 = vector.shape_cast %get3A_128 : vector<1x16xf32> to vector<16xf32>
        %get3A_130 = arith.index_cast %scan3A_125 : i32 to index
        %get3A_131 = arith.constant 0 : index
        %get3A_132 = tpu.vector_load %arg12[%get3A_130, %get3A_131] {strides = array<i32>} : memref<128x16xf32, #tpu.memory_space<vmem>>, vector<1x16xf32>,
        %get3A_133 = vector.shape_cast %get3A_132 : vector<1x16xf32> to vector<16xf32>
        %add3A_134 = arith.addf %get3A_129, %get3A_133 : vector<16xf32>
        %ge3A_135 = arith.constant 0.000000e+00 : f32
        %ge3A_136 = vector.broadcast %ge3A_135 : f32 to vector<16xf32>
        %ge3A_137 = arith.cmpf oge, %add3A_134, %ge3A_136 : vector<16xf32>
        %mul3A_138 = arith.constant 2.000000e-01 : f32
        %mul3A_139 = vector.broadcast %mul3A_138 : f32 to vector<16xf32>
        %mul3A_140 = arith.mulf %add3A_134, %mul3A_139 : vector<16xf32>
        %select_n3A_141 = arith.select %ge3A_137, %add3A_134, %mul3A_140 : vector<16xi1>, vector<16xf32>
        %exp3A_142 = math.exp %select_n3A_141 : vector<16xf32>
        %swap3A_143 = arith.index_cast %scan3A_125 : i32 to index
        %swap3A_144 = arith.constant 0 : index
        %swap3A_145 = tpu.vector_load %arg13[%swap3A_143, %swap3A_144] {strides = array<i32>} : memref<128x16xf32, #tpu.memory_space<vmem>>, vector<1x16xf32>,
        %swap3A_146 = vector.shape_cast %swap3A_145 : vector<1x16xf32> to vector<16xf32>
        %swap3A_147 = vector.shape_cast %exp3A_142 : vector<16xf32> to vector<1x16xf32>
        tpu.vector_store %arg13[%swap3A_143, %swap3A_144], %swap3A_147 {strides = array<i32>} : memref<128x16xf32, #tpu.memory_space<vmem>>, vector<1x16xf32>,
        %scan3A_148 = arith.constant 0 : i32
        scf.yield %scan3A_148 : i32
      }
      %scan3A_52 = arith.constant 128 : i32
      "tpu.region"() ({
        %run_scoped3A = tpu.sem_alloc : memref<!tpu.dma_semaphore, #tpu.memory_space<semaphore_mem>>
        %dma_start3A_54 = arith.constant 0 : i32
        %dma_start3A_55 = arith.constant 0 : i32
        %dma_start3A_56 = tpu.memref_slice %arg8[%add3A, %scan3A_22, %dma_start3A_54, %dma_start3A_55] : memref<32x42x128x16xf32, #tpu.memory_space<hbm>> -> memref<1x1x128x16xf32, #tpu.memory_space<hbm>>
        %dma_start3A_57 = tpu.memref_squeeze %dma_start3A_56 : memref<1x1x128x16xf32, #tpu.memory_space<hbm>> -> memref<128x16xf32, #tpu.memory_space<hbm>>
        %dma_start3A_58 = arith.constant 0 : i32
        %dma_start3A_59 = arith.constant 0 : i32
        %dma_start3A_60 = tpu.memref_slice %arg8[%add3A, %scan3A_22, %dma_start3A_58, %dma_start3A_59] : memref<32x42x128x16xf32, #tpu.memory_space<hbm>> -> memref<1x1x128x16xf32, #tpu.memory_space<hbm>>
        %dma_start3A_61 = tpu.memref_squeeze %dma_start3A_60 : memref<1x1x128x16xf32, #tpu.memory_space<hbm>> -> memref<128x16xf32, #tpu.memory_space<hbm>>
        tpu.enqueue_dma source(%arg13 : memref<128x16xf32, #tpu.memory_space<vmem>>) target(%dma_start3A_61 : memref<128x16xf32, #tpu.memory_space<hbm>>) target_semaphore(%run_scoped3A : memref<!tpu.dma_semaphore, #tpu.memory_space<semaphore_mem>>)
        %dma_wait3A_62 = arith.constant 0 : i32
        %dma_wait3A_63 = arith.constant 0 : i32
        %dma_wait3A_64 = tpu.memref_slice %arg8[%add3A, %scan3A_22, %dma_wait3A_62, %dma_wait3A_63] : memref<32x42x128x16xf32, #tpu.memory_space<hbm>> -> memref<1x1x128x16xf32, #tpu.memory_space<hbm>>
        %dma_wait3A_65 = tpu.memref_squeeze %dma_wait3A_64 : memref<1x1x128x16xf32, #tpu.memory_space<hbm>> -> memref<128x16xf32, #tpu.memory_space<hbm>>
        %dma_wait3A_66 = arith.constant 0 : i32
        %dma_wait3A_67 = arith.constant 0 : i32
        %dma_wait3A_68 = tpu.memref_slice %arg8[%add3A, %scan3A_22, %dma_wait3A_66, %dma_wait3A_67] : memref<32x42x128x16xf32, #tpu.memory_space<hbm>> -> memref<1x1x128x16xf32, #tpu.memory_space<hbm>>
        %dma_wait3A_69 = tpu.memref_squeeze %dma_wait3A_68 : memref<1x1x128x16xf32, #tpu.memory_space<hbm>> -> memref<128x16xf32, #tpu.memory_space<hbm>>
        tpu.wait_dma2 semaphore(%run_scoped3A : memref<!tpu.dma_semaphore, #tpu.memory_space<semaphore_mem>>) src(%arg13 : memref<128x16xf32, #tpu.memory_space<vmem>>) dst(%dma_wait3A_69 : memref<128x16xf32, #tpu.memory_space<hbm>>)
        tpu.yield
      }) : () -> ()
      %scan3A_53 = arith.constant 0 : i32
      scf.yield %scan3A_53 : i32
    }
    %scan3A_14 = arith.constant 42 : i32
    %scan3A_15 = arith.constant 0 : i32
    %scan3A_16 = arith.constant 0 : i32
    %scan3A_17 = arith.constant 2 : i32
    %scan3A_18 = arith.addi %scan3A_16, %scan3A_17 : i32
    %scan3A_19 = arith.constant 1 : i32
    %scan3A_20 = scf.for %scan3A_22 = %scan3A_16 to %scan3A_18 step %scan3A_19 iter_args(%scan3A_23 = %scan3A_15) -> (i32)  : i32 {
      %scan3A_24 = arith.constant 0 : i32
      %scan3A_25 = arith.constant 0 : i32
      %scan3A_26 = arith.constant 5 : i32
      %scan3A_27 = arith.addi %scan3A_25, %scan3A_26 : i32
      %scan3A_28 = arith.constant 1 : i32
      %scan3A_29 = scf.for %scan3A_90 = %scan3A_25 to %scan3A_27 step %scan3A_28 iter_args(%scan3A_91 = %scan3A_24) -> (i32)  : i32 {
        %mul3A_92 = arith.constant 640 : i32
        %mul3A_93 = arith.muli %arg1, %mul3A_92 : i32
        %mul3A_94 = arith.constant 128 : i32
        %mul3A_95 = arith.muli %scan3A_90, %mul3A_94 : i32
        %add3A_96 = arith.addi %mul3A_93, %mul3A_95 : i32
        "tpu.region"() ({
          %run_scoped3A = tpu.sem_alloc : memref<!tpu.dma_semaphore, #tpu.memory_space<semaphore_mem>>
          %dma_start3A_98 = arith.constant 0 : i32
          %dma_start3A_99 = tpu.memref_slice %arg18[%add3A_96, %dma_start3A_98] : memref<10240x80xf32, #tpu.memory_space<vmem_shared>> -> memref<128x80xf32, #tpu.memory_space<vmem_shared>>
          %dma_start3A_100 = arith.constant 0 : i32
          %dma_start3A_101 = tpu.memref_slice %arg18[%add3A_96, %dma_start3A_100] : memref<10240x80xf32, #tpu.memory_space<vmem_shared>> -> memref<128x80xf32, #tpu.memory_space<vmem_shared>>
          tpu.enqueue_dma source(%arg17 : memref<128x80xf32, #tpu.memory_space<vmem>>) target(%dma_start3A_101 : memref<128x80xf32, #tpu.memory_space<vmem_shared>>) target_semaphore(%run_scoped3A : memref<!tpu.dma_semaphore, #tpu.memory_space<semaphore_mem>>)
          %dma_wait3A_102 = arith.constant 0 : i32
          %dma_wait3A_103 = tpu.memref_slice %arg18[%add3A_96, %dma_wait3A_102] : memref<10240x80xf32, #tpu.memory_space<vmem_shared>> -> memref<128x80xf32, #tpu.memory_space<vmem_shared>>
          %dma_wait3A_104 = arith.constant 0 : i32
          %dma_wait3A_105 = tpu.memref_slice %arg18[%add3A_96, %dma_wait3A_104] : memref<10240x80xf32, #tpu.memory_space<vmem_shared>> -> memref<128x80xf32, #tpu.memory_space<vmem_shared>>
          tpu.wait_dma2 semaphore(%run_scoped3A : memref<!tpu.dma_semaphore, #tpu.memory_space<semaphore_mem>>) src(%arg17 : memref<128x80xf32, #tpu.memory_space<vmem>>) dst(%dma_wait3A_105 : memref<128x80xf32, #tpu.memory_space<vmem_shared>>)
          tpu.yield
        }) : () -> ()
        %scan3A_97 = arith.constant 0 : i32
        scf.yield %scan3A_97 : i32
      }
      %scan3A_30 = arith.constant 5 : i32
      %barrier3A = arith.constant 0 : index
      tpu.barrier barrier_id(%barrier3A)
      %jit3A = arith.constant 2 : i32
      %div3A = arith.divsi %scan3A_22, %jit3A : i32
      %sign3A = arith.constant 0 : i32
      %sign3A_31 = arith.cmpi sgt, %scan3A_22, %sign3A : i32
      %sign3A_32 = arith.extui %sign3A_31 : i1 to i32
      %sign3A_33 = arith.constant 0 : i32
      %sign3A_34 = arith.cmpi slt, %scan3A_22, %sign3A_33 : i32
      %sign3A_35 = arith.extui %sign3A_34 : i1 to i32
      %sign3A_36 = arith.subi %sign3A_32, %sign3A_35 : i32
      %sign3A_37 = arith.constant 0 : i32
      %sign3A_38 = arith.cmpi sgt, %jit3A, %sign3A_37 : i32
      %sign3A_39 = arith.extui %sign3A_38 : i1 to i32
      %sign3A_40 = arith.constant 0 : i32
      %sign3A_41 = arith.cmpi slt, %jit3A, %sign3A_40 : i32
      %sign3A_42 = arith.extui %sign3A_41 : i1 to i32
      %sign3A_43 = arith.subi %sign3A_39, %sign3A_42 : i32
      %ne3A = arith.cmpi ne, %sign3A_36, %sign3A_43 : i32
      %rem3A = arith.remsi %scan3A_22, %jit3A : i32
      %ne3A_44 = arith.constant 0 : i32
      %ne3A_45 = arith.cmpi ne, %rem3A, %ne3A_44 : i32
      %and3A = arith.andi %ne3A, %ne3A_45 : i1
      %sub3A = arith.constant 1 : i32
      %sub3A_46 = arith.subi %div3A, %sub3A : i32
      %select_n3A = arith.select %and3A, %sub3A_46, %div3A : i32
      %broadcast_in_dim3A_47 = vector.broadcast %select_n3A : i32 to vector<16xi32>
      %dma_start3A = arith.constant 0 : i32
      %dma_start3A_48 = arith.constant 0 : i32
      %dma_start3A_49 = arith.constant 0 : i32
      %dma_start3A_50 = tpu.memref_slice %arg8[%add3A, %dma_start3A, %dma_start3A_48, %dma_start3A_49] : memref<32x42x128x16xf32, #tpu.memory_space<hbm>> -> memref<1x1x128x16xf32, #tpu.memory_space<hbm>>
      %dma_start3A_51 = tpu.memref_squeeze %dma_start3A_50 : memref<1x1x128x16xf32, #tpu.memory_space<hbm>> -> memref<128x16xf32, #tpu.memory_space<hbm>>
      %dma_start3A_52 = arith.constant 0 : i32
      %dma_start3A_53 = arith.constant 0 : i32
      %dma_start3A_54 = tpu.memref_slice %arg8[%add3A, %dma_start3A, %dma_start3A_52, %dma_start3A_53] : memref<32x42x128x16xf32, #tpu.memory_space<hbm>> -> memref<1x1x128x16xf32, #tpu.memory_space<hbm>>
      %dma_start3A_55 = tpu.memref_squeeze %dma_start3A_54 : memref<1x1x128x16xf32, #tpu.memory_space<hbm>> -> memref<128x16xf32, #tpu.memory_space<hbm>>
      tpu.enqueue_dma source(%dma_start3A_55 : memref<128x16xf32, #tpu.memory_space<hbm>>) target(%arg13 : memref<128x16xf32, #tpu.memory_space<vmem>>) target_semaphore(%arg21 : memref<!tpu.dma_semaphore, #tpu.memory_space<semaphore_mem>>)
      %dma_start3A_56 = arith.constant 0 : i32
      %dma_start3A_57 = arith.constant 0 : i32
      %dma_start3A_58 = tpu.memref_slice %arg9[%dma_start3A_56, %dma_start3A_57] : memref<42x128xi32, #tpu.memory_space<vmem>> -> memref<1x128xi32, #tpu.memory_space<vmem>>
      %dma_start3A_59 = tpu.memref_squeeze %dma_start3A_58 : memref<1x128xi32, #tpu.memory_space<vmem>> -> memref<128xi32, #tpu.memory_space<vmem>>
      %dma_start3A_60 = arith.constant 0 : i32
      %dma_start3A_61 = arith.constant 0 : i32
      %dma_start3A_62 = tpu.memref_slice %arg2[%scan3A_22, %dma_start3A_60, %dma_start3A_61] : memref<2x10240x80xf32, #tpu.memory_space<hbm>> -> memref<1x10240x80xf32, #tpu.memory_space<hbm>>
      %dma_start3A_63 = tpu.memref_squeeze %dma_start3A_62 : memref<1x10240x80xf32, #tpu.memory_space<hbm>> -> memref<10240x80xf32, #tpu.memory_space<hbm>>
      %dma_start3A_64 = arith.constant 0 : i32
      %dma_start3A_65 = arith.constant 0 : i32
      %dma_start3A_66 = tpu.memref_slice %dma_start3A_63[%dma_start3A_64, %dma_start3A_65] : memref<10240x80xf32, #tpu.memory_space<hbm>> -> memref<10240x80xf32, #tpu.memory_space<hbm>>
      tpu.enqueue_indirect_dma source(%dma_start3A_66 : memref<10240x80xf32, #tpu.memory_space<hbm>>) target(%arg15 : memref<128x80xf32, #tpu.memory_space<vmem>>) offsets(%dma_start3A_59 : memref<128xi32, #tpu.memory_space<vmem>>) semaphore(%arg19 : memref<!tpu.dma_semaphore, #tpu.memory_space<semaphore_mem>>)
      %scan3A_67 = arith.constant 0 : i32
      %scan3A_68 = arith.constant 0 : i32
      %scan3A_69 = arith.constant 21 : i32
      %scan3A_70 = arith.addi %scan3A_68, %scan3A_69 : i32
      %scan3A_71 = arith.constant 1 : i32
      %scan3A_72 = scf.for %scan3A_90 = %scan3A_68 to %scan3A_70 step %scan3A_71 iter_args(%scan3A_91 = %scan3A_67) -> (i32)  : i32 {
        %mul3A_92 = arith.constant 2 : i32
        %mul3A_93 = arith.muli %mul3A_92, %scan3A_90 : i32
        %gt3A = arith.constant 0 : i32
        %gt3A_94 = arith.cmpi sgt, %scan3A_90, %gt3A : i32
        %convert_element_type3A = arith.extui %gt3A_94 : i1 to i32
        %cond3A = arith.constant 0 : i32
        %cond3A_95 = arith.cmpi ne, %convert_element_type3A, %cond3A : i32
        scf.if %cond3A_95 {
          %sub3A_195 = arith.constant 1 : i32
          %sub3A_196 = arith.subi %mul3A_93, %sub3A_195 : i32
          %dma_wait3A_197 = arith.constant 0 : i32
          %dma_wait3A_198 = tpu.memref_slice %arg10[%sub3A_196, %dma_wait3A_197] : memref<42x128xi32, #tpu.memory_space<vmem>> -> memref<1x128xi32, #tpu.memory_space<vmem>>
          %dma_wait3A_199 = tpu.memref_squeeze %dma_wait3A_198 : memref<1x128xi32, #tpu.memory_space<vmem>> -> memref<128xi32, #tpu.memory_space<vmem>>
          %dma_wait3A_200 = arith.constant 0 : i32
          %dma_wait3A_201 = arith.constant 0 : i32
          %dma_wait3A_202 = tpu.memref_slice %arg18[%dma_wait3A_200, %dma_wait3A_201] : memref<10240x80xf32, #tpu.memory_space<vmem_shared>> -> memref<10240x80xf32, #tpu.memory_space<vmem_shared>>
          tpu.wait_indirect_dma semaphore(%arg24 : memref<!tpu.dma_semaphore, #tpu.memory_space<semaphore_mem>>) src(%arg16 : memref<128x80xf32, #tpu.memory_space<vmem>>) dst(%dma_wait3A_202 : memref<10240x80xf32, #tpu.memory_space<vmem_shared>>)
        } else {
        }
        %add3A_96 = arith.constant 1 : i32
        %add3A_97 = arith.addi %mul3A_93, %add3A_96 : i32
        %dma_start3A_98 = arith.constant 0 : i32
        %dma_start3A_99 = arith.constant 0 : i32
        %dma_start3A_100 = tpu.memref_slice %arg8[%add3A, %add3A_97, %dma_start3A_98, %dma_start3A_99] : memref<32x42x128x16xf32, #tpu.memory_space<hbm>> -> memref<1x1x128x16xf32, #tpu.memory_space<hbm>>
        %dma_start3A_101 = tpu.memref_squeeze %dma_start3A_100 : memref<1x1x128x16xf32, #tpu.memory_space<hbm>> -> memref<128x16xf32, #tpu.memory_space<hbm>>
        %dma_start3A_102 = arith.constant 0 : i32
        %dma_start3A_103 = arith.constant 0 : i32
        %dma_start3A_104 = tpu.memref_slice %arg8[%add3A, %add3A_97, %dma_start3A_102, %dma_start3A_103] : memref<32x42x128x16xf32, #tpu.memory_space<hbm>> -> memref<1x1x128x16xf32, #tpu.memory_space<hbm>>
        %dma_start3A_105 = tpu.memref_squeeze %dma_start3A_104 : memref<1x1x128x16xf32, #tpu.memory_space<hbm>> -> memref<128x16xf32, #tpu.memory_space<hbm>>
        tpu.enqueue_dma source(%dma_start3A_105 : memref<128x16xf32, #tpu.memory_space<hbm>>) target(%arg14 : memref<128x16xf32, #tpu.memory_space<vmem>>) target_semaphore(%arg22 : memref<!tpu.dma_semaphore, #tpu.memory_space<semaphore_mem>>)
        %dma_start3A_106 = arith.constant 0 : i32
        %dma_start3A_107 = tpu.memref_slice %arg9[%add3A_97, %dma_start3A_106] : memref<42x128xi32, #tpu.memory_space<vmem>> -> memref<1x128xi32, #tpu.memory_space<vmem>>
        %dma_start3A_108 = tpu.memref_squeeze %dma_start3A_107 : memref<1x128xi32, #tpu.memory_space<vmem>> -> memref<128xi32, #tpu.memory_space<vmem>>
        %dma_start3A_109 = arith.constant 0 : i32
        %dma_start3A_110 = arith.constant 0 : i32
        %dma_start3A_111 = tpu.memref_slice %arg2[%scan3A_22, %dma_start3A_109, %dma_start3A_110] : memref<2x10240x80xf32, #tpu.memory_space<hbm>> -> memref<1x10240x80xf32, #tpu.memory_space<hbm>>
        %dma_start3A_112 = tpu.memref_squeeze %dma_start3A_111 : memref<1x10240x80xf32, #tpu.memory_space<hbm>> -> memref<10240x80xf32, #tpu.memory_space<hbm>>
        %dma_start3A_113 = arith.constant 0 : i32
        %dma_start3A_114 = arith.constant 0 : i32
        %dma_start3A_115 = tpu.memref_slice %dma_start3A_112[%dma_start3A_113, %dma_start3A_114] : memref<10240x80xf32, #tpu.memory_space<hbm>> -> memref<10240x80xf32, #tpu.memory_space<hbm>>
        tpu.enqueue_indirect_dma source(%dma_start3A_115 : memref<10240x80xf32, #tpu.memory_space<hbm>>) target(%arg16 : memref<128x80xf32, #tpu.memory_space<vmem>>) offsets(%dma_start3A_108 : memref<128xi32, #tpu.memory_space<vmem>>) semaphore(%arg20 : memref<!tpu.dma_semaphore, #tpu.memory_space<semaphore_mem>>)
        %dma_wait3A_116 = arith.constant 0 : i32
        %dma_wait3A_117 = arith.constant 0 : i32
        %dma_wait3A_118 = tpu.memref_slice %arg8[%add3A, %mul3A_93, %dma_wait3A_116, %dma_wait3A_117] : memref<32x42x128x16xf32, #tpu.memory_space<hbm>> -> memref<1x1x128x16xf32, #tpu.memory_space<hbm>>
        %dma_wait3A_119 = tpu.memref_squeeze %dma_wait3A_118 : memref<1x1x128x16xf32, #tpu.memory_space<hbm>> -> memref<128x16xf32, #tpu.memory_space<hbm>>
        %dma_wait3A_120 = arith.constant 0 : i32
        %dma_wait3A_121 = arith.constant 0 : i32
        %dma_wait3A_122 = tpu.memref_slice %arg8[%add3A, %mul3A_93, %dma_wait3A_120, %dma_wait3A_121] : memref<32x42x128x16xf32, #tpu.memory_space<hbm>> -> memref<1x1x128x16xf32, #tpu.memory_space<hbm>>
        %dma_wait3A_123 = tpu.memref_squeeze %dma_wait3A_122 : memref<1x1x128x16xf32, #tpu.memory_space<hbm>> -> memref<128x16xf32, #tpu.memory_space<hbm>>
        tpu.wait_dma2 semaphore(%arg21 : memref<!tpu.dma_semaphore, #tpu.memory_space<semaphore_mem>>) src(%dma_wait3A_123 : memref<128x16xf32, #tpu.memory_space<hbm>>) dst(%arg13 : memref<128x16xf32, #tpu.memory_space<vmem>>)
        %dma_wait3A_124 = arith.constant 0 : i32
        %dma_wait3A_125 = tpu.memref_slice %arg9[%mul3A_93, %dma_wait3A_124] : memref<42x128xi32, #tpu.memory_space<vmem>> -> memref<1x128xi32, #tpu.memory_space<vmem>>
        %dma_wait3A_126 = tpu.memref_squeeze %dma_wait3A_125 : memref<1x128xi32, #tpu.memory_space<vmem>> -> memref<128xi32, #tpu.memory_space<vmem>>
        %dma_wait3A_127 = arith.constant 0 : i32
        %dma_wait3A_128 = arith.constant 0 : i32
        %dma_wait3A_129 = tpu.memref_slice %arg2[%scan3A_22, %dma_wait3A_127, %dma_wait3A_128] : memref<2x10240x80xf32, #tpu.memory_space<hbm>> -> memref<1x10240x80xf32, #tpu.memory_space<hbm>>
        %dma_wait3A_130 = tpu.memref_squeeze %dma_wait3A_129 : memref<1x10240x80xf32, #tpu.memory_space<hbm>> -> memref<10240x80xf32, #tpu.memory_space<hbm>>
        %dma_wait3A_131 = arith.constant 0 : i32
        %dma_wait3A_132 = arith.constant 0 : i32
        %dma_wait3A_133 = tpu.memref_slice %dma_wait3A_130[%dma_wait3A_131, %dma_wait3A_132] : memref<10240x80xf32, #tpu.memory_space<hbm>> -> memref<10240x80xf32, #tpu.memory_space<hbm>>
        tpu.wait_indirect_dma semaphore(%arg19 : memref<!tpu.dma_semaphore, #tpu.memory_space<semaphore_mem>>) src(%dma_wait3A_133 : memref<10240x80xf32, #tpu.memory_space<hbm>>) dst(%arg15 : memref<128x80xf32, #tpu.memory_space<vmem>>)
        %scan3A_134 = arith.constant 0 : i32
        %scan3A_135 = arith.constant 0 : i32
        %scan3A_136 = arith.constant 128 : i32
        %scan3A_137 = arith.addi %scan3A_135, %scan3A_136 : i32
        %scan3A_138 = arith.constant 4 : i32
        %scan3A_139 = scf.for %scan3A_195 = %scan3A_135 to %scan3A_137 step %scan3A_138 iter_args(%scan3A_196 = %scan3A_134) -> (i32)  : i32 {
          %get3A = arith.index_cast %scan3A_195 : i32 to index
          %get3A_197 = arith.constant 0 : index
          %get3A_198 = tpu.vector_load %arg13[%get3A, %get3A_197] {strides = array<i32>} : memref<128x16xf32, #tpu.memory_space<vmem>>, vector<1x16xf32>,
          %get3A_199 = vector.shape_cast %get3A_198 : vector<1x16xf32> to vector<16xf32>
          %lt3A_200 = arith.constant 0 : i32
          %lt3A_201 = vector.broadcast %lt3A_200 : i32 to vector<16xi32>
          %lt3A_202 = arith.cmpi slt, %broadcast_in_dim3A_47, %lt3A_201 : vector<16xi32>
          %add3A_203 = arith.constant 16 : i32
          %add3A_204 = vector.broadcast %add3A_203 : i32 to vector<16xi32>
          %add3A_205 = arith.addi %broadcast_in_dim3A_47, %add3A_204 : vector<16xi32>
          %select_n3A_206 = arith.select %lt3A_202, %add3A_205, %broadcast_in_dim3A_47 : vector<16xi1>, vector<16xi32>
          %broadcast_in_dim3A_207 = vector.shape_cast %select_n3A_206 : vector<16xi32> to vector<16x1xi32>
          %gather3A = vector.shape_cast %broadcast_in_dim3A_207 : vector<16x1xi32> to vector<16xi32>
          %gather3A_208 = tpu.dynamic_gather %get3A_199[%gather3A] in [0] : vector<16xf32>, vector<16xi32> -> vector<16xf32>
          %get3A_209 = arith.index_cast %scan3A_195 : i32 to index
          %get3A_210 = arith.constant 0 : index
          %get3A_211 = tpu.vector_load %arg15[%get3A_209, %get3A_210] {strides = array<i32>} : memref<128x80xf32, #tpu.memory_space<vmem>>, vector<1x16xf32>,
          %get3A_212 = vector.shape_cast %get3A_211 : vector<1x16xf32> to vector<16xf32>
          %mul3A_213 = arith.mulf %get3A_212, %gather3A_208 : vector<16xf32>
          %swap3A = arith.index_cast %scan3A_195 : i32 to index
          %swap3A_214 = arith.constant 0 : index
          %swap3A_215 = tpu.vector_load %arg15[%swap3A, %swap3A_214] {strides = array<i32>} : memref<128x80xf32, #tpu.memory_space<vmem>>, vector<1x16xf32>,
          %swap3A_216 = vector.shape_cast %swap3A_215 : vector<1x16xf32> to vector<16xf32>
          %swap3A_217 = vector.shape_cast %mul3A_213 : vector<16xf32> to vector<1x16xf32>
          tpu.vector_store %arg15[%swap3A, %swap3A_214], %swap3A_217 {strides = array<i32>} : memref<128x80xf32, #tpu.memory_space<vmem>>, vector<1x16xf32>,
          %get3A_218 = arith.index_cast %scan3A_195 : i32 to index
          %get3A_219 = arith.constant 16 : index
          %get3A_220 = tpu.vector_load %arg15[%get3A_218, %get3A_219] {strides = array<i32>} : memref<128x80xf32, #tpu.memory_space<vmem>>, vector<1x16xf32>,
          %get3A_221 = vector.shape_cast %get3A_220 : vector<1x16xf32> to vector<16xf32>
          %mul3A_222 = arith.mulf %get3A_221, %gather3A_208 : vector<16xf32>
          %swap3A_223 = arith.index_cast %scan3A_195 : i32 to index
          %swap3A_224 = arith.constant 16 : index
          %swap3A_225 = tpu.vector_load %arg15[%swap3A_223, %swap3A_224] {strides = array<i32>} : memref<128x80xf32, #tpu.memory_space<vmem>>, vector<1x16xf32>,
          %swap3A_226 = vector.shape_cast %swap3A_225 : vector<1x16xf32> to vector<16xf32>
          %swap3A_227 = vector.shape_cast %mul3A_222 : vector<16xf32> to vector<1x16xf32>
          tpu.vector_store %arg15[%swap3A_223, %swap3A_224], %swap3A_227 {strides = array<i32>} : memref<128x80xf32, #tpu.memory_space<vmem>>, vector<1x16xf32>,
          %get3A_228 = arith.index_cast %scan3A_195 : i32 to index
          %get3A_229 = arith.constant 32 : index
          %get3A_230 = tpu.vector_load %arg15[%get3A_228, %get3A_229] {strides = array<i32>} : memref<128x80xf32, #tpu.memory_space<vmem>>, vector<1x16xf32>,
          %get3A_231 = vector.shape_cast %get3A_230 : vector<1x16xf32> to vector<16xf32>
          %mul3A_232 = arith.mulf %get3A_231, %gather3A_208 : vector<16xf32>
          %swap3A_233 = arith.index_cast %scan3A_195 : i32 to index
          %swap3A_234 = arith.constant 32 : index
          %swap3A_235 = tpu.vector_load %arg15[%swap3A_233, %swap3A_234] {strides = array<i32>} : memref<128x80xf32, #tpu.memory_space<vmem>>, vector<1x16xf32>,
          %swap3A_236 = vector.shape_cast %swap3A_235 : vector<1x16xf32> to vector<16xf32>
          %swap3A_237 = vector.shape_cast %mul3A_232 : vector<16xf32> to vector<1x16xf32>
          tpu.vector_store %arg15[%swap3A_233, %swap3A_234], %swap3A_237 {strides = array<i32>} : memref<128x80xf32, #tpu.memory_space<vmem>>, vector<1x16xf32>,
          %get3A_238 = arith.index_cast %scan3A_195 : i32 to index
          %get3A_239 = arith.constant 48 : index
          %get3A_240 = tpu.vector_load %arg15[%get3A_238, %get3A_239] {strides = array<i32>} : memref<128x80xf32, #tpu.memory_space<vmem>>, vector<1x16xf32>,
          %get3A_241 = vector.shape_cast %get3A_240 : vector<1x16xf32> to vector<16xf32>
          %mul3A_242 = arith.mulf %get3A_241, %gather3A_208 : vector<16xf32>
          %swap3A_243 = arith.index_cast %scan3A_195 : i32 to index
          %swap3A_244 = arith.constant 48 : index
          %swap3A_245 = tpu.vector_load %arg15[%swap3A_243, %swap3A_244] {strides = array<i32>} : memref<128x80xf32, #tpu.memory_space<vmem>>, vector<1x16xf32>,
          %swap3A_246 = vector.shape_cast %swap3A_245 : vector<1x16xf32> to vector<16xf32>
          %swap3A_247 = vector.shape_cast %mul3A_242 : vector<16xf32> to vector<1x16xf32>
          tpu.vector_store %arg15[%swap3A_243, %swap3A_244], %swap3A_247 {strides = array<i32>} : memref<128x80xf32, #tpu.memory_space<vmem>>, vector<1x16xf32>,
          %get3A_248 = arith.index_cast %scan3A_195 : i32 to index
          %get3A_249 = arith.constant 64 : index
          %get3A_250 = tpu.vector_load %arg15[%get3A_248, %get3A_249] {strides = array<i32>} : memref<128x80xf32, #tpu.memory_space<vmem>>, vector<1x16xf32>,
          %get3A_251 = vector.shape_cast %get3A_250 : vector<1x16xf32> to vector<16xf32>
          %mul3A_252 = arith.mulf %get3A_251, %gather3A_208 : vector<16xf32>
          %swap3A_253 = arith.index_cast %scan3A_195 : i32 to index
          %swap3A_254 = arith.constant 64 : index
          %swap3A_255 = tpu.vector_load %arg15[%swap3A_253, %swap3A_254] {strides = array<i32>} : memref<128x80xf32, #tpu.memory_space<vmem>>, vector<1x16xf32>,
          %swap3A_256 = vector.shape_cast %swap3A_255 : vector<1x16xf32> to vector<16xf32>
          %swap3A_257 = vector.shape_cast %mul3A_252 : vector<16xf32> to vector<1x16xf32>
          tpu.vector_store %arg15[%swap3A_253, %swap3A_254], %swap3A_257 {strides = array<i32>} : memref<128x80xf32, #tpu.memory_space<vmem>>, vector<1x16xf32>,
          %scan3A_258 = arith.constant 0 : i32
          %scan3A_259 = arith.constant 1 : i32
          %scan3A_260 = arith.addi %scan3A_195, %scan3A_259 : i32
          %get3A_261 = arith.index_cast %scan3A_260 : i32 to index
          %get3A_262 = arith.constant 0 : index
          %get3A_263 = tpu.vector_load %arg13[%get3A_261, %get3A_262] {strides = array<i32>} : memref<128x16xf32, #tpu.memory_space<vmem>>, vector<1x16xf32>,
          %get3A_264 = vector.shape_cast %get3A_263 : vector<1x16xf32> to vector<16xf32>
          %lt3A_265 = arith.constant 0 : i32
          %lt3A_266 = vector.broadcast %lt3A_265 : i32 to vector<16xi32>
          %lt3A_267 = arith.cmpi slt, %broadcast_in_dim3A_47, %lt3A_266 : vector<16xi32>
          %add3A_268 = arith.constant 16 : i32
          %add3A_269 = vector.broadcast %add3A_268 : i32 to vector<16xi32>
          %add3A_270 = arith.addi %broadcast_in_dim3A_47, %add3A_269 : vector<16xi32>
          %select_n3A_271 = arith.select %lt3A_267, %add3A_270, %broadcast_in_dim3A_47 : vector<16xi1>, vector<16xi32>
          %broadcast_in_dim3A_272 = vector.shape_cast %select_n3A_271 : vector<16xi32> to vector<16x1xi32>
          %gather3A_273 = vector.shape_cast %broadcast_in_dim3A_272 : vector<16x1xi32> to vector<16xi32>
          %gather3A_274 = tpu.dynamic_gather %get3A_264[%gather3A_273] in [0] : vector<16xf32>, vector<16xi32> -> vector<16xf32>
          %get3A_275 = arith.index_cast %scan3A_260 : i32 to index
          %get3A_276 = arith.constant 0 : index
          %get3A_277 = tpu.vector_load %arg15[%get3A_275, %get3A_276] {strides = array<i32>} : memref<128x80xf32, #tpu.memory_space<vmem>>, vector<1x16xf32>,
          %get3A_278 = vector.shape_cast %get3A_277 : vector<1x16xf32> to vector<16xf32>
          %mul3A_279 = arith.mulf %get3A_278, %gather3A_274 : vector<16xf32>
          %swap3A_280 = arith.index_cast %scan3A_260 : i32 to index
          %swap3A_281 = arith.constant 0 : index
          %swap3A_282 = tpu.vector_load %arg15[%swap3A_280, %swap3A_281] {strides = array<i32>} : memref<128x80xf32, #tpu.memory_space<vmem>>, vector<1x16xf32>,
          %swap3A_283 = vector.shape_cast %swap3A_282 : vector<1x16xf32> to vector<16xf32>
          %swap3A_284 = vector.shape_cast %mul3A_279 : vector<16xf32> to vector<1x16xf32>
          tpu.vector_store %arg15[%swap3A_280, %swap3A_281], %swap3A_284 {strides = array<i32>} : memref<128x80xf32, #tpu.memory_space<vmem>>, vector<1x16xf32>,
          %get3A_285 = arith.index_cast %scan3A_260 : i32 to index
          %get3A_286 = arith.constant 16 : index
          %get3A_287 = tpu.vector_load %arg15[%get3A_285, %get3A_286] {strides = array<i32>} : memref<128x80xf32, #tpu.memory_space<vmem>>, vector<1x16xf32>,
          %get3A_288 = vector.shape_cast %get3A_287 : vector<1x16xf32> to vector<16xf32>
          %mul3A_289 = arith.mulf %get3A_288, %gather3A_274 : vector<16xf32>
          %swap3A_290 = arith.index_cast %scan3A_260 : i32 to index
          %swap3A_291 = arith.constant 16 : index
          %swap3A_292 = tpu.vector_load %arg15[%swap3A_290, %swap3A_291] {strides = array<i32>} : memref<128x80xf32, #tpu.memory_space<vmem>>, vector<1x16xf32>,
          %swap3A_293 = vector.shape_cast %swap3A_292 : vector<1x16xf32> to vector<16xf32>
          %swap3A_294 = vector.shape_cast %mul3A_289 : vector<16xf32> to vector<1x16xf32>
          tpu.vector_store %arg15[%swap3A_290, %swap3A_291], %swap3A_294 {strides = array<i32>} : memref<128x80xf32, #tpu.memory_space<vmem>>, vector<1x16xf32>,
          %get3A_295 = arith.index_cast %scan3A_260 : i32 to index
          %get3A_296 = arith.constant 32 : index
          %get3A_297 = tpu.vector_load %arg15[%get3A_295, %get3A_296] {strides = array<i32>} : memref<128x80xf32, #tpu.memory_space<vmem>>, vector<1x16xf32>,
          %get3A_298 = vector.shape_cast %get3A_297 : vector<1x16xf32> to vector<16xf32>
          %mul3A_299 = arith.mulf %get3A_298, %gather3A_274 : vector<16xf32>
          %swap3A_300 = arith.index_cast %scan3A_260 : i32 to index
          %swap3A_301 = arith.constant 32 : index
          %swap3A_302 = tpu.vector_load %arg15[%swap3A_300, %swap3A_301] {strides = array<i32>} : memref<128x80xf32, #tpu.memory_space<vmem>>, vector<1x16xf32>,
          %swap3A_303 = vector.shape_cast %swap3A_302 : vector<1x16xf32> to vector<16xf32>
          %swap3A_304 = vector.shape_cast %mul3A_299 : vector<16xf32> to vector<1x16xf32>
          tpu.vector_store %arg15[%swap3A_300, %swap3A_301], %swap3A_304 {strides = array<i32>} : memref<128x80xf32, #tpu.memory_space<vmem>>, vector<1x16xf32>,
          %get3A_305 = arith.index_cast %scan3A_260 : i32 to index
          %get3A_306 = arith.constant 48 : index
          %get3A_307 = tpu.vector_load %arg15[%get3A_305, %get3A_306] {strides = array<i32>} : memref<128x80xf32, #tpu.memory_space<vmem>>, vector<1x16xf32>,
          %get3A_308 = vector.shape_cast %get3A_307 : vector<1x16xf32> to vector<16xf32>
          %mul3A_309 = arith.mulf %get3A_308, %gather3A_274 : vector<16xf32>
          %swap3A_310 = arith.index_cast %scan3A_260 : i32 to index
          %swap3A_311 = arith.constant 48 : index
          %swap3A_312 = tpu.vector_load %arg15[%swap3A_310, %swap3A_311] {strides = array<i32>} : memref<128x80xf32, #tpu.memory_space<vmem>>, vector<1x16xf32>,
          %swap3A_313 = vector.shape_cast %swap3A_312 : vector<1x16xf32> to vector<16xf32>
          %swap3A_314 = vector.shape_cast %mul3A_309 : vector<16xf32> to vector<1x16xf32>
          tpu.vector_store %arg15[%swap3A_310, %swap3A_311], %swap3A_314 {strides = array<i32>} : memref<128x80xf32, #tpu.memory_space<vmem>>, vector<1x16xf32>,
          %get3A_315 = arith.index_cast %scan3A_260 : i32 to index
          %get3A_316 = arith.constant 64 : index
          %get3A_317 = tpu.vector_load %arg15[%get3A_315, %get3A_316] {strides = array<i32>} : memref<128x80xf32, #tpu.memory_space<vmem>>, vector<1x16xf32>,
          %get3A_318 = vector.shape_cast %get3A_317 : vector<1x16xf32> to vector<16xf32>
          %mul3A_319 = arith.mulf %get3A_318, %gather3A_274 : vector<16xf32>
          %swap3A_320 = arith.index_cast %scan3A_260 : i32 to index
          %swap3A_321 = arith.constant 64 : index
          %swap3A_322 = tpu.vector_load %arg15[%swap3A_320, %swap3A_321] {strides = array<i32>} : memref<128x80xf32, #tpu.memory_space<vmem>>, vector<1x16xf32>,
          %swap3A_323 = vector.shape_cast %swap3A_322 : vector<1x16xf32> to vector<16xf32>
          %swap3A_324 = vector.shape_cast %mul3A_319 : vector<16xf32> to vector<1x16xf32>
          tpu.vector_store %arg15[%swap3A_320, %swap3A_321], %swap3A_324 {strides = array<i32>} : memref<128x80xf32, #tpu.memory_space<vmem>>, vector<1x16xf32>,
          %scan3A_325 = arith.constant 0 : i32
          %scan3A_326 = arith.constant 2 : i32
          %scan3A_327 = arith.addi %scan3A_195, %scan3A_326 : i32
          %get3A_328 = arith.index_cast %scan3A_327 : i32 to index
          %get3A_329 = arith.constant 0 : index
          %get3A_330 = tpu.vector_load %arg13[%get3A_328, %get3A_329] {strides = array<i32>} : memref<128x16xf32, #tpu.memory_space<vmem>>, vector<1x16xf32>,
          %get3A_331 = vector.shape_cast %get3A_330 : vector<1x16xf32> to vector<16xf32>
          %lt3A_332 = arith.constant 0 : i32
          %lt3A_333 = vector.broadcast %lt3A_332 : i32 to vector<16xi32>
          %lt3A_334 = arith.cmpi slt, %broadcast_in_dim3A_47, %lt3A_333 : vector<16xi32>
          %add3A_335 = arith.constant 16 : i32
          %add3A_336 = vector.broadcast %add3A_335 : i32 to vector<16xi32>
          %add3A_337 = arith.addi %broadcast_in_dim3A_47, %add3A_336 : vector<16xi32>
          %select_n3A_338 = arith.select %lt3A_334, %add3A_337, %broadcast_in_dim3A_47 : vector<16xi1>, vector<16xi32>
          %broadcast_in_dim3A_339 = vector.shape_cast %select_n3A_338 : vector<16xi32> to vector<16x1xi32>
          %gather3A_340 = vector.shape_cast %broadcast_in_dim3A_339 : vector<16x1xi32> to vector<16xi32>
          %gather3A_341 = tpu.dynamic_gather %get3A_331[%gather3A_340] in [0] : vector<16xf32>, vector<16xi32> -> vector<16xf32>
          %get3A_342 = arith.index_cast %scan3A_327 : i32 to index
          %get3A_343 = arith.constant 0 : index
          %get3A_344 = tpu.vector_load %arg15[%get3A_342, %get3A_343] {strides = array<i32>} : memref<128x80xf32, #tpu.memory_space<vmem>>, vector<1x16xf32>,
          %get3A_345 = vector.shape_cast %get3A_344 : vector<1x16xf32> to vector<16xf32>
          %mul3A_346 = arith.mulf %get3A_345, %gather3A_341 : vector<16xf32>
          %swap3A_347 = arith.index_cast %scan3A_327 : i32 to index
          %swap3A_348 = arith.constant 0 : index
          %swap3A_349 = tpu.vector_load %arg15[%swap3A_347, %swap3A_348] {strides = array<i32>} : memref<128x80xf32, #tpu.memory_space<vmem>>, vector<1x16xf32>,
          %swap3A_350 = vector.shape_cast %swap3A_349 : vector<1x16xf32> to vector<16xf32>
          %swap3A_351 = vector.shape_cast %mul3A_346 : vector<16xf32> to vector<1x16xf32>
          tpu.vector_store %arg15[%swap3A_347, %swap3A_348], %swap3A_351 {strides = array<i32>} : memref<128x80xf32, #tpu.memory_space<vmem>>, vector<1x16xf32>,
          %get3A_352 = arith.index_cast %scan3A_327 : i32 to index
          %get3A_353 = arith.constant 16 : index
          %get3A_354 = tpu.vector_load %arg15[%get3A_352, %get3A_353] {strides = array<i32>} : memref<128x80xf32, #tpu.memory_space<vmem>>, vector<1x16xf32>,
          %get3A_355 = vector.shape_cast %get3A_354 : vector<1x16xf32> to vector<16xf32>
          %mul3A_356 = arith.mulf %get3A_355, %gather3A_341 : vector<16xf32>
          %swap3A_357 = arith.index_cast %scan3A_327 : i32 to index
          %swap3A_358 = arith.constant 16 : index
          %swap3A_359 = tpu.vector_load %arg15[%swap3A_357, %swap3A_358] {strides = array<i32>} : memref<128x80xf32, #tpu.memory_space<vmem>>, vector<1x16xf32>,
          %swap3A_360 = vector.shape_cast %swap3A_359 : vector<1x16xf32> to vector<16xf32>
          %swap3A_361 = vector.shape_cast %mul3A_356 : vector<16xf32> to vector<1x16xf32>
          tpu.vector_store %arg15[%swap3A_357, %swap3A_358], %swap3A_361 {strides = array<i32>} : memref<128x80xf32, #tpu.memory_space<vmem>>, vector<1x16xf32>,
          %get3A_362 = arith.index_cast %scan3A_327 : i32 to index
          %get3A_363 = arith.constant 32 : index
          %get3A_364 = tpu.vector_load %arg15[%get3A_362, %get3A_363] {strides = array<i32>} : memref<128x80xf32, #tpu.memory_space<vmem>>, vector<1x16xf32>,
          %get3A_365 = vector.shape_cast %get3A_364 : vector<1x16xf32> to vector<16xf32>
          %mul3A_366 = arith.mulf %get3A_365, %gather3A_341 : vector<16xf32>
          %swap3A_367 = arith.index_cast %scan3A_327 : i32 to index
          %swap3A_368 = arith.constant 32 : index
          %swap3A_369 = tpu.vector_load %arg15[%swap3A_367, %swap3A_368] {strides = array<i32>} : memref<128x80xf32, #tpu.memory_space<vmem>>, vector<1x16xf32>,
          %swap3A_370 = vector.shape_cast %swap3A_369 : vector<1x16xf32> to vector<16xf32>
          %swap3A_371 = vector.shape_cast %mul3A_366 : vector<16xf32> to vector<1x16xf32>
          tpu.vector_store %arg15[%swap3A_367, %swap3A_368], %swap3A_371 {strides = array<i32>} : memref<128x80xf32, #tpu.memory_space<vmem>>, vector<1x16xf32>,
          %get3A_372 = arith.index_cast %scan3A_327 : i32 to index
          %get3A_373 = arith.constant 48 : index
          %get3A_374 = tpu.vector_load %arg15[%get3A_372, %get3A_373] {strides = array<i32>} : memref<128x80xf32, #tpu.memory_space<vmem>>, vector<1x16xf32>,
          %get3A_375 = vector.shape_cast %get3A_374 : vector<1x16xf32> to vector<16xf32>
          %mul3A_376 = arith.mulf %get3A_375, %gather3A_341 : vector<16xf32>
          %swap3A_377 = arith.index_cast %scan3A_327 : i32 to index
          %swap3A_378 = arith.constant 48 : index
          %swap3A_379 = tpu.vector_load %arg15[%swap3A_377, %swap3A_378] {strides = array<i32>} : memref<128x80xf32, #tpu.memory_space<vmem>>, vector<1x16xf32>,
          %swap3A_380 = vector.shape_cast %swap3A_379 : vector<1x16xf32> to vector<16xf32>
          %swap3A_381 = vector.shape_cast %mul3A_376 : vector<16xf32> to vector<1x16xf32>
          tpu.vector_store %arg15[%swap3A_377, %swap3A_378], %swap3A_381 {strides = array<i32>} : memref<128x80xf32, #tpu.memory_space<vmem>>, vector<1x16xf32>,
          %get3A_382 = arith.index_cast %scan3A_327 : i32 to index
          %get3A_383 = arith.constant 64 : index
          %get3A_384 = tpu.vector_load %arg15[%get3A_382, %get3A_383] {strides = array<i32>} : memref<128x80xf32, #tpu.memory_space<vmem>>, vector<1x16xf32>,
          %get3A_385 = vector.shape_cast %get3A_384 : vector<1x16xf32> to vector<16xf32>
          %mul3A_386 = arith.mulf %get3A_385, %gather3A_341 : vector<16xf32>
          %swap3A_387 = arith.index_cast %scan3A_327 : i32 to index
          %swap3A_388 = arith.constant 64 : index
          %swap3A_389 = tpu.vector_load %arg15[%swap3A_387, %swap3A_388] {strides = array<i32>} : memref<128x80xf32, #tpu.memory_space<vmem>>, vector<1x16xf32>,
          %swap3A_390 = vector.shape_cast %swap3A_389 : vector<1x16xf32> to vector<16xf32>
          %swap3A_391 = vector.shape_cast %mul3A_386 : vector<16xf32> to vector<1x16xf32>
          tpu.vector_store %arg15[%swap3A_387, %swap3A_388], %swap3A_391 {strides = array<i32>} : memref<128x80xf32, #tpu.memory_space<vmem>>, vector<1x16xf32>,
          %scan3A_392 = arith.constant 0 : i32
          %scan3A_393 = arith.constant 3 : i32
          %scan3A_394 = arith.addi %scan3A_195, %scan3A_393 : i32
          %get3A_395 = arith.index_cast %scan3A_394 : i32 to index
          %get3A_396 = arith.constant 0 : index
          %get3A_397 = tpu.vector_load %arg13[%get3A_395, %get3A_396] {strides = array<i32>} : memref<128x16xf32, #tpu.memory_space<vmem>>, vector<1x16xf32>,
          %get3A_398 = vector.shape_cast %get3A_397 : vector<1x16xf32> to vector<16xf32>
          %lt3A_399 = arith.constant 0 : i32
          %lt3A_400 = vector.broadcast %lt3A_399 : i32 to vector<16xi32>
          %lt3A_401 = arith.cmpi slt, %broadcast_in_dim3A_47, %lt3A_400 : vector<16xi32>
          %add3A_402 = arith.constant 16 : i32
          %add3A_403 = vector.broadcast %add3A_402 : i32 to vector<16xi32>
          %add3A_404 = arith.addi %broadcast_in_dim3A_47, %add3A_403 : vector<16xi32>
          %select_n3A_405 = arith.select %lt3A_401, %add3A_404, %broadcast_in_dim3A_47 : vector<16xi1>, vector<16xi32>
          %broadcast_in_dim3A_406 = vector.shape_cast %select_n3A_405 : vector<16xi32> to vector<16x1xi32>
          %gather3A_407 = vector.shape_cast %broadcast_in_dim3A_406 : vector<16x1xi32> to vector<16xi32>
          %gather3A_408 = tpu.dynamic_gather %get3A_398[%gather3A_407] in [0] : vector<16xf32>, vector<16xi32> -> vector<16xf32>
          %get3A_409 = arith.index_cast %scan3A_394 : i32 to index
          %get3A_410 = arith.constant 0 : index
          %get3A_411 = tpu.vector_load %arg15[%get3A_409, %get3A_410] {strides = array<i32>} : memref<128x80xf32, #tpu.memory_space<vmem>>, vector<1x16xf32>,
          %get3A_412 = vector.shape_cast %get3A_411 : vector<1x16xf32> to vector<16xf32>
          %mul3A_413 = arith.mulf %get3A_412, %gather3A_408 : vector<16xf32>
          %swap3A_414 = arith.index_cast %scan3A_394 : i32 to index
          %swap3A_415 = arith.constant 0 : index
          %swap3A_416 = tpu.vector_load %arg15[%swap3A_414, %swap3A_415] {strides = array<i32>} : memref<128x80xf32, #tpu.memory_space<vmem>>, vector<1x16xf32>,
          %swap3A_417 = vector.shape_cast %swap3A_416 : vector<1x16xf32> to vector<16xf32>
          %swap3A_418 = vector.shape_cast %mul3A_413 : vector<16xf32> to vector<1x16xf32>
          tpu.vector_store %arg15[%swap3A_414, %swap3A_415], %swap3A_418 {strides = array<i32>} : memref<128x80xf32, #tpu.memory_space<vmem>>, vector<1x16xf32>,
          %get3A_419 = arith.index_cast %scan3A_394 : i32 to index
          %get3A_420 = arith.constant 16 : index
          %get3A_421 = tpu.vector_load %arg15[%get3A_419, %get3A_420] {strides = array<i32>} : memref<128x80xf32, #tpu.memory_space<vmem>>, vector<1x16xf32>,
          %get3A_422 = vector.shape_cast %get3A_421 : vector<1x16xf32> to vector<16xf32>
          %mul3A_423 = arith.mulf %get3A_422, %gather3A_408 : vector<16xf32>
          %swap3A_424 = arith.index_cast %scan3A_394 : i32 to index
          %swap3A_425 = arith.constant 16 : index
          %swap3A_426 = tpu.vector_load %arg15[%swap3A_424, %swap3A_425] {strides = array<i32>} : memref<128x80xf32, #tpu.memory_space<vmem>>, vector<1x16xf32>,
          %swap3A_427 = vector.shape_cast %swap3A_426 : vector<1x16xf32> to vector<16xf32>
          %swap3A_428 = vector.shape_cast %mul3A_423 : vector<16xf32> to vector<1x16xf32>
          tpu.vector_store %arg15[%swap3A_424, %swap3A_425], %swap3A_428 {strides = array<i32>} : memref<128x80xf32, #tpu.memory_space<vmem>>, vector<1x16xf32>,
          %get3A_429 = arith.index_cast %scan3A_394 : i32 to index
          %get3A_430 = arith.constant 32 : index
          %get3A_431 = tpu.vector_load %arg15[%get3A_429, %get3A_430] {strides = array<i32>} : memref<128x80xf32, #tpu.memory_space<vmem>>, vector<1x16xf32>,
          %get3A_432 = vector.shape_cast %get3A_431 : vector<1x16xf32> to vector<16xf32>
          %mul3A_433 = arith.mulf %get3A_432, %gather3A_408 : vector<16xf32>
          %swap3A_434 = arith.index_cast %scan3A_394 : i32 to index
          %swap3A_435 = arith.constant 32 : index
          %swap3A_436 = tpu.vector_load %arg15[%swap3A_434, %swap3A_435] {strides = array<i32>} : memref<128x80xf32, #tpu.memory_space<vmem>>, vector<1x16xf32>,
          %swap3A_437 = vector.shape_cast %swap3A_436 : vector<1x16xf32> to vector<16xf32>
          %swap3A_438 = vector.shape_cast %mul3A_433 : vector<16xf32> to vector<1x16xf32>
          tpu.vector_store %arg15[%swap3A_434, %swap3A_435], %swap3A_438 {strides = array<i32>} : memref<128x80xf32, #tpu.memory_space<vmem>>, vector<1x16xf32>,
          %get3A_439 = arith.index_cast %scan3A_394 : i32 to index
          %get3A_440 = arith.constant 48 : index
          %get3A_441 = tpu.vector_load %arg15[%get3A_439, %get3A_440] {strides = array<i32>} : memref<128x80xf32, #tpu.memory_space<vmem>>, vector<1x16xf32>,
          %get3A_442 = vector.shape_cast %get3A_441 : vector<1x16xf32> to vector<16xf32>
          %mul3A_443 = arith.mulf %get3A_442, %gather3A_408 : vector<16xf32>
          %swap3A_444 = arith.index_cast %scan3A_394 : i32 to index
          %swap3A_445 = arith.constant 48 : index
          %swap3A_446 = tpu.vector_load %arg15[%swap3A_444, %swap3A_445] {strides = array<i32>} : memref<128x80xf32, #tpu.memory_space<vmem>>, vector<1x16xf32>,
          %swap3A_447 = vector.shape_cast %swap3A_446 : vector<1x16xf32> to vector<16xf32>
          %swap3A_448 = vector.shape_cast %mul3A_443 : vector<16xf32> to vector<1x16xf32>
          tpu.vector_store %arg15[%swap3A_444, %swap3A_445], %swap3A_448 {strides = array<i32>} : memref<128x80xf32, #tpu.memory_space<vmem>>, vector<1x16xf32>,
          %get3A_449 = arith.index_cast %scan3A_394 : i32 to index
          %get3A_450 = arith.constant 64 : index
          %get3A_451 = tpu.vector_load %arg15[%get3A_449, %get3A_450] {strides = array<i32>} : memref<128x80xf32, #tpu.memory_space<vmem>>, vector<1x16xf32>,
          %get3A_452 = vector.shape_cast %get3A_451 : vector<1x16xf32> to vector<16xf32>
          %mul3A_453 = arith.mulf %get3A_452, %gather3A_408 : vector<16xf32>
          %swap3A_454 = arith.index_cast %scan3A_394 : i32 to index
          %swap3A_455 = arith.constant 64 : index
          %swap3A_456 = tpu.vector_load %arg15[%swap3A_454, %swap3A_455] {strides = array<i32>} : memref<128x80xf32, #tpu.memory_space<vmem>>, vector<1x16xf32>,
          %swap3A_457 = vector.shape_cast %swap3A_456 : vector<1x16xf32> to vector<16xf32>
          %swap3A_458 = vector.shape_cast %mul3A_453 : vector<16xf32> to vector<1x16xf32>
          tpu.vector_store %arg15[%swap3A_454, %swap3A_455], %swap3A_458 {strides = array<i32>} : memref<128x80xf32, #tpu.memory_space<vmem>>, vector<1x16xf32>,
          %scan3A_459 = arith.constant 0 : i32
          scf.yield %scan3A_459 : i32
        }
        %scan3A_140 = arith.constant 128 : i32
        %dma_start3A_141 = arith.constant 0 : i32
        %dma_start3A_142 = tpu.memref_slice %arg10[%mul3A_93, %dma_start3A_141] : memref<42x128xi32, #tpu.memory_space<vmem>> -> memref<1x128xi32, #tpu.memory_space<vmem>>
        %dma_start3A_143 = tpu.memref_squeeze %dma_start3A_142 : memref<1x128xi32, #tpu.memory_space<vmem>> -> memref<128xi32, #tpu.memory_space<vmem>>
        %dma_start3A_144 = arith.constant 0 : i32
        %dma_start3A_145 = arith.constant 0 : i32
        %dma_start3A_146 = tpu.memref_slice %arg18[%dma_start3A_144, %dma_start3A_145] : memref<10240x80xf32, #tpu.memory_space<vmem_shared>> -> memref<10240x80xf32, #tpu.memory_space<vmem_shared>>
        tpu.enqueue_indirect_dma source(%arg15 : memref<128x80xf32, #tpu.memory_space<vmem>>) target(%dma_start3A_146 : memref<10240x80xf32, #tpu.memory_space<vmem_shared>>) offsets(%dma_start3A_143 : memref<128xi32, #tpu.memory_space<vmem>>) semaphore(%arg23 : memref<!tpu.dma_semaphore, #tpu.memory_space<semaphore_mem>>) {add = true}
        %add3A_147 = arith.constant 1 : i32
        %add3A_148 = arith.addi %mul3A_93, %add3A_147 : i32
        %dma_wait3A_149 = arith.constant 0 : i32
        %dma_wait3A_150 = arith.constant 0 : i32
        %dma_wait3A_151 = tpu.memref_slice %arg8[%add3A, %add3A_148, %dma_wait3A_149, %dma_wait3A_150] : memref<32x42x128x16xf32, #tpu.memory_space<hbm>> -> memref<1x1x128x16xf32, #tpu.memory_space<hbm>>
        %dma_wait3A_152 = tpu.memref_squeeze %dma_wait3A_151 : memref<1x1x128x16xf32, #tpu.memory_space<hbm>> -> memref<128x16xf32, #tpu.memory_space<hbm>>
        %dma_wait3A_153 = arith.constant 0 : i32
        %dma_wait3A_154 = arith.constant 0 : i32
        %dma_wait3A_155 = tpu.memref_slice %arg8[%add3A, %add3A_148, %dma_wait3A_153, %dma_wait3A_154] : memref<32x42x128x16xf32, #tpu.memory_space<hbm>> -> memref<1x1x128x16xf32, #tpu.memory_space<hbm>>
        %dma_wait3A_156 = tpu.memref_squeeze %dma_wait3A_155 : memref<1x1x128x16xf32, #tpu.memory_space<hbm>> -> memref<128x16xf32, #tpu.memory_space<hbm>>
        tpu.wait_dma2 semaphore(%arg22 : memref<!tpu.dma_semaphore, #tpu.memory_space<semaphore_mem>>) src(%dma_wait3A_156 : memref<128x16xf32, #tpu.memory_space<hbm>>) dst(%arg14 : memref<128x16xf32, #tpu.memory_space<vmem>>)
        %dma_wait3A_157 = arith.constant 0 : i32
        %dma_wait3A_158 = tpu.memref_slice %arg9[%add3A_148, %dma_wait3A_157] : memref<42x128xi32, #tpu.memory_space<vmem>> -> memref<1x128xi32, #tpu.memory_space<vmem>>
        %dma_wait3A_159 = tpu.memref_squeeze %dma_wait3A_158 : memref<1x128xi32, #tpu.memory_space<vmem>> -> memref<128xi32, #tpu.memory_space<vmem>>
        %dma_wait3A_160 = arith.constant 0 : i32
        %dma_wait3A_161 = arith.constant 0 : i32
        %dma_wait3A_162 = tpu.memref_slice %arg2[%scan3A_22, %dma_wait3A_160, %dma_wait3A_161] : memref<2x10240x80xf32, #tpu.memory_space<hbm>> -> memref<1x10240x80xf32, #tpu.memory_space<hbm>>
        %dma_wait3A_163 = tpu.memref_squeeze %dma_wait3A_162 : memref<1x10240x80xf32, #tpu.memory_space<hbm>> -> memref<10240x80xf32, #tpu.memory_space<hbm>>
        %dma_wait3A_164 = arith.constant 0 : i32
        %dma_wait3A_165 = arith.constant 0 : i32
        %dma_wait3A_166 = tpu.memref_slice %dma_wait3A_163[%dma_wait3A_164, %dma_wait3A_165] : memref<10240x80xf32, #tpu.memory_space<hbm>> -> memref<10240x80xf32, #tpu.memory_space<hbm>>
        tpu.wait_indirect_dma semaphore(%arg20 : memref<!tpu.dma_semaphore, #tpu.memory_space<semaphore_mem>>) src(%dma_wait3A_166 : memref<10240x80xf32, #tpu.memory_space<hbm>>) dst(%arg16 : memref<128x80xf32, #tpu.memory_space<vmem>>)
        %scan3A_167 = arith.constant 0 : i32
        %scan3A_168 = arith.constant 0 : i32
        %scan3A_169 = arith.constant 128 : i32
        %scan3A_170 = arith.addi %scan3A_168, %scan3A_169 : i32
        %scan3A_171 = arith.constant 4 : i32
        %scan3A_172 = scf.for %scan3A_195 = %scan3A_168 to %scan3A_170 step %scan3A_171 iter_args(%scan3A_196 = %scan3A_167) -> (i32)  : i32 {
          %get3A = arith.index_cast %scan3A_195 : i32 to index
          %get3A_197 = arith.constant 0 : index
          %get3A_198 = tpu.vector_load %arg14[%get3A, %get3A_197] {strides = array<i32>} : memref<128x16xf32, #tpu.memory_space<vmem>>, vector<1x16xf32>,
          %get3A_199 = vector.shape_cast %get3A_198 : vector<1x16xf32> to vector<16xf32>
          %lt3A_200 = arith.constant 0 : i32
          %lt3A_201 = vector.broadcast %lt3A_200 : i32 to vector<16xi32>
          %lt3A_202 = arith.cmpi slt, %broadcast_in_dim3A_47, %lt3A_201 : vector<16xi32>
          %add3A_203 = arith.constant 16 : i32
          %add3A_204 = vector.broadcast %add3A_203 : i32 to vector<16xi32>
          %add3A_205 = arith.addi %broadcast_in_dim3A_47, %add3A_204 : vector<16xi32>
          %select_n3A_206 = arith.select %lt3A_202, %add3A_205, %broadcast_in_dim3A_47 : vector<16xi1>, vector<16xi32>
          %broadcast_in_dim3A_207 = vector.shape_cast %select_n3A_206 : vector<16xi32> to vector<16x1xi32>
          %gather3A = vector.shape_cast %broadcast_in_dim3A_207 : vector<16x1xi32> to vector<16xi32>
          %gather3A_208 = tpu.dynamic_gather %get3A_199[%gather3A] in [0] : vector<16xf32>, vector<16xi32> -> vector<16xf32>
          %get3A_209 = arith.index_cast %scan3A_195 : i32 to index
          %get3A_210 = arith.constant 0 : index
          %get3A_211 = tpu.vector_load %arg16[%get3A_209, %get3A_210] {strides = array<i32>} : memref<128x80xf32, #tpu.memory_space<vmem>>, vector<1x16xf32>,
          %get3A_212 = vector.shape_cast %get3A_211 : vector<1x16xf32> to vector<16xf32>
          %mul3A_213 = arith.mulf %get3A_212, %gather3A_208 : vector<16xf32>
          %swap3A = arith.index_cast %scan3A_195 : i32 to index
          %swap3A_214 = arith.constant 0 : index
          %swap3A_215 = tpu.vector_load %arg16[%swap3A, %swap3A_214] {strides = array<i32>} : memref<128x80xf32, #tpu.memory_space<vmem>>, vector<1x16xf32>,
          %swap3A_216 = vector.shape_cast %swap3A_215 : vector<1x16xf32> to vector<16xf32>
          %swap3A_217 = vector.shape_cast %mul3A_213 : vector<16xf32> to vector<1x16xf32>
          tpu.vector_store %arg16[%swap3A, %swap3A_214], %swap3A_217 {strides = array<i32>} : memref<128x80xf32, #tpu.memory_space<vmem>>, vector<1x16xf32>,
          %get3A_218 = arith.index_cast %scan3A_195 : i32 to index
          %get3A_219 = arith.constant 16 : index
          %get3A_220 = tpu.vector_load %arg16[%get3A_218, %get3A_219] {strides = array<i32>} : memref<128x80xf32, #tpu.memory_space<vmem>>, vector<1x16xf32>,
          %get3A_221 = vector.shape_cast %get3A_220 : vector<1x16xf32> to vector<16xf32>
          %mul3A_222 = arith.mulf %get3A_221, %gather3A_208 : vector<16xf32>
          %swap3A_223 = arith.index_cast %scan3A_195 : i32 to index
          %swap3A_224 = arith.constant 16 : index
          %swap3A_225 = tpu.vector_load %arg16[%swap3A_223, %swap3A_224] {strides = array<i32>} : memref<128x80xf32, #tpu.memory_space<vmem>>, vector<1x16xf32>,
          %swap3A_226 = vector.shape_cast %swap3A_225 : vector<1x16xf32> to vector<16xf32>
          %swap3A_227 = vector.shape_cast %mul3A_222 : vector<16xf32> to vector<1x16xf32>
          tpu.vector_store %arg16[%swap3A_223, %swap3A_224], %swap3A_227 {strides = array<i32>} : memref<128x80xf32, #tpu.memory_space<vmem>>, vector<1x16xf32>,
          %get3A_228 = arith.index_cast %scan3A_195 : i32 to index
          %get3A_229 = arith.constant 32 : index
          %get3A_230 = tpu.vector_load %arg16[%get3A_228, %get3A_229] {strides = array<i32>} : memref<128x80xf32, #tpu.memory_space<vmem>>, vector<1x16xf32>,
          %get3A_231 = vector.shape_cast %get3A_230 : vector<1x16xf32> to vector<16xf32>
          %mul3A_232 = arith.mulf %get3A_231, %gather3A_208 : vector<16xf32>
          %swap3A_233 = arith.index_cast %scan3A_195 : i32 to index
          %swap3A_234 = arith.constant 32 : index
          %swap3A_235 = tpu.vector_load %arg16[%swap3A_233, %swap3A_234] {strides = array<i32>} : memref<128x80xf32, #tpu.memory_space<vmem>>, vector<1x16xf32>,
          %swap3A_236 = vector.shape_cast %swap3A_235 : vector<1x16xf32> to vector<16xf32>
          %swap3A_237 = vector.shape_cast %mul3A_232 : vector<16xf32> to vector<1x16xf32>
          tpu.vector_store %arg16[%swap3A_233, %swap3A_234], %swap3A_237 {strides = array<i32>} : memref<128x80xf32, #tpu.memory_space<vmem>>, vector<1x16xf32>,
          %get3A_238 = arith.index_cast %scan3A_195 : i32 to index
          %get3A_239 = arith.constant 48 : index
          %get3A_240 = tpu.vector_load %arg16[%get3A_238, %get3A_239] {strides = array<i32>} : memref<128x80xf32, #tpu.memory_space<vmem>>, vector<1x16xf32>,
          %get3A_241 = vector.shape_cast %get3A_240 : vector<1x16xf32> to vector<16xf32>
          %mul3A_242 = arith.mulf %get3A_241, %gather3A_208 : vector<16xf32>
          %swap3A_243 = arith.index_cast %scan3A_195 : i32 to index
          %swap3A_244 = arith.constant 48 : index
          %swap3A_245 = tpu.vector_load %arg16[%swap3A_243, %swap3A_244] {strides = array<i32>} : memref<128x80xf32, #tpu.memory_space<vmem>>, vector<1x16xf32>,
          %swap3A_246 = vector.shape_cast %swap3A_245 : vector<1x16xf32> to vector<16xf32>
          %swap3A_247 = vector.shape_cast %mul3A_242 : vector<16xf32> to vector<1x16xf32>
          tpu.vector_store %arg16[%swap3A_243, %swap3A_244], %swap3A_247 {strides = array<i32>} : memref<128x80xf32, #tpu.memory_space<vmem>>, vector<1x16xf32>,
          %get3A_248 = arith.index_cast %scan3A_195 : i32 to index
          %get3A_249 = arith.constant 64 : index
          %get3A_250 = tpu.vector_load %arg16[%get3A_248, %get3A_249] {strides = array<i32>} : memref<128x80xf32, #tpu.memory_space<vmem>>, vector<1x16xf32>,
          %get3A_251 = vector.shape_cast %get3A_250 : vector<1x16xf32> to vector<16xf32>
          %mul3A_252 = arith.mulf %get3A_251, %gather3A_208 : vector<16xf32>
          %swap3A_253 = arith.index_cast %scan3A_195 : i32 to index
          %swap3A_254 = arith.constant 64 : index
          %swap3A_255 = tpu.vector_load %arg16[%swap3A_253, %swap3A_254] {strides = array<i32>} : memref<128x80xf32, #tpu.memory_space<vmem>>, vector<1x16xf32>,
          %swap3A_256 = vector.shape_cast %swap3A_255 : vector<1x16xf32> to vector<16xf32>
          %swap3A_257 = vector.shape_cast %mul3A_252 : vector<16xf32> to vector<1x16xf32>
          tpu.vector_store %arg16[%swap3A_253, %swap3A_254], %swap3A_257 {strides = array<i32>} : memref<128x80xf32, #tpu.memory_space<vmem>>, vector<1x16xf32>,
          %scan3A_258 = arith.constant 0 : i32
          %scan3A_259 = arith.constant 1 : i32
          %scan3A_260 = arith.addi %scan3A_195, %scan3A_259 : i32
          %get3A_261 = arith.index_cast %scan3A_260 : i32 to index
          %get3A_262 = arith.constant 0 : index
          %get3A_263 = tpu.vector_load %arg14[%get3A_261, %get3A_262] {strides = array<i32>} : memref<128x16xf32, #tpu.memory_space<vmem>>, vector<1x16xf32>,
          %get3A_264 = vector.shape_cast %get3A_263 : vector<1x16xf32> to vector<16xf32>
          %lt3A_265 = arith.constant 0 : i32
          %lt3A_266 = vector.broadcast %lt3A_265 : i32 to vector<16xi32>
          %lt3A_267 = arith.cmpi slt, %broadcast_in_dim3A_47, %lt3A_266 : vector<16xi32>
          %add3A_268 = arith.constant 16 : i32
          %add3A_269 = vector.broadcast %add3A_268 : i32 to vector<16xi32>
          %add3A_270 = arith.addi %broadcast_in_dim3A_47, %add3A_269 : vector<16xi32>
          %select_n3A_271 = arith.select %lt3A_267, %add3A_270, %broadcast_in_dim3A_47 : vector<16xi1>, vector<16xi32>
          %broadcast_in_dim3A_272 = vector.shape_cast %select_n3A_271 : vector<16xi32> to vector<16x1xi32>
          %gather3A_273 = vector.shape_cast %broadcast_in_dim3A_272 : vector<16x1xi32> to vector<16xi32>
          %gather3A_274 = tpu.dynamic_gather %get3A_264[%gather3A_273] in [0] : vector<16xf32>, vector<16xi32> -> vector<16xf32>
          %get3A_275 = arith.index_cast %scan3A_260 : i32 to index
          %get3A_276 = arith.constant 0 : index
          %get3A_277 = tpu.vector_load %arg16[%get3A_275, %get3A_276] {strides = array<i32>} : memref<128x80xf32, #tpu.memory_space<vmem>>, vector<1x16xf32>,
          %get3A_278 = vector.shape_cast %get3A_277 : vector<1x16xf32> to vector<16xf32>
          %mul3A_279 = arith.mulf %get3A_278, %gather3A_274 : vector<16xf32>
          %swap3A_280 = arith.index_cast %scan3A_260 : i32 to index
          %swap3A_281 = arith.constant 0 : index
          %swap3A_282 = tpu.vector_load %arg16[%swap3A_280, %swap3A_281] {strides = array<i32>} : memref<128x80xf32, #tpu.memory_space<vmem>>, vector<1x16xf32>,
          %swap3A_283 = vector.shape_cast %swap3A_282 : vector<1x16xf32> to vector<16xf32>
          %swap3A_284 = vector.shape_cast %mul3A_279 : vector<16xf32> to vector<1x16xf32>
          tpu.vector_store %arg16[%swap3A_280, %swap3A_281], %swap3A_284 {strides = array<i32>} : memref<128x80xf32, #tpu.memory_space<vmem>>, vector<1x16xf32>,
          %get3A_285 = arith.index_cast %scan3A_260 : i32 to index
          %get3A_286 = arith.constant 16 : index
          %get3A_287 = tpu.vector_load %arg16[%get3A_285, %get3A_286] {strides = array<i32>} : memref<128x80xf32, #tpu.memory_space<vmem>>, vector<1x16xf32>,
          %get3A_288 = vector.shape_cast %get3A_287 : vector<1x16xf32> to vector<16xf32>
          %mul3A_289 = arith.mulf %get3A_288, %gather3A_274 : vector<16xf32>
          %swap3A_290 = arith.index_cast %scan3A_260 : i32 to index
          %swap3A_291 = arith.constant 16 : index
          %swap3A_292 = tpu.vector_load %arg16[%swap3A_290, %swap3A_291] {strides = array<i32>} : memref<128x80xf32, #tpu.memory_space<vmem>>, vector<1x16xf32>,
          %swap3A_293 = vector.shape_cast %swap3A_292 : vector<1x16xf32> to vector<16xf32>
          %swap3A_294 = vector.shape_cast %mul3A_289 : vector<16xf32> to vector<1x16xf32>
          tpu.vector_store %arg16[%swap3A_290, %swap3A_291], %swap3A_294 {strides = array<i32>} : memref<128x80xf32, #tpu.memory_space<vmem>>, vector<1x16xf32>,
          %get3A_295 = arith.index_cast %scan3A_260 : i32 to index
          %get3A_296 = arith.constant 32 : index
          %get3A_297 = tpu.vector_load %arg16[%get3A_295, %get3A_296] {strides = array<i32>} : memref<128x80xf32, #tpu.memory_space<vmem>>, vector<1x16xf32>,
          %get3A_298 = vector.shape_cast %get3A_297 : vector<1x16xf32> to vector<16xf32>
          %mul3A_299 = arith.mulf %get3A_298, %gather3A_274 : vector<16xf32>
          %swap3A_300 = arith.index_cast %scan3A_260 : i32 to index
          %swap3A_301 = arith.constant 32 : index
          %swap3A_302 = tpu.vector_load %arg16[%swap3A_300, %swap3A_301] {strides = array<i32>} : memref<128x80xf32, #tpu.memory_space<vmem>>, vector<1x16xf32>,
          %swap3A_303 = vector.shape_cast %swap3A_302 : vector<1x16xf32> to vector<16xf32>
          %swap3A_304 = vector.shape_cast %mul3A_299 : vector<16xf32> to vector<1x16xf32>
          tpu.vector_store %arg16[%swap3A_300, %swap3A_301], %swap3A_304 {strides = array<i32>} : memref<128x80xf32, #tpu.memory_space<vmem>>, vector<1x16xf32>,
          %get3A_305 = arith.index_cast %scan3A_260 : i32 to index
          %get3A_306 = arith.constant 48 : index
          %get3A_307 = tpu.vector_load %arg16[%get3A_305, %get3A_306] {strides = array<i32>} : memref<128x80xf32, #tpu.memory_space<vmem>>, vector<1x16xf32>,
          %get3A_308 = vector.shape_cast %get3A_307 : vector<1x16xf32> to vector<16xf32>
          %mul3A_309 = arith.mulf %get3A_308, %gather3A_274 : vector<16xf32>
          %swap3A_310 = arith.index_cast %scan3A_260 : i32 to index
          %swap3A_311 = arith.constant 48 : index
          %swap3A_312 = tpu.vector_load %arg16[%swap3A_310, %swap3A_311] {strides = array<i32>} : memref<128x80xf32, #tpu.memory_space<vmem>>, vector<1x16xf32>,
          %swap3A_313 = vector.shape_cast %swap3A_312 : vector<1x16xf32> to vector<16xf32>
          %swap3A_314 = vector.shape_cast %mul3A_309 : vector<16xf32> to vector<1x16xf32>
          tpu.vector_store %arg16[%swap3A_310, %swap3A_311], %swap3A_314 {strides = array<i32>} : memref<128x80xf32, #tpu.memory_space<vmem>>, vector<1x16xf32>,
          %get3A_315 = arith.index_cast %scan3A_260 : i32 to index
          %get3A_316 = arith.constant 64 : index
          %get3A_317 = tpu.vector_load %arg16[%get3A_315, %get3A_316] {strides = array<i32>} : memref<128x80xf32, #tpu.memory_space<vmem>>, vector<1x16xf32>,
          %get3A_318 = vector.shape_cast %get3A_317 : vector<1x16xf32> to vector<16xf32>
          %mul3A_319 = arith.mulf %get3A_318, %gather3A_274 : vector<16xf32>
          %swap3A_320 = arith.index_cast %scan3A_260 : i32 to index
          %swap3A_321 = arith.constant 64 : index
          %swap3A_322 = tpu.vector_load %arg16[%swap3A_320, %swap3A_321] {strides = array<i32>} : memref<128x80xf32, #tpu.memory_space<vmem>>, vector<1x16xf32>,
          %swap3A_323 = vector.shape_cast %swap3A_322 : vector<1x16xf32> to vector<16xf32>
          %swap3A_324 = vector.shape_cast %mul3A_319 : vector<16xf32> to vector<1x16xf32>
          tpu.vector_store %arg16[%swap3A_320, %swap3A_321], %swap3A_324 {strides = array<i32>} : memref<128x80xf32, #tpu.memory_space<vmem>>, vector<1x16xf32>,
          %scan3A_325 = arith.constant 0 : i32
          %scan3A_326 = arith.constant 2 : i32
          %scan3A_327 = arith.addi %scan3A_195, %scan3A_326 : i32
          %get3A_328 = arith.index_cast %scan3A_327 : i32 to index
          %get3A_329 = arith.constant 0 : index
          %get3A_330 = tpu.vector_load %arg14[%get3A_328, %get3A_329] {strides = array<i32>} : memref<128x16xf32, #tpu.memory_space<vmem>>, vector<1x16xf32>,
          %get3A_331 = vector.shape_cast %get3A_330 : vector<1x16xf32> to vector<16xf32>
          %lt3A_332 = arith.constant 0 : i32
          %lt3A_333 = vector.broadcast %lt3A_332 : i32 to vector<16xi32>
          %lt3A_334 = arith.cmpi slt, %broadcast_in_dim3A_47, %lt3A_333 : vector<16xi32>
          %add3A_335 = arith.constant 16 : i32
          %add3A_336 = vector.broadcast %add3A_335 : i32 to vector<16xi32>
          %add3A_337 = arith.addi %broadcast_in_dim3A_47, %add3A_336 : vector<16xi32>
          %select_n3A_338 = arith.select %lt3A_334, %add3A_337, %broadcast_in_dim3A_47 : vector<16xi1>, vector<16xi32>
          %broadcast_in_dim3A_339 = vector.shape_cast %select_n3A_338 : vector<16xi32> to vector<16x1xi32>
          %gather3A_340 = vector.shape_cast %broadcast_in_dim3A_339 : vector<16x1xi32> to vector<16xi32>
          %gather3A_341 = tpu.dynamic_gather %get3A_331[%gather3A_340] in [0] : vector<16xf32>, vector<16xi32> -> vector<16xf32>
          %get3A_342 = arith.index_cast %scan3A_327 : i32 to index
          %get3A_343 = arith.constant 0 : index
          %get3A_344 = tpu.vector_load %arg16[%get3A_342, %get3A_343] {strides = array<i32>} : memref<128x80xf32, #tpu.memory_space<vmem>>, vector<1x16xf32>,
          %get3A_345 = vector.shape_cast %get3A_344 : vector<1x16xf32> to vector<16xf32>
          %mul3A_346 = arith.mulf %get3A_345, %gather3A_341 : vector<16xf32>
          %swap3A_347 = arith.index_cast %scan3A_327 : i32 to index
          %swap3A_348 = arith.constant 0 : index
          %swap3A_349 = tpu.vector_load %arg16[%swap3A_347, %swap3A_348] {strides = array<i32>} : memref<128x80xf32, #tpu.memory_space<vmem>>, vector<1x16xf32>,
          %swap3A_350 = vector.shape_cast %swap3A_349 : vector<1x16xf32> to vector<16xf32>
          %swap3A_351 = vector.shape_cast %mul3A_346 : vector<16xf32> to vector<1x16xf32>
          tpu.vector_store %arg16[%swap3A_347, %swap3A_348], %swap3A_351 {strides = array<i32>} : memref<128x80xf32, #tpu.memory_space<vmem>>, vector<1x16xf32>,
          %get3A_352 = arith.index_cast %scan3A_327 : i32 to index
          %get3A_353 = arith.constant 16 : index
          %get3A_354 = tpu.vector_load %arg16[%get3A_352, %get3A_353] {strides = array<i32>} : memref<128x80xf32, #tpu.memory_space<vmem>>, vector<1x16xf32>,
          %get3A_355 = vector.shape_cast %get3A_354 : vector<1x16xf32> to vector<16xf32>
          %mul3A_356 = arith.mulf %get3A_355, %gather3A_341 : vector<16xf32>
          %swap3A_357 = arith.index_cast %scan3A_327 : i32 to index
          %swap3A_358 = arith.constant 16 : index
          %swap3A_359 = tpu.vector_load %arg16[%swap3A_357, %swap3A_358] {strides = array<i32>} : memref<128x80xf32, #tpu.memory_space<vmem>>, vector<1x16xf32>,
          %swap3A_360 = vector.shape_cast %swap3A_359 : vector<1x16xf32> to vector<16xf32>
          %swap3A_361 = vector.shape_cast %mul3A_356 : vector<16xf32> to vector<1x16xf32>
          tpu.vector_store %arg16[%swap3A_357, %swap3A_358], %swap3A_361 {strides = array<i32>} : memref<128x80xf32, #tpu.memory_space<vmem>>, vector<1x16xf32>,
          %get3A_362 = arith.index_cast %scan3A_327 : i32 to index
          %get3A_363 = arith.constant 32 : index
          %get3A_364 = tpu.vector_load %arg16[%get3A_362, %get3A_363] {strides = array<i32>} : memref<128x80xf32, #tpu.memory_space<vmem>>, vector<1x16xf32>,
          %get3A_365 = vector.shape_cast %get3A_364 : vector<1x16xf32> to vector<16xf32>
          %mul3A_366 = arith.mulf %get3A_365, %gather3A_341 : vector<16xf32>
          %swap3A_367 = arith.index_cast %scan3A_327 : i32 to index
          %swap3A_368 = arith.constant 32 : index
          %swap3A_369 = tpu.vector_load %arg16[%swap3A_367, %swap3A_368] {strides = array<i32>} : memref<128x80xf32, #tpu.memory_space<vmem>>, vector<1x16xf32>,
          %swap3A_370 = vector.shape_cast %swap3A_369 : vector<1x16xf32> to vector<16xf32>
          %swap3A_371 = vector.shape_cast %mul3A_366 : vector<16xf32> to vector<1x16xf32>
          tpu.vector_store %arg16[%swap3A_367, %swap3A_368], %swap3A_371 {strides = array<i32>} : memref<128x80xf32, #tpu.memory_space<vmem>>, vector<1x16xf32>,
          %get3A_372 = arith.index_cast %scan3A_327 : i32 to index
          %get3A_373 = arith.constant 48 : index
          %get3A_374 = tpu.vector_load %arg16[%get3A_372, %get3A_373] {strides = array<i32>} : memref<128x80xf32, #tpu.memory_space<vmem>>, vector<1x16xf32>,
          %get3A_375 = vector.shape_cast %get3A_374 : vector<1x16xf32> to vector<16xf32>
          %mul3A_376 = arith.mulf %get3A_375, %gather3A_341 : vector<16xf32>
          %swap3A_377 = arith.index_cast %scan3A_327 : i32 to index
          %swap3A_378 = arith.constant 48 : index
          %swap3A_379 = tpu.vector_load %arg16[%swap3A_377, %swap3A_378] {strides = array<i32>} : memref<128x80xf32, #tpu.memory_space<vmem>>, vector<1x16xf32>,
          %swap3A_380 = vector.shape_cast %swap3A_379 : vector<1x16xf32> to vector<16xf32>
          %swap3A_381 = vector.shape_cast %mul3A_376 : vector<16xf32> to vector<1x16xf32>
          tpu.vector_store %arg16[%swap3A_377, %swap3A_378], %swap3A_381 {strides = array<i32>} : memref<128x80xf32, #tpu.memory_space<vmem>>, vector<1x16xf32>,
          %get3A_382 = arith.index_cast %scan3A_327 : i32 to index
          %get3A_383 = arith.constant 64 : index
          %get3A_384 = tpu.vector_load %arg16[%get3A_382, %get3A_383] {strides = array<i32>} : memref<128x80xf32, #tpu.memory_space<vmem>>, vector<1x16xf32>,
          %get3A_385 = vector.shape_cast %get3A_384 : vector<1x16xf32> to vector<16xf32>
          %mul3A_386 = arith.mulf %get3A_385, %gather3A_341 : vector<16xf32>
          %swap3A_387 = arith.index_cast %scan3A_327 : i32 to index
          %swap3A_388 = arith.constant 64 : index
          %swap3A_389 = tpu.vector_load %arg16[%swap3A_387, %swap3A_388] {strides = array<i32>} : memref<128x80xf32, #tpu.memory_space<vmem>>, vector<1x16xf32>,
          %swap3A_390 = vector.shape_cast %swap3A_389 : vector<1x16xf32> to vector<16xf32>
          %swap3A_391 = vector.shape_cast %mul3A_386 : vector<16xf32> to vector<1x16xf32>
          tpu.vector_store %arg16[%swap3A_387, %swap3A_388], %swap3A_391 {strides = array<i32>} : memref<128x80xf32, #tpu.memory_space<vmem>>, vector<1x16xf32>,
          %scan3A_392 = arith.constant 0 : i32
          %scan3A_393 = arith.constant 3 : i32
          %scan3A_394 = arith.addi %scan3A_195, %scan3A_393 : i32
          %get3A_395 = arith.index_cast %scan3A_394 : i32 to index
          %get3A_396 = arith.constant 0 : index
          %get3A_397 = tpu.vector_load %arg14[%get3A_395, %get3A_396] {strides = array<i32>} : memref<128x16xf32, #tpu.memory_space<vmem>>, vector<1x16xf32>,
          %get3A_398 = vector.shape_cast %get3A_397 : vector<1x16xf32> to vector<16xf32>
          %lt3A_399 = arith.constant 0 : i32
          %lt3A_400 = vector.broadcast %lt3A_399 : i32 to vector<16xi32>
          %lt3A_401 = arith.cmpi slt, %broadcast_in_dim3A_47, %lt3A_400 : vector<16xi32>
          %add3A_402 = arith.constant 16 : i32
          %add3A_403 = vector.broadcast %add3A_402 : i32 to vector<16xi32>
          %add3A_404 = arith.addi %broadcast_in_dim3A_47, %add3A_403 : vector<16xi32>
          %select_n3A_405 = arith.select %lt3A_401, %add3A_404, %broadcast_in_dim3A_47 : vector<16xi1>, vector<16xi32>
          %broadcast_in_dim3A_406 = vector.shape_cast %select_n3A_405 : vector<16xi32> to vector<16x1xi32>
          %gather3A_407 = vector.shape_cast %broadcast_in_dim3A_406 : vector<16x1xi32> to vector<16xi32>
          %gather3A_408 = tpu.dynamic_gather %get3A_398[%gather3A_407] in [0] : vector<16xf32>, vector<16xi32> -> vector<16xf32>
          %get3A_409 = arith.index_cast %scan3A_394 : i32 to index
          %get3A_410 = arith.constant 0 : index
          %get3A_411 = tpu.vector_load %arg16[%get3A_409, %get3A_410] {strides = array<i32>} : memref<128x80xf32, #tpu.memory_space<vmem>>, vector<1x16xf32>,
          %get3A_412 = vector.shape_cast %get3A_411 : vector<1x16xf32> to vector<16xf32>
          %mul3A_413 = arith.mulf %get3A_412, %gather3A_408 : vector<16xf32>
          %swap3A_414 = arith.index_cast %scan3A_394 : i32 to index
          %swap3A_415 = arith.constant 0 : index
          %swap3A_416 = tpu.vector_load %arg16[%swap3A_414, %swap3A_415] {strides = array<i32>} : memref<128x80xf32, #tpu.memory_space<vmem>>, vector<1x16xf32>,
          %swap3A_417 = vector.shape_cast %swap3A_416 : vector<1x16xf32> to vector<16xf32>
          %swap3A_418 = vector.shape_cast %mul3A_413 : vector<16xf32> to vector<1x16xf32>
          tpu.vector_store %arg16[%swap3A_414, %swap3A_415], %swap3A_418 {strides = array<i32>} : memref<128x80xf32, #tpu.memory_space<vmem>>, vector<1x16xf32>,
          %get3A_419 = arith.index_cast %scan3A_394 : i32 to index
          %get3A_420 = arith.constant 16 : index
          %get3A_421 = tpu.vector_load %arg16[%get3A_419, %get3A_420] {strides = array<i32>} : memref<128x80xf32, #tpu.memory_space<vmem>>, vector<1x16xf32>,
          %get3A_422 = vector.shape_cast %get3A_421 : vector<1x16xf32> to vector<16xf32>
          %mul3A_423 = arith.mulf %get3A_422, %gather3A_408 : vector<16xf32>
          %swap3A_424 = arith.index_cast %scan3A_394 : i32 to index
          %swap3A_425 = arith.constant 16 : index
          %swap3A_426 = tpu.vector_load %arg16[%swap3A_424, %swap3A_425] {strides = array<i32>} : memref<128x80xf32, #tpu.memory_space<vmem>>, vector<1x16xf32>,
          %swap3A_427 = vector.shape_cast %swap3A_426 : vector<1x16xf32> to vector<16xf32>
          %swap3A_428 = vector.shape_cast %mul3A_423 : vector<16xf32> to vector<1x16xf32>
          tpu.vector_store %arg16[%swap3A_424, %swap3A_425], %swap3A_428 {strides = array<i32>} : memref<128x80xf32, #tpu.memory_space<vmem>>, vector<1x16xf32>,
          %get3A_429 = arith.index_cast %scan3A_394 : i32 to index
          %get3A_430 = arith.constant 32 : index
          %get3A_431 = tpu.vector_load %arg16[%get3A_429, %get3A_430] {strides = array<i32>} : memref<128x80xf32, #tpu.memory_space<vmem>>, vector<1x16xf32>,
          %get3A_432 = vector.shape_cast %get3A_431 : vector<1x16xf32> to vector<16xf32>
          %mul3A_433 = arith.mulf %get3A_432, %gather3A_408 : vector<16xf32>
          %swap3A_434 = arith.index_cast %scan3A_394 : i32 to index
          %swap3A_435 = arith.constant 32 : index
          %swap3A_436 = tpu.vector_load %arg16[%swap3A_434, %swap3A_435] {strides = array<i32>} : memref<128x80xf32, #tpu.memory_space<vmem>>, vector<1x16xf32>,
          %swap3A_437 = vector.shape_cast %swap3A_436 : vector<1x16xf32> to vector<16xf32>
          %swap3A_438 = vector.shape_cast %mul3A_433 : vector<16xf32> to vector<1x16xf32>
          tpu.vector_store %arg16[%swap3A_434, %swap3A_435], %swap3A_438 {strides = array<i32>} : memref<128x80xf32, #tpu.memory_space<vmem>>, vector<1x16xf32>,
          %get3A_439 = arith.index_cast %scan3A_394 : i32 to index
          %get3A_440 = arith.constant 48 : index
          %get3A_441 = tpu.vector_load %arg16[%get3A_439, %get3A_440] {strides = array<i32>} : memref<128x80xf32, #tpu.memory_space<vmem>>, vector<1x16xf32>,
          %get3A_442 = vector.shape_cast %get3A_441 : vector<1x16xf32> to vector<16xf32>
          %mul3A_443 = arith.mulf %get3A_442, %gather3A_408 : vector<16xf32>
          %swap3A_444 = arith.index_cast %scan3A_394 : i32 to index
          %swap3A_445 = arith.constant 48 : index
          %swap3A_446 = tpu.vector_load %arg16[%swap3A_444, %swap3A_445] {strides = array<i32>} : memref<128x80xf32, #tpu.memory_space<vmem>>, vector<1x16xf32>,
          %swap3A_447 = vector.shape_cast %swap3A_446 : vector<1x16xf32> to vector<16xf32>
          %swap3A_448 = vector.shape_cast %mul3A_443 : vector<16xf32> to vector<1x16xf32>
          tpu.vector_store %arg16[%swap3A_444, %swap3A_445], %swap3A_448 {strides = array<i32>} : memref<128x80xf32, #tpu.memory_space<vmem>>, vector<1x16xf32>,
          %get3A_449 = arith.index_cast %scan3A_394 : i32 to index
          %get3A_450 = arith.constant 64 : index
          %get3A_451 = tpu.vector_load %arg16[%get3A_449, %get3A_450] {strides = array<i32>} : memref<128x80xf32, #tpu.memory_space<vmem>>, vector<1x16xf32>,
          %get3A_452 = vector.shape_cast %get3A_451 : vector<1x16xf32> to vector<16xf32>
          %mul3A_453 = arith.mulf %get3A_452, %gather3A_408 : vector<16xf32>
          %swap3A_454 = arith.index_cast %scan3A_394 : i32 to index
          %swap3A_455 = arith.constant 64 : index
          %swap3A_456 = tpu.vector_load %arg16[%swap3A_454, %swap3A_455] {strides = array<i32>} : memref<128x80xf32, #tpu.memory_space<vmem>>, vector<1x16xf32>,
          %swap3A_457 = vector.shape_cast %swap3A_456 : vector<1x16xf32> to vector<16xf32>
          %swap3A_458 = vector.shape_cast %mul3A_453 : vector<16xf32> to vector<1x16xf32>
          tpu.vector_store %arg16[%swap3A_454, %swap3A_455], %swap3A_458 {strides = array<i32>} : memref<128x80xf32, #tpu.memory_space<vmem>>, vector<1x16xf32>,
          %scan3A_459 = arith.constant 0 : i32
          scf.yield %scan3A_459 : i32
        }
        %scan3A_173 = arith.constant 128 : i32
        %dma_wait3A_174 = arith.constant 0 : i32
        %dma_wait3A_175 = tpu.memref_slice %arg10[%mul3A_93, %dma_wait3A_174] : memref<42x128xi32, #tpu.memory_space<vmem>> -> memref<1x128xi32, #tpu.memory_space<vmem>>
        %dma_wait3A_176 = tpu.memref_squeeze %dma_wait3A_175 : memref<1x128xi32, #tpu.memory_space<vmem>> -> memref<128xi32, #tpu.memory_space<vmem>>
        %dma_wait3A_177 = arith.constant 0 : i32
        %dma_wait3A_178 = arith.constant 0 : i32
        %dma_wait3A_179 = tpu.memref_slice %arg18[%dma_wait3A_177, %dma_wait3A_178] : memref<10240x80xf32, #tpu.memory_space<vmem_shared>> -> memref<10240x80xf32, #tpu.memory_space<vmem_shared>>
        tpu.wait_indirect_dma semaphore(%arg23 : memref<!tpu.dma_semaphore, #tpu.memory_space<semaphore_mem>>) src(%arg15 : memref<128x80xf32, #tpu.memory_space<vmem>>) dst(%dma_wait3A_179 : memref<10240x80xf32, #tpu.memory_space<vmem_shared>>)
        %add3A_180 = arith.constant 2 : i32
        %add3A_181 = arith.addi %mul3A_93, %add3A_180 : i32
        %lt3A = arith.constant 42 : i32
        %lt3A_182 = arith.cmpi slt, %add3A_181, %lt3A : i32
        %convert_element_type3A_183 = arith.extui %lt3A_182 : i1 to i32
        %cond3A_184 = arith.constant 0 : i32
        %cond3A_185 = arith.cmpi ne, %convert_element_type3A_183, %cond3A_184 : i32
        scf.if %cond3A_185 {
          %add3A_195 = arith.constant 2 : i32
          %add3A_196 = arith.addi %mul3A_93, %add3A_195 : i32
          %dma_start3A_197 = arith.constant 0 : i32
          %dma_start3A_198 = arith.constant 0 : i32
          %dma_start3A_199 = tpu.memref_slice %arg8[%add3A, %add3A_196, %dma_start3A_197, %dma_start3A_198] : memref<32x42x128x16xf32, #tpu.memory_space<hbm>> -> memref<1x1x128x16xf32, #tpu.memory_space<hbm>>
          %dma_start3A_200 = tpu.memref_squeeze %dma_start3A_199 : memref<1x1x128x16xf32, #tpu.memory_space<hbm>> -> memref<128x16xf32, #tpu.memory_space<hbm>>
          %dma_start3A_201 = arith.constant 0 : i32
          %dma_start3A_202 = arith.constant 0 : i32
          %dma_start3A_203 = tpu.memref_slice %arg8[%add3A, %add3A_196, %dma_start3A_201, %dma_start3A_202] : memref<32x42x128x16xf32, #tpu.memory_space<hbm>> -> memref<1x1x128x16xf32, #tpu.memory_space<hbm>>
          %dma_start3A_204 = tpu.memref_squeeze %dma_start3A_203 : memref<1x1x128x16xf32, #tpu.memory_space<hbm>> -> memref<128x16xf32, #tpu.memory_space<hbm>>
          tpu.enqueue_dma source(%dma_start3A_204 : memref<128x16xf32, #tpu.memory_space<hbm>>) target(%arg13 : memref<128x16xf32, #tpu.memory_space<vmem>>) target_semaphore(%arg21 : memref<!tpu.dma_semaphore, #tpu.memory_space<semaphore_mem>>)
          %dma_start3A_205 = arith.constant 0 : i32
          %dma_start3A_206 = tpu.memref_slice %arg9[%add3A_196, %dma_start3A_205] : memref<42x128xi32, #tpu.memory_space<vmem>> -> memref<1x128xi32, #tpu.memory_space<vmem>>
          %dma_start3A_207 = tpu.memref_squeeze %dma_start3A_206 : memref<1x128xi32, #tpu.memory_space<vmem>> -> memref<128xi32, #tpu.memory_space<vmem>>
          %dma_start3A_208 = arith.constant 0 : i32
          %dma_start3A_209 = arith.constant 0 : i32
          %dma_start3A_210 = tpu.memref_slice %arg2[%scan3A_22, %dma_start3A_208, %dma_start3A_209] : memref<2x10240x80xf32, #tpu.memory_space<hbm>> -> memref<1x10240x80xf32, #tpu.memory_space<hbm>>
          %dma_start3A_211 = tpu.memref_squeeze %dma_start3A_210 : memref<1x10240x80xf32, #tpu.memory_space<hbm>> -> memref<10240x80xf32, #tpu.memory_space<hbm>>
          %dma_start3A_212 = arith.constant 0 : i32
          %dma_start3A_213 = arith.constant 0 : i32
          %dma_start3A_214 = tpu.memref_slice %dma_start3A_211[%dma_start3A_212, %dma_start3A_213] : memref<10240x80xf32, #tpu.memory_space<hbm>> -> memref<10240x80xf32, #tpu.memory_space<hbm>>
          tpu.enqueue_indirect_dma source(%dma_start3A_214 : memref<10240x80xf32, #tpu.memory_space<hbm>>) target(%arg15 : memref<128x80xf32, #tpu.memory_space<vmem>>) offsets(%dma_start3A_207 : memref<128xi32, #tpu.memory_space<vmem>>) semaphore(%arg19 : memref<!tpu.dma_semaphore, #tpu.memory_space<semaphore_mem>>)
        } else {
        }
        %add3A_186 = arith.constant 1 : i32
        %add3A_187 = arith.addi %mul3A_93, %add3A_186 : i32
        %dma_start3A_188 = arith.constant 0 : i32
        %dma_start3A_189 = tpu.memref_slice %arg10[%add3A_187, %dma_start3A_188] : memref<42x128xi32, #tpu.memory_space<vmem>> -> memref<1x128xi32, #tpu.memory_space<vmem>>
        %dma_start3A_190 = tpu.memref_squeeze %dma_start3A_189 : memref<1x128xi32, #tpu.memory_space<vmem>> -> memref<128xi32, #tpu.memory_space<vmem>>
        %dma_start3A_191 = arith.constant 0 : i32
        %dma_start3A_192 = arith.constant 0 : i32
        %dma_start3A_193 = tpu.memref_slice %arg18[%dma_start3A_191, %dma_start3A_192] : memref<10240x80xf32, #tpu.memory_space<vmem_shared>> -> memref<10240x80xf32, #tpu.memory_space<vmem_shared>>
        tpu.enqueue_indirect_dma source(%arg16 : memref<128x80xf32, #tpu.memory_space<vmem>>) target(%dma_start3A_193 : memref<10240x80xf32, #tpu.memory_space<vmem_shared>>) offsets(%dma_start3A_190 : memref<128xi32, #tpu.memory_space<vmem>>) semaphore(%arg24 : memref<!tpu.dma_semaphore, #tpu.memory_space<semaphore_mem>>) {add = true}
        %scan3A_194 = arith.constant 0 : i32
        scf.yield %scan3A_194 : i32
      }
      %scan3A_73 = arith.constant 21 : i32
      %dma_wait3A = arith.constant 41 : i32
      %dma_wait3A_74 = arith.constant 0 : i32
      %dma_wait3A_75 = tpu.memref_slice %arg10[%dma_wait3A, %dma_wait3A_74] : memref<42x128xi32, #tpu.memory_space<vmem>> -> memref<1x128xi32, #tpu.memory_space<vmem>>
      %dma_wait3A_76 = tpu.memref_squeeze %dma_wait3A_75 : memref<1x128xi32, #tpu.memory_space<vmem>> -> memref<128xi32, #tpu.memory_space<vmem>>
      %dma_wait3A_77 = arith.constant 0 : i32
      %dma_wait3A_78 = arith.constant 0 : i32
      %dma_wait3A_79 = tpu.memref_slice %arg18[%dma_wait3A_77, %dma_wait3A_78] : memref<10240x80xf32, #tpu.memory_space<vmem_shared>> -> memref<10240x80xf32, #tpu.memory_space<vmem_shared>>
      tpu.wait_indirect_dma semaphore(%arg24 : memref<!tpu.dma_semaphore, #tpu.memory_space<semaphore_mem>>) src(%arg16 : memref<128x80xf32, #tpu.memory_space<vmem>>) dst(%dma_wait3A_79 : memref<10240x80xf32, #tpu.memory_space<vmem_shared>>)
      %barrier3A_80 = arith.constant 0 : index
      tpu.barrier barrier_id(%barrier3A_80)
      %scan3A_81 = arith.constant 0 : i32
      %scan3A_82 = arith.constant 0 : i32
      %scan3A_83 = arith.constant 5 : i32
      %scan3A_84 = arith.addi %scan3A_82, %scan3A_83 : i32
      %scan3A_85 = arith.constant 1 : i32
      %scan3A_86 = scf.for %scan3A_90 = %scan3A_82 to %scan3A_84 step %scan3A_85 iter_args(%scan3A_91 = %scan3A_81) -> (i32)  : i32 {
        %mul3A_92 = arith.constant 640 : i32
        %mul3A_93 = arith.muli %arg1, %mul3A_92 : i32
        %mul3A_94 = arith.constant 128 : i32
        %mul3A_95 = arith.muli %scan3A_90, %mul3A_94 : i32
        %add3A_96 = arith.addi %mul3A_93, %mul3A_95 : i32
        "tpu.region"() ({
          %run_scoped3A = tpu.sem_alloc : memref<!tpu.dma_semaphore, #tpu.memory_space<semaphore_mem>>
          %dma_start3A_98 = arith.constant 0 : i32
          %dma_start3A_99 = tpu.memref_slice %arg18[%add3A_96, %dma_start3A_98] : memref<10240x80xf32, #tpu.memory_space<vmem_shared>> -> memref<128x80xf32, #tpu.memory_space<vmem_shared>>
          %dma_start3A_100 = arith.constant 0 : i32
          %dma_start3A_101 = tpu.memref_slice %arg18[%add3A_96, %dma_start3A_100] : memref<10240x80xf32, #tpu.memory_space<vmem_shared>> -> memref<128x80xf32, #tpu.memory_space<vmem_shared>>
          tpu.enqueue_dma source(%dma_start3A_101 : memref<128x80xf32, #tpu.memory_space<vmem_shared>>) target(%arg15 : memref<128x80xf32, #tpu.memory_space<vmem>>) target_semaphore(%run_scoped3A : memref<!tpu.dma_semaphore, #tpu.memory_space<semaphore_mem>>)
          %dma_wait3A_102 = arith.constant 0 : i32
          %dma_wait3A_103 = tpu.memref_slice %arg18[%add3A_96, %dma_wait3A_102] : memref<10240x80xf32, #tpu.memory_space<vmem_shared>> -> memref<128x80xf32, #tpu.memory_space<vmem_shared>>
          %dma_wait3A_104 = arith.constant 0 : i32
          %dma_wait3A_105 = tpu.memref_slice %arg18[%add3A_96, %dma_wait3A_104] : memref<10240x80xf32, #tpu.memory_space<vmem_shared>> -> memref<128x80xf32, #tpu.memory_space<vmem_shared>>
          tpu.wait_dma2 semaphore(%run_scoped3A : memref<!tpu.dma_semaphore, #tpu.memory_space<semaphore_mem>>) src(%dma_wait3A_105 : memref<128x80xf32, #tpu.memory_space<vmem_shared>>) dst(%arg15 : memref<128x80xf32, #tpu.memory_space<vmem>>)
          tpu.yield
        }) : () -> ()
        "tpu.region"() ({
          %run_scoped3A = tpu.sem_alloc : memref<!tpu.dma_semaphore, #tpu.memory_space<semaphore_mem>>
          %dma_start3A_98 = arith.constant 0 : i32
          %dma_start3A_99 = arith.constant 0 : i32
          %dma_start3A_100 = tpu.memref_slice %arg7[%arg0, %scan3A_22, %dma_start3A_98, %dma_start3A_99] : memref<2x2x10240x80xf32, #tpu.memory_space<hbm>> -> memref<1x1x10240x80xf32, #tpu.memory_space<hbm>>
          %dma_start3A_101 = tpu.memref_squeeze %dma_start3A_100 : memref<1x1x10240x80xf32, #tpu.memory_space<hbm>> -> memref<10240x80xf32, #tpu.memory_space<hbm>>
          %dma_start3A_102 = arith.constant 0 : i32
          %dma_start3A_103 = tpu.memref_slice %dma_start3A_101[%add3A_96, %dma_start3A_102] : memref<10240x80xf32, #tpu.memory_space<hbm>> -> memref<128x80xf32, #tpu.memory_space<hbm>>
          %dma_start3A_104 = arith.constant 0 : i32
          %dma_start3A_105 = arith.constant 0 : i32
          %dma_start3A_106 = tpu.memref_slice %arg7[%arg0, %scan3A_22, %dma_start3A_104, %dma_start3A_105] : memref<2x2x10240x80xf32, #tpu.memory_space<hbm>> -> memref<1x1x10240x80xf32, #tpu.memory_space<hbm>>
          %dma_start3A_107 = tpu.memref_squeeze %dma_start3A_106 : memref<1x1x10240x80xf32, #tpu.memory_space<hbm>> -> memref<10240x80xf32, #tpu.memory_space<hbm>>
          %dma_start3A_108 = arith.constant 0 : i32
          %dma_start3A_109 = tpu.memref_slice %dma_start3A_107[%add3A_96, %dma_start3A_108] : memref<10240x80xf32, #tpu.memory_space<hbm>> -> memref<128x80xf32, #tpu.memory_space<hbm>>
          tpu.enqueue_dma source(%arg15 : memref<128x80xf32, #tpu.memory_space<vmem>>) target(%dma_start3A_109 : memref<128x80xf32, #tpu.memory_space<hbm>>) target_semaphore(%run_scoped3A : memref<!tpu.dma_semaphore, #tpu.memory_space<semaphore_mem>>)
          %dma_wait3A_110 = arith.constant 0 : i32
          %dma_wait3A_111 = arith.constant 0 : i32
          %dma_wait3A_112 = tpu.memref_slice %arg7[%arg0, %scan3A_22, %dma_wait3A_110, %dma_wait3A_111] : memref<2x2x10240x80xf32, #tpu.memory_space<hbm>> -> memref<1x1x10240x80xf32, #tpu.memory_space<hbm>>
          %dma_wait3A_113 = tpu.memref_squeeze %dma_wait3A_112 : memref<1x1x10240x80xf32, #tpu.memory_space<hbm>> -> memref<10240x80xf32, #tpu.memory_space<hbm>>
          %dma_wait3A_114 = arith.constant 0 : i32
          %dma_wait3A_115 = tpu.memref_slice %dma_wait3A_113[%add3A_96, %dma_wait3A_114] : memref<10240x80xf32, #tpu.memory_space<hbm>> -> memref<128x80xf32, #tpu.memory_space<hbm>>
          %dma_wait3A_116 = arith.constant 0 : i32
          %dma_wait3A_117 = arith.constant 0 : i32
          %dma_wait3A_118 = tpu.memref_slice %arg7[%arg0, %scan3A_22, %dma_wait3A_116, %dma_wait3A_117] : memref<2x2x10240x80xf32, #tpu.memory_space<hbm>> -> memref<1x1x10240x80xf32, #tpu.memory_space<hbm>>
          %dma_wait3A_119 = tpu.memref_squeeze %dma_wait3A_118 : memref<1x1x10240x80xf32, #tpu.memory_space<hbm>> -> memref<10240x80xf32, #tpu.memory_space<hbm>>
          %dma_wait3A_120 = arith.constant 0 : i32
          %dma_wait3A_121 = tpu.memref_slice %dma_wait3A_119[%add3A_96, %dma_wait3A_120] : memref<10240x80xf32, #tpu.memory_space<hbm>> -> memref<128x80xf32, #tpu.memory_space<hbm>>
          tpu.wait_dma2 semaphore(%run_scoped3A : memref<!tpu.dma_semaphore, #tpu.memory_space<semaphore_mem>>) src(%arg15 : memref<128x80xf32, #tpu.memory_space<vmem>>) dst(%dma_wait3A_121 : memref<128x80xf32, #tpu.memory_space<hbm>>)
          tpu.yield
        }) : () -> ()
        %scan3A_97 = arith.constant 0 : i32
        scf.yield %scan3A_97 : i32
      }
      %scan3A_87 = arith.constant 5 : i32
      %barrier3A_88 = arith.constant 0 : index
      tpu.barrier barrier_id(%barrier3A_88)
      %scan3A_89 = arith.constant 0 : i32
      scf.yield %scan3A_89 : i32
    }
    %scan3A_21 = arith.constant 2 : i32
    return
  }
}

module attributes {stable_mosaic.version = 14 : i64} {
  func.func @_alpha_k(%arg0: i32, %arg1: memref<256x128xf32, #tpu.memory_space<vmem>>, %arg2: memref<128x16xf32, #tpu.memory_space<vmem>>, %arg3: memref<128x16xf32, #tpu.memory_space<vmem>>, %arg4: memref<256x16xf32, #tpu.memory_space<vmem>>, %arg5: memref<256x16xf32, #tpu.memory_space<vmem>>) attributes {dimension_semantics = [#tpu.dimension_semantics<arbitrary>], iteration_bounds = array<i64: 40>, scalar_prefetch = 0 : i64, scratch_operands = 0 : i64, tpu.core_type = #tpu.core_type<tc>, window_params = [{transform_indices = @transform_0, window_bounds = array<i64: 256, 128>}, {pipeline_mode = #tpu.pipeline_mode<synchronous>, transform_indices = @transform_1, window_bounds = array<i64: 128, 16>}, {pipeline_mode = #tpu.pipeline_mode<synchronous>, transform_indices = @transform_2, window_bounds = array<i64: 128, 16>}, {transform_indices = @transform_3, window_bounds = array<i64: 256, 16>}, {transform_indices = @transform_4, window_bounds = array<i64: 256, 16>}]} {
    %get3A = arith.constant 0 : index
    %get3A_0 = arith.constant 0 : index
    %get3A_1 = vector.load %arg1[%get3A, %get3A_0] : memref<256x128xf32, #tpu.memory_space<vmem>>, vector<256x128xf32>
    %get3A_2 = arith.constant 0 : index
    %get3A_3 = arith.constant 0 : index
    %get3A_4 = vector.load %arg2[%get3A_2, %get3A_3] : memref<128x16xf32, #tpu.memory_space<vmem>>, vector<128x16xf32>
    %dot_general3A = arith.constant dense<0.000000e+00> : vector<256x16xf32>
    %dot_general3A_5 = tpu.matmul %get3A_1, %get3A_4, %dot_general3A {dimension_numbers = #tpu.dot_dimension_numbers<[1], [0], [0], [1], [0, 0, 1, 1], [], []>, transpose_lhs_hint = false} : vector<256x128xf32>, vector<128x16xf32>, vector<256x16xf32> -> vector<256x16xf32>
    %swap3A = arith.constant 0 : index
    %swap3A_6 = arith.constant 0 : index
    %swap3A_7 = vector.load %arg4[%swap3A, %swap3A_6] : memref<256x16xf32, #tpu.memory_space<vmem>>, vector<256x16xf32>
    tpu.vector_store %arg4[%swap3A, %swap3A_6], %dot_general3A_5 {strides = array<i32>} : memref<256x16xf32, #tpu.memory_space<vmem>>, vector<256x16xf32>,
    %get3A_8 = arith.constant 0 : index
    %get3A_9 = arith.constant 0 : index
    %get3A_10 = vector.load %arg1[%get3A_8, %get3A_9] : memref<256x128xf32, #tpu.memory_space<vmem>>, vector<256x128xf32>
    %get3A_11 = arith.constant 0 : index
    %get3A_12 = arith.constant 0 : index
    %get3A_13 = vector.load %arg3[%get3A_11, %get3A_12] : memref<128x16xf32, #tpu.memory_space<vmem>>, vector<128x16xf32>
    %dot_general3A_14 = arith.constant dense<0.000000e+00> : vector<256x16xf32>
    %dot_general3A_15 = tpu.matmul %get3A_10, %get3A_13, %dot_general3A_14 {dimension_numbers = #tpu.dot_dimension_numbers<[1], [0], [0], [1], [0, 0, 1, 1], [], []>, transpose_lhs_hint = false} : vector<256x128xf32>, vector<128x16xf32>, vector<256x16xf32> -> vector<256x16xf32>
    %swap3A_16 = arith.constant 0 : index
    %swap3A_17 = arith.constant 0 : index
    %swap3A_18 = vector.load %arg5[%swap3A_16, %swap3A_17] : memref<256x16xf32, #tpu.memory_space<vmem>>, vector<256x16xf32>
    tpu.vector_store %arg5[%swap3A_16, %swap3A_17], %dot_general3A_15 {strides = array<i32>} : memref<256x16xf32, #tpu.memory_space<vmem>>, vector<256x16xf32>,
    return
  }
  func.func @transform_0(%arg0: i32) -> (i32, i32) {
    %c0_i32 = arith.constant 0 : i32
    %c0_i32_0 = arith.constant 0 : i32
    return %arg0, %c0_i32 : i32, i32
  }
  func.func @transform_1(%arg0: i32) -> (i32, i32) {
    %c0_i32 = arith.constant 0 : i32
    %c0_i32_0 = arith.constant 0 : i32
    %c0_i32_1 = arith.constant 0 : i32
    return %c0_i32, %c0_i32_0 : i32, i32
  }
  func.func @transform_2(%arg0: i32) -> (i32, i32) {
    %c0_i32 = arith.constant 0 : i32
    %c0_i32_0 = arith.constant 0 : i32
    %c0_i32_1 = arith.constant 0 : i32
    return %c0_i32, %c0_i32_0 : i32, i32
  }
  func.func @transform_3(%arg0: i32) -> (i32, i32) {
    %c0_i32 = arith.constant 0 : i32
    %c0_i32_0 = arith.constant 0 : i32
    return %arg0, %c0_i32 : i32, i32
  }
  func.func @transform_4(%arg0: i32) -> (i32, i32) {
    %c0_i32 = arith.constant 0 : i32
    %c0_i32_0 = arith.constant 0 : i32
    return %arg0, %c0_i32 : i32, i32
  }
}

module attributes {stable_mosaic.version = 14 : i64} {
  func.func @_feat1_k(%arg0: i32, %arg1: memref<256x128xf32, #tpu.memory_space<vmem>>, %arg2: memref<128x1280xf32, #tpu.memory_space<vmem>>, %arg3: memref<20x256x80xf32, #tpu.memory_space<vmem>>) attributes {dimension_semantics = [#tpu.dimension_semantics<arbitrary>], iteration_bounds = array<i64: 40>, scalar_prefetch = 0 : i64, scratch_operands = 0 : i64, tpu.core_type = #tpu.core_type<tc>, window_params = [{transform_indices = @transform_0, window_bounds = array<i64: 256, 128>}, {pipeline_mode = #tpu.pipeline_mode<synchronous>, transform_indices = @transform_1, window_bounds = array<i64: 128, 1280>}, {transform_indices = @transform_2, window_bounds = array<i64: 20, 256, 80>}]} {
    %get3A = arith.constant 0 : index
    %get3A_0 = arith.constant 0 : index
    %get3A_1 = vector.load %arg1[%get3A, %get3A_0] : memref<256x128xf32, #tpu.memory_space<vmem>>, vector<256x128xf32>
    %get3A_2 = arith.constant 0 : index
    %get3A_3 = arith.constant 0 : index
    %get3A_4 = vector.load %arg2[%get3A_2, %get3A_3] : memref<128x1280xf32, #tpu.memory_space<vmem>>, vector<128x1280xf32>
    %dot_general3A = arith.constant dense<0.000000e+00> : vector<256x1280xf32>
    %dot_general3A_5 = tpu.matmul %get3A_1, %get3A_4, %dot_general3A {dimension_numbers = #tpu.dot_dimension_numbers<[1], [0], [0], [1], [0, 0, 1, 1], [], []>, transpose_lhs_hint = false} : vector<256x128xf32>, vector<128x1280xf32>, vector<256x1280xf32> -> vector<256x1280xf32>
    %iota3A = tpu.iota {dimensions = array<i32: 1>} : vector<256x16xi32>
    %eq3A = arith.constant 0 : i32
    %eq3A_6 = vector.broadcast %eq3A : i32 to vector<256x16xi32>
    %eq3A_7 = arith.cmpi eq, %iota3A, %eq3A_6 : vector<256x16xi32>
    %jit3A = arith.constant 1.000000e+00 : f32
    %jit3A_8 = arith.constant 0.000000e+00 : f32
    %broadcast_in_dim3A = vector.broadcast %jit3A : f32 to vector<256x16xf32>
    %broadcast_in_dim3A_9 = vector.broadcast %jit3A_8 : f32 to vector<256x16xf32>
    %select_n3A = arith.select %eq3A_7, %broadcast_in_dim3A, %broadcast_in_dim3A_9 : vector<256x16xi1>, vector<256x16xf32>
    %broadcast_in_dim3A_10 = arith.constant 0.000000e+00 : f32
    %broadcast_in_dim3A_11 = vector.broadcast %broadcast_in_dim3A_10 : f32 to vector<256x16xf32>
    %slice3A = vector.extract_strided_slice %dot_general3A_5 {offsets = [0, 0], sizes = [256, 64], strides = [1, 1]} : vector<256x1280xf32> to vector<256x64xf32>
    %concatenate3A = tpu.concatenate %slice3A, %select_n3A in 1 : vector<256x64xf32>, vector<256x16xf32> -> vector<256x80xf32>
    %swap3A = arith.constant 0 : index
    %swap3A_12 = arith.constant 0 : index
    %swap3A_13 = arith.constant 0 : index
    %swap3A_14 = vector.load %arg3[%swap3A, %swap3A_12, %swap3A_13] : memref<20x256x80xf32, #tpu.memory_space<vmem>>, vector<1x256x80xf32>
    %swap3A_15 = vector.shape_cast %swap3A_14 : vector<1x256x80xf32> to vector<256x80xf32>
    %swap3A_16 = vector.shape_cast %concatenate3A : vector<256x80xf32> to vector<1x256x80xf32>
    tpu.vector_store %arg3[%swap3A, %swap3A_12, %swap3A_13], %swap3A_16 {strides = array<i32>} : memref<20x256x80xf32, #tpu.memory_space<vmem>>, vector<1x256x80xf32>,
    %slice3A_17 = vector.extract_strided_slice %dot_general3A_5 {offsets = [0, 64], sizes = [256, 64], strides = [1, 1]} : vector<256x1280xf32> to vector<256x64xf32>
    %concatenate3A_18 = tpu.concatenate %slice3A_17, %broadcast_in_dim3A_11 in 1 : vector<256x64xf32>, vector<256x16xf32> -> vector<256x80xf32>
    %swap3A_19 = arith.constant 1 : index
    %swap3A_20 = arith.constant 0 : index
    %swap3A_21 = arith.constant 0 : index
    %swap3A_22 = vector.load %arg3[%swap3A_19, %swap3A_20, %swap3A_21] : memref<20x256x80xf32, #tpu.memory_space<vmem>>, vector<1x256x80xf32>
    %swap3A_23 = vector.shape_cast %swap3A_22 : vector<1x256x80xf32> to vector<256x80xf32>
    %swap3A_24 = vector.shape_cast %concatenate3A_18 : vector<256x80xf32> to vector<1x256x80xf32>
    tpu.vector_store %arg3[%swap3A_19, %swap3A_20, %swap3A_21], %swap3A_24 {strides = array<i32>} : memref<20x256x80xf32, #tpu.memory_space<vmem>>, vector<1x256x80xf32>,
    %slice3A_25 = vector.extract_strided_slice %dot_general3A_5 {offsets = [0, 128], sizes = [256, 64], strides = [1, 1]} : vector<256x1280xf32> to vector<256x64xf32>
    %concatenate3A_26 = tpu.concatenate %slice3A_25, %select_n3A in 1 : vector<256x64xf32>, vector<256x16xf32> -> vector<256x80xf32>
    %swap3A_27 = arith.constant 2 : index
    %swap3A_28 = arith.constant 0 : index
    %swap3A_29 = arith.constant 0 : index
    %swap3A_30 = vector.load %arg3[%swap3A_27, %swap3A_28, %swap3A_29] : memref<20x256x80xf32, #tpu.memory_space<vmem>>, vector<1x256x80xf32>
    %swap3A_31 = vector.shape_cast %swap3A_30 : vector<1x256x80xf32> to vector<256x80xf32>
    %swap3A_32 = vector.shape_cast %concatenate3A_26 : vector<256x80xf32> to vector<1x256x80xf32>
    tpu.vector_store %arg3[%swap3A_27, %swap3A_28, %swap3A_29], %swap3A_32 {strides = array<i32>} : memref<20x256x80xf32, #tpu.memory_space<vmem>>, vector<1x256x80xf32>,
    %slice3A_33 = vector.extract_strided_slice %dot_general3A_5 {offsets = [0, 192], sizes = [256, 64], strides = [1, 1]} : vector<256x1280xf32> to vector<256x64xf32>
    %concatenate3A_34 = tpu.concatenate %slice3A_33, %broadcast_in_dim3A_11 in 1 : vector<256x64xf32>, vector<256x16xf32> -> vector<256x80xf32>
    %swap3A_35 = arith.constant 3 : index
    %swap3A_36 = arith.constant 0 : index
    %swap3A_37 = arith.constant 0 : index
    %swap3A_38 = vector.load %arg3[%swap3A_35, %swap3A_36, %swap3A_37] : memref<20x256x80xf32, #tpu.memory_space<vmem>>, vector<1x256x80xf32>
    %swap3A_39 = vector.shape_cast %swap3A_38 : vector<1x256x80xf32> to vector<256x80xf32>
    %swap3A_40 = vector.shape_cast %concatenate3A_34 : vector<256x80xf32> to vector<1x256x80xf32>
    tpu.vector_store %arg3[%swap3A_35, %swap3A_36, %swap3A_37], %swap3A_40 {strides = array<i32>} : memref<20x256x80xf32, #tpu.memory_space<vmem>>, vector<1x256x80xf32>,
    %slice3A_41 = vector.extract_strided_slice %dot_general3A_5 {offsets = [0, 256], sizes = [256, 64], strides = [1, 1]} : vector<256x1280xf32> to vector<256x64xf32>
    %concatenate3A_42 = tpu.concatenate %slice3A_41, %select_n3A in 1 : vector<256x64xf32>, vector<256x16xf32> -> vector<256x80xf32>
    %swap3A_43 = arith.constant 4 : index
    %swap3A_44 = arith.constant 0 : index
    %swap3A_45 = arith.constant 0 : index
    %swap3A_46 = vector.load %arg3[%swap3A_43, %swap3A_44, %swap3A_45] : memref<20x256x80xf32, #tpu.memory_space<vmem>>, vector<1x256x80xf32>
    %swap3A_47 = vector.shape_cast %swap3A_46 : vector<1x256x80xf32> to vector<256x80xf32>
    %swap3A_48 = vector.shape_cast %concatenate3A_42 : vector<256x80xf32> to vector<1x256x80xf32>
    tpu.vector_store %arg3[%swap3A_43, %swap3A_44, %swap3A_45], %swap3A_48 {strides = array<i32>} : memref<20x256x80xf32, #tpu.memory_space<vmem>>, vector<1x256x80xf32>,
    %slice3A_49 = vector.extract_strided_slice %dot_general3A_5 {offsets = [0, 320], sizes = [256, 64], strides = [1, 1]} : vector<256x1280xf32> to vector<256x64xf32>
    %concatenate3A_50 = tpu.concatenate %slice3A_49, %broadcast_in_dim3A_11 in 1 : vector<256x64xf32>, vector<256x16xf32> -> vector<256x80xf32>
    %swap3A_51 = arith.constant 5 : index
    %swap3A_52 = arith.constant 0 : index
    %swap3A_53 = arith.constant 0 : index
    %swap3A_54 = vector.load %arg3[%swap3A_51, %swap3A_52, %swap3A_53] : memref<20x256x80xf32, #tpu.memory_space<vmem>>, vector<1x256x80xf32>
    %swap3A_55 = vector.shape_cast %swap3A_54 : vector<1x256x80xf32> to vector<256x80xf32>
    %swap3A_56 = vector.shape_cast %concatenate3A_50 : vector<256x80xf32> to vector<1x256x80xf32>
    tpu.vector_store %arg3[%swap3A_51, %swap3A_52, %swap3A_53], %swap3A_56 {strides = array<i32>} : memref<20x256x80xf32, #tpu.memory_space<vmem>>, vector<1x256x80xf32>,
    %slice3A_57 = vector.extract_strided_slice %dot_general3A_5 {offsets = [0, 384], sizes = [256, 64], strides = [1, 1]} : vector<256x1280xf32> to vector<256x64xf32>
    %concatenate3A_58 = tpu.concatenate %slice3A_57, %select_n3A in 1 : vector<256x64xf32>, vector<256x16xf32> -> vector<256x80xf32>
    %swap3A_59 = arith.constant 6 : index
    %swap3A_60 = arith.constant 0 : index
    %swap3A_61 = arith.constant 0 : index
    %swap3A_62 = vector.load %arg3[%swap3A_59, %swap3A_60, %swap3A_61] : memref<20x256x80xf32, #tpu.memory_space<vmem>>, vector<1x256x80xf32>
    %swap3A_63 = vector.shape_cast %swap3A_62 : vector<1x256x80xf32> to vector<256x80xf32>
    %swap3A_64 = vector.shape_cast %concatenate3A_58 : vector<256x80xf32> to vector<1x256x80xf32>
    tpu.vector_store %arg3[%swap3A_59, %swap3A_60, %swap3A_61], %swap3A_64 {strides = array<i32>} : memref<20x256x80xf32, #tpu.memory_space<vmem>>, vector<1x256x80xf32>,
    %slice3A_65 = vector.extract_strided_slice %dot_general3A_5 {offsets = [0, 448], sizes = [256, 64], strides = [1, 1]} : vector<256x1280xf32> to vector<256x64xf32>
    %concatenate3A_66 = tpu.concatenate %slice3A_65, %broadcast_in_dim3A_11 in 1 : vector<256x64xf32>, vector<256x16xf32> -> vector<256x80xf32>
    %swap3A_67 = arith.constant 7 : index
    %swap3A_68 = arith.constant 0 : index
    %swap3A_69 = arith.constant 0 : index
    %swap3A_70 = vector.load %arg3[%swap3A_67, %swap3A_68, %swap3A_69] : memref<20x256x80xf32, #tpu.memory_space<vmem>>, vector<1x256x80xf32>
    %swap3A_71 = vector.shape_cast %swap3A_70 : vector<1x256x80xf32> to vector<256x80xf32>
    %swap3A_72 = vector.shape_cast %concatenate3A_66 : vector<256x80xf32> to vector<1x256x80xf32>
    tpu.vector_store %arg3[%swap3A_67, %swap3A_68, %swap3A_69], %swap3A_72 {strides = array<i32>} : memref<20x256x80xf32, #tpu.memory_space<vmem>>, vector<1x256x80xf32>,
    %slice3A_73 = vector.extract_strided_slice %dot_general3A_5 {offsets = [0, 512], sizes = [256, 64], strides = [1, 1]} : vector<256x1280xf32> to vector<256x64xf32>
    %concatenate3A_74 = tpu.concatenate %slice3A_73, %select_n3A in 1 : vector<256x64xf32>, vector<256x16xf32> -> vector<256x80xf32>
    %swap3A_75 = arith.constant 8 : index
    %swap3A_76 = arith.constant 0 : index
    %swap3A_77 = arith.constant 0 : index
    %swap3A_78 = vector.load %arg3[%swap3A_75, %swap3A_76, %swap3A_77] : memref<20x256x80xf32, #tpu.memory_space<vmem>>, vector<1x256x80xf32>
    %swap3A_79 = vector.shape_cast %swap3A_78 : vector<1x256x80xf32> to vector<256x80xf32>
    %swap3A_80 = vector.shape_cast %concatenate3A_74 : vector<256x80xf32> to vector<1x256x80xf32>
    tpu.vector_store %arg3[%swap3A_75, %swap3A_76, %swap3A_77], %swap3A_80 {strides = array<i32>} : memref<20x256x80xf32, #tpu.memory_space<vmem>>, vector<1x256x80xf32>,
    %slice3A_81 = vector.extract_strided_slice %dot_general3A_5 {offsets = [0, 576], sizes = [256, 64], strides = [1, 1]} : vector<256x1280xf32> to vector<256x64xf32>
    %concatenate3A_82 = tpu.concatenate %slice3A_81, %broadcast_in_dim3A_11 in 1 : vector<256x64xf32>, vector<256x16xf32> -> vector<256x80xf32>
    %swap3A_83 = arith.constant 9 : index
    %swap3A_84 = arith.constant 0 : index
    %swap3A_85 = arith.constant 0 : index
    %swap3A_86 = vector.load %arg3[%swap3A_83, %swap3A_84, %swap3A_85] : memref<20x256x80xf32, #tpu.memory_space<vmem>>, vector<1x256x80xf32>
    %swap3A_87 = vector.shape_cast %swap3A_86 : vector<1x256x80xf32> to vector<256x80xf32>
    %swap3A_88 = vector.shape_cast %concatenate3A_82 : vector<256x80xf32> to vector<1x256x80xf32>
    tpu.vector_store %arg3[%swap3A_83, %swap3A_84, %swap3A_85], %swap3A_88 {strides = array<i32>} : memref<20x256x80xf32, #tpu.memory_space<vmem>>, vector<1x256x80xf32>,
    %slice3A_89 = vector.extract_strided_slice %dot_general3A_5 {offsets = [0, 640], sizes = [256, 64], strides = [1, 1]} : vector<256x1280xf32> to vector<256x64xf32>
    %concatenate3A_90 = tpu.concatenate %slice3A_89, %select_n3A in 1 : vector<256x64xf32>, vector<256x16xf32> -> vector<256x80xf32>
    %swap3A_91 = arith.constant 10 : index
    %swap3A_92 = arith.constant 0 : index
    %swap3A_93 = arith.constant 0 : index
    %swap3A_94 = vector.load %arg3[%swap3A_91, %swap3A_92, %swap3A_93] : memref<20x256x80xf32, #tpu.memory_space<vmem>>, vector<1x256x80xf32>
    %swap3A_95 = vector.shape_cast %swap3A_94 : vector<1x256x80xf32> to vector<256x80xf32>
    %swap3A_96 = vector.shape_cast %concatenate3A_90 : vector<256x80xf32> to vector<1x256x80xf32>
    tpu.vector_store %arg3[%swap3A_91, %swap3A_92, %swap3A_93], %swap3A_96 {strides = array<i32>} : memref<20x256x80xf32, #tpu.memory_space<vmem>>, vector<1x256x80xf32>,
    %slice3A_97 = vector.extract_strided_slice %dot_general3A_5 {offsets = [0, 704], sizes = [256, 64], strides = [1, 1]} : vector<256x1280xf32> to vector<256x64xf32>
    %concatenate3A_98 = tpu.concatenate %slice3A_97, %broadcast_in_dim3A_11 in 1 : vector<256x64xf32>, vector<256x16xf32> -> vector<256x80xf32>
    %swap3A_99 = arith.constant 11 : index
    %swap3A_100 = arith.constant 0 : index
    %swap3A_101 = arith.constant 0 : index
    %swap3A_102 = vector.load %arg3[%swap3A_99, %swap3A_100, %swap3A_101] : memref<20x256x80xf32, #tpu.memory_space<vmem>>, vector<1x256x80xf32>
    %swap3A_103 = vector.shape_cast %swap3A_102 : vector<1x256x80xf32> to vector<256x80xf32>
    %swap3A_104 = vector.shape_cast %concatenate3A_98 : vector<256x80xf32> to vector<1x256x80xf32>
    tpu.vector_store %arg3[%swap3A_99, %swap3A_100, %swap3A_101], %swap3A_104 {strides = array<i32>} : memref<20x256x80xf32, #tpu.memory_space<vmem>>, vector<1x256x80xf32>,
    %slice3A_105 = vector.extract_strided_slice %dot_general3A_5 {offsets = [0, 768], sizes = [256, 64], strides = [1, 1]} : vector<256x1280xf32> to vector<256x64xf32>
    %concatenate3A_106 = tpu.concatenate %slice3A_105, %select_n3A in 1 : vector<256x64xf32>, vector<256x16xf32> -> vector<256x80xf32>
    %swap3A_107 = arith.constant 12 : index
    %swap3A_108 = arith.constant 0 : index
    %swap3A_109 = arith.constant 0 : index
    %swap3A_110 = vector.load %arg3[%swap3A_107, %swap3A_108, %swap3A_109] : memref<20x256x80xf32, #tpu.memory_space<vmem>>, vector<1x256x80xf32>
    %swap3A_111 = vector.shape_cast %swap3A_110 : vector<1x256x80xf32> to vector<256x80xf32>
    %swap3A_112 = vector.shape_cast %concatenate3A_106 : vector<256x80xf32> to vector<1x256x80xf32>
    tpu.vector_store %arg3[%swap3A_107, %swap3A_108, %swap3A_109], %swap3A_112 {strides = array<i32>} : memref<20x256x80xf32, #tpu.memory_space<vmem>>, vector<1x256x80xf32>,
    %slice3A_113 = vector.extract_strided_slice %dot_general3A_5 {offsets = [0, 832], sizes = [256, 64], strides = [1, 1]} : vector<256x1280xf32> to vector<256x64xf32>
    %concatenate3A_114 = tpu.concatenate %slice3A_113, %broadcast_in_dim3A_11 in 1 : vector<256x64xf32>, vector<256x16xf32> -> vector<256x80xf32>
    %swap3A_115 = arith.constant 13 : index
    %swap3A_116 = arith.constant 0 : index
    %swap3A_117 = arith.constant 0 : index
    %swap3A_118 = vector.load %arg3[%swap3A_115, %swap3A_116, %swap3A_117] : memref<20x256x80xf32, #tpu.memory_space<vmem>>, vector<1x256x80xf32>
    %swap3A_119 = vector.shape_cast %swap3A_118 : vector<1x256x80xf32> to vector<256x80xf32>
    %swap3A_120 = vector.shape_cast %concatenate3A_114 : vector<256x80xf32> to vector<1x256x80xf32>
    tpu.vector_store %arg3[%swap3A_115, %swap3A_116, %swap3A_117], %swap3A_120 {strides = array<i32>} : memref<20x256x80xf32, #tpu.memory_space<vmem>>, vector<1x256x80xf32>,
    %slice3A_121 = vector.extract_strided_slice %dot_general3A_5 {offsets = [0, 896], sizes = [256, 64], strides = [1, 1]} : vector<256x1280xf32> to vector<256x64xf32>
    %concatenate3A_122 = tpu.concatenate %slice3A_121, %select_n3A in 1 : vector<256x64xf32>, vector<256x16xf32> -> vector<256x80xf32>
    %swap3A_123 = arith.constant 14 : index
    %swap3A_124 = arith.constant 0 : index
    %swap3A_125 = arith.constant 0 : index
    %swap3A_126 = vector.load %arg3[%swap3A_123, %swap3A_124, %swap3A_125] : memref<20x256x80xf32, #tpu.memory_space<vmem>>, vector<1x256x80xf32>
    %swap3A_127 = vector.shape_cast %swap3A_126 : vector<1x256x80xf32> to vector<256x80xf32>
    %swap3A_128 = vector.shape_cast %concatenate3A_122 : vector<256x80xf32> to vector<1x256x80xf32>
    tpu.vector_store %arg3[%swap3A_123, %swap3A_124, %swap3A_125], %swap3A_128 {strides = array<i32>} : memref<20x256x80xf32, #tpu.memory_space<vmem>>, vector<1x256x80xf32>,
    %slice3A_129 = vector.extract_strided_slice %dot_general3A_5 {offsets = [0, 960], sizes = [256, 64], strides = [1, 1]} : vector<256x1280xf32> to vector<256x64xf32>
    %concatenate3A_130 = tpu.concatenate %slice3A_129, %broadcast_in_dim3A_11 in 1 : vector<256x64xf32>, vector<256x16xf32> -> vector<256x80xf32>
    %swap3A_131 = arith.constant 15 : index
    %swap3A_132 = arith.constant 0 : index
    %swap3A_133 = arith.constant 0 : index
    %swap3A_134 = vector.load %arg3[%swap3A_131, %swap3A_132, %swap3A_133] : memref<20x256x80xf32, #tpu.memory_space<vmem>>, vector<1x256x80xf32>
    %swap3A_135 = vector.shape_cast %swap3A_134 : vector<1x256x80xf32> to vector<256x80xf32>
    %swap3A_136 = vector.shape_cast %concatenate3A_130 : vector<256x80xf32> to vector<1x256x80xf32>
    tpu.vector_store %arg3[%swap3A_131, %swap3A_132, %swap3A_133], %swap3A_136 {strides = array<i32>} : memref<20x256x80xf32, #tpu.memory_space<vmem>>, vector<1x256x80xf32>,
    %slice3A_137 = vector.extract_strided_slice %dot_general3A_5 {offsets = [0, 1024], sizes = [256, 64], strides = [1, 1]} : vector<256x1280xf32> to vector<256x64xf32>
    %concatenate3A_138 = tpu.concatenate %slice3A_137, %select_n3A in 1 : vector<256x64xf32>, vector<256x16xf32> -> vector<256x80xf32>
    %swap3A_139 = arith.constant 16 : index
    %swap3A_140 = arith.constant 0 : index
    %swap3A_141 = arith.constant 0 : index
    %swap3A_142 = vector.load %arg3[%swap3A_139, %swap3A_140, %swap3A_141] : memref<20x256x80xf32, #tpu.memory_space<vmem>>, vector<1x256x80xf32>
    %swap3A_143 = vector.shape_cast %swap3A_142 : vector<1x256x80xf32> to vector<256x80xf32>
    %swap3A_144 = vector.shape_cast %concatenate3A_138 : vector<256x80xf32> to vector<1x256x80xf32>
    tpu.vector_store %arg3[%swap3A_139, %swap3A_140, %swap3A_141], %swap3A_144 {strides = array<i32>} : memref<20x256x80xf32, #tpu.memory_space<vmem>>, vector<1x256x80xf32>,
    %slice3A_145 = vector.extract_strided_slice %dot_general3A_5 {offsets = [0, 1088], sizes = [256, 64], strides = [1, 1]} : vector<256x1280xf32> to vector<256x64xf32>
    %concatenate3A_146 = tpu.concatenate %slice3A_145, %broadcast_in_dim3A_11 in 1 : vector<256x64xf32>, vector<256x16xf32> -> vector<256x80xf32>
    %swap3A_147 = arith.constant 17 : index
    %swap3A_148 = arith.constant 0 : index
    %swap3A_149 = arith.constant 0 : index
    %swap3A_150 = vector.load %arg3[%swap3A_147, %swap3A_148, %swap3A_149] : memref<20x256x80xf32, #tpu.memory_space<vmem>>, vector<1x256x80xf32>
    %swap3A_151 = vector.shape_cast %swap3A_150 : vector<1x256x80xf32> to vector<256x80xf32>
    %swap3A_152 = vector.shape_cast %concatenate3A_146 : vector<256x80xf32> to vector<1x256x80xf32>
    tpu.vector_store %arg3[%swap3A_147, %swap3A_148, %swap3A_149], %swap3A_152 {strides = array<i32>} : memref<20x256x80xf32, #tpu.memory_space<vmem>>, vector<1x256x80xf32>,
    %slice3A_153 = vector.extract_strided_slice %dot_general3A_5 {offsets = [0, 1152], sizes = [256, 64], strides = [1, 1]} : vector<256x1280xf32> to vector<256x64xf32>
    %concatenate3A_154 = tpu.concatenate %slice3A_153, %select_n3A in 1 : vector<256x64xf32>, vector<256x16xf32> -> vector<256x80xf32>
    %swap3A_155 = arith.constant 18 : index
    %swap3A_156 = arith.constant 0 : index
    %swap3A_157 = arith.constant 0 : index
    %swap3A_158 = vector.load %arg3[%swap3A_155, %swap3A_156, %swap3A_157] : memref<20x256x80xf32, #tpu.memory_space<vmem>>, vector<1x256x80xf32>
    %swap3A_159 = vector.shape_cast %swap3A_158 : vector<1x256x80xf32> to vector<256x80xf32>
    %swap3A_160 = vector.shape_cast %concatenate3A_154 : vector<256x80xf32> to vector<1x256x80xf32>
    tpu.vector_store %arg3[%swap3A_155, %swap3A_156, %swap3A_157], %swap3A_160 {strides = array<i32>} : memref<20x256x80xf32, #tpu.memory_space<vmem>>, vector<1x256x80xf32>,
    %slice3A_161 = vector.extract_strided_slice %dot_general3A_5 {offsets = [0, 1216], sizes = [256, 64], strides = [1, 1]} : vector<256x1280xf32> to vector<256x64xf32>
    %concatenate3A_162 = tpu.concatenate %slice3A_161, %broadcast_in_dim3A_11 in 1 : vector<256x64xf32>, vector<256x16xf32> -> vector<256x80xf32>
    %swap3A_163 = arith.constant 19 : index
    %swap3A_164 = arith.constant 0 : index
    %swap3A_165 = arith.constant 0 : index
    %swap3A_166 = vector.load %arg3[%swap3A_163, %swap3A_164, %swap3A_165] : memref<20x256x80xf32, #tpu.memory_space<vmem>>, vector<1x256x80xf32>
    %swap3A_167 = vector.shape_cast %swap3A_166 : vector<1x256x80xf32> to vector<256x80xf32>
    %swap3A_168 = vector.shape_cast %concatenate3A_162 : vector<256x80xf32> to vector<1x256x80xf32>
    tpu.vector_store %arg3[%swap3A_163, %swap3A_164, %swap3A_165], %swap3A_168 {strides = array<i32>} : memref<20x256x80xf32, #tpu.memory_space<vmem>>, vector<1x256x80xf32>,
    return
  }
  func.func @transform_0(%arg0: i32) -> (i32, i32) {
    %c0_i32 = arith.constant 0 : i32
    %c0_i32_0 = arith.constant 0 : i32
    return %arg0, %c0_i32 : i32, i32
  }
  func.func @transform_1(%arg0: i32) -> (i32, i32) {
    %c0_i32 = arith.constant 0 : i32
    %c0_i32_0 = arith.constant 0 : i32
    %c0_i32_1 = arith.constant 0 : i32
    return %c0_i32, %c0_i32_0 : i32, i32
  }
  func.func @transform_2(%arg0: i32) -> (i32, i32, i32) {
    %c0_i32 = arith.constant 0 : i32
    %c0_i32_0 = arith.constant 0 : i32
    %c0_i32_1 = arith.constant 0 : i32
    return %c0_i32, %arg0, %c0_i32_0 : i32, i32, i32
  }
}

module attributes {stable_mosaic.version = 14 : i64} {
  func.func @_comb1_k(%arg0: i32, %arg1: memref<2x20x256x80xf32, #tpu.memory_space<vmem>>, %arg2: memref<1x10x128xf32, #tpu.memory_space<vmem>>, %arg3: memref<10x128x128xf32, #tpu.memory_space<vmem>>, %arg4: memref<1x128xf32, #tpu.memory_space<vmem>>, %arg5: memref<1x128xf32, #tpu.memory_space<vmem>>, %arg6: memref<2x256x80xf32, #tpu.memory_space<vmem>>, %arg7: memref<256x16xf32, #tpu.memory_space<vmem>>, %arg8: memref<256x16xf32, #tpu.memory_space<vmem>>) attributes {dimension_semantics = [#tpu.dimension_semantics<arbitrary>], iteration_bounds = array<i64: 40>, scalar_prefetch = 0 : i64, scratch_operands = 0 : i64, tpu.core_type = #tpu.core_type<tc>, window_params = [{transform_indices = @transform_0, window_bounds = array<i64: 2, 20, 256, 80>}, {pipeline_mode = #tpu.pipeline_mode<synchronous>, transform_indices = @transform_1, window_bounds = array<i64: 1, 10, 128>}, {pipeline_mode = #tpu.pipeline_mode<synchronous>, transform_indices = @transform_2, window_bounds = array<i64: 10, 128, 128>}, {pipeline_mode = #tpu.pipeline_mode<synchronous>, transform_indices = @transform_3, window_bounds = array<i64: 1, 128>}, {pipeline_mode = #tpu.pipeline_mode<synchronous>, transform_indices = @transform_4, window_bounds = array<i64: 1, 128>}, {transform_indices = @transform_5, window_bounds = array<i64: 2, 256, 80>}, {transform_indices = @transform_6, window_bounds = array<i64: 256, 16>}, {transform_indices = @transform_7, window_bounds = array<i64: 256, 16>}]} {
    %broadcast_in_dim3A = arith.constant 0.000000e+00 : f32
    %broadcast_in_dim3A_0 = vector.broadcast %broadcast_in_dim3A : f32 to vector<256x128xf32>
    %get3A = arith.constant 0 : index
    %get3A_1 = arith.constant 0 : index
    %get3A_2 = arith.constant 0 : index
    %get3A_3 = arith.constant 0 : index
    %get3A_4 = vector.load %arg1[%get3A, %get3A_1, %get3A_2, %get3A_3] : memref<2x20x256x80xf32, #tpu.memory_space<vmem>>, vector<1x1x256x80xf32>
    %get3A_5 = vector.shape_cast %get3A_4 : vector<1x1x256x80xf32> to vector<256x80xf32>
    %get3A_6 = arith.constant 1 : index
    %get3A_7 = arith.constant 0 : index
    %get3A_8 = arith.constant 0 : index
    %get3A_9 = arith.constant 0 : index
    %get3A_10 = vector.load %arg1[%get3A_6, %get3A_7, %get3A_8, %get3A_9] : memref<2x20x256x80xf32, #tpu.memory_space<vmem>>, vector<1x1x256x80xf32>
    %get3A_11 = vector.shape_cast %get3A_10 : vector<1x1x256x80xf32> to vector<256x80xf32>
    %add3A = arith.addf %get3A_5, %get3A_11 : vector<256x80xf32>
    %get3A_12 = arith.constant 0 : index
    %get3A_13 = arith.constant 1 : index
    %get3A_14 = arith.constant 0 : index
    %get3A_15 = arith.constant 0 : index
    %get3A_16 = vector.load %arg1[%get3A_12, %get3A_13, %get3A_14, %get3A_15] : memref<2x20x256x80xf32, #tpu.memory_space<vmem>>, vector<1x1x256x80xf32>
    %get3A_17 = vector.shape_cast %get3A_16 : vector<1x1x256x80xf32> to vector<256x80xf32>
    %get3A_18 = arith.constant 1 : index
    %get3A_19 = arith.constant 1 : index
    %get3A_20 = arith.constant 0 : index
    %get3A_21 = arith.constant 0 : index
    %get3A_22 = vector.load %arg1[%get3A_18, %get3A_19, %get3A_20, %get3A_21] : memref<2x20x256x80xf32, #tpu.memory_space<vmem>>, vector<1x1x256x80xf32>
    %get3A_23 = vector.shape_cast %get3A_22 : vector<1x1x256x80xf32> to vector<256x80xf32>
    %add3A_24 = arith.addf %get3A_17, %get3A_23 : vector<256x80xf32>
    %slice3A = vector.extract_strided_slice %add3A {offsets = [0, 64], sizes = [256, 1], strides = [1, 1]} : vector<256x80xf32> to vector<256x1xf32>
    %add3A_25 = arith.constant 1.000000e-16 : f32
    %add3A_26 = vector.broadcast %add3A_25 : f32 to vector<256x1xf32>
    %add3A_27 = arith.addf %slice3A, %add3A_26 : vector<256x1xf32>
    %slice3A_28 = vector.extract_strided_slice %add3A {offsets = [0, 0], sizes = [256, 64], strides = [1, 1]} : vector<256x80xf32> to vector<256x64xf32>
    %slice3A_29 = vector.extract_strided_slice %add3A_24 {offsets = [0, 0], sizes = [256, 64], strides = [1, 1]} : vector<256x80xf32> to vector<256x64xf32>
    %concatenate3A = tpu.concatenate %slice3A_28, %slice3A_29 in 1 : vector<256x64xf32>, vector<256x64xf32> -> vector<256x128xf32>
    %div3A = vector.broadcast %add3A_27 : vector<256x1xf32> to vector<256x128xf32>
    %div3A_30 = arith.divf %concatenate3A, %div3A : vector<256x128xf32>
    %get3A_31 = arith.constant 0 : index
    %get3A_32 = arith.constant 0 : index
    %get3A_33 = arith.constant 0 : index
    %get3A_34 = vector.load %arg2[%get3A_31, %get3A_32, %get3A_33] : memref<1x10x128xf32, #tpu.memory_space<vmem>>, vector<1x1x128xf32>
    %get3A_35 = vector.shape_cast %get3A_34 : vector<1x1x128xf32> to vector<128xf32>
    %broadcast_in_dim3A_36 = vector.shape_cast %get3A_35 : vector<128xf32> to vector<1x128xf32>
    %add3A_37 = vector.broadcast %broadcast_in_dim3A_36 : vector<1x128xf32> to vector<256x128xf32>
    %add3A_38 = arith.addf %div3A_30, %add3A_37 : vector<256x128xf32>
    %gt3A = arith.constant 0.000000e+00 : f32
    %gt3A_39 = vector.broadcast %gt3A : f32 to vector<256x128xf32>
    %gt3A_40 = arith.cmpf ogt, %add3A_38, %gt3A_39 : vector<256x128xf32>
    %exp3A = math.exp %add3A_38 : vector<256x128xf32>
    %sub3A = arith.constant 1.000000e+00 : f32
    %sub3A_41 = vector.broadcast %sub3A : f32 to vector<256x128xf32>
    %sub3A_42 = arith.subf %exp3A, %sub3A_41 : vector<256x128xf32>
    %select_n3A = arith.select %gt3A_40, %add3A_38, %sub3A_42 : vector<256x128xi1>, vector<256x128xf32>
    %get3A_43 = arith.constant 0 : index
    %get3A_44 = arith.constant 0 : index
    %get3A_45 = arith.constant 0 : index
    %get3A_46 = vector.load %arg3[%get3A_43, %get3A_44, %get3A_45] : memref<10x128x128xf32, #tpu.memory_space<vmem>>, vector<1x128x128xf32>
    %get3A_47 = vector.shape_cast %get3A_46 : vector<1x128x128xf32> to vector<128x128xf32>
    %dot_general3A = arith.constant dense<0.000000e+00> : vector<256x128xf32>
    %dot_general3A_48 = tpu.matmul %select_n3A, %get3A_47, %dot_general3A {dimension_numbers = #tpu.dot_dimension_numbers<[1], [0], [0], [1], [0, 0, 1, 1], [], []>, transpose_lhs_hint = false} : vector<256x128xf32>, vector<128x128xf32>, vector<256x128xf32> -> vector<256x128xf32>
    %add3A_49 = arith.addf %broadcast_in_dim3A_0, %dot_general3A_48 : vector<256x128xf32>
    %get3A_50 = arith.constant 0 : index
    %get3A_51 = arith.constant 2 : index
    %get3A_52 = arith.constant 0 : index
    %get3A_53 = arith.constant 0 : index
    %get3A_54 = vector.load %arg1[%get3A_50, %get3A_51, %get3A_52, %get3A_53] : memref<2x20x256x80xf32, #tpu.memory_space<vmem>>, vector<1x1x256x80xf32>
    %get3A_55 = vector.shape_cast %get3A_54 : vector<1x1x256x80xf32> to vector<256x80xf32>
    %get3A_56 = arith.constant 1 : index
    %get3A_57 = arith.constant 2 : index
    %get3A_58 = arith.constant 0 : index
    %get3A_59 = arith.constant 0 : index
    %get3A_60 = vector.load %arg1[%get3A_56, %get3A_57, %get3A_58, %get3A_59] : memref<2x20x256x80xf32, #tpu.memory_space<vmem>>, vector<1x1x256x80xf32>
    %get3A_61 = vector.shape_cast %get3A_60 : vector<1x1x256x80xf32> to vector<256x80xf32>
    %add3A_62 = arith.addf %get3A_55, %get3A_61 : vector<256x80xf32>
    %get3A_63 = arith.constant 0 : index
    %get3A_64 = arith.constant 3 : index
    %get3A_65 = arith.constant 0 : index
    %get3A_66 = arith.constant 0 : index
    %get3A_67 = vector.load %arg1[%get3A_63, %get3A_64, %get3A_65, %get3A_66] : memref<2x20x256x80xf32, #tpu.memory_space<vmem>>, vector<1x1x256x80xf32>
    %get3A_68 = vector.shape_cast %get3A_67 : vector<1x1x256x80xf32> to vector<256x80xf32>
    %get3A_69 = arith.constant 1 : index
    %get3A_70 = arith.constant 3 : index
    %get3A_71 = arith.constant 0 : index
    %get3A_72 = arith.constant 0 : index
    %get3A_73 = vector.load %arg1[%get3A_69, %get3A_70, %get3A_71, %get3A_72] : memref<2x20x256x80xf32, #tpu.memory_space<vmem>>, vector<1x1x256x80xf32>
    %get3A_74 = vector.shape_cast %get3A_73 : vector<1x1x256x80xf32> to vector<256x80xf32>
    %add3A_75 = arith.addf %get3A_68, %get3A_74 : vector<256x80xf32>
    %slice3A_76 = vector.extract_strided_slice %add3A_62 {offsets = [0, 64], sizes = [256, 1], strides = [1, 1]} : vector<256x80xf32> to vector<256x1xf32>
    %add3A_77 = arith.constant 1.000000e-16 : f32
    %add3A_78 = vector.broadcast %add3A_77 : f32 to vector<256x1xf32>
    %add3A_79 = arith.addf %slice3A_76, %add3A_78 : vector<256x1xf32>
    %slice3A_80 = vector.extract_strided_slice %add3A_62 {offsets = [0, 0], sizes = [256, 64], strides = [1, 1]} : vector<256x80xf32> to vector<256x64xf32>
    %slice3A_81 = vector.extract_strided_slice %add3A_75 {offsets = [0, 0], sizes = [256, 64], strides = [1, 1]} : vector<256x80xf32> to vector<256x64xf32>
    %concatenate3A_82 = tpu.concatenate %slice3A_80, %slice3A_81 in 1 : vector<256x64xf32>, vector<256x64xf32> -> vector<256x128xf32>
    %div3A_83 = vector.broadcast %add3A_79 : vector<256x1xf32> to vector<256x128xf32>
    %div3A_84 = arith.divf %concatenate3A_82, %div3A_83 : vector<256x128xf32>
    %get3A_85 = arith.constant 0 : index
    %get3A_86 = arith.constant 1 : index
    %get3A_87 = arith.constant 0 : index
    %get3A_88 = vector.load %arg2[%get3A_85, %get3A_86, %get3A_87] : memref<1x10x128xf32, #tpu.memory_space<vmem>>, vector<1x1x128xf32>
    %get3A_89 = vector.shape_cast %get3A_88 : vector<1x1x128xf32> to vector<128xf32>
    %broadcast_in_dim3A_90 = vector.shape_cast %get3A_89 : vector<128xf32> to vector<1x128xf32>
    %add3A_91 = vector.broadcast %broadcast_in_dim3A_90 : vector<1x128xf32> to vector<256x128xf32>
    %add3A_92 = arith.addf %div3A_84, %add3A_91 : vector<256x128xf32>
    %gt3A_93 = arith.constant 0.000000e+00 : f32
    %gt3A_94 = vector.broadcast %gt3A_93 : f32 to vector<256x128xf32>
    %gt3A_95 = arith.cmpf ogt, %add3A_92, %gt3A_94 : vector<256x128xf32>
    %exp3A_96 = math.exp %add3A_92 : vector<256x128xf32>
    %sub3A_97 = arith.constant 1.000000e+00 : f32
    %sub3A_98 = vector.broadcast %sub3A_97 : f32 to vector<256x128xf32>
    %sub3A_99 = arith.subf %exp3A_96, %sub3A_98 : vector<256x128xf32>
    %select_n3A_100 = arith.select %gt3A_95, %add3A_92, %sub3A_99 : vector<256x128xi1>, vector<256x128xf32>
    %get3A_101 = arith.constant 1 : index
    %get3A_102 = arith.constant 0 : index
    %get3A_103 = arith.constant 0 : index
    %get3A_104 = vector.load %arg3[%get3A_101, %get3A_102, %get3A_103] : memref<10x128x128xf32, #tpu.memory_space<vmem>>, vector<1x128x128xf32>
    %get3A_105 = vector.shape_cast %get3A_104 : vector<1x128x128xf32> to vector<128x128xf32>
    %dot_general3A_106 = arith.constant dense<0.000000e+00> : vector<256x128xf32>
    %dot_general3A_107 = tpu.matmul %select_n3A_100, %get3A_105, %dot_general3A_106 {dimension_numbers = #tpu.dot_dimension_numbers<[1], [0], [0], [1], [0, 0, 1, 1], [], []>, transpose_lhs_hint = false} : vector<256x128xf32>, vector<128x128xf32>, vector<256x128xf32> -> vector<256x128xf32>
    %add3A_108 = arith.addf %add3A_49, %dot_general3A_107 : vector<256x128xf32>
    %get3A_109 = arith.constant 0 : index
    %get3A_110 = arith.constant 4 : index
    %get3A_111 = arith.constant 0 : index
    %get3A_112 = arith.constant 0 : index
    %get3A_113 = vector.load %arg1[%get3A_109, %get3A_110, %get3A_111, %get3A_112] : memref<2x20x256x80xf32, #tpu.memory_space<vmem>>, vector<1x1x256x80xf32>
    %get3A_114 = vector.shape_cast %get3A_113 : vector<1x1x256x80xf32> to vector<256x80xf32>
    %get3A_115 = arith.constant 1 : index
    %get3A_116 = arith.constant 4 : index
    %get3A_117 = arith.constant 0 : index
    %get3A_118 = arith.constant 0 : index
    %get3A_119 = vector.load %arg1[%get3A_115, %get3A_116, %get3A_117, %get3A_118] : memref<2x20x256x80xf32, #tpu.memory_space<vmem>>, vector<1x1x256x80xf32>
    %get3A_120 = vector.shape_cast %get3A_119 : vector<1x1x256x80xf32> to vector<256x80xf32>
    %add3A_121 = arith.addf %get3A_114, %get3A_120 : vector<256x80xf32>
    %get3A_122 = arith.constant 0 : index
    %get3A_123 = arith.constant 5 : index
    %get3A_124 = arith.constant 0 : index
    %get3A_125 = arith.constant 0 : index
    %get3A_126 = vector.load %arg1[%get3A_122, %get3A_123, %get3A_124, %get3A_125] : memref<2x20x256x80xf32, #tpu.memory_space<vmem>>, vector<1x1x256x80xf32>
    %get3A_127 = vector.shape_cast %get3A_126 : vector<1x1x256x80xf32> to vector<256x80xf32>
    %get3A_128 = arith.constant 1 : index
    %get3A_129 = arith.constant 5 : index
    %get3A_130 = arith.constant 0 : index
    %get3A_131 = arith.constant 0 : index
    %get3A_132 = vector.load %arg1[%get3A_128, %get3A_129, %get3A_130, %get3A_131] : memref<2x20x256x80xf32, #tpu.memory_space<vmem>>, vector<1x1x256x80xf32>
    %get3A_133 = vector.shape_cast %get3A_132 : vector<1x1x256x80xf32> to vector<256x80xf32>
    %add3A_134 = arith.addf %get3A_127, %get3A_133 : vector<256x80xf32>
    %slice3A_135 = vector.extract_strided_slice %add3A_121 {offsets = [0, 64], sizes = [256, 1], strides = [1, 1]} : vector<256x80xf32> to vector<256x1xf32>
    %add3A_136 = arith.constant 1.000000e-16 : f32
    %add3A_137 = vector.broadcast %add3A_136 : f32 to vector<256x1xf32>
    %add3A_138 = arith.addf %slice3A_135, %add3A_137 : vector<256x1xf32>
    %slice3A_139 = vector.extract_strided_slice %add3A_121 {offsets = [0, 0], sizes = [256, 64], strides = [1, 1]} : vector<256x80xf32> to vector<256x64xf32>
    %slice3A_140 = vector.extract_strided_slice %add3A_134 {offsets = [0, 0], sizes = [256, 64], strides = [1, 1]} : vector<256x80xf32> to vector<256x64xf32>
    %concatenate3A_141 = tpu.concatenate %slice3A_139, %slice3A_140 in 1 : vector<256x64xf32>, vector<256x64xf32> -> vector<256x128xf32>
    %div3A_142 = vector.broadcast %add3A_138 : vector<256x1xf32> to vector<256x128xf32>
    %div3A_143 = arith.divf %concatenate3A_141, %div3A_142 : vector<256x128xf32>
    %get3A_144 = arith.constant 0 : index
    %get3A_145 = arith.constant 2 : index
    %get3A_146 = arith.constant 0 : index
    %get3A_147 = vector.load %arg2[%get3A_144, %get3A_145, %get3A_146] : memref<1x10x128xf32, #tpu.memory_space<vmem>>, vector<1x1x128xf32>
    %get3A_148 = vector.shape_cast %get3A_147 : vector<1x1x128xf32> to vector<128xf32>
    %broadcast_in_dim3A_149 = vector.shape_cast %get3A_148 : vector<128xf32> to vector<1x128xf32>
    %add3A_150 = vector.broadcast %broadcast_in_dim3A_149 : vector<1x128xf32> to vector<256x128xf32>
    %add3A_151 = arith.addf %div3A_143, %add3A_150 : vector<256x128xf32>
    %gt3A_152 = arith.constant 0.000000e+00 : f32
    %gt3A_153 = vector.broadcast %gt3A_152 : f32 to vector<256x128xf32>
    %gt3A_154 = arith.cmpf ogt, %add3A_151, %gt3A_153 : vector<256x128xf32>
    %exp3A_155 = math.exp %add3A_151 : vector<256x128xf32>
    %sub3A_156 = arith.constant 1.000000e+00 : f32
    %sub3A_157 = vector.broadcast %sub3A_156 : f32 to vector<256x128xf32>
    %sub3A_158 = arith.subf %exp3A_155, %sub3A_157 : vector<256x128xf32>
    %select_n3A_159 = arith.select %gt3A_154, %add3A_151, %sub3A_158 : vector<256x128xi1>, vector<256x128xf32>
    %get3A_160 = arith.constant 2 : index
    %get3A_161 = arith.constant 0 : index
    %get3A_162 = arith.constant 0 : index
    %get3A_163 = vector.load %arg3[%get3A_160, %get3A_161, %get3A_162] : memref<10x128x128xf32, #tpu.memory_space<vmem>>, vector<1x128x128xf32>
    %get3A_164 = vector.shape_cast %get3A_163 : vector<1x128x128xf32> to vector<128x128xf32>
    %dot_general3A_165 = arith.constant dense<0.000000e+00> : vector<256x128xf32>
    %dot_general3A_166 = tpu.matmul %select_n3A_159, %get3A_164, %dot_general3A_165 {dimension_numbers = #tpu.dot_dimension_numbers<[1], [0], [0], [1], [0, 0, 1, 1], [], []>, transpose_lhs_hint = false} : vector<256x128xf32>, vector<128x128xf32>, vector<256x128xf32> -> vector<256x128xf32>
    %add3A_167 = arith.addf %add3A_108, %dot_general3A_166 : vector<256x128xf32>
    %get3A_168 = arith.constant 0 : index
    %get3A_169 = arith.constant 6 : index
    %get3A_170 = arith.constant 0 : index
    %get3A_171 = arith.constant 0 : index
    %get3A_172 = vector.load %arg1[%get3A_168, %get3A_169, %get3A_170, %get3A_171] : memref<2x20x256x80xf32, #tpu.memory_space<vmem>>, vector<1x1x256x80xf32>
    %get3A_173 = vector.shape_cast %get3A_172 : vector<1x1x256x80xf32> to vector<256x80xf32>
    %get3A_174 = arith.constant 1 : index
    %get3A_175 = arith.constant 6 : index
    %get3A_176 = arith.constant 0 : index
    %get3A_177 = arith.constant 0 : index
    %get3A_178 = vector.load %arg1[%get3A_174, %get3A_175, %get3A_176, %get3A_177] : memref<2x20x256x80xf32, #tpu.memory_space<vmem>>, vector<1x1x256x80xf32>
    %get3A_179 = vector.shape_cast %get3A_178 : vector<1x1x256x80xf32> to vector<256x80xf32>
    %add3A_180 = arith.addf %get3A_173, %get3A_179 : vector<256x80xf32>
    %get3A_181 = arith.constant 0 : index
    %get3A_182 = arith.constant 7 : index
    %get3A_183 = arith.constant 0 : index
    %get3A_184 = arith.constant 0 : index
    %get3A_185 = vector.load %arg1[%get3A_181, %get3A_182, %get3A_183, %get3A_184] : memref<2x20x256x80xf32, #tpu.memory_space<vmem>>, vector<1x1x256x80xf32>
    %get3A_186 = vector.shape_cast %get3A_185 : vector<1x1x256x80xf32> to vector<256x80xf32>
    %get3A_187 = arith.constant 1 : index
    %get3A_188 = arith.constant 7 : index
    %get3A_189 = arith.constant 0 : index
    %get3A_190 = arith.constant 0 : index
    %get3A_191 = vector.load %arg1[%get3A_187, %get3A_188, %get3A_189, %get3A_190] : memref<2x20x256x80xf32, #tpu.memory_space<vmem>>, vector<1x1x256x80xf32>
    %get3A_192 = vector.shape_cast %get3A_191 : vector<1x1x256x80xf32> to vector<256x80xf32>
    %add3A_193 = arith.addf %get3A_186, %get3A_192 : vector<256x80xf32>
    %slice3A_194 = vector.extract_strided_slice %add3A_180 {offsets = [0, 64], sizes = [256, 1], strides = [1, 1]} : vector<256x80xf32> to vector<256x1xf32>
    %add3A_195 = arith.constant 1.000000e-16 : f32
    %add3A_196 = vector.broadcast %add3A_195 : f32 to vector<256x1xf32>
    %add3A_197 = arith.addf %slice3A_194, %add3A_196 : vector<256x1xf32>
    %slice3A_198 = vector.extract_strided_slice %add3A_180 {offsets = [0, 0], sizes = [256, 64], strides = [1, 1]} : vector<256x80xf32> to vector<256x64xf32>
    %slice3A_199 = vector.extract_strided_slice %add3A_193 {offsets = [0, 0], sizes = [256, 64], strides = [1, 1]} : vector<256x80xf32> to vector<256x64xf32>
    %concatenate3A_200 = tpu.concatenate %slice3A_198, %slice3A_199 in 1 : vector<256x64xf32>, vector<256x64xf32> -> vector<256x128xf32>
    %div3A_201 = vector.broadcast %add3A_197 : vector<256x1xf32> to vector<256x128xf32>
    %div3A_202 = arith.divf %concatenate3A_200, %div3A_201 : vector<256x128xf32>
    %get3A_203 = arith.constant 0 : index
    %get3A_204 = arith.constant 3 : index
    %get3A_205 = arith.constant 0 : index
    %get3A_206 = vector.load %arg2[%get3A_203, %get3A_204, %get3A_205] : memref<1x10x128xf32, #tpu.memory_space<vmem>>, vector<1x1x128xf32>
    %get3A_207 = vector.shape_cast %get3A_206 : vector<1x1x128xf32> to vector<128xf32>
    %broadcast_in_dim3A_208 = vector.shape_cast %get3A_207 : vector<128xf32> to vector<1x128xf32>
    %add3A_209 = vector.broadcast %broadcast_in_dim3A_208 : vector<1x128xf32> to vector<256x128xf32>
    %add3A_210 = arith.addf %div3A_202, %add3A_209 : vector<256x128xf32>
    %gt3A_211 = arith.constant 0.000000e+00 : f32
    %gt3A_212 = vector.broadcast %gt3A_211 : f32 to vector<256x128xf32>
    %gt3A_213 = arith.cmpf ogt, %add3A_210, %gt3A_212 : vector<256x128xf32>
    %exp3A_214 = math.exp %add3A_210 : vector<256x128xf32>
    %sub3A_215 = arith.constant 1.000000e+00 : f32
    %sub3A_216 = vector.broadcast %sub3A_215 : f32 to vector<256x128xf32>
    %sub3A_217 = arith.subf %exp3A_214, %sub3A_216 : vector<256x128xf32>
    %select_n3A_218 = arith.select %gt3A_213, %add3A_210, %sub3A_217 : vector<256x128xi1>, vector<256x128xf32>
    %get3A_219 = arith.constant 3 : index
    %get3A_220 = arith.constant 0 : index
    %get3A_221 = arith.constant 0 : index
    %get3A_222 = vector.load %arg3[%get3A_219, %get3A_220, %get3A_221] : memref<10x128x128xf32, #tpu.memory_space<vmem>>, vector<1x128x128xf32>
    %get3A_223 = vector.shape_cast %get3A_222 : vector<1x128x128xf32> to vector<128x128xf32>
    %dot_general3A_224 = arith.constant dense<0.000000e+00> : vector<256x128xf32>
    %dot_general3A_225 = tpu.matmul %select_n3A_218, %get3A_223, %dot_general3A_224 {dimension_numbers = #tpu.dot_dimension_numbers<[1], [0], [0], [1], [0, 0, 1, 1], [], []>, transpose_lhs_hint = false} : vector<256x128xf32>, vector<128x128xf32>, vector<256x128xf32> -> vector<256x128xf32>
    %add3A_226 = arith.addf %add3A_167, %dot_general3A_225 : vector<256x128xf32>
    %get3A_227 = arith.constant 0 : index
    %get3A_228 = arith.constant 8 : index
    %get3A_229 = arith.constant 0 : index
    %get3A_230 = arith.constant 0 : index
    %get3A_231 = vector.load %arg1[%get3A_227, %get3A_228, %get3A_229, %get3A_230] : memref<2x20x256x80xf32, #tpu.memory_space<vmem>>, vector<1x1x256x80xf32>
    %get3A_232 = vector.shape_cast %get3A_231 : vector<1x1x256x80xf32> to vector<256x80xf32>
    %get3A_233 = arith.constant 1 : index
    %get3A_234 = arith.constant 8 : index
    %get3A_235 = arith.constant 0 : index
    %get3A_236 = arith.constant 0 : index
    %get3A_237 = vector.load %arg1[%get3A_233, %get3A_234, %get3A_235, %get3A_236] : memref<2x20x256x80xf32, #tpu.memory_space<vmem>>, vector<1x1x256x80xf32>
    %get3A_238 = vector.shape_cast %get3A_237 : vector<1x1x256x80xf32> to vector<256x80xf32>
    %add3A_239 = arith.addf %get3A_232, %get3A_238 : vector<256x80xf32>
    %get3A_240 = arith.constant 0 : index
    %get3A_241 = arith.constant 9 : index
    %get3A_242 = arith.constant 0 : index
    %get3A_243 = arith.constant 0 : index
    %get3A_244 = vector.load %arg1[%get3A_240, %get3A_241, %get3A_242, %get3A_243] : memref<2x20x256x80xf32, #tpu.memory_space<vmem>>, vector<1x1x256x80xf32>
    %get3A_245 = vector.shape_cast %get3A_244 : vector<1x1x256x80xf32> to vector<256x80xf32>
    %get3A_246 = arith.constant 1 : index
    %get3A_247 = arith.constant 9 : index
    %get3A_248 = arith.constant 0 : index
    %get3A_249 = arith.constant 0 : index
    %get3A_250 = vector.load %arg1[%get3A_246, %get3A_247, %get3A_248, %get3A_249] : memref<2x20x256x80xf32, #tpu.memory_space<vmem>>, vector<1x1x256x80xf32>
    %get3A_251 = vector.shape_cast %get3A_250 : vector<1x1x256x80xf32> to vector<256x80xf32>
    %add3A_252 = arith.addf %get3A_245, %get3A_251 : vector<256x80xf32>
    %slice3A_253 = vector.extract_strided_slice %add3A_239 {offsets = [0, 64], sizes = [256, 1], strides = [1, 1]} : vector<256x80xf32> to vector<256x1xf32>
    %add3A_254 = arith.constant 1.000000e-16 : f32
    %add3A_255 = vector.broadcast %add3A_254 : f32 to vector<256x1xf32>
    %add3A_256 = arith.addf %slice3A_253, %add3A_255 : vector<256x1xf32>
    %slice3A_257 = vector.extract_strided_slice %add3A_239 {offsets = [0, 0], sizes = [256, 64], strides = [1, 1]} : vector<256x80xf32> to vector<256x64xf32>
    %slice3A_258 = vector.extract_strided_slice %add3A_252 {offsets = [0, 0], sizes = [256, 64], strides = [1, 1]} : vector<256x80xf32> to vector<256x64xf32>
    %concatenate3A_259 = tpu.concatenate %slice3A_257, %slice3A_258 in 1 : vector<256x64xf32>, vector<256x64xf32> -> vector<256x128xf32>
    %div3A_260 = vector.broadcast %add3A_256 : vector<256x1xf32> to vector<256x128xf32>
    %div3A_261 = arith.divf %concatenate3A_259, %div3A_260 : vector<256x128xf32>
    %get3A_262 = arith.constant 0 : index
    %get3A_263 = arith.constant 4 : index
    %get3A_264 = arith.constant 0 : index
    %get3A_265 = vector.load %arg2[%get3A_262, %get3A_263, %get3A_264] : memref<1x10x128xf32, #tpu.memory_space<vmem>>, vector<1x1x128xf32>
    %get3A_266 = vector.shape_cast %get3A_265 : vector<1x1x128xf32> to vector<128xf32>
    %broadcast_in_dim3A_267 = vector.shape_cast %get3A_266 : vector<128xf32> to vector<1x128xf32>
    %add3A_268 = vector.broadcast %broadcast_in_dim3A_267 : vector<1x128xf32> to vector<256x128xf32>
    %add3A_269 = arith.addf %div3A_261, %add3A_268 : vector<256x128xf32>
    %gt3A_270 = arith.constant 0.000000e+00 : f32
    %gt3A_271 = vector.broadcast %gt3A_270 : f32 to vector<256x128xf32>
    %gt3A_272 = arith.cmpf ogt, %add3A_269, %gt3A_271 : vector<256x128xf32>
    %exp3A_273 = math.exp %add3A_269 : vector<256x128xf32>
    %sub3A_274 = arith.constant 1.000000e+00 : f32
    %sub3A_275 = vector.broadcast %sub3A_274 : f32 to vector<256x128xf32>
    %sub3A_276 = arith.subf %exp3A_273, %sub3A_275 : vector<256x128xf32>
    %select_n3A_277 = arith.select %gt3A_272, %add3A_269, %sub3A_276 : vector<256x128xi1>, vector<256x128xf32>
    %get3A_278 = arith.constant 4 : index
    %get3A_279 = arith.constant 0 : index
    %get3A_280 = arith.constant 0 : index
    %get3A_281 = vector.load %arg3[%get3A_278, %get3A_279, %get3A_280] : memref<10x128x128xf32, #tpu.memory_space<vmem>>, vector<1x128x128xf32>
    %get3A_282 = vector.shape_cast %get3A_281 : vector<1x128x128xf32> to vector<128x128xf32>
    %dot_general3A_283 = arith.constant dense<0.000000e+00> : vector<256x128xf32>
    %dot_general3A_284 = tpu.matmul %select_n3A_277, %get3A_282, %dot_general3A_283 {dimension_numbers = #tpu.dot_dimension_numbers<[1], [0], [0], [1], [0, 0, 1, 1], [], []>, transpose_lhs_hint = false} : vector<256x128xf32>, vector<128x128xf32>, vector<256x128xf32> -> vector<256x128xf32>
    %add3A_285 = arith.addf %add3A_226, %dot_general3A_284 : vector<256x128xf32>
    %get3A_286 = arith.constant 0 : index
    %get3A_287 = arith.constant 10 : index
    %get3A_288 = arith.constant 0 : index
    %get3A_289 = arith.constant 0 : index
    %get3A_290 = vector.load %arg1[%get3A_286, %get3A_287, %get3A_288, %get3A_289] : memref<2x20x256x80xf32, #tpu.memory_space<vmem>>, vector<1x1x256x80xf32>
    %get3A_291 = vector.shape_cast %get3A_290 : vector<1x1x256x80xf32> to vector<256x80xf32>
    %get3A_292 = arith.constant 1 : index
    %get3A_293 = arith.constant 10 : index
    %get3A_294 = arith.constant 0 : index
    %get3A_295 = arith.constant 0 : index
    %get3A_296 = vector.load %arg1[%get3A_292, %get3A_293, %get3A_294, %get3A_295] : memref<2x20x256x80xf32, #tpu.memory_space<vmem>>, vector<1x1x256x80xf32>
    %get3A_297 = vector.shape_cast %get3A_296 : vector<1x1x256x80xf32> to vector<256x80xf32>
    %add3A_298 = arith.addf %get3A_291, %get3A_297 : vector<256x80xf32>
    %get3A_299 = arith.constant 0 : index
    %get3A_300 = arith.constant 11 : index
    %get3A_301 = arith.constant 0 : index
    %get3A_302 = arith.constant 0 : index
    %get3A_303 = vector.load %arg1[%get3A_299, %get3A_300, %get3A_301, %get3A_302] : memref<2x20x256x80xf32, #tpu.memory_space<vmem>>, vector<1x1x256x80xf32>
    %get3A_304 = vector.shape_cast %get3A_303 : vector<1x1x256x80xf32> to vector<256x80xf32>
    %get3A_305 = arith.constant 1 : index
    %get3A_306 = arith.constant 11 : index
    %get3A_307 = arith.constant 0 : index
    %get3A_308 = arith.constant 0 : index
    %get3A_309 = vector.load %arg1[%get3A_305, %get3A_306, %get3A_307, %get3A_308] : memref<2x20x256x80xf32, #tpu.memory_space<vmem>>, vector<1x1x256x80xf32>
    %get3A_310 = vector.shape_cast %get3A_309 : vector<1x1x256x80xf32> to vector<256x80xf32>
    %add3A_311 = arith.addf %get3A_304, %get3A_310 : vector<256x80xf32>
    %slice3A_312 = vector.extract_strided_slice %add3A_298 {offsets = [0, 64], sizes = [256, 1], strides = [1, 1]} : vector<256x80xf32> to vector<256x1xf32>
    %add3A_313 = arith.constant 1.000000e-16 : f32
    %add3A_314 = vector.broadcast %add3A_313 : f32 to vector<256x1xf32>
    %add3A_315 = arith.addf %slice3A_312, %add3A_314 : vector<256x1xf32>
    %slice3A_316 = vector.extract_strided_slice %add3A_298 {offsets = [0, 0], sizes = [256, 64], strides = [1, 1]} : vector<256x80xf32> to vector<256x64xf32>
    %slice3A_317 = vector.extract_strided_slice %add3A_311 {offsets = [0, 0], sizes = [256, 64], strides = [1, 1]} : vector<256x80xf32> to vector<256x64xf32>
    %concatenate3A_318 = tpu.concatenate %slice3A_316, %slice3A_317 in 1 : vector<256x64xf32>, vector<256x64xf32> -> vector<256x128xf32>
    %div3A_319 = vector.broadcast %add3A_315 : vector<256x1xf32> to vector<256x128xf32>
    %div3A_320 = arith.divf %concatenate3A_318, %div3A_319 : vector<256x128xf32>
    %get3A_321 = arith.constant 0 : index
    %get3A_322 = arith.constant 5 : index
    %get3A_323 = arith.constant 0 : index
    %get3A_324 = vector.load %arg2[%get3A_321, %get3A_322, %get3A_323] : memref<1x10x128xf32, #tpu.memory_space<vmem>>, vector<1x1x128xf32>
    %get3A_325 = vector.shape_cast %get3A_324 : vector<1x1x128xf32> to vector<128xf32>
    %broadcast_in_dim3A_326 = vector.shape_cast %get3A_325 : vector<128xf32> to vector<1x128xf32>
    %add3A_327 = vector.broadcast %broadcast_in_dim3A_326 : vector<1x128xf32> to vector<256x128xf32>
    %add3A_328 = arith.addf %div3A_320, %add3A_327 : vector<256x128xf32>
    %gt3A_329 = arith.constant 0.000000e+00 : f32
    %gt3A_330 = vector.broadcast %gt3A_329 : f32 to vector<256x128xf32>
    %gt3A_331 = arith.cmpf ogt, %add3A_328, %gt3A_330 : vector<256x128xf32>
    %exp3A_332 = math.exp %add3A_328 : vector<256x128xf32>
    %sub3A_333 = arith.constant 1.000000e+00 : f32
    %sub3A_334 = vector.broadcast %sub3A_333 : f32 to vector<256x128xf32>
    %sub3A_335 = arith.subf %exp3A_332, %sub3A_334 : vector<256x128xf32>
    %select_n3A_336 = arith.select %gt3A_331, %add3A_328, %sub3A_335 : vector<256x128xi1>, vector<256x128xf32>
    %get3A_337 = arith.constant 5 : index
    %get3A_338 = arith.constant 0 : index
    %get3A_339 = arith.constant 0 : index
    %get3A_340 = vector.load %arg3[%get3A_337, %get3A_338, %get3A_339] : memref<10x128x128xf32, #tpu.memory_space<vmem>>, vector<1x128x128xf32>
    %get3A_341 = vector.shape_cast %get3A_340 : vector<1x128x128xf32> to vector<128x128xf32>
    %dot_general3A_342 = arith.constant dense<0.000000e+00> : vector<256x128xf32>
    %dot_general3A_343 = tpu.matmul %select_n3A_336, %get3A_341, %dot_general3A_342 {dimension_numbers = #tpu.dot_dimension_numbers<[1], [0], [0], [1], [0, 0, 1, 1], [], []>, transpose_lhs_hint = false} : vector<256x128xf32>, vector<128x128xf32>, vector<256x128xf32> -> vector<256x128xf32>
    %add3A_344 = arith.addf %add3A_285, %dot_general3A_343 : vector<256x128xf32>
    %get3A_345 = arith.constant 0 : index
    %get3A_346 = arith.constant 12 : index
    %get3A_347 = arith.constant 0 : index
    %get3A_348 = arith.constant 0 : index
    %get3A_349 = vector.load %arg1[%get3A_345, %get3A_346, %get3A_347, %get3A_348] : memref<2x20x256x80xf32, #tpu.memory_space<vmem>>, vector<1x1x256x80xf32>
    %get3A_350 = vector.shape_cast %get3A_349 : vector<1x1x256x80xf32> to vector<256x80xf32>
    %get3A_351 = arith.constant 1 : index
    %get3A_352 = arith.constant 12 : index
    %get3A_353 = arith.constant 0 : index
    %get3A_354 = arith.constant 0 : index
    %get3A_355 = vector.load %arg1[%get3A_351, %get3A_352, %get3A_353, %get3A_354] : memref<2x20x256x80xf32, #tpu.memory_space<vmem>>, vector<1x1x256x80xf32>
    %get3A_356 = vector.shape_cast %get3A_355 : vector<1x1x256x80xf32> to vector<256x80xf32>
    %add3A_357 = arith.addf %get3A_350, %get3A_356 : vector<256x80xf32>
    %get3A_358 = arith.constant 0 : index
    %get3A_359 = arith.constant 13 : index
    %get3A_360 = arith.constant 0 : index
    %get3A_361 = arith.constant 0 : index
    %get3A_362 = vector.load %arg1[%get3A_358, %get3A_359, %get3A_360, %get3A_361] : memref<2x20x256x80xf32, #tpu.memory_space<vmem>>, vector<1x1x256x80xf32>
    %get3A_363 = vector.shape_cast %get3A_362 : vector<1x1x256x80xf32> to vector<256x80xf32>
    %get3A_364 = arith.constant 1 : index
    %get3A_365 = arith.constant 13 : index
    %get3A_366 = arith.constant 0 : index
    %get3A_367 = arith.constant 0 : index
    %get3A_368 = vector.load %arg1[%get3A_364, %get3A_365, %get3A_366, %get3A_367] : memref<2x20x256x80xf32, #tpu.memory_space<vmem>>, vector<1x1x256x80xf32>
    %get3A_369 = vector.shape_cast %get3A_368 : vector<1x1x256x80xf32> to vector<256x80xf32>
    %add3A_370 = arith.addf %get3A_363, %get3A_369 : vector<256x80xf32>
    %slice3A_371 = vector.extract_strided_slice %add3A_357 {offsets = [0, 64], sizes = [256, 1], strides = [1, 1]} : vector<256x80xf32> to vector<256x1xf32>
    %add3A_372 = arith.constant 1.000000e-16 : f32
    %add3A_373 = vector.broadcast %add3A_372 : f32 to vector<256x1xf32>
    %add3A_374 = arith.addf %slice3A_371, %add3A_373 : vector<256x1xf32>
    %slice3A_375 = vector.extract_strided_slice %add3A_357 {offsets = [0, 0], sizes = [256, 64], strides = [1, 1]} : vector<256x80xf32> to vector<256x64xf32>
    %slice3A_376 = vector.extract_strided_slice %add3A_370 {offsets = [0, 0], sizes = [256, 64], strides = [1, 1]} : vector<256x80xf32> to vector<256x64xf32>
    %concatenate3A_377 = tpu.concatenate %slice3A_375, %slice3A_376 in 1 : vector<256x64xf32>, vector<256x64xf32> -> vector<256x128xf32>
    %div3A_378 = vector.broadcast %add3A_374 : vector<256x1xf32> to vector<256x128xf32>
    %div3A_379 = arith.divf %concatenate3A_377, %div3A_378 : vector<256x128xf32>
    %get3A_380 = arith.constant 0 : index
    %get3A_381 = arith.constant 6 : index
    %get3A_382 = arith.constant 0 : index
    %get3A_383 = vector.load %arg2[%get3A_380, %get3A_381, %get3A_382] : memref<1x10x128xf32, #tpu.memory_space<vmem>>, vector<1x1x128xf32>
    %get3A_384 = vector.shape_cast %get3A_383 : vector<1x1x128xf32> to vector<128xf32>
    %broadcast_in_dim3A_385 = vector.shape_cast %get3A_384 : vector<128xf32> to vector<1x128xf32>
    %add3A_386 = vector.broadcast %broadcast_in_dim3A_385 : vector<1x128xf32> to vector<256x128xf32>
    %add3A_387 = arith.addf %div3A_379, %add3A_386 : vector<256x128xf32>
    %gt3A_388 = arith.constant 0.000000e+00 : f32
    %gt3A_389 = vector.broadcast %gt3A_388 : f32 to vector<256x128xf32>
    %gt3A_390 = arith.cmpf ogt, %add3A_387, %gt3A_389 : vector<256x128xf32>
    %exp3A_391 = math.exp %add3A_387 : vector<256x128xf32>
    %sub3A_392 = arith.constant 1.000000e+00 : f32
    %sub3A_393 = vector.broadcast %sub3A_392 : f32 to vector<256x128xf32>
    %sub3A_394 = arith.subf %exp3A_391, %sub3A_393 : vector<256x128xf32>
    %select_n3A_395 = arith.select %gt3A_390, %add3A_387, %sub3A_394 : vector<256x128xi1>, vector<256x128xf32>
    %get3A_396 = arith.constant 6 : index
    %get3A_397 = arith.constant 0 : index
    %get3A_398 = arith.constant 0 : index
    %get3A_399 = vector.load %arg3[%get3A_396, %get3A_397, %get3A_398] : memref<10x128x128xf32, #tpu.memory_space<vmem>>, vector<1x128x128xf32>
    %get3A_400 = vector.shape_cast %get3A_399 : vector<1x128x128xf32> to vector<128x128xf32>
    %dot_general3A_401 = arith.constant dense<0.000000e+00> : vector<256x128xf32>
    %dot_general3A_402 = tpu.matmul %select_n3A_395, %get3A_400, %dot_general3A_401 {dimension_numbers = #tpu.dot_dimension_numbers<[1], [0], [0], [1], [0, 0, 1, 1], [], []>, transpose_lhs_hint = false} : vector<256x128xf32>, vector<128x128xf32>, vector<256x128xf32> -> vector<256x128xf32>
    %add3A_403 = arith.addf %add3A_344, %dot_general3A_402 : vector<256x128xf32>
    %get3A_404 = arith.constant 0 : index
    %get3A_405 = arith.constant 14 : index
    %get3A_406 = arith.constant 0 : index
    %get3A_407 = arith.constant 0 : index
    %get3A_408 = vector.load %arg1[%get3A_404, %get3A_405, %get3A_406, %get3A_407] : memref<2x20x256x80xf32, #tpu.memory_space<vmem>>, vector<1x1x256x80xf32>
    %get3A_409 = vector.shape_cast %get3A_408 : vector<1x1x256x80xf32> to vector<256x80xf32>
    %get3A_410 = arith.constant 1 : index
    %get3A_411 = arith.constant 14 : index
    %get3A_412 = arith.constant 0 : index
    %get3A_413 = arith.constant 0 : index
    %get3A_414 = vector.load %arg1[%get3A_410, %get3A_411, %get3A_412, %get3A_413] : memref<2x20x256x80xf32, #tpu.memory_space<vmem>>, vector<1x1x256x80xf32>
    %get3A_415 = vector.shape_cast %get3A_414 : vector<1x1x256x80xf32> to vector<256x80xf32>
    %add3A_416 = arith.addf %get3A_409, %get3A_415 : vector<256x80xf32>
    %get3A_417 = arith.constant 0 : index
    %get3A_418 = arith.constant 15 : index
    %get3A_419 = arith.constant 0 : index
    %get3A_420 = arith.constant 0 : index
    %get3A_421 = vector.load %arg1[%get3A_417, %get3A_418, %get3A_419, %get3A_420] : memref<2x20x256x80xf32, #tpu.memory_space<vmem>>, vector<1x1x256x80xf32>
    %get3A_422 = vector.shape_cast %get3A_421 : vector<1x1x256x80xf32> to vector<256x80xf32>
    %get3A_423 = arith.constant 1 : index
    %get3A_424 = arith.constant 15 : index
    %get3A_425 = arith.constant 0 : index
    %get3A_426 = arith.constant 0 : index
    %get3A_427 = vector.load %arg1[%get3A_423, %get3A_424, %get3A_425, %get3A_426] : memref<2x20x256x80xf32, #tpu.memory_space<vmem>>, vector<1x1x256x80xf32>
    %get3A_428 = vector.shape_cast %get3A_427 : vector<1x1x256x80xf32> to vector<256x80xf32>
    %add3A_429 = arith.addf %get3A_422, %get3A_428 : vector<256x80xf32>
    %slice3A_430 = vector.extract_strided_slice %add3A_416 {offsets = [0, 64], sizes = [256, 1], strides = [1, 1]} : vector<256x80xf32> to vector<256x1xf32>
    %add3A_431 = arith.constant 1.000000e-16 : f32
    %add3A_432 = vector.broadcast %add3A_431 : f32 to vector<256x1xf32>
    %add3A_433 = arith.addf %slice3A_430, %add3A_432 : vector<256x1xf32>
    %slice3A_434 = vector.extract_strided_slice %add3A_416 {offsets = [0, 0], sizes = [256, 64], strides = [1, 1]} : vector<256x80xf32> to vector<256x64xf32>
    %slice3A_435 = vector.extract_strided_slice %add3A_429 {offsets = [0, 0], sizes = [256, 64], strides = [1, 1]} : vector<256x80xf32> to vector<256x64xf32>
    %concatenate3A_436 = tpu.concatenate %slice3A_434, %slice3A_435 in 1 : vector<256x64xf32>, vector<256x64xf32> -> vector<256x128xf32>
    %div3A_437 = vector.broadcast %add3A_433 : vector<256x1xf32> to vector<256x128xf32>
    %div3A_438 = arith.divf %concatenate3A_436, %div3A_437 : vector<256x128xf32>
    %get3A_439 = arith.constant 0 : index
    %get3A_440 = arith.constant 7 : index
    %get3A_441 = arith.constant 0 : index
    %get3A_442 = vector.load %arg2[%get3A_439, %get3A_440, %get3A_441] : memref<1x10x128xf32, #tpu.memory_space<vmem>>, vector<1x1x128xf32>
    %get3A_443 = vector.shape_cast %get3A_442 : vector<1x1x128xf32> to vector<128xf32>
    %broadcast_in_dim3A_444 = vector.shape_cast %get3A_443 : vector<128xf32> to vector<1x128xf32>
    %add3A_445 = vector.broadcast %broadcast_in_dim3A_444 : vector<1x128xf32> to vector<256x128xf32>
    %add3A_446 = arith.addf %div3A_438, %add3A_445 : vector<256x128xf32>
    %gt3A_447 = arith.constant 0.000000e+00 : f32
    %gt3A_448 = vector.broadcast %gt3A_447 : f32 to vector<256x128xf32>
    %gt3A_449 = arith.cmpf ogt, %add3A_446, %gt3A_448 : vector<256x128xf32>
    %exp3A_450 = math.exp %add3A_446 : vector<256x128xf32>
    %sub3A_451 = arith.constant 1.000000e+00 : f32
    %sub3A_452 = vector.broadcast %sub3A_451 : f32 to vector<256x128xf32>
    %sub3A_453 = arith.subf %exp3A_450, %sub3A_452 : vector<256x128xf32>
    %select_n3A_454 = arith.select %gt3A_449, %add3A_446, %sub3A_453 : vector<256x128xi1>, vector<256x128xf32>
    %get3A_455 = arith.constant 7 : index
    %get3A_456 = arith.constant 0 : index
    %get3A_457 = arith.constant 0 : index
    %get3A_458 = vector.load %arg3[%get3A_455, %get3A_456, %get3A_457] : memref<10x128x128xf32, #tpu.memory_space<vmem>>, vector<1x128x128xf32>
    %get3A_459 = vector.shape_cast %get3A_458 : vector<1x128x128xf32> to vector<128x128xf32>
    %dot_general3A_460 = arith.constant dense<0.000000e+00> : vector<256x128xf32>
    %dot_general3A_461 = tpu.matmul %select_n3A_454, %get3A_459, %dot_general3A_460 {dimension_numbers = #tpu.dot_dimension_numbers<[1], [0], [0], [1], [0, 0, 1, 1], [], []>, transpose_lhs_hint = false} : vector<256x128xf32>, vector<128x128xf32>, vector<256x128xf32> -> vector<256x128xf32>
    %add3A_462 = arith.addf %add3A_403, %dot_general3A_461 : vector<256x128xf32>
    %get3A_463 = arith.constant 0 : index
    %get3A_464 = arith.constant 16 : index
    %get3A_465 = arith.constant 0 : index
    %get3A_466 = arith.constant 0 : index
    %get3A_467 = vector.load %arg1[%get3A_463, %get3A_464, %get3A_465, %get3A_466] : memref<2x20x256x80xf32, #tpu.memory_space<vmem>>, vector<1x1x256x80xf32>
    %get3A_468 = vector.shape_cast %get3A_467 : vector<1x1x256x80xf32> to vector<256x80xf32>
    %get3A_469 = arith.constant 1 : index
    %get3A_470 = arith.constant 16 : index
    %get3A_471 = arith.constant 0 : index
    %get3A_472 = arith.constant 0 : index
    %get3A_473 = vector.load %arg1[%get3A_469, %get3A_470, %get3A_471, %get3A_472] : memref<2x20x256x80xf32, #tpu.memory_space<vmem>>, vector<1x1x256x80xf32>
    %get3A_474 = vector.shape_cast %get3A_473 : vector<1x1x256x80xf32> to vector<256x80xf32>
    %add3A_475 = arith.addf %get3A_468, %get3A_474 : vector<256x80xf32>
    %get3A_476 = arith.constant 0 : index
    %get3A_477 = arith.constant 17 : index
    %get3A_478 = arith.constant 0 : index
    %get3A_479 = arith.constant 0 : index
    %get3A_480 = vector.load %arg1[%get3A_476, %get3A_477, %get3A_478, %get3A_479] : memref<2x20x256x80xf32, #tpu.memory_space<vmem>>, vector<1x1x256x80xf32>
    %get3A_481 = vector.shape_cast %get3A_480 : vector<1x1x256x80xf32> to vector<256x80xf32>
    %get3A_482 = arith.constant 1 : index
    %get3A_483 = arith.constant 17 : index
    %get3A_484 = arith.constant 0 : index
    %get3A_485 = arith.constant 0 : index
    %get3A_486 = vector.load %arg1[%get3A_482, %get3A_483, %get3A_484, %get3A_485] : memref<2x20x256x80xf32, #tpu.memory_space<vmem>>, vector<1x1x256x80xf32>
    %get3A_487 = vector.shape_cast %get3A_486 : vector<1x1x256x80xf32> to vector<256x80xf32>
    %add3A_488 = arith.addf %get3A_481, %get3A_487 : vector<256x80xf32>
    %slice3A_489 = vector.extract_strided_slice %add3A_475 {offsets = [0, 64], sizes = [256, 1], strides = [1, 1]} : vector<256x80xf32> to vector<256x1xf32>
    %add3A_490 = arith.constant 1.000000e-16 : f32
    %add3A_491 = vector.broadcast %add3A_490 : f32 to vector<256x1xf32>
    %add3A_492 = arith.addf %slice3A_489, %add3A_491 : vector<256x1xf32>
    %slice3A_493 = vector.extract_strided_slice %add3A_475 {offsets = [0, 0], sizes = [256, 64], strides = [1, 1]} : vector<256x80xf32> to vector<256x64xf32>
    %slice3A_494 = vector.extract_strided_slice %add3A_488 {offsets = [0, 0], sizes = [256, 64], strides = [1, 1]} : vector<256x80xf32> to vector<256x64xf32>
    %concatenate3A_495 = tpu.concatenate %slice3A_493, %slice3A_494 in 1 : vector<256x64xf32>, vector<256x64xf32> -> vector<256x128xf32>
    %div3A_496 = vector.broadcast %add3A_492 : vector<256x1xf32> to vector<256x128xf32>
    %div3A_497 = arith.divf %concatenate3A_495, %div3A_496 : vector<256x128xf32>
    %get3A_498 = arith.constant 0 : index
    %get3A_499 = arith.constant 8 : index
    %get3A_500 = arith.constant 0 : index
    %get3A_501 = vector.load %arg2[%get3A_498, %get3A_499, %get3A_500] : memref<1x10x128xf32, #tpu.memory_space<vmem>>, vector<1x1x128xf32>
    %get3A_502 = vector.shape_cast %get3A_501 : vector<1x1x128xf32> to vector<128xf32>
    %broadcast_in_dim3A_503 = vector.shape_cast %get3A_502 : vector<128xf32> to vector<1x128xf32>
    %add3A_504 = vector.broadcast %broadcast_in_dim3A_503 : vector<1x128xf32> to vector<256x128xf32>
    %add3A_505 = arith.addf %div3A_497, %add3A_504 : vector<256x128xf32>
    %gt3A_506 = arith.constant 0.000000e+00 : f32
    %gt3A_507 = vector.broadcast %gt3A_506 : f32 to vector<256x128xf32>
    %gt3A_508 = arith.cmpf ogt, %add3A_505, %gt3A_507 : vector<256x128xf32>
    %exp3A_509 = math.exp %add3A_505 : vector<256x128xf32>
    %sub3A_510 = arith.constant 1.000000e+00 : f32
    %sub3A_511 = vector.broadcast %sub3A_510 : f32 to vector<256x128xf32>
    %sub3A_512 = arith.subf %exp3A_509, %sub3A_511 : vector<256x128xf32>
    %select_n3A_513 = arith.select %gt3A_508, %add3A_505, %sub3A_512 : vector<256x128xi1>, vector<256x128xf32>
    %get3A_514 = arith.constant 8 : index
    %get3A_515 = arith.constant 0 : index
    %get3A_516 = arith.constant 0 : index
    %get3A_517 = vector.load %arg3[%get3A_514, %get3A_515, %get3A_516] : memref<10x128x128xf32, #tpu.memory_space<vmem>>, vector<1x128x128xf32>
    %get3A_518 = vector.shape_cast %get3A_517 : vector<1x128x128xf32> to vector<128x128xf32>
    %dot_general3A_519 = arith.constant dense<0.000000e+00> : vector<256x128xf32>
    %dot_general3A_520 = tpu.matmul %select_n3A_513, %get3A_518, %dot_general3A_519 {dimension_numbers = #tpu.dot_dimension_numbers<[1], [0], [0], [1], [0, 0, 1, 1], [], []>, transpose_lhs_hint = false} : vector<256x128xf32>, vector<128x128xf32>, vector<256x128xf32> -> vector<256x128xf32>
    %add3A_521 = arith.addf %add3A_462, %dot_general3A_520 : vector<256x128xf32>
    %get3A_522 = arith.constant 0 : index
    %get3A_523 = arith.constant 18 : index
    %get3A_524 = arith.constant 0 : index
    %get3A_525 = arith.constant 0 : index
    %get3A_526 = vector.load %arg1[%get3A_522, %get3A_523, %get3A_524, %get3A_525] : memref<2x20x256x80xf32, #tpu.memory_space<vmem>>, vector<1x1x256x80xf32>
    %get3A_527 = vector.shape_cast %get3A_526 : vector<1x1x256x80xf32> to vector<256x80xf32>
    %get3A_528 = arith.constant 1 : index
    %get3A_529 = arith.constant 18 : index
    %get3A_530 = arith.constant 0 : index
    %get3A_531 = arith.constant 0 : index
    %get3A_532 = vector.load %arg1[%get3A_528, %get3A_529, %get3A_530, %get3A_531] : memref<2x20x256x80xf32, #tpu.memory_space<vmem>>, vector<1x1x256x80xf32>
    %get3A_533 = vector.shape_cast %get3A_532 : vector<1x1x256x80xf32> to vector<256x80xf32>
    %add3A_534 = arith.addf %get3A_527, %get3A_533 : vector<256x80xf32>
    %get3A_535 = arith.constant 0 : index
    %get3A_536 = arith.constant 19 : index
    %get3A_537 = arith.constant 0 : index
    %get3A_538 = arith.constant 0 : index
    %get3A_539 = vector.load %arg1[%get3A_535, %get3A_536, %get3A_537, %get3A_538] : memref<2x20x256x80xf32, #tpu.memory_space<vmem>>, vector<1x1x256x80xf32>
    %get3A_540 = vector.shape_cast %get3A_539 : vector<1x1x256x80xf32> to vector<256x80xf32>
    %get3A_541 = arith.constant 1 : index
    %get3A_542 = arith.constant 19 : index
    %get3A_543 = arith.constant 0 : index
    %get3A_544 = arith.constant 0 : index
    %get3A_545 = vector.load %arg1[%get3A_541, %get3A_542, %get3A_543, %get3A_544] : memref<2x20x256x80xf32, #tpu.memory_space<vmem>>, vector<1x1x256x80xf32>
    %get3A_546 = vector.shape_cast %get3A_545 : vector<1x1x256x80xf32> to vector<256x80xf32>
    %add3A_547 = arith.addf %get3A_540, %get3A_546 : vector<256x80xf32>
    %slice3A_548 = vector.extract_strided_slice %add3A_534 {offsets = [0, 64], sizes = [256, 1], strides = [1, 1]} : vector<256x80xf32> to vector<256x1xf32>
    %add3A_549 = arith.constant 1.000000e-16 : f32
    %add3A_550 = vector.broadcast %add3A_549 : f32 to vector<256x1xf32>
    %add3A_551 = arith.addf %slice3A_548, %add3A_550 : vector<256x1xf32>
    %slice3A_552 = vector.extract_strided_slice %add3A_534 {offsets = [0, 0], sizes = [256, 64], strides = [1, 1]} : vector<256x80xf32> to vector<256x64xf32>
    %slice3A_553 = vector.extract_strided_slice %add3A_547 {offsets = [0, 0], sizes = [256, 64], strides = [1, 1]} : vector<256x80xf32> to vector<256x64xf32>
    %concatenate3A_554 = tpu.concatenate %slice3A_552, %slice3A_553 in 1 : vector<256x64xf32>, vector<256x64xf32> -> vector<256x128xf32>
    %div3A_555 = vector.broadcast %add3A_551 : vector<256x1xf32> to vector<256x128xf32>
    %div3A_556 = arith.divf %concatenate3A_554, %div3A_555 : vector<256x128xf32>
    %get3A_557 = arith.constant 0 : index
    %get3A_558 = arith.constant 9 : index
    %get3A_559 = arith.constant 0 : index
    %get3A_560 = vector.load %arg2[%get3A_557, %get3A_558, %get3A_559] : memref<1x10x128xf32, #tpu.memory_space<vmem>>, vector<1x1x128xf32>
    %get3A_561 = vector.shape_cast %get3A_560 : vector<1x1x128xf32> to vector<128xf32>
    %broadcast_in_dim3A_562 = vector.shape_cast %get3A_561 : vector<128xf32> to vector<1x128xf32>
    %add3A_563 = vector.broadcast %broadcast_in_dim3A_562 : vector<1x128xf32> to vector<256x128xf32>
    %add3A_564 = arith.addf %div3A_556, %add3A_563 : vector<256x128xf32>
    %gt3A_565 = arith.constant 0.000000e+00 : f32
    %gt3A_566 = vector.broadcast %gt3A_565 : f32 to vector<256x128xf32>
    %gt3A_567 = arith.cmpf ogt, %add3A_564, %gt3A_566 : vector<256x128xf32>
    %exp3A_568 = math.exp %add3A_564 : vector<256x128xf32>
    %sub3A_569 = arith.constant 1.000000e+00 : f32
    %sub3A_570 = vector.broadcast %sub3A_569 : f32 to vector<256x128xf32>
    %sub3A_571 = arith.subf %exp3A_568, %sub3A_570 : vector<256x128xf32>
    %select_n3A_572 = arith.select %gt3A_567, %add3A_564, %sub3A_571 : vector<256x128xi1>, vector<256x128xf32>
    %get3A_573 = arith.constant 9 : index
    %get3A_574 = arith.constant 0 : index
    %get3A_575 = arith.constant 0 : index
    %get3A_576 = vector.load %arg3[%get3A_573, %get3A_574, %get3A_575] : memref<10x128x128xf32, #tpu.memory_space<vmem>>, vector<1x128x128xf32>
    %get3A_577 = vector.shape_cast %get3A_576 : vector<1x128x128xf32> to vector<128x128xf32>
    %dot_general3A_578 = arith.constant dense<0.000000e+00> : vector<256x128xf32>
    %dot_general3A_579 = tpu.matmul %select_n3A_572, %get3A_577, %dot_general3A_578 {dimension_numbers = #tpu.dot_dimension_numbers<[1], [0], [0], [1], [0, 0, 1, 1], [], []>, transpose_lhs_hint = false} : vector<256x128xf32>, vector<128x128xf32>, vector<256x128xf32> -> vector<256x128xf32>
    %add3A_580 = arith.addf %add3A_521, %dot_general3A_579 : vector<256x128xf32>
    %broadcast_in_dim3A_581 = arith.constant 1.000000e+00 : f32
    %broadcast_in_dim3A_582 = vector.broadcast %broadcast_in_dim3A_581 : f32 to vector<256x1xf32>
    %broadcast_in_dim3A_583 = arith.constant 0.000000e+00 : f32
    %broadcast_in_dim3A_584 = vector.broadcast %broadcast_in_dim3A_583 : f32 to vector<256x15xf32>
    %broadcast_in_dim3A_585 = arith.constant 0.000000e+00 : f32
    %broadcast_in_dim3A_586 = vector.broadcast %broadcast_in_dim3A_585 : f32 to vector<256x16xf32>
    %slice3A_587 = vector.extract_strided_slice %add3A_580 {offsets = [0, 0], sizes = [256, 64], strides = [1, 1]} : vector<256x128xf32> to vector<256x64xf32>
    %concatenate3A_588 = tpu.concatenate %slice3A_587, %broadcast_in_dim3A_582, %broadcast_in_dim3A_584 in 1 : vector<256x64xf32>, vector<256x1xf32>, vector<256x15xf32> -> vector<256x80xf32>
    %slice3A_589 = vector.extract_strided_slice %add3A_580 {offsets = [0, 64], sizes = [256, 64], strides = [1, 1]} : vector<256x128xf32> to vector<256x64xf32>
    %concatenate3A_590 = tpu.concatenate %slice3A_589, %broadcast_in_dim3A_586 in 1 : vector<256x64xf32>, vector<256x16xf32> -> vector<256x80xf32>
    %stack3A = vector.shape_cast %concatenate3A_588 : vector<256x80xf32> to vector<1x256x80xf32>
    %stack3A_591 = vector.shape_cast %concatenate3A_590 : vector<256x80xf32> to vector<1x256x80xf32>
    %stack3A_592 = tpu.concatenate %stack3A, %stack3A_591 in 0 : vector<1x256x80xf32>, vector<1x256x80xf32> -> vector<2x256x80xf32>
    %swap3A = arith.constant 0 : index
    %swap3A_593 = arith.constant 0 : index
    %swap3A_594 = arith.constant 0 : index
    %swap3A_595 = vector.load %arg6[%swap3A, %swap3A_593, %swap3A_594] : memref<2x256x80xf32, #tpu.memory_space<vmem>>, vector<2x256x80xf32>
    tpu.vector_store %arg6[%swap3A, %swap3A_593, %swap3A_594], %stack3A_592 {strides = array<i32>} : memref<2x256x80xf32, #tpu.memory_space<vmem>>, vector<2x256x80xf32>,
    %get3A_596 = arith.constant 0 : index
    %get3A_597 = arith.constant 0 : index
    %get3A_598 = vector.load %arg4[%get3A_596, %get3A_597] : memref<1x128xf32, #tpu.memory_space<vmem>>, vector<1x128xf32>
    %mul3A = vector.broadcast %get3A_598 : vector<1x128xf32> to vector<256x128xf32>
    %mul3A_599 = arith.mulf %add3A_580, %mul3A : vector<256x128xf32>
    %reduce_sum3A = arith.constant dense<0.000000e+00> : vector<256xf32>
    %reduce_sum3A_600 = vector.multi_reduction <add>, %mul3A_599, %reduce_sum3A [1] : vector<256x128xf32> to vector<256xf32>
    %broadcast_in_dim3A_601 = vector.shape_cast %reduce_sum3A_600 : vector<256xf32> to vector<256x1xf32>
    %get3A_602 = arith.constant 0 : index
    %get3A_603 = arith.constant 0 : index
    %get3A_604 = vector.load %arg5[%get3A_602, %get3A_603] : memref<1x128xf32, #tpu.memory_space<vmem>>, vector<1x128xf32>
    %mul3A_605 = vector.broadcast %get3A_604 : vector<1x128xf32> to vector<256x128xf32>
    %mul3A_606 = arith.mulf %add3A_580, %mul3A_605 : vector<256x128xf32>
    %reduce_sum3A_607 = arith.constant dense<0.000000e+00> : vector<256xf32>
    %reduce_sum3A_608 = vector.multi_reduction <add>, %mul3A_606, %reduce_sum3A_607 [1] : vector<256x128xf32> to vector<256xf32>
    %broadcast_in_dim3A_609 = vector.shape_cast %reduce_sum3A_608 : vector<256xf32> to vector<256x1xf32>
    %broadcast_in_dim3A_610 = arith.constant 0.000000e+00 : f32
    %broadcast_in_dim3A_611 = vector.broadcast %broadcast_in_dim3A_610 : f32 to vector<256x15xf32>
    %concatenate3A_612 = tpu.concatenate %broadcast_in_dim3A_601, %broadcast_in_dim3A_611 in 1 : vector<256x1xf32>, vector<256x15xf32> -> vector<256x16xf32>
    %swap3A_613 = arith.constant 0 : index
    %swap3A_614 = arith.constant 0 : index
    %swap3A_615 = vector.load %arg7[%swap3A_613, %swap3A_614] : memref<256x16xf32, #tpu.memory_space<vmem>>, vector<256x16xf32>
    tpu.vector_store %arg7[%swap3A_613, %swap3A_614], %concatenate3A_612 {strides = array<i32>} : memref<256x16xf32, #tpu.memory_space<vmem>>, vector<256x16xf32>,
    %concatenate3A_616 = tpu.concatenate %broadcast_in_dim3A_609, %broadcast_in_dim3A_611 in 1 : vector<256x1xf32>, vector<256x15xf32> -> vector<256x16xf32>
    %swap3A_617 = arith.constant 0 : index
    %swap3A_618 = arith.constant 0 : index
    %swap3A_619 = vector.load %arg8[%swap3A_617, %swap3A_618] : memref<256x16xf32, #tpu.memory_space<vmem>>, vector<256x16xf32>
    tpu.vector_store %arg8[%swap3A_617, %swap3A_618], %concatenate3A_616 {strides = array<i32>} : memref<256x16xf32, #tpu.memory_space<vmem>>, vector<256x16xf32>,
    return
  }
  func.func @transform_0(%arg0: i32) -> (i32, i32, i32, i32) {
    %c0_i32 = arith.constant 0 : i32
    %c0_i32_0 = arith.constant 0 : i32
    %c0_i32_1 = arith.constant 0 : i32
    %c0_i32_2 = arith.constant 0 : i32
    return %c0_i32, %c0_i32_0, %arg0, %c0_i32_1 : i32, i32, i32, i32
  }
  func.func @transform_1(%arg0: i32) -> (i32, i32, i32) {
    %c0_i32 = arith.constant 0 : i32
    %c0_i32_0 = arith.constant 0 : i32
    %c0_i32_1 = arith.constant 0 : i32
    %c0_i32_2 = arith.constant 0 : i32
    return %c0_i32, %c0_i32_0, %c0_i32_1 : i32, i32, i32
  }
  func.func @transform_2(%arg0: i32) -> (i32, i32, i32) {
    %c0_i32 = arith.constant 0 : i32
    %c0_i32_0 = arith.constant 0 : i32
    %c0_i32_1 = arith.constant 0 : i32
    %c0_i32_2 = arith.constant 0 : i32
    return %c0_i32, %c0_i32_0, %c0_i32_1 : i32, i32, i32
  }
  func.func @transform_3(%arg0: i32) -> (i32, i32) {
    %c0_i32 = arith.constant 0 : i32
    %c0_i32_0 = arith.constant 0 : i32
    %c0_i32_1 = arith.constant 0 : i32
    return %c0_i32, %c0_i32_0 : i32, i32
  }
  func.func @transform_4(%arg0: i32) -> (i32, i32) {
    %c0_i32 = arith.constant 0 : i32
    %c0_i32_0 = arith.constant 0 : i32
    %c0_i32_1 = arith.constant 0 : i32
    return %c0_i32, %c0_i32_0 : i32, i32
  }
  func.func @transform_5(%arg0: i32) -> (i32, i32, i32) {
    %c0_i32 = arith.constant 0 : i32
    %c0_i32_0 = arith.constant 0 : i32
    %c0_i32_1 = arith.constant 0 : i32
    return %c0_i32, %arg0, %c0_i32_0 : i32, i32, i32
  }
  func.func @transform_6(%arg0: i32) -> (i32, i32) {
    %c0_i32 = arith.constant 0 : i32
    %c0_i32_0 = arith.constant 0 : i32
    return %arg0, %c0_i32 : i32, i32
  }
  func.func @transform_7(%arg0: i32) -> (i32, i32) {
    %c0_i32 = arith.constant 0 : i32
    %c0_i32_0 = arith.constant 0 : i32
    return %arg0, %c0_i32 : i32, i32
  }
}

module attributes {stable_mosaic.version = 14 : i64} {
  func.func @_pool_k(%arg0: i32, %arg1: memref<2x2x256x80xf32, #tpu.memory_space<vmem>>, %arg2: memref<1x128xf32, #tpu.memory_space<vmem>>, %arg3: memref<8x128xf32, #tpu.memory_space<vmem>>) attributes {dimension_semantics = [#tpu.dimension_semantics<arbitrary>], iteration_bounds = array<i64: 40>, scalar_prefetch = 0 : i64, scratch_operands = 0 : i64, tpu.core_type = #tpu.core_type<tc>, window_params = [{transform_indices = @transform_0, window_bounds = array<i64: 2, 2, 256, 80>}, {pipeline_mode = #tpu.pipeline_mode<synchronous>, transform_indices = @transform_1, window_bounds = array<i64: 1, 128>}, {pipeline_mode = #tpu.pipeline_mode<synchronous>, transform_indices = @transform_2, window_bounds = array<i64: 8, 128>}]} {
    %get3A = arith.constant 0 : index
    %get3A_0 = arith.constant 0 : index
    %get3A_1 = arith.constant 0 : index
    %get3A_2 = arith.constant 0 : index
    %get3A_3 = vector.load %arg1[%get3A, %get3A_0, %get3A_1, %get3A_2] : memref<2x2x256x80xf32, #tpu.memory_space<vmem>>, vector<1x1x256x80xf32>
    %get3A_4 = vector.shape_cast %get3A_3 : vector<1x1x256x80xf32> to vector<256x80xf32>
    %get3A_5 = arith.constant 1 : index
    %get3A_6 = arith.constant 0 : index
    %get3A_7 = arith.constant 0 : index
    %get3A_8 = arith.constant 0 : index
    %get3A_9 = vector.load %arg1[%get3A_5, %get3A_6, %get3A_7, %get3A_8] : memref<2x2x256x80xf32, #tpu.memory_space<vmem>>, vector<1x1x256x80xf32>
    %get3A_10 = vector.shape_cast %get3A_9 : vector<1x1x256x80xf32> to vector<256x80xf32>
    %add3A = arith.addf %get3A_4, %get3A_10 : vector<256x80xf32>
    %get3A_11 = arith.constant 0 : index
    %get3A_12 = arith.constant 1 : index
    %get3A_13 = arith.constant 0 : index
    %get3A_14 = arith.constant 0 : index
    %get3A_15 = vector.load %arg1[%get3A_11, %get3A_12, %get3A_13, %get3A_14] : memref<2x2x256x80xf32, #tpu.memory_space<vmem>>, vector<1x1x256x80xf32>
    %get3A_16 = vector.shape_cast %get3A_15 : vector<1x1x256x80xf32> to vector<256x80xf32>
    %get3A_17 = arith.constant 1 : index
    %get3A_18 = arith.constant 1 : index
    %get3A_19 = arith.constant 0 : index
    %get3A_20 = arith.constant 0 : index
    %get3A_21 = vector.load %arg1[%get3A_17, %get3A_18, %get3A_19, %get3A_20] : memref<2x2x256x80xf32, #tpu.memory_space<vmem>>, vector<1x1x256x80xf32>
    %get3A_22 = vector.shape_cast %get3A_21 : vector<1x1x256x80xf32> to vector<256x80xf32>
    %add3A_23 = arith.addf %get3A_16, %get3A_22 : vector<256x80xf32>
    %slice3A = vector.extract_strided_slice %add3A {offsets = [0, 64], sizes = [256, 1], strides = [1, 1]} : vector<256x80xf32> to vector<256x1xf32>
    %add3A_24 = arith.constant 1.000000e-16 : f32
    %add3A_25 = vector.broadcast %add3A_24 : f32 to vector<256x1xf32>
    %add3A_26 = arith.addf %slice3A, %add3A_25 : vector<256x1xf32>
    %slice3A_27 = vector.extract_strided_slice %add3A {offsets = [0, 0], sizes = [256, 64], strides = [1, 1]} : vector<256x80xf32> to vector<256x64xf32>
    %slice3A_28 = vector.extract_strided_slice %add3A_23 {offsets = [0, 0], sizes = [256, 64], strides = [1, 1]} : vector<256x80xf32> to vector<256x64xf32>
    %concatenate3A = tpu.concatenate %slice3A_27, %slice3A_28 in 1 : vector<256x64xf32>, vector<256x64xf32> -> vector<256x128xf32>
    %div3A = vector.broadcast %add3A_26 : vector<256x1xf32> to vector<256x128xf32>
    %div3A_29 = arith.divf %concatenate3A, %div3A : vector<256x128xf32>
    %get3A_30 = arith.constant 0 : index
    %get3A_31 = arith.constant 0 : index
    %get3A_32 = vector.load %arg2[%get3A_30, %get3A_31] : memref<1x128xf32, #tpu.memory_space<vmem>>, vector<1x128xf32>
    %add3A_33 = vector.broadcast %get3A_32 : vector<1x128xf32> to vector<256x128xf32>
    %add3A_34 = arith.addf %div3A_29, %add3A_33 : vector<256x128xf32>
    %max3A = arith.constant 0.000000e+00 : f32
    %max3A_35 = vector.broadcast %max3A : f32 to vector<256x128xf32>
    %max3A_36 = arith.maximumf %add3A_34, %max3A_35 : vector<256x128xf32>
    %mul3A = arith.constant 256 : i32
    %mul3A_37 = arith.muli %arg0, %mul3A : i32
    %iota3A = tpu.iota {dimensions = array<i32: 0>} : vector<256x1xi32>
    %add3A_38 = vector.broadcast %mul3A_37 : i32 to vector<256x1xi32>
    %add3A_39 = arith.addi %add3A_38, %iota3A : vector<256x1xi32>
    %lt3A = arith.constant 10000 : i32
    %lt3A_40 = vector.broadcast %lt3A : i32 to vector<256x1xi32>
    %lt3A_41 = arith.cmpi slt, %add3A_39, %lt3A_40 : vector<256x1xi32>
    %jit3A = arith.constant 0.000000e+00 : f32
    %broadcast_in_dim3A = vector.shape_cast %lt3A_41 : vector<256x1xi1> to vector<256x1xi1>
    %broadcast_in_dim3A_42 = vector.broadcast %broadcast_in_dim3A : vector<256x1xi1> to vector<256x128xi1>
    %broadcast_in_dim3A_43 = vector.broadcast %jit3A : f32 to vector<256x128xf32>
    %select_n3A = arith.select %broadcast_in_dim3A_42, %max3A_36, %broadcast_in_dim3A_43 : vector<256x128xi1>, vector<256x128xf32>
    %reshape3A = vector.shape_cast %select_n3A : vector<256x128xf32> to vector<32x8x128xf32>
    %reduce_max3A = arith.constant dense<0xFF800000> : vector<8x128xf32>
    %reduce_max3A_44 = vector.multi_reduction <maximumf>, %reshape3A, %reduce_max3A [0] : vector<32x8x128xf32> to vector<8x128xf32>
    %eq3A = arith.constant 0 : i32
    %eq3A_45 = arith.cmpi eq, %arg0, %eq3A : i32
    %convert_element_type3A = arith.extui %eq3A_45 : i1 to i32
    %cond3A = arith.constant 0 : i32
    %cond3A_46 = arith.cmpi ne, %convert_element_type3A, %cond3A : i32
    scf.if %cond3A_46 {
      %swap3A = arith.constant 0 : index
      %swap3A_51 = arith.constant 0 : index
      %swap3A_52 = vector.load %arg3[%swap3A, %swap3A_51] : memref<8x128xf32, #tpu.memory_space<vmem>>, vector<8x128xf32>
      tpu.vector_store %arg3[%swap3A, %swap3A_51], %reduce_max3A_44 {strides = array<i32>} : memref<8x128xf32, #tpu.memory_space<vmem>>, vector<8x128xf32>,
    } else {
    }
    %gt3A = arith.constant 0 : i32
    %gt3A_47 = arith.cmpi sgt, %arg0, %gt3A : i32
    %convert_element_type3A_48 = arith.extui %gt3A_47 : i1 to i32
    %cond3A_49 = arith.constant 0 : i32
    %cond3A_50 = arith.cmpi ne, %convert_element_type3A_48, %cond3A_49 : i32
    scf.if %cond3A_50 {
      %get3A_51 = arith.constant 0 : index
      %get3A_52 = arith.constant 0 : index
      %get3A_53 = vector.load %arg3[%get3A_51, %get3A_52] : memref<8x128xf32, #tpu.memory_space<vmem>>, vector<8x128xf32>
      %max3A_54 = arith.maximumf %get3A_53, %reduce_max3A_44 : vector<8x128xf32>
      %swap3A = arith.constant 0 : index
      %swap3A_55 = arith.constant 0 : index
      %swap3A_56 = vector.load %arg3[%swap3A, %swap3A_55] : memref<8x128xf32, #tpu.memory_space<vmem>>, vector<8x128xf32>
      tpu.vector_store %arg3[%swap3A, %swap3A_55], %max3A_54 {strides = array<i32>} : memref<8x128xf32, #tpu.memory_space<vmem>>, vector<8x128xf32>,
    } else {
    }
    return
  }
  func.func @transform_0(%arg0: i32) -> (i32, i32, i32, i32) {
    %c0_i32 = arith.constant 0 : i32
    %c0_i32_0 = arith.constant 0 : i32
    %c0_i32_1 = arith.constant 0 : i32
    %c0_i32_2 = arith.constant 0 : i32
    return %c0_i32, %c0_i32_0, %arg0, %c0_i32_1 : i32, i32, i32, i32
  }
  func.func @transform_1(%arg0: i32) -> (i32, i32) {
    %c0_i32 = arith.constant 0 : i32
    %c0_i32_0 = arith.constant 0 : i32
    %c0_i32_1 = arith.constant 0 : i32
    return %c0_i32, %c0_i32_0 : i32, i32
  }
  func.func @transform_2(%arg0: i32) -> (i32, i32) {
    %c0_i32 = arith.constant 0 : i32
    %c0_i32_0 = arith.constant 0 : i32
    %c0_i32_1 = arith.constant 0 : i32
    return %c0_i32, %c0_i32_0 : i32, i32
  }
}

module attributes {stable_mosaic.version = 14 : i64} {
  func.func @_mlp_k(%arg0: memref<8x128xf32, #tpu.memory_space<vmem>>, %arg1: memref<128x128xf32, #tpu.memory_space<vmem>>, %arg2: memref<1x128xf32, #tpu.memory_space<vmem>>, %arg3: memref<128x512xf32, #tpu.memory_space<vmem>>, %arg4: memref<1x512xf32, #tpu.memory_space<vmem>>, %arg5: memref<512x128xf32, #tpu.memory_space<vmem>>, %arg6: memref<1x128xf32, #tpu.memory_space<vmem>>, %arg7: memref<128x128xf32, #tpu.memory_space<vmem>>, %arg8: memref<1x128xf32, #tpu.memory_space<vmem>>, %arg9: memref<1x128xf32, #tpu.memory_space<vmem>>) attributes {dimension_semantics = [], scalar_prefetch = 0 : i64, scratch_operands = 0 : i64, tpu.core_type = #tpu.core_type<tc>} {
    %get3A = arith.constant 0 : index
    %get3A_0 = arith.constant 0 : index
    %get3A_1 = vector.load %arg0[%get3A, %get3A_0] : memref<8x128xf32, #tpu.memory_space<vmem>>, vector<8x128xf32>
    %reduce_max3A = arith.constant dense<0xFF800000> : vector<128xf32>
    %reduce_max3A_2 = vector.multi_reduction <maximumf>, %get3A_1, %reduce_max3A [0] : vector<8x128xf32> to vector<128xf32>
    %broadcast_in_dim3A = vector.shape_cast %reduce_max3A_2 : vector<128xf32> to vector<1x128xf32>
    %get3A_3 = arith.constant 0 : index
    %get3A_4 = arith.constant 0 : index
    %get3A_5 = vector.load %arg1[%get3A_3, %get3A_4] : memref<128x128xf32, #tpu.memory_space<vmem>>, vector<128x128xf32>
    %dot_general3A = arith.constant dense<0.000000e+00> : vector<1x128xf32>
    %dot_general3A_6 = tpu.matmul %broadcast_in_dim3A, %get3A_5, %dot_general3A {dimension_numbers = #tpu.dot_dimension_numbers<[1], [0], [0], [1], [0, 0, 1, 1], [], []>, transpose_lhs_hint = false} : vector<1x128xf32>, vector<128x128xf32>, vector<1x128xf32> -> vector<1x128xf32>
    %get3A_7 = arith.constant 0 : index
    %get3A_8 = arith.constant 0 : index
    %get3A_9 = vector.load %arg2[%get3A_7, %get3A_8] : memref<1x128xf32, #tpu.memory_space<vmem>>, vector<1x128xf32>
    %add3A = arith.addf %dot_general3A_6, %get3A_9 : vector<1x128xf32>
    %max3A = arith.constant 0.000000e+00 : f32
    %max3A_10 = vector.broadcast %max3A : f32 to vector<1x128xf32>
    %max3A_11 = arith.maximumf %add3A, %max3A_10 : vector<1x128xf32>
    %get3A_12 = arith.constant 0 : index
    %get3A_13 = arith.constant 0 : index
    %get3A_14 = vector.load %arg3[%get3A_12, %get3A_13] : memref<128x512xf32, #tpu.memory_space<vmem>>, vector<128x512xf32>
    %dot_general3A_15 = arith.constant dense<0.000000e+00> : vector<1x512xf32>
    %dot_general3A_16 = tpu.matmul %max3A_11, %get3A_14, %dot_general3A_15 {dimension_numbers = #tpu.dot_dimension_numbers<[1], [0], [0], [1], [0, 0, 1, 1], [], []>, transpose_lhs_hint = false} : vector<1x128xf32>, vector<128x512xf32>, vector<1x512xf32> -> vector<1x512xf32>
    %get3A_17 = arith.constant 0 : index
    %get3A_18 = arith.constant 0 : index
    %get3A_19 = vector.load %arg4[%get3A_17, %get3A_18] : memref<1x512xf32, #tpu.memory_space<vmem>>, vector<1x512xf32>
    %add3A_20 = arith.addf %dot_general3A_16, %get3A_19 : vector<1x512xf32>
    %max3A_21 = arith.constant 0.000000e+00 : f32
    %max3A_22 = vector.broadcast %max3A_21 : f32 to vector<1x512xf32>
    %max3A_23 = arith.maximumf %add3A_20, %max3A_22 : vector<1x512xf32>
    %get3A_24 = arith.constant 0 : index
    %get3A_25 = arith.constant 0 : index
    %get3A_26 = vector.load %arg5[%get3A_24, %get3A_25] : memref<512x128xf32, #tpu.memory_space<vmem>>, vector<512x128xf32>
    %dot_general3A_27 = arith.constant dense<0.000000e+00> : vector<1x128xf32>
    %dot_general3A_28 = tpu.matmul %max3A_23, %get3A_26, %dot_general3A_27 {dimension_numbers = #tpu.dot_dimension_numbers<[1], [0], [0], [1], [0, 0, 1, 1], [], []>, transpose_lhs_hint = false} : vector<1x512xf32>, vector<512x128xf32>, vector<1x128xf32> -> vector<1x128xf32>
    %get3A_29 = arith.constant 0 : index
    %get3A_30 = arith.constant 0 : index
    %get3A_31 = vector.load %arg6[%get3A_29, %get3A_30] : memref<1x128xf32, #tpu.memory_space<vmem>>, vector<1x128xf32>
    %add3A_32 = arith.addf %dot_general3A_28, %get3A_31 : vector<1x128xf32>
    %max3A_33 = arith.constant 0.000000e+00 : f32
    %max3A_34 = vector.broadcast %max3A_33 : f32 to vector<1x128xf32>
    %max3A_35 = arith.maximumf %add3A_32, %max3A_34 : vector<1x128xf32>
    %get3A_36 = arith.constant 0 : index
    %get3A_37 = arith.constant 0 : index
    %get3A_38 = vector.load %arg7[%get3A_36, %get3A_37] : memref<128x128xf32, #tpu.memory_space<vmem>>, vector<128x128xf32>
    %dot_general3A_39 = arith.constant dense<0.000000e+00> : vector<1x128xf32>
    %dot_general3A_40 = tpu.matmul %max3A_35, %get3A_38, %dot_general3A_39 {dimension_numbers = #tpu.dot_dimension_numbers<[1], [0], [0], [1], [0, 0, 1, 1], [], []>, transpose_lhs_hint = false} : vector<1x128xf32>, vector<128x128xf32>, vector<1x128xf32> -> vector<1x128xf32>
    %get3A_41 = arith.constant 0 : index
    %get3A_42 = arith.constant 0 : index
    %get3A_43 = vector.load %arg8[%get3A_41, %get3A_42] : memref<1x128xf32, #tpu.memory_space<vmem>>, vector<1x128xf32>
    %add3A_44 = arith.addf %dot_general3A_40, %get3A_43 : vector<1x128xf32>
    %swap3A = arith.constant 0 : index
    %swap3A_45 = arith.constant 0 : index
    %swap3A_46 = vector.load %arg9[%swap3A, %swap3A_45] : memref<1x128xf32, #tpu.memory_space<vmem>>, vector<1x128xf32>
    tpu.vector_store %arg9[%swap3A, %swap3A_45], %add3A_44 {strides = array<i32>} : memref<1x128xf32, #tpu.memory_space<vmem>>, vector<1x128xf32>,
    return
  }
}

</mosaic_0001>

<sc_bundles>
// kernel: kernel.12.cloned.1.call-start
scs
__scs_entry_jumppad:
0x0: {  	(pc) =	sbr.rel $0x88, $3  }
0x1: {  	(tag) =	ssettag $0x0;
	lr =	simm.s32 $0x1  }
0x2: {  	[smem:$0x3F8F] =	sst lr;
	_ =	strace $0xD0000000  }
0x3: {  	_ = 	snop  }
0x4: {  	_ = 	snop  }
0x5: {  	_ = 	snop  }
0x6: {  	_ = 	snop  }
0x7: {  	_ = 	snop  }
__scs_overlays_trampoline_lowered:
0x8: {  	[smem:$0x3F9E] =	sst s0  }
0x9: {  	[smem:$0x3F9F] =	sst s1  }
0xa: {  	[smem:$0x3FA0] =	sst s2  }
0xb: {  	[smem:$0x3FA1] =	sst s3  }
0xc: {  	[smem:$0x3FA2] =	sst s4  }
0xd: {  	[smem:$0x3FA3] =	sst s5  }
0xe: {  	[smem:$0x3FA4] =	sst s6  }
0xf: {  	[smem:$0x3FA5] =	sst s7  }
0x10: {  	[smem:$0x3FA6] =	sst s8  }
0x11: {  	[smem:$0x3FA7] =	sst s9;
	s0 =	simm.s32 @!p0 $0x0  }
0x12: {  	s1 =	sld [smem:$0x3F8D];
	s0 =	simm.s32 @p0 $0x1  }
0x13: {  	[smem:$0x3FA8] =	sst s0;
	s0 =	simm.s32 @!p1 $0x0  }
0x14: {  	s2 =	sld [smem:$0x3F8C];
	s0 =	simm.s32 @p1 $0x1  }
0x15: {  	[smem:$0x3FA9] =	sst s0;
	s0 =	simm.s32 @!p2 $0x0  }
0x16: {  	s3 =	sld [smem:$0x3FDB];
	s0 =	simm.s32 @p2 $0x1  }
0x17: {  	s4 =	simm.s32 $0x1BF5;
	[smem:$0x3FAB] =	sst s0  }
0x18: {  	s0 =	sld [smem:$0x3F8E];
	_ =	swait.ge [sflag:s4], $0x0  }
0x19: {  	s7 =	sld [smem:$0x3F8F]  }
0x1a: {  	s8 =	sadd.s32 $0xFFFFE003, lr  }
0x1b: {  	s9 =	sadd.s32 $0xFFFFFEF7, lr;
	s5 =	simm.s32 $0xFFFFFFFF;
	p2 =	slt.u32 s8, $0xFFFFF086  }
0x1c: {  	p1 =	slt.u32 s9, $0xF7A;
	s5 =	simm.s32 @!p2 $0x0  }
0x1d: {  	s5 =	simm.s32 @p1 $0x1;
	p0 =	seq.s32 s7, s2  }
0x1e: {  	s7 =	smul.u32 @!p0 $0xF7A, s2;
	p2 =	seq.s32 @!p0 s5, $0x0  }
0x1f: {  	s9 =	smul.u32 $0xF7A, s1;
	s8 =	simm.s32 @!p0 $0x1BF5;
	p2 =	por !p2, p0  }
0x20: {  	[sflag:s8] =	ssyncset.s32 @!p0 $0xFFFFF086;
	s6 =	sadd.s32 @!p0 s3, s7;
	s7 =	simm.s32 @!p0 $0x108  }
0x21: {  	s3 =	sadd.s32 s3, s9;
	s6 =	sadd.s32 @!p0 $0x88, s6;
	s7 =	simm.s32 @p2 $0x1082  }
0x22: {  	[simem:s7], [sflag:s8] =	dma.local @!p0 [hbm:s6], $0xF7A  }
0x23: {  	s9 =	sor.u32 $0xD0000000, s2;
	s6 =	simm.s32 $0x108;
	_ =	swait.ge @!p0 [sflag:s8], $0x0  }
0x24: {  	s3 =	sadd.s32 $0x88, s3;
	s6 =	simm.s32 @!p1 $0x1082;
	[sflag:s4] =	ssyncset.s32 $0xFFFFF086  }
0x25: {  	[simem:s6], [sflag:s4] =	dma.local [hbm:s3], $0xF7A  }
0x26: {  	[smem:$0x3F8F] =	sst s1;
	(tag) =	ssettag s2;
	_ =	strace s9  }
0x27: {  	s1 =	sld [smem:$0x3F9F]  }
0x28: {  	s2 =	sld [smem:$0x3FA0]  }
0x29: {  	s4 =	sld [smem:$0x3FA2]  }
0x2a: {  	p0 =	seq.s32 s5, $0x0;
	s5 =	sld [smem:$0x3FA3]  }
0x2b: {  	s6 =	sld [smem:$0x3FA4]  }
0x2c: {  	s7 =	sld [smem:$0x3FA5]  }
0x2d: {  	s3 =	simm.s32 $0x108;
	s8 =	sld [smem:$0x3FA6]  }
0x2e: {  	s3 =	simm.s32 @!p0 $0x1082;
	s9 =	sld [smem:$0x3FA7]  }
0x2f: {  	lr =	sadd.s32 s0, s3;
	s0 =	sld [smem:$0x3F9E]  }
0x30: {  	s3 =	sld [smem:$0x3FA1]  }
0x31: {  	[smem:$0x3FAA] =	sst s10  }
0x32: {  	s10 =	sld [smem:$0x3FA8];
	_ =	sdelay $0x3  }
0x33: {  	p0 =	seq.s32 s10, $0x1;
	s10 =	sld [smem:$0x3FAA];
	_ =	sdelay $0x3  }
0x34: {  	[smem:$0x3FAA] =	sst s10  }
0x35: {  	s10 =	sld [smem:$0x3FA9];
	_ =	sdelay $0x3  }
0x36: {  	p1 =	seq.s32 s10, $0x1;
	s10 =	sld [smem:$0x3FAA];
	_ =	sdelay $0x3  }
0x37: {  	[smem:$0x3FAA] =	sst s10  }
0x38: {  	s10 =	sld [smem:$0x3FAB]  }
0x39: {  	_ = 	snop;
	(pc) =	sbr.ind lr, $3  }
0x3a: {  	_ = 	snop  }
0x3b: {  	_ = 	snop  }
0x3c: {  	p2 =	seq.s32 s10, $0x1;
	s10 =	sld [smem:$0x3FAA]  }
0x3d: {  	_ =	shalt  }
0x3e: {  	_ =	shalt  }
0x3f: {  	_ =	shalt  }
0x40: {  	_ =	shalt  }
0x41: {  	_ =	shalt  }
0x42: {  	_ =	shalt  }
0x43: {  	_ =	shalt  }
0x44: {  	_ =	shalt  }
0x45: {  	_ =	shalt  }
0x46: {  	_ =	shalt  }
0x47: {  	_ =	shalt  }
0x48: {  	_ =	shalt  }
0x49: {  	_ =	shalt  }
0x4a: {  	_ =	shalt  }
0x4b: {  	_ =	shalt  }
0x4c: {  	_ =	shalt  }
0x4d: {  	_ =	shalt  }
0x4e: {  	_ =	shalt  }
0x4f: {  	_ =	shalt  }
0x50: {  	_ =	shalt  }
0x51: {  	_ =	shalt  }
0x52: {  	_ =	shalt  }
0x53: {  	_ =	shalt  }
0x54: {  	_ =	shalt  }
0x55: {  	_ =	shalt  }
0x56: {  	_ =	shalt  }
0x57: {  	_ =	shalt  }
0x58: {  	_ =	shalt  }
0x59: {  	_ =	shalt  }
0x5a: {  	_ =	shalt  }
0x5b: {  	_ =	shalt  }
0x5c: {  	_ =	shalt  }
0x5d: {  	_ =	shalt  }
0x5e: {  	_ =	shalt  }
0x5f: {  	_ =	shalt  }
0x60: {  	_ =	shalt  }
0x61: {  	_ =	shalt  }
0x62: {  	_ =	shalt  }
0x63: {  	_ =	shalt  }
0x64: {  	_ =	shalt  }
0x65: {  	_ =	shalt  }
0x66: {  	_ =	shalt  }
0x67: {  	_ =	shalt  }
0x68: {  	_ =	shalt  }
0x69: {  	_ =	shalt  }
0x6a: {  	_ =	shalt  }
0x6b: {  	_ =	shalt  }
0x6c: {  	_ =	shalt  }
0x6d: {  	_ =	shalt  }
0x6e: {  	_ =	shalt  }
0x6f: {  	_ =	shalt  }
0x70: {  	_ =	shalt  }
0x71: {  	_ =	shalt  }
0x72: {  	_ =	shalt  }
0x73: {  	_ =	shalt  }
0x74: {  	_ =	shalt  }
0x75: {  	_ =	shalt  }
0x76: {  	_ =	shalt  }
0x77: {  	_ =	shalt  }
0x78: {  	_ =	shalt  }
0x79: {  	_ =	shalt  }
0x7a: {  	_ =	shalt  }
0x7b: {  	_ =	shalt  }
0x7c: {  	_ =	shalt  }
0x7d: {  	_ =	shalt  }
0x7e: {  	_ =	shalt  }
0x7f: {  	_ =	shalt  }
0x80: {  	_ =	shalt  }
0x81: {  	_ =	shalt  }
0x82: {  	_ =	shalt  }
0x83: {  	_ =	shalt  }
0x84: {  	_ =	shalt  }
0x85: {  	_ =	shalt  }
0x86: {  	_ =	shalt  }
0x87: {  	_ =	shalt  }
.Lfunc_end0:
.L_simem_size_0:
called_computation.1_lowered:
.L_overlay_start_0:
0x88: {  	s2 =	sld [smem:$0x3FD9]  }
0x89: {  	s3 =	sld [smem:$0x3FFE];
	_ =	sdelay $0x1  }
0x8a: {  	s1 =	srdreg.scid  }
0x8b: {  	s0 =	sand.u32 $0x1, s1  }
0x8c: {  	s16 =	sshll.u32 s0, $0xA;
	s2 =	sadd.s32 s3, s2  }
0x8d: {  	s2 =	sadd.s32 s2, s16  }
0x8e: {  	[smem:$0x3FB6] =	sst s2  }
0x8f: {  	_ = 	snop  }
0x90: {  	(tm) =	ssettm $0x1  }
0x91: {  	s17 =	sld [smem:$0x3FFB];
	_ =	sdelay $0x3  }
0x92: {  	_ =	strace s17  }
0x93: {  	s2 =	sld [smem:$0x3FFC];
	_ =	sdelay $0x3  }
0x94: {  	_ =	strace s2  }
0x95: {  	s2 =	sld [smem:$0x3FFD];
	_ =	sdelay $0x3  }
0x96: {  	_ =	strace s2  }
0x97: {  	_ =	strace $0x8FFFFFFF  }
0x98: {  	s18 =	sld [smem:$0x3FDB];
	_ =	sdelay $0x1  }
0x99: {  	s19 =	simm.s32 $_scs_section_size  }
0x9a: {  	s4 =	simm.s32 $_size__tile_overlayer_lowered;
	s5 =	simm.s32 $_tile_overlayer_lowered  }
0x9b: {  	s22 =	simm.s32 $0x1BFF;
	s21 =	sshll.u32 s5, $0x1;
	s2 =	sadd.s32 s19, s18  }
0x9c: {  	s6 =	simm.s32 $0x0;
	s20 =	sshll.u32 s4, $0x1;
	s4 =	sadd.s32 s21, s2  }
0x9d: {  	[timem:s6], [sflag:s22] =	dma.local [hbm:s4], s20  }
0x9e: {  	_ =	swait.ge [sflag:s22], s20  }
0x9f: {  	s3 =	ssub.s32 $0x0, s20;
	[sflag:s22] =	ssyncset.done $0x0  }
0xa0: {  	[sflag:s22] =	ssyncadd.s32 s3;
	_ =	sdelay $0x1  }
0xa1: {  	s23 =	simm.s32 $0x1B8B  }
0xa2: {  	_ =	swait.ge [sflag:s23], $0x1  }
0xa3: {  	[sflag:s23] =	ssyncset.done $0x0  }
0xa4: {  	s25 =	simm.s32 $0x1B8E;
	s24 =	sld [smem:$0x3FFE];
	[sflag:s23] =	ssyncadd.s32 $0xFFFFFFFF  }
0xa5: {  	s26 =	simm.s32 $execute0_lowered;
	[smem:$0x3FD2] =	sst s25  }
0xa6: {  	s4 =	sshll.u32 s26, $0x1;
	_ =	strace $0x80000049;
	[dreg:$0x1] =	wrdreg $0xFFFFFFFF  }
0xa7: {  	s28 =	simm.s32 $_size_execute0_lowered;
	s2 =	sadd.s32 s2, s4;
	[dreg:$0x0] =	wrdreg $0x0  }
0xa8: {  	s4 =	sshll.u32 s28, $0x1;
	[dreg:$0x2] =	wrdreg s2  }
0xa9: {  	[dreg:$0x3] =	wrdreg s4  }
0xaa: {  	[dreg:$0x4] =	wrdreg $0xC0  }
0xab: {  	_ =	task [dreg:s6], $0x5FFFF  }
0xac: {  	[dreg:$0x1] =	wrdreg $0xFFFFFFFF  }
0xad: {  	[dreg:$0x0] =	wrdreg $0x60  }
0xae: {  	[dreg:$0x2] =	wrdreg s24  }
0xaf: {  	[dreg:$0x3] =	wrdreg $0xC2000  }
0xb0: {  	[dreg:$0x4] =	wrdreg $0x9  }
0xb1: {  	_ =	task.clear_ibuf [dreg:s6], $0x5FFFF;
	_ =	strace $0x90000049  }
0xb2: {  	s29 =	simm.s32 $0x9;
	_ =	strace $0x8000004B  }
0xb3: {  	_ =	swait.ge [sflag:s29], $0x1  }
0xb4: {  	[sflag:s29] =	ssyncadd.s32 $0xFFFFFFFF  }
0xb5: {  	_ =	strace $0x9000004B  }
0xb6: {  	_ =	sfence  }
0xb7: {  	s30 =	sld [smem:$0x0];
	_ =	sdelay $0x2  }
0xb8: {  	s31 =	sshll.u32 s1, $0xD;
	s1 =	sshrl.u32 s1, $0x2  }
0xb9: {  	s3 =	sand.u32 $0x4000, s31;
	s1 =	sadd.s32 s1, s30  }
0xba: {  	s0 =	sor.u32 s3, s0;
	s1 =	sshll.u32 s1, $0x11  }
0xbb: {  	s0 =	sor.u32 s1, s0  }
0xbc: {  	s0 =	sadd.s32 $0x8F2B, s0  }
0xbd: {  	[sflag:s0] =	ssyncadd.remote.s32 $0x1  }
0xbe: {  	_ =	sfence.sel $0xFFFF  }
0xbf: {  	[dreg:$0x0] =	wrdreg $0xFFFFFFFF;
	(pc) =	sbr.abs _section_cstart, $3  }
0xc0: {  	[dreg:$0x1] =	wrdreg $0xFFFFFFFF  }
0xc1: {  	_ =	task.clear_ibuf [dreg:s6], $0x2FFFF;
	_ =	strace $0x9FFFFFFF  }
0xc2: {  	(tm) =	ssettm $0x7FFFFFFF  }
0xc3: {  	_ =	shalt  }
tec
execute0_lowered:
.L_overlay_start_1:
0x0: {  	(tag) =	ssettag $0x1  }
0x1: {  	s0 =	srdreg.scid;
	s1 =	rddreg [dreg:$0x0]  }
0x2: {  	s2 =	rddreg [dreg:$0x1];
	s8 =	stileid.u32  }
0x3: {  	s3 =	simm.s32 $0x0;
	s31 =	simm.s32 $0x7;
	s0 =	sand.u32 $0x1, s0  }
0x4: {  	[smem:$0x7FF] =	sst s3;
	s6 =	sadd.s32 $0xDA00, s1;
	s22 =	sadd.s32 $0x3FA00, s1  }
0x5: {  	s23 =	sadd.s32 $0x44A00, s1;
	s17 =	sadd.s32 $0x9DA00, s1;
	s19 =	smul.u32 $0x280, s8  }
0x6: {  	s9 =	sadd.s32 $0x49A00, s1;
	_ =	strace $0x8000004A;
	[dreg:$0x3] =	wrdreg s6  }
0x7: {  	s4 =	sshll.u32 s0, $0x4;
	[dreg:$0x6] =	wrdreg s17;
	s18 =	ssub.s32 $0x2, s0  }
0x8: {  	s0 =	smul.u32 $0x190000, s0;
	[dreg:$0x4] =	wrdreg s22;
	s6 =	sadd.s32 $0x80, s19  }
0x9: {  	[dreg:$0x5] =	wrdreg s23;
	s20 =	sshrl.u32 s18, $0x1;
	s26 =	smul.u32 $0x140, s6  }
0xa: {  	s4 =	sor.u32 s8, s4;
	s21 =	ssub.s32 s18, s20;
	s6 =	smul.u32 $0x50, s6  }
0xb: {  	s5 =	smul.u32 $0x2A0, s4;
	[dreg:$0x7] =	wrdreg s0;
	s0 =	smax.u32 s21, $0x1  }
0xc: {  	s7 =	smul.u32 $0x15000, s4;
	[dreg:$0xb] =	wrdreg s0;
	s18 =	sadd.s32 s6, s2  }
0xd: {  	s5 =	sadd.s32 s5, s1;
	s20 =	sshrl.u32 s6, $0x3;
	[dreg:$0x12] =	wrdreg s18  }
0xe: {  	s1 =	smul.u32 $0xC800, s8;
	s24 =	sadd.s32 $0x8600, s5;
	[dreg:$0x13] =	wrdreg s20  }
0xf: {  	s25 =	sshrl.u32 s7, $0x3;
	s5 =	sadd.s32 $0x3200, s5;
	[dreg:$0x8] =	wrdreg s24  }
0x10: {  	s8 =	smul.u32 $0x32000, s8;
	s4 =	sadd.s32 s9, s25;
	[dreg:$0x9] =	wrdreg s5  }
0x11: {  	s11 =	sshrl.u32 s26, $0x2;
	s6 =	simm.s32 $0x7200;
	[dreg:$0xa] =	wrdreg s4  }
0x12: {  	s5 =	sadd.s32 s1, s2;
	s10 =	sshrl.u32 s8, $0x2;
	s12 =	sadd.s32 $0x14000, s8  }
0x13: {  	s14 =	sadd.s32 $0x1E000, s8;
	s15 =	sadd.s32 $0x28000, s8;
	s19 =	sadd.s32 $0x5000, s1  }
0x14: {  	s24 =	sshrl.u32 s1, $0x3;
	s25 =	sadd.s32 $0x7800, s1;
	s1 =	sadd.s32 $0xA000, s1  }
0x15: {  	s8 =	simm.s32 $0x3;
	[dreg:$0xc] =	wrdreg s5;
	s0 =	sadd.s32 s10, s2  }
0x16: {  	s13 =	sshrl.u32 s12, $0x2;
	s4 =	sshrl.u32 s14, $0x2;
	s17 =	sshrl.u32 s15, $0x2  }
0x17: {  	s21 =	sadd.s32 s19, s2;
	[dreg:$0x16] =	wrdreg s24;
	s26 =	sadd.s32 s25, s2  }
0x18: {  	s28 =	sshrl.u32 s25, $0x3;
	s29 =	sadd.s32 s1, s2;
	s30 =	sshrl.u32 s1, $0x3  }
0x19: {  	s1 =	simm.s32 $0x80;
	s24 =	simm.s32 $0x2A00;
	s25 =	simm.s32 $0x3200  }
0x1a: {  	s12 =	simm.s32 $0x1;
	s14 =	simm.s32 $0x2;
	[dreg:$0xd] =	wrdreg s0  }
0x1b: {  	s5 =	simm.s32 $0x4200;
	s10 =	simm.s32 $0x4;
	[dreg:$0x14] =	wrdreg s21  }
0x1c: {  	s15 =	simm.s32 $0x6;
	s0 =	sadd.s32 s11, s2;
	[dreg:$0x17] =	wrdreg s26  }
.Ltmp0:
0x1d: {  	s16 =	sadd.s32 s4, s2;
	[dreg:$0xe] =	wrdreg s0;
	(pc) =	sbr.rel .LBB2_1-.Ltmp0, $4  }
0x1e: {  	s11 =	simm.s32 $0x9A00;
	s0 =	sadd.s32 s13, s2;
	[dreg:$0x10] =	wrdreg s16  }
0x1f: {  	s4 =	simm.s32 $0x4A00;
	[dreg:$0xf] =	wrdreg s0;
	s0 =	sadd.s32 s17, s2  }
0x20: {  	s13 =	simm.s32 $0x5;
	[dreg:$0x11] =	wrdreg s0;
	s0 =	sshrl.u32 s19, $0x3  }
0x21: {  	v0 =	vimm.f32 $0.0e+00;
	v1 =	vimm.s32 $0x0;
	s17 =	simm.s32 $0x0;
	[dreg:$0x15] =	wrdreg s0;
	s0 =	simm.s32 $0x3A00  }
.LBB2_16:
0x22: {  	s17 =	rddreg [dreg:$0x18]  }
0x23: {  	s16 =	rddreg [dreg:$0xb];
	s17 =	sadd.s32 $0x1, s17  }
0x24: {  	p0 =	sne.s32 s17, s16  }
.Ltmp1:
0x25: {  	_ = 	snop;
	(pc) =	sbr.rel @!p0 .LBB2_17-.Ltmp1, $3  }
0x26: {  	_ =	sdelay $0x1  }
0x27: {  	s22 =	rddreg [dreg:$0x4]  }
0x28: {  	s23 =	rddreg [dreg:$0x5];
	s24 =	simm.s32 $0x2A00;
	s25 =	simm.s32 $0x3200  }
.LBB2_1:
0x29: {  	[dreg:$0x18] =	wrdreg s17;
	s17 =	simm.s32 $0x140;
	s16 =	simm.s32 $0x0  }
.LBB2_2:
0x2a: {  	p0 =	sne.s32 s17, $0x9EC0;
	[tilespmem:s16+$0x9A40] =	vst v0;
	s18 =	smov.u32 s17;
	s17 =	sadd.s32 $0x140, s17  }
.Ltmp2:
0x2b: {  	[tilespmem:s16+$0x9A30] =	vst v0;
	(pc) =	sbr.rel @p0 .LBB2_2-.Ltmp2, $4  }
0x2c: {  	[tilespmem:s16+$0x9A20] =	vst v0  }
0x2d: {  	[tilespmem:s16+$0x9A00] =	vst v0  }
0x2e: {  	[tilespmem:s16+$0x9A10] =	vst v0  }
0x2f: {  	s16 =	sshra.s32 s18, $0x2  }
0x30: {  	[tilespmem:s16+$0x9A40] =	vst v0  }
0x31: {  	[tilespmem:s16+$0x9A30] =	vst v0  }
0x32: {  	[tilespmem:s16+$0x9A20] =	vst v0  }
0x33: {  	[tilespmem:s16+$0x9A00] =	vst v0  }
0x34: {  	[tilespmem:s16+$0x9A10] =	vst v0;
	s17 =	simm.s32 $0x0;
	s21 =	rddreg [dreg:$0x8]  }
0x35: {  	[tilespmem:s17], [sflag:$0x7] =	stream.linear.gather [hbm4b:s21+s17], $0x1500, $0x38;
	[tilespmem:$0x18A00] =	vst v63  }
0x36: {  	_ =	swait.ge [sflag:s31], $0x1500  }
0x37: {  	[sflag:s31] =	ssyncset.done $0x0  }
0x38: {  	s18 =	simm.s32 $0x1500;
	s26 =	rddreg [dreg:$0x9];
	[sflag:s31] =	ssyncadd.s32 $0xFFFFEB00  }
0x39: {  	[tilespmem:s18], [sflag:$0x7] =	stream.linear.gather [hbm4b:s26+s17], $0x1500, $0x38;
	[tilespmem:$0x18A00] =	vst v63  }
0x3a: {  	_ =	swait.ge [sflag:s31], $0x1500  }
0x3b: {  	[sflag:s31] =	ssyncset.done $0x0  }
0x3c: {  	[sflag:s31] =	ssyncadd.s32 $0xFFFFEB00  }
.LBB2_4:
0x3d: {  	s16 =	sshll.u32 s17, $0x7  }
0x3e: {  	[tilespmem:s24], [sflag:$0x1] =	stream.indirect.gather [hbm4b:s22+s1], $0x10, s16, s1, $0xb8;
	[tilespmem:$0x18A00] =	vst v63  }
0x3f: {  	s16 =	sadd.s32 $0x1500, s16  }
0x40: {  	[tilespmem:s25], [sflag:$0x2] =	stream.indirect.gather [hbm4b:s23+s1], $0x10, s16, s1, $0xb8;
	[tilespmem:$0x18A00] =	vst v63  }
0x41: {  	_ =	swait.ge [sflag:s12], $0x800  }
0x42: {  	[sflag:s12] =	ssyncset.done $0x0  }
0x43: {  	[sflag:s12] =	ssyncadd.s32 $0xFFFFF800  }
0x44: {  	_ =	swait.ge [sflag:s14], $0x800  }
0x45: {  	[sflag:s14] =	ssyncset.done $0x0  }
0x46: {  	s19 =	simm.s32 $0x2A20;
	[sflag:s14] =	ssyncadd.s32 $0xFFFFF800  }
0x47: {  	s16 =	simm.s32 $0x3220;
	v2 =	vld [tilespmem:s19+$0xFFFFFFE0]  }
0x48: {  	v3 =	vld [tilespmem:s16+$0xFFFFFFE0];
	_ =	sdelay $0x4  }
0x49: {  	v2 =	vadd.f32 v3, v2;
	_ =	sdelay $0x1  }
0x4a: {  	v3 =	vmul.f32 $2.000000030e-01, v2  }
0x4b: {  	vm0 =	vge.f32 v2, $0.0e+00  }
0x4c: {  	v2 =	vsel vm0, v2, v3  }
0x4d: {  	v2 =	vmul.f32 $1.442695020e+00, v2;
	_ =	sdelay $0x1  }
0x4e: {  	(erf) = vpow2.f32 v2;
	_ =	sdelay $0x8  }
0x4f: {  	s18 =	simm.s32 $0x3A20;
	v2 =	vpop (erf)  }
0x50: {  	[tilespmem:s18+$0xFFFFFFE0] =	vst v2  }
0x51: {  	v2 =	vld [tilespmem:s19+$0xFFFFFFF0]  }
0x52: {  	v3 =	vld [tilespmem:s16+$0xFFFFFFF0];
	_ =	sdelay $0x4  }
0x53: {  	v2 =	vadd.f32 v3, v2;
	_ =	sdelay $0x1  }
0x54: {  	v3 =	vmul.f32 $2.000000030e-01, v2  }
0x55: {  	vm13 =	vge.f32 v2, $0.0e+00  }
0x56: {  	v2 =	vsel vm13, v2, v3  }
0x57: {  	v2 =	vmul.f32 $1.442695020e+00, v2;
	_ =	sdelay $0x1  }
0x58: {  	(erf) = vpow2.f32 v2;
	_ =	sdelay $0x8  }
0x59: {  	v2 =	vpop (erf)  }
0x5a: {  	[tilespmem:s18+$0xFFFFFFF0] =	vst v2  }
0x5b: {  	v2 =	vld [tilespmem:s19+$0x0]  }
0x5c: {  	v3 =	vld [tilespmem:s16+$0x0];
	_ =	sdelay $0x4  }
0x5d: {  	v2 =	vadd.f32 v3, v2;
	_ =	sdelay $0x1  }
0x5e: {  	v3 =	vmul.f32 $2.000000030e-01, v2  }
0x5f: {  	vm14 =	vge.f32 v2, $0.0e+00  }
0x60: {  	v2 =	vsel vm14, v2, v3  }
0x61: {  	v2 =	vmul.f32 $1.442695020e+00, v2;
	_ =	sdelay $0x1  }
0x62: {  	(erf) = vpow2.f32 v2;
	_ =	sdelay $0x8  }
0x63: {  	v2 =	vpop (erf)  }
0x64: {  	[tilespmem:s18+$0x0] =	vst v2  }
0x65: {  	v2 =	vld [tilespmem:s19+$0x10]  }
0x66: {  	v3 =	vld [tilespmem:s16+$0x10];
	_ =	sdelay $0x4  }
0x67: {  	v2 =	vadd.f32 v3, v2;
	_ =	sdelay $0x1  }
0x68: {  	v3 =	vmul.f32 $2.000000030e-01, v2  }
0x69: {  	vm15 =	vge.f32 v2, $0.0e+00  }
0x6a: {  	v2 =	vsel vm15, v2, v3  }
0x6b: {  	v2 =	vmul.f32 $1.442695020e+00, v2;
	_ =	sdelay $0x1  }
0x6c: {  	(erf) = vpow2.f32 v2;
	_ =	sdelay $0x5  }
0x6d: {  	s20 =	simm.s32 $0x0;
	s21 =	simm.s32 $0x2A60;
	s19 =	simm.s32 $0x3A20  }
.LBB2_5:
0x6e: {  	s20 =	sadd.s32 $0x4, s20;
	s18 =	sadd.s32 $0x40, s18;
	s16 =	sadd.s32 $0x40, s16  }
0x6f: {  	p0 =	slt.u32 s20, $0x7C  }
0x70: {  	v2 =	vpop (erf)  }
0x71: {  	[tilespmem:s19+$0x10] =	vst v2;
	s19 =	smov.u32 s18  }
0x72: {  	v2 =	vld [tilespmem:s21+$0xFFFFFFE0]  }
0x73: {  	v3 =	vld [tilespmem:s16+$0xFFFFFFE0];
	_ =	sdelay $0x4  }
0x74: {  	v2 =	vadd.f32 v3, v2;
	_ =	sdelay $0x1  }
0x75: {  	v3 =	vmul.f32 $2.000000030e-01, v2  }
0x76: {  	vm0 =	vge.f32 v2, $0.0e+00  }
0x77: {  	v2 =	vsel vm0, v2, v3  }
0x78: {  	v2 =	vmul.f32 $1.442695020e+00, v2;
	_ =	sdelay $0x1  }
0x79: {  	(erf) = vpow2.f32 v2;
	_ =	sdelay $0x8  }
0x7a: {  	v2 =	vpop (erf)  }
0x7b: {  	[tilespmem:s18+$0xFFFFFFE0] =	vst v2  }
0x7c: {  	v2 =	vld [tilespmem:s21+$0xFFFFFFF0]  }
0x7d: {  	v3 =	vld [tilespmem:s16+$0xFFFFFFF0];
	_ =	sdelay $0x4  }
0x7e: {  	v2 =	vadd.f32 v3, v2;
	_ =	sdelay $0x1  }
0x7f: {  	vm0 =	vge.f32 v2, $0.0e+00;
	v3 =	vmul.f32 $2.000000030e-01, v2;
	_ =	sdelay $0x1  }
0x80: {  	v2 =	vsel vm0, v2, v3  }
0x81: {  	v2 =	vmul.f32 $1.442695020e+00, v2;
	_ =	sdelay $0x1  }
0x82: {  	(erf) = vpow2.f32 v2;
	_ =	sdelay $0x8  }
0x83: {  	v2 =	vpop (erf)  }
0x84: {  	[tilespmem:s18+$0xFFFFFFF0] =	vst v2  }
0x85: {  	v2 =	vld [tilespmem:s21+$0x0]  }
0x86: {  	v3 =	vld [tilespmem:s16+$0x0];
	_ =	sdelay $0x4  }
0x87: {  	v2 =	vadd.f32 v3, v2;
	_ =	sdelay $0x1  }
0x88: {  	vm0 =	vge.f32 v2, $0.0e+00;
	v3 =	vmul.f32 $2.000000030e-01, v2;
	_ =	sdelay $0x1  }
0x89: {  	v2 =	vsel vm0, v2, v3  }
0x8a: {  	v2 =	vmul.f32 $1.442695020e+00, v2;
	_ =	sdelay $0x1  }
0x8b: {  	(erf) = vpow2.f32 v2;
	_ =	sdelay $0x8  }
0x8c: {  	v2 =	vpop (erf)  }
0x8d: {  	[tilespmem:s18+$0x0] =	vst v2  }
0x8e: {  	v2 =	vld [tilespmem:s21+$0x10]  }
0x8f: {  	v3 =	vld [tilespmem:s16+$0x10];
	_ =	sdelay $0x4  }
0x90: {  	v2 =	vadd.f32 v3, v2;
	_ =	sdelay $0x1  }
0x91: {  	vm0 =	vge.f32 v2, $0.0e+00;
	v3 =	vmul.f32 $2.000000030e-01, v2;
	_ =	sdelay $0x1  }
0x92: {  	v2 =	vsel vm0, v2, v3  }
0x93: {  	v2 =	vmul.f32 $1.442695020e+00, v2;
	_ =	sdelay $0x1  }
0x94: {  	(erf) = vpow2.f32 v2;
	_ =	sdelay $0x1  }
.Ltmp3:
0x95: {  	(pc) =	sbr.rel @p0 .LBB2_5-.Ltmp3, $2  }
0x96: {  	_ =	sdelay $0x2  }
0x97: {  	s21 =	sadd.s32 $0x40, s21  }
0x98: {  	s16 =	sshll.u32 s17, $0xB  }
0x99: {  	s17 =	sadd.s32 $0x1, s17;
	s16 =	sadd.s32 s7, s16  }
0x9a: {  	p0 =	sne.s32 s17, $0x2A;
	v2 =	vpop (erf);
	s16 =	sshrl.u32 s16, $0x3  }
.Ltmp4:
0x9b: {  	[tilespmem:s19+$0x10] =	vst v2;
	s18 =	sadd.s32 s9, s16;
	s16 =	simm.s32 $0x0;
	(pc) =	sbr.rel @p0 .LBB2_4-.Ltmp4, $4  }
0x9c: {  	[hbm4b:s18+s16] =	stream.linear.scatter [tilespmem:s0], [sflag:$0x7], $0x800, $0x38;
	[tilespmem:$0x18A00] =	vst v63  }
0x9d: {  	_ =	swait.ge [sflag:s31], $0x800  }
0x9e: {  	[sflag:s31] =	ssyncset.done $0x0  }
0x9f: {  	[sflag:s31] =	ssyncadd.s32 $0xFFFFF800  }
.Ltmp5:
0xa0: {  	(pc) =	sbr.rel .LBB2_8-.Ltmp5, $2  }
0xa1: {  	_ =	sdelay $0x2  }
0xa2: {  	p1 =	por $0x1, $0x1;
	s17 =	simm.s32 $0x0  }
.LBB2_15:
0xa3: {  	[spmem:s2] =	stream.indirect.scatter.add.f32 [tilespmem:s6], [sflag:$0x6], $0x50, s21, s1, $0xb8;
	[tilespmem:$0x18A00] =	vst v63  }
0xa4: {  	_ =	swait.ge [sflag:s15], $0x2800  }
0xa5: {  	[sflag:s15] =	ssyncset.done $0x0  }
0xa6: {  	[sflag:s15] =	ssyncadd.s32 $0xFFFFD800  }
0xa7: {  	[bflag:$0x0] =	sbarrier.arrive $0xFFFF  }
0xa8: {  	s18 =	rddreg [dreg:$0x7]  }
0xa9: {  	s26 =	rddreg [dreg:$0xc]  }
0xaa: {  	[tilespmem:s4], [sflag:$0x7] =	stream.linear.gather [spmem:s26], $0x2800, $0x38;
	[tilespmem:$0x18A00] =	vst v63  }
0xab: {  	s17 =	sadd.s32 s18, s17;
	_ =	swait.ge [sflag:s31], $0x2800  }
0xac: {  	s17 =	sshrl.u32 s17, $0x3;
	s19 =	rddreg [dreg:$0x6]  }
0xad: {  	[sflag:s31] =	ssyncset.done $0x0;
	s20 =	rddreg [dreg:$0x16];
	s17 =	sadd.s32 s19, s17  }
0xae: {  	[sflag:s31] =	ssyncadd.s32 $0xFFFFD800;
	s18 =	sadd.s32 s20, s17  }
0xaf: {  	[hbm4b:s18+s3] =	stream.linear.scatter [tilespmem:s4], [sflag:$0x7], $0x2800, $0x38;
	[tilespmem:$0x18A00] =	vst v63  }
0xb0: {  	_ =	swait.ge [sflag:s31], $0x2800  }
0xb1: {  	[sflag:s31] =	ssyncset.done $0x0  }
0xb2: {  	s21 =	rddreg [dreg:$0x12];
	[sflag:s31] =	ssyncadd.s32 $0xFFFFD800  }
0xb3: {  	[tilespmem:s4], [sflag:$0x7] =	stream.linear.gather [spmem:s21], $0x2800, $0x38;
	[tilespmem:$0x18A00] =	vst v63  }
0xb4: {  	_ =	swait.ge [sflag:s31], $0x2800  }
0xb5: {  	[sflag:s31] =	ssyncset.done $0x0;
	s22 =	rddreg [dreg:$0x13]  }
0xb6: {  	[sflag:s31] =	ssyncadd.s32 $0xFFFFD800;
	s18 =	sadd.s32 s22, s17  }
0xb7: {  	[hbm4b:s18+s3] =	stream.linear.scatter [tilespmem:s4], [sflag:$0x7], $0x2800, $0x38;
	[tilespmem:$0x18A00] =	vst v63  }
0xb8: {  	_ =	swait.ge [sflag:s31], $0x2800  }
0xb9: {  	[sflag:s31] =	ssyncset.done $0x0  }
0xba: {  	s23 =	rddreg [dreg:$0x14];
	[sflag:s31] =	ssyncadd.s32 $0xFFFFD800  }
0xbb: {  	[tilespmem:s4], [sflag:$0x7] =	stream.linear.gather [spmem:s23], $0x2800, $0x38;
	[tilespmem:$0x18A00] =	vst v63  }
0xbc: {  	_ =	swait.ge [sflag:s31], $0x2800  }
0xbd: {  	[sflag:s31] =	ssyncset.done $0x0;
	s24 =	rddreg [dreg:$0x15]  }
0xbe: {  	[sflag:s31] =	ssyncadd.s32 $0xFFFFD800;
	s18 =	sadd.s32 s24, s17  }
0xbf: {  	[hbm4b:s18+s3] =	stream.linear.scatter [tilespmem:s4], [sflag:$0x7], $0x2800, $0x38;
	[tilespmem:$0x18A00] =	vst v63  }
0xc0: {  	_ =	swait.ge [sflag:s31], $0x2800  }
0xc1: {  	[sflag:s31] =	ssyncset.done $0x0  }
0xc2: {  	s25 =	rddreg [dreg:$0x17];
	[sflag:s31] =	ssyncadd.s32 $0xFFFFD800  }
0xc3: {  	[tilespmem:s4], [sflag:$0x7] =	stream.linear.gather [spmem:s25], $0x2800, $0x38;
	[tilespmem:$0x18A00] =	vst v63  }
0xc4: {  	_ =	swait.ge [sflag:s31], $0x2800  }
0xc5: {  	[sflag:s31] =	ssyncset.done $0x0  }
0xc6: {  	s26 =	sadd.s32 s28, s17;
	[sflag:s31] =	ssyncadd.s32 $0xFFFFD800  }
0xc7: {  	[hbm4b:s26+s3] =	stream.linear.scatter [tilespmem:s4], [sflag:$0x7], $0x2800, $0x38;
	[tilespmem:$0x18A00] =	vst v63  }
0xc8: {  	_ =	swait.ge [sflag:s31], $0x2800  }
0xc9: {  	[sflag:s31] =	ssyncset.done $0x0  }
0xca: {  	[sflag:s31] =	ssyncadd.s32 $0xFFFFD800  }
0xcb: {  	[tilespmem:s4], [sflag:$0x7] =	stream.linear.gather [spmem:s29], $0x2800, $0x38;
	[tilespmem:$0x18A00] =	vst v63  }
0xcc: {  	_ =	swait.ge [sflag:s31], $0x2800  }
0xcd: {  	[sflag:s31] =	ssyncset.done $0x0  }
0xce: {  	s17 =	sadd.s32 s30, s17;
	[sflag:s31] =	ssyncadd.s32 $0xFFFFD800  }
0xcf: {  	[hbm4b:s17+s3] =	stream.linear.scatter [tilespmem:s4], [sflag:$0x7], $0x2800, $0x38;
	[tilespmem:$0x18A00] =	vst v63  }
.Ltmp6:
0xd0: {  	_ =	swait.ge [sflag:s31], $0x2800;
	(pc) =	sbr.rel @!p0 .LBB2_16-.Ltmp6, $4  }
0xd1: {  	[sflag:s31] =	ssyncset.done $0x0  }
0xd2: {  	[sflag:s31] =	ssyncadd.s32 $0xFFFFD800  }
0xd3: {  	[bflag:$0x0] =	sbarrier.arrive $0xFFFF  }
0xd4: {  	p1 =	por $0x0, $0x0;
	s17 =	simm.s32 $0xC8000  }
.LBB2_8:
0xd5: {  	s18 =	rddreg [dreg:$0xd]  }
0xd6: {  	[spmem:s18] =	stream.linear.scatter [tilespmem:s11], [sflag:$0x7], $0x2800, $0x38;
	[tilespmem:$0x18A00] =	vst v63  }
0xd7: {  	_ =	swait.ge [sflag:s31], $0x2800  }
0xd8: {  	[sflag:s31] =	ssyncset.done $0x0  }
0xd9: {  	s21 =	rddreg [dreg:$0xe];
	[sflag:s31] =	ssyncadd.s32 $0xFFFFD800  }
0xda: {  	[spmem:s21] =	stream.linear.scatter [tilespmem:s11], [sflag:$0x7], $0x2800, $0x38;
	[tilespmem:$0x18A00] =	vst v63  }
0xdb: {  	_ =	swait.ge [sflag:s31], $0x2800  }
0xdc: {  	[sflag:s31] =	ssyncset.done $0x0  }
0xdd: {  	s22 =	rddreg [dreg:$0xf];
	[sflag:s31] =	ssyncadd.s32 $0xFFFFD800  }
0xde: {  	[spmem:s22] =	stream.linear.scatter [tilespmem:s11], [sflag:$0x7], $0x2800, $0x38;
	[tilespmem:$0x18A00] =	vst v63  }
0xdf: {  	_ =	swait.ge [sflag:s31], $0x2800  }
0xe0: {  	[sflag:s31] =	ssyncset.done $0x0  }
0xe1: {  	s23 =	rddreg [dreg:$0x10];
	[sflag:s31] =	ssyncadd.s32 $0xFFFFD800  }
0xe2: {  	[spmem:s23] =	stream.linear.scatter [tilespmem:s11], [sflag:$0x7], $0x2800, $0x38;
	[tilespmem:$0x18A00] =	vst v63  }
0xe3: {  	_ =	swait.ge [sflag:s31], $0x2800  }
0xe4: {  	[sflag:s31] =	ssyncset.done $0x0  }
0xe5: {  	s24 =	rddreg [dreg:$0x11];
	[sflag:s31] =	ssyncadd.s32 $0xFFFFD800  }
0xe6: {  	[spmem:s24] =	stream.linear.scatter [tilespmem:s11], [sflag:$0x7], $0x2800, $0x38;
	[tilespmem:$0x18A00] =	vst v63  }
0xe7: {  	_ =	swait.ge [sflag:s31], $0x2800  }
0xe8: {  	[sflag:s31] =	ssyncset.done $0x0  }
0xe9: {  	[sflag:s31] =	ssyncadd.s32 $0xFFFFD800  }
0xea: {  	[bflag:$0x0] =	sbarrier.arrive $0xFFFF  }
0xeb: {  	s25 =	rddreg [dreg:$0xa]  }
0xec: {  	s26 =	sshrl.u32 s17, $0x3;
	s19 =	rddreg [dreg:$0x3]  }
0xed: {  	[tilespmem:s0], [sflag:$0x3] =	stream.linear.gather [hbm4b:s25+s16], $0x800, $0x38;
	[tilespmem:$0x18A00] =	vst v63  }
0xee: {  	p0 =	por p1, p1;
	s18 =	sadd.s32 s19, s26;
	s19 =	simm.s32 $0x0  }
0xef: {  	[tilespmem:s4], [sflag:$0x1] =	stream.indirect.gather [hbm4b:s18+s1], $0x50, s16, s1, $0xb8;
	[tilespmem:$0x18A00] =	vst v63  }
.LBB2_9:
0xf0: {  	s20 =	sshll.u32 s19, $0x1  }
0xf1: {  	p1 =	seq.s32 s19, $0x0;
	s21 =	sor.u32 $0x1, s20  }
0xf2: {  	s22 =	simm.s32 @!p1 $0x6;
	s23 =	sshll.u32 s21, $0xB  }
0xf3: {  	_ =	swait.ge @!p1 [sflag:s22], $0x2800;
	s23 =	sadd.s32 s7, s23  }
0xf4: {  	[sflag:s22] =	ssyncset.done @!p1 $0x0;
	s23 =	sshrl.u32 s23, $0x3  }
0xf5: {  	[sflag:s22] =	ssyncadd.s32 @!p1 $0xFFFFD800;
	s26 =	sadd.s32 s9, s23  }
0xf6: {  	[tilespmem:s5], [sflag:$0x4] =	stream.linear.gather [hbm4b:s26+s3], $0x800, $0x38;
	[tilespmem:$0x18A00] =	vst v63  }
0xf7: {  	s21 =	sshll.u32 s21, $0x7  }
0xf8: {  	[tilespmem:s6], [sflag:$0x2] =	stream.indirect.gather [hbm4b:s18+s1], $0x50, s21, s1, $0xb8;
	[tilespmem:$0x18A00] =	vst v63  }
0xf9: {  	_ =	swait.ge [sflag:s8], $0x800  }
0xfa: {  	[sflag:s8] =	ssyncset.done $0x0  }
0xfb: {  	[sflag:s8] =	ssyncadd.s32 $0xFFFFF800  }
0xfc: {  	_ =	swait.ge [sflag:s12], $0x2800  }
0xfd: {  	[sflag:s12] =	ssyncset.done $0x0  }
0xfe: {  	s23 =	simm.s32 $0x3A20;
	[sflag:s12] =	ssyncadd.s32 $0xFFFFD800  }
0xff: {  	v2 =	vld [tilespmem:s23+$0xFFFFFFE0]  }
0x100: {  	s22 =	simm.s32 $0x4AA0  }
0x101: {  	v3 =	vld [tilespmem:s22+$0xFFFFFF60]  }
0x102: {  	v4 =	vld [tilespmem:s22+$0xFFFFFFA0]  }
0x103: {  	v5 =	vld [tilespmem:s22+$0xFFFFFF90]  }
0x104: {  	v6 =	vld [tilespmem:s22+$0xFFFFFF70];
	v2 =	vperm.xlane v2, v1  }
0x105: {  	v7 =	vld [tilespmem:s22+$0xFFFFFF80]  }
0x106: {  	v3 =	vmul.f32 v3, v2  }
0x107: {  	v4 =	vmul.f32 v4, v2  }
0x108: {  	v5 =	vmul.f32 v5, v2;
	[tilespmem:s22+$0xFFFFFF60] =	vst v3  }
0x109: {  	v3 =	vmul.f32 v6, v2;
	[tilespmem:s22+$0xFFFFFFA0] =	vst v4  }
0x10a: {  	v2 =	vmul.f32 v7, v2;
	[tilespmem:s22+$0xFFFFFF90] =	vst v5  }
0x10b: {  	[tilespmem:s22+$0xFFFFFF70] =	vst v3  }
0x10c: {  	[tilespmem:s22+$0xFFFFFF80] =	vst v2  }
0x10d: {  	v2 =	vld [tilespmem:s23+$0xFFFFFFF0];
	_ =	sdelay $0x1  }
0x10e: {  	v3 =	vld [tilespmem:s22+$0xFFFFFFB0]  }
0x10f: {  	v4 =	vld [tilespmem:s22+$0xFFFFFFC0]  }
0x110: {  	v5 =	vld [tilespmem:s22+$0xFFFFFFD0]  }
0x111: {  	v6 =	vld [tilespmem:s22+$0xFFFFFFF0];
	v2 =	vperm.xlane v2, v1  }
0x112: {  	v7 =	vld [tilespmem:s22+$0xFFFFFFE0]  }
0x113: {  	v3 =	vmul.f32 v3, v2  }
0x114: {  	v4 =	vmul.f32 v4, v2  }
0x115: {  	v5 =	vmul.f32 v5, v2;
	[tilespmem:s22+$0xFFFFFFB0] =	vst v3  }
0x116: {  	v3 =	vmul.f32 v6, v2;
	[tilespmem:s22+$0xFFFFFFC0] =	vst v4  }
0x117: {  	v2 =	vmul.f32 v7, v2;
	[tilespmem:s22+$0xFFFFFFD0] =	vst v5  }
0x118: {  	[tilespmem:s22+$0xFFFFFFF0] =	vst v3  }
0x119: {  	[tilespmem:s22+$0xFFFFFFE0] =	vst v2  }
0x11a: {  	v2 =	vld [tilespmem:s23+$0x0]  }
0x11b: {  	v4 =	vld [tilespmem:s22+$0x40]  }
0x11c: {  	v5 =	vld [tilespmem:s22+$0x0]  }
0x11d: {  	v6 =	vld [tilespmem:s22+$0x30]  }
0x11e: {  	v3 =	vld [tilespmem:s22+$0x20]  }
0x11f: {  	v7 =	vld [tilespmem:s22+$0x10];
	v8 =	vperm.xlane v2, v1;
	_ =	sdelay $0x1  }
0x120: {  	v2 =	vmul.f32 v4, v8  }
0x121: {  	v5 =	vmul.f32 v5, v8  }
0x122: {  	v3 =	vmul.f32 v3, v8;
	[tilespmem:s22+$0x40] =	vst v2  }
0x123: {  	s24 =	simm.s32 $0x0;
	s25 =	simm.s32 $0x3A20;
	s26 =	simm.s32 $0x4AA0;
	v4 =	vmul.f32 v7, v8;
	v2 =	vmul.f32 v6, v8;
	[tilespmem:s22+$0x0] =	vst v5  }
.LBB2_10:
0x124: {  	s24 =	sadd.s32 $0x4, s24;
	[tilespmem:s22+$0x20] =	vst v3;
	s23 =	sadd.s32 $0x40, s23;
	s26 =	sadd.s32 $0x140, s26  }
0x125: {  	p1 =	slt.u32 s24, $0x7C;
	[tilespmem:s22+$0x10] =	vst v4  }
0x126: {  	[tilespmem:s22+$0x30] =	vst v2;
	v2 =	vld [tilespmem:s22+$0x50]  }
0x127: {  	v3 =	vld [tilespmem:s25+$0x10];
	s25 =	smov.u32 s23  }
0x128: {  	v4 =	vld [tilespmem:s22+$0x80]  }
0x129: {  	v5 =	vld [tilespmem:s22+$0x60]  }
0x12a: {  	v6 =	vld [tilespmem:s22+$0x70]  }
0x12b: {  	v7 =	vld [tilespmem:s22+$0x90]  }
0x12c: {  	v3 =	vperm.xlane v3, v1;
	_ =	sdelay $0x1  }
0x12d: {  	v2 =	vmul.f32 v2, v3;
	v5 =	vmul.f32 v5, v3  }
0x12e: {  	v4 =	vmul.f32 v4, v3;
	v6 =	vmul.f32 v6, v3  }
0x12f: {  	[tilespmem:s22+$0x50] =	vst v2;
	v2 =	vmul.f32 v7, v3  }
0x130: {  	[tilespmem:s22+$0x80] =	vst v4  }
0x131: {  	[tilespmem:s22+$0x60] =	vst v5  }
0x132: {  	[tilespmem:s22+$0x90] =	vst v2  }
0x133: {  	v2 =	vld [tilespmem:s26+$0xFFFFFF90];
	[tilespmem:s22+$0x70] =	vst v6;
	s22 =	smov.u32 s26  }
0x134: {  	v3 =	vld [tilespmem:s23+$0xFFFFFFE0]  }
0x135: {  	v4 =	vld [tilespmem:s26+$0xFFFFFFA0]  }
0x136: {  	v5 =	vld [tilespmem:s26+$0xFFFFFF60]  }
0x137: {  	v6 =	vld [tilespmem:s26+$0xFFFFFF80]  }
0x138: {  	v7 =	vld [tilespmem:s26+$0xFFFFFF70]  }
0x139: {  	v3 =	vperm.xlane v3, v1;
	_ =	sdelay $0x1  }
0x13a: {  	v5 =	vmul.f32 v5, v3;
	v4 =	vmul.f32 v4, v3  }
0x13b: {  	v2 =	vmul.f32 v2, v3;
	v6 =	vmul.f32 v6, v3  }
0x13c: {  	[tilespmem:s26+$0xFFFFFF60] =	vst v5;
	v3 =	vmul.f32 v7, v3  }
0x13d: {  	[tilespmem:s26+$0xFFFFFFA0] =	vst v4  }
0x13e: {  	[tilespmem:s26+$0xFFFFFF90] =	vst v2  }
0x13f: {  	[tilespmem:s26+$0xFFFFFF70] =	vst v3  }
0x140: {  	[tilespmem:s26+$0xFFFFFF80] =	vst v6;
	v2 =	vld [tilespmem:s26+$0xFFFFFFE0]  }
0x141: {  	v3 =	vld [tilespmem:s23+$0xFFFFFFF0]  }
0x142: {  	v4 =	vld [tilespmem:s26+$0xFFFFFFC0]  }
0x143: {  	v5 =	vld [tilespmem:s26+$0xFFFFFFB0]  }
0x144: {  	v6 =	vld [tilespmem:s26+$0xFFFFFFD0]  }
0x145: {  	v7 =	vld [tilespmem:s26+$0xFFFFFFF0]  }
0x146: {  	v3 =	vperm.xlane v3, v1;
	_ =	sdelay $0x1  }
0x147: {  	v5 =	vmul.f32 v5, v3;
	v4 =	vmul.f32 v4, v3  }
0x148: {  	v2 =	vmul.f32 v2, v3;
	v6 =	vmul.f32 v6, v3  }
0x149: {  	[tilespmem:s26+$0xFFFFFFB0] =	vst v5;
	v3 =	vmul.f32 v7, v3  }
0x14a: {  	[tilespmem:s26+$0xFFFFFFC0] =	vst v4  }
0x14b: {  	[tilespmem:s26+$0xFFFFFFD0] =	vst v6  }
0x14c: {  	[tilespmem:s26+$0xFFFFFFF0] =	vst v3  }
0x14d: {  	[tilespmem:s26+$0xFFFFFFE0] =	vst v2;
	v2 =	vld [tilespmem:s26+$0x20]  }
0x14e: {  	v3 =	vld [tilespmem:s23+$0x0]  }
0x14f: {  	v4 =	vld [tilespmem:s26+$0x40]  }
0x150: {  	v5 =	vld [tilespmem:s26+$0x0]  }
0x151: {  	v6 =	vld [tilespmem:s26+$0x30]  }
0x152: {  	v7 =	vld [tilespmem:s26+$0x10]  }
0x153: {  	v8 =	vperm.xlane v3, v1  }
.Ltmp7:
0x154: {  	(pc) =	sbr.rel @p1 .LBB2_10-.Ltmp7, $4  }
0x155: {  	v5 =	vmul.f32 v5, v8;
	v9 =	vmul.f32 v4, v8  }
0x156: {  	v3 =	vmul.f32 v2, v8;
	v2 =	vmul.f32 v6, v8  }
0x157: {  	v4 =	vmul.f32 v7, v8;
	[tilespmem:s26+$0x40] =	vst v9  }
0x158: {  	[tilespmem:s26+$0x0] =	vst v5  }
0x159: {  	[tilespmem:s22+$0x20] =	vst v3  }
0x15a: {  	[tilespmem:s22+$0x10] =	vst v4  }
0x15b: {  	[tilespmem:s22+$0x30] =	vst v2  }
0x15c: {  	v2 =	vld [tilespmem:s25+$0x10];
	_ =	sdelay $0x1  }
0x15d: {  	v3 =	vld [tilespmem:s22+$0x50]  }
0x15e: {  	v4 =	vld [tilespmem:s22+$0x80]  }
0x15f: {  	v5 =	vld [tilespmem:s22+$0x60]  }
0x160: {  	v6 =	vld [tilespmem:s22+$0x90];
	v2 =	vperm.xlane v2, v1  }
0x161: {  	v7 =	vld [tilespmem:s22+$0x70]  }
0x162: {  	v3 =	vmul.f32 v3, v2  }
0x163: {  	v4 =	vmul.f32 v4, v2  }
0x164: {  	v5 =	vmul.f32 v5, v2;
	[tilespmem:s22+$0x50] =	vst v3  }
0x165: {  	v3 =	vmul.f32 v6, v2;
	[tilespmem:s22+$0x80] =	vst v4  }
0x166: {  	s23 =	sshll.u32 s19, $0x8;
	v2 =	vmul.f32 v7, v2;
	[tilespmem:s22+$0x60] =	vst v5  }
0x167: {  	s23 =	sand.u32 $0x3FFFFF00, s23;
	[tilespmem:s22+$0x90] =	vst v3  }
0x168: {  	s26 =	sadd.s32 $0x1500, s23;
	[tilespmem:s22+$0x70] =	vst v2  }
0x169: {  	[spmem:s2] =	stream.indirect.scatter.add.f32 [tilespmem:s4], [sflag:$0x5], $0x50, s26, s1, $0xb8;
	[tilespmem:$0x18A00] =	vst v63  }
0x16a: {  	_ =	swait.ge [sflag:s10], $0x800  }
0x16b: {  	[sflag:s10] =	ssyncset.done $0x0  }
0x16c: {  	[sflag:s10] =	ssyncadd.s32 $0xFFFFF800  }
0x16d: {  	_ =	swait.ge [sflag:s14], $0x2800  }
0x16e: {  	[sflag:s14] =	ssyncset.done $0x0  }
0x16f: {  	s23 =	simm.s32 $0x4220;
	[sflag:s14] =	ssyncadd.s32 $0xFFFFD800  }
0x170: {  	v2 =	vld [tilespmem:s23+$0xFFFFFFE0]  }
0x171: {  	s22 =	simm.s32 $0x72A0  }
0x172: {  	v3 =	vld [tilespmem:s22+$0xFFFFFF60]  }
0x173: {  	v4 =	vld [tilespmem:s22+$0xFFFFFFA0]  }
0x174: {  	v5 =	vld [tilespmem:s22+$0xFFFFFF90]  }
0x175: {  	v6 =	vld [tilespmem:s22+$0xFFFFFF70];
	v2 =	vperm.xlane v2, v1  }
0x176: {  	v7 =	vld [tilespmem:s22+$0xFFFFFF80]  }
0x177: {  	v3 =	vmul.f32 v3, v2  }
0x178: {  	v4 =	vmul.f32 v4, v2  }
0x179: {  	v5 =	vmul.f32 v5, v2;
	[tilespmem:s22+$0xFFFFFF60] =	vst v3  }
0x17a: {  	v3 =	vmul.f32 v6, v2;
	[tilespmem:s22+$0xFFFFFFA0] =	vst v4  }
0x17b: {  	v2 =	vmul.f32 v7, v2;
	[tilespmem:s22+$0xFFFFFF90] =	vst v5  }
0x17c: {  	[tilespmem:s22+$0xFFFFFF70] =	vst v3  }
0x17d: {  	[tilespmem:s22+$0xFFFFFF80] =	vst v2  }
0x17e: {  	v2 =	vld [tilespmem:s23+$0xFFFFFFF0];
	_ =	sdelay $0x1  }
0x17f: {  	v3 =	vld [tilespmem:s22+$0xFFFFFFB0]  }
0x180: {  	v4 =	vld [tilespmem:s22+$0xFFFFFFC0]  }
0x181: {  	v5 =	vld [tilespmem:s22+$0xFFFFFFD0]  }
0x182: {  	v6 =	vld [tilespmem:s22+$0xFFFFFFF0];
	v2 =	vperm.xlane v2, v1  }
0x183: {  	v7 =	vld [tilespmem:s22+$0xFFFFFFE0]  }
0x184: {  	v3 =	vmul.f32 v3, v2  }
0x185: {  	v4 =	vmul.f32 v4, v2  }
0x186: {  	v5 =	vmul.f32 v5, v2;
	[tilespmem:s22+$0xFFFFFFB0] =	vst v3  }
0x187: {  	v3 =	vmul.f32 v6, v2;
	[tilespmem:s22+$0xFFFFFFC0] =	vst v4  }
0x188: {  	v2 =	vmul.f32 v7, v2;
	[tilespmem:s22+$0xFFFFFFD0] =	vst v5  }
0x189: {  	[tilespmem:s22+$0xFFFFFFF0] =	vst v3  }
0x18a: {  	[tilespmem:s22+$0xFFFFFFE0] =	vst v2  }
0x18b: {  	v2 =	vld [tilespmem:s23+$0x0]  }
0x18c: {  	v4 =	vld [tilespmem:s22+$0x40]  }
0x18d: {  	v5 =	vld [tilespmem:s22+$0x0]  }
0x18e: {  	v6 =	vld [tilespmem:s22+$0x30]  }
0x18f: {  	v3 =	vld [tilespmem:s22+$0x20]  }
0x190: {  	v7 =	vld [tilespmem:s22+$0x10];
	v8 =	vperm.xlane v2, v1;
	_ =	sdelay $0x1  }
0x191: {  	v2 =	vmul.f32 v4, v8  }
0x192: {  	v5 =	vmul.f32 v5, v8  }
0x193: {  	v3 =	vmul.f32 v3, v8;
	[tilespmem:s22+$0x40] =	vst v2  }
0x194: {  	s24 =	simm.s32 $0x0;
	s25 =	simm.s32 $0x4220;
	s26 =	simm.s32 $0x72A0;
	v4 =	vmul.f32 v7, v8;
	v2 =	vmul.f32 v6, v8;
	[tilespmem:s22+$0x0] =	vst v5  }
.LBB2_12:
0x195: {  	s24 =	sadd.s32 $0x4, s24;
	[tilespmem:s22+$0x20] =	vst v3;
	s23 =	sadd.s32 $0x40, s23;
	s26 =	sadd.s32 $0x140, s26  }
0x196: {  	p1 =	slt.u32 s24, $0x7C;
	[tilespmem:s22+$0x10] =	vst v4  }
0x197: {  	[tilespmem:s22+$0x30] =	vst v2;
	v2 =	vld [tilespmem:s22+$0x50]  }
0x198: {  	v3 =	vld [tilespmem:s25+$0x10];
	s25 =	smov.u32 s23  }
0x199: {  	v4 =	vld [tilespmem:s22+$0x80]  }
0x19a: {  	v5 =	vld [tilespmem:s22+$0x60]  }
0x19b: {  	v6 =	vld [tilespmem:s22+$0x70]  }
0x19c: {  	v7 =	vld [tilespmem:s22+$0x90]  }
0x19d: {  	v3 =	vperm.xlane v3, v1;
	_ =	sdelay $0x1  }
0x19e: {  	v2 =	vmul.f32 v2, v3;
	v5 =	vmul.f32 v5, v3  }
0x19f: {  	v4 =	vmul.f32 v4, v3;
	v6 =	vmul.f32 v6, v3  }
0x1a0: {  	[tilespmem:s22+$0x50] =	vst v2;
	v2 =	vmul.f32 v7, v3  }
0x1a1: {  	[tilespmem:s22+$0x80] =	vst v4  }
0x1a2: {  	[tilespmem:s22+$0x60] =	vst v5  }
0x1a3: {  	[tilespmem:s22+$0x90] =	vst v2  }
0x1a4: {  	v2 =	vld [tilespmem:s26+$0xFFFFFF90];
	[tilespmem:s22+$0x70] =	vst v6;
	s22 =	smov.u32 s26  }
0x1a5: {  	v3 =	vld [tilespmem:s23+$0xFFFFFFE0]  }
0x1a6: {  	v4 =	vld [tilespmem:s26+$0xFFFFFFA0]  }
0x1a7: {  	v5 =	vld [tilespmem:s26+$0xFFFFFF60]  }
0x1a8: {  	v6 =	vld [tilespmem:s26+$0xFFFFFF80]  }
0x1a9: {  	v7 =	vld [tilespmem:s26+$0xFFFFFF70]  }
0x1aa: {  	v3 =	vperm.xlane v3, v1;
	_ =	sdelay $0x1  }
0x1ab: {  	v5 =	vmul.f32 v5, v3;
	v4 =	vmul.f32 v4, v3  }
0x1ac: {  	v2 =	vmul.f32 v2, v3;
	v6 =	vmul.f32 v6, v3  }
0x1ad: {  	[tilespmem:s26+$0xFFFFFF60] =	vst v5;
	v3 =	vmul.f32 v7, v3  }
0x1ae: {  	[tilespmem:s26+$0xFFFFFFA0] =	vst v4  }
0x1af: {  	[tilespmem:s26+$0xFFFFFF90] =	vst v2  }
0x1b0: {  	[tilespmem:s26+$0xFFFFFF70] =	vst v3  }
0x1b1: {  	[tilespmem:s26+$0xFFFFFF80] =	vst v6;
	v2 =	vld [tilespmem:s26+$0xFFFFFFE0]  }
0x1b2: {  	v3 =	vld [tilespmem:s23+$0xFFFFFFF0]  }
0x1b3: {  	v4 =	vld [tilespmem:s26+$0xFFFFFFC0]  }
0x1b4: {  	v5 =	vld [tilespmem:s26+$0xFFFFFFB0]  }
0x1b5: {  	v6 =	vld [tilespmem:s26+$0xFFFFFFD0]  }
0x1b6: {  	v7 =	vld [tilespmem:s26+$0xFFFFFFF0]  }
0x1b7: {  	v3 =	vperm.xlane v3, v1;
	_ =	sdelay $0x1  }
0x1b8: {  	v5 =	vmul.f32 v5, v3;
	v4 =	vmul.f32 v4, v3  }
0x1b9: {  	v2 =	vmul.f32 v2, v3;
	v6 =	vmul.f32 v6, v3  }
0x1ba: {  	[tilespmem:s26+$0xFFFFFFB0] =	vst v5;
	v3 =	vmul.f32 v7, v3  }
0x1bb: {  	[tilespmem:s26+$0xFFFFFFC0] =	vst v4  }
0x1bc: {  	[tilespmem:s26+$0xFFFFFFD0] =	vst v6  }
0x1bd: {  	[tilespmem:s26+$0xFFFFFFF0] =	vst v3  }
0x1be: {  	[tilespmem:s26+$0xFFFFFFE0] =	vst v2;
	v2 =	vld [tilespmem:s26+$0x20]  }
0x1bf: {  	v3 =	vld [tilespmem:s23+$0x0]  }
0x1c0: {  	v4 =	vld [tilespmem:s26+$0x40]  }
0x1c1: {  	v5 =	vld [tilespmem:s26+$0x0]  }
0x1c2: {  	v6 =	vld [tilespmem:s26+$0x30]  }
0x1c3: {  	v7 =	vld [tilespmem:s26+$0x10]  }
0x1c4: {  	v8 =	vperm.xlane v3, v1  }
.Ltmp8:
0x1c5: {  	(pc) =	sbr.rel @p1 .LBB2_12-.Ltmp8, $4  }
0x1c6: {  	v5 =	vmul.f32 v5, v8;
	v9 =	vmul.f32 v4, v8  }
0x1c7: {  	v3 =	vmul.f32 v2, v8;
	v2 =	vmul.f32 v6, v8  }
0x1c8: {  	v4 =	vmul.f32 v7, v8;
	[tilespmem:s26+$0x40] =	vst v9  }
0x1c9: {  	[tilespmem:s26+$0x0] =	vst v5  }
0x1ca: {  	[tilespmem:s22+$0x20] =	vst v3  }
0x1cb: {  	[tilespmem:s22+$0x10] =	vst v4  }
0x1cc: {  	[tilespmem:s22+$0x30] =	vst v2  }
0x1cd: {  	v2 =	vld [tilespmem:s25+$0x10];
	_ =	sdelay $0x1  }
0x1ce: {  	v3 =	vld [tilespmem:s22+$0x50]  }
0x1cf: {  	v63 =	vld [tilespmem:s22+$0x80]  }
0x1d0: {  	v5 =	vld [tilespmem:s22+$0x60]  }
0x1d1: {  	v6 =	vld [tilespmem:s22+$0x90];
	v2 =	vperm.xlane v2, v1  }
0x1d2: {  	v7 =	vld [tilespmem:s22+$0x70]  }
0x1d3: {  	v3 =	vmul.f32 v3, v2  }
0x1d4: {  	v4 =	vmul.f32 v63, v2  }
0x1d5: {  	v5 =	vmul.f32 v5, v2;
	[tilespmem:s22+$0x50] =	vst v3  }
0x1d6: {  	v3 =	vmul.f32 v6, v2;
	[tilespmem:s22+$0x80] =	vst v4  }
0x1d7: {  	p1 =	seq.s32 s19, $0x14;
	v2 =	vmul.f32 v7, v2;
	[tilespmem:s22+$0x60] =	vst v5  }
.Ltmp9:
0x1d8: {  	[tilespmem:s22+$0x90] =	vst v3;
	(pc) =	sbr.rel @p1 .LBB2_15-.Ltmp9, $4  }
0x1d9: {  	[tilespmem:s22+$0x70] =	vst v2  }
0x1da: {  	_ =	swait.ge [sflag:s13], $0x2800  }
0x1db: {  	[sflag:s13] =	ssyncset.done $0x0  }
0x1dc: {  	s21 =	sadd.s32 $0x1500, s21;
	[sflag:s13] =	ssyncadd.s32 $0xFFFFD800  }
0x1dd: {  	s20 =	sadd.s32 $0x2, s20  }
0x1de: {  	s22 =	sshll.u32 s20, $0xB  }
0x1df: {  	s22 =	sadd.s32 s7, s22  }
0x1e0: {  	s22 =	sshrl.u32 s22, $0x3  }
0x1e1: {  	s22 =	sadd.s32 s9, s22  }
0x1e2: {  	[tilespmem:s0], [sflag:$0x3] =	stream.linear.gather [hbm4b:s22+s3], $0x800, $0x38;
	[tilespmem:$0x18A00] =	vst v63  }
.Ltmp10:
0x1e3: {  	s20 =	sshll.u32 s20, $0x7;
	(pc) =	sbr.rel .LBB2_9-.Ltmp10, $4  }
0x1e4: {  	s20 =	sand.u32 $0x3FFFFF80, s20  }
0x1e5: {  	[tilespmem:s4], [sflag:$0x1] =	stream.indirect.gather [hbm4b:s18+s1], $0x50, s20, s1, $0xb8;
	[tilespmem:$0x18A00] =	vst v63  }
0x1e6: {  	s19 =	sadd.s32 $0x1, s19  }
0x1e7: {  	[spmem:s2] =	stream.indirect.scatter.add.f32 [tilespmem:s6], [sflag:$0x6], $0x50, s21, s1, $0xb8;
	[tilespmem:$0x18A00] =	vst v63  }
.LBB2_17:
0x1e8: {  	_ =	sfence.sel $0x180000  }
0x1e9: {  	[bflag:$0x0] =	sbarrier.arrive $0xFFFF  }
0x1ea: {  	_ =	strace $0x9000004A  }
0x1eb: {  	s0 =	stileid.u32;
	[bflag:$0x2] =	sbarrier.arrive $0xFFFF  }
0x1ec: {  	p0 =	sne.s32 s0, $0x0;
	s0 =	rddreg [dreg:$0x2]  }
0x1ed: {  	s0 =	sadd.s32 @!p0 $0x100000, s0  }
0x1ee: {  	[sflag:s0] =	ssyncadd.tile.s32 @!p0 $0x1;
	_ =	shalt  }
.Lfunc_end2:
_tile_overlayer_lowered:
.L_overlay_start_2:
0x1ef: {  	(tag) =	ssettag $0x2  }
0x1f0: {  	s0 =	rddreg [dreg:$0x0];
	s2 =	stileid.u32  }
0x1f1: {  	s1 =	rddreg [dreg:$0x1];
	p0 =	sne.s32 s2, $0x0  }
0x1f2: {  	s3 =	rddreg [dreg:$0x2];
	[bflag:$0x3] =	sbarrier.arrive $0xFFFF;
	s2 =	simm.s32 @!p0 $0x1C07  }
0x1f3: {  	[timem:s3], [sflag:s2] =	dma.local @!p0 [hbm:s0], s1  }
0x1f4: {  	s0 =	simm.s32 @!p0 $0x7  }
0x1f5: {  	_ =	swait.ge @!p0 [sflag:s0], s1  }
0x1f6: {  	s1 =	ssub.s32 @!p0 $0x0, s1;
	[sflag:s0] =	ssyncset.done @!p0 $0x0  }
0x1f7: {  	[sflag:s0] =	ssyncadd.s32 @!p0 s1  }
0x1f8: {  	[bflag:$0x3] =	sbarrier.arrive $0xFFFF  }
0x1f9: {  	_ =	shalt  }

// kernel: kernel.9.cloned.1.call-start
scs
__scs_entry_jumppad:
0x0: {  	(pc) =	sbr.rel $0x88, $3  }
0x1: {  	(tag) =	ssettag $0x0;
	lr =	simm.s32 $0x1  }
0x2: {  	[smem:$0x3F8F] =	sst lr;
	_ =	strace $0xD0000000  }
0x3: {  	_ = 	snop  }
0x4: {  	_ = 	snop  }
0x5: {  	_ = 	snop  }
0x6: {  	_ = 	snop  }
0x7: {  	_ = 	snop  }
__scs_overlays_trampoline_lowered:
0x8: {  	[smem:$0x3F9E] =	sst s0  }
0x9: {  	[smem:$0x3F9F] =	sst s1  }
0xa: {  	[smem:$0x3FA0] =	sst s2  }
0xb: {  	[smem:$0x3FA1] =	sst s3  }
0xc: {  	[smem:$0x3FA2] =	sst s4  }
0xd: {  	[smem:$0x3FA3] =	sst s5  }
0xe: {  	[smem:$0x3FA4] =	sst s6  }
0xf: {  	[smem:$0x3FA5] =	sst s7  }
0x10: {  	[smem:$0x3FA6] =	sst s8  }
0x11: {  	[smem:$0x3FA7] =	sst s9;
	s0 =	simm.s32 @!p0 $0x0  }
0x12: {  	s1 =	sld [smem:$0x3F8D];
	s0 =	simm.s32 @p0 $0x1  }
0x13: {  	[smem:$0x3FA8] =	sst s0;
	s0 =	simm.s32 @!p1 $0x0  }
0x14: {  	s2 =	sld [smem:$0x3F8C];
	s0 =	simm.s32 @p1 $0x1  }
0x15: {  	[smem:$0x3FA9] =	sst s0;
	s0 =	simm.s32 @!p2 $0x0  }
0x16: {  	s3 =	sld [smem:$0x3FDB];
	s0 =	simm.s32 @p2 $0x1  }
0x17: {  	s4 =	simm.s32 $0x1BF5;
	[smem:$0x3FAB] =	sst s0  }
0x18: {  	s0 =	sld [smem:$0x3F8E];
	_ =	swait.ge [sflag:s4], $0x0  }
0x19: {  	s7 =	sld [smem:$0x3F8F]  }
0x1a: {  	s8 =	sadd.s32 $0xFFFFE003, lr  }
0x1b: {  	s9 =	sadd.s32 $0xFFFFFEF7, lr;
	s5 =	simm.s32 $0xFFFFFFFF;
	p2 =	slt.u32 s8, $0xFFFFF086  }
0x1c: {  	p1 =	slt.u32 s9, $0xF7A;
	s5 =	simm.s32 @!p2 $0x0  }
0x1d: {  	s5 =	simm.s32 @p1 $0x1;
	p0 =	seq.s32 s7, s2  }
0x1e: {  	s7 =	smul.u32 @!p0 $0xF7A, s2;
	p2 =	seq.s32 @!p0 s5, $0x0  }
0x1f: {  	s9 =	smul.u32 $0xF7A, s1;
	s8 =	simm.s32 @!p0 $0x1BF5;
	p2 =	por !p2, p0  }
0x20: {  	[sflag:s8] =	ssyncset.s32 @!p0 $0xFFFFF086;
	s6 =	sadd.s32 @!p0 s3, s7;
	s7 =	simm.s32 @!p0 $0x108  }
0x21: {  	s3 =	sadd.s32 s3, s9;
	s6 =	sadd.s32 @!p0 $0x88, s6;
	s7 =	simm.s32 @p2 $0x1082  }
0x22: {  	[simem:s7], [sflag:s8] =	dma.local @!p0 [hbm:s6], $0xF7A  }
0x23: {  	s9 =	sor.u32 $0xD0000000, s2;
	s6 =	simm.s32 $0x108;
	_ =	swait.ge @!p0 [sflag:s8], $0x0  }
0x24: {  	s3 =	sadd.s32 $0x88, s3;
	s6 =	simm.s32 @!p1 $0x1082;
	[sflag:s4] =	ssyncset.s32 $0xFFFFF086  }
0x25: {  	[simem:s6], [sflag:s4] =	dma.local [hbm:s3], $0xF7A  }
0x26: {  	[smem:$0x3F8F] =	sst s1;
	(tag) =	ssettag s2;
	_ =	strace s9  }
0x27: {  	s1 =	sld [smem:$0x3F9F]  }
0x28: {  	s2 =	sld [smem:$0x3FA0]  }
0x29: {  	s4 =	sld [smem:$0x3FA2]  }
0x2a: {  	p0 =	seq.s32 s5, $0x0;
	s5 =	sld [smem:$0x3FA3]  }
0x2b: {  	s6 =	sld [smem:$0x3FA4]  }
0x2c: {  	s7 =	sld [smem:$0x3FA5]  }
0x2d: {  	s3 =	simm.s32 $0x108;
	s8 =	sld [smem:$0x3FA6]  }
0x2e: {  	s3 =	simm.s32 @!p0 $0x1082;
	s9 =	sld [smem:$0x3FA7]  }
0x2f: {  	lr =	sadd.s32 s0, s3;
	s0 =	sld [smem:$0x3F9E]  }
0x30: {  	s3 =	sld [smem:$0x3FA1]  }
0x31: {  	[smem:$0x3FAA] =	sst s10  }
0x32: {  	s10 =	sld [smem:$0x3FA8];
	_ =	sdelay $0x3  }
0x33: {  	p0 =	seq.s32 s10, $0x1;
	s10 =	sld [smem:$0x3FAA];
	_ =	sdelay $0x3  }
0x34: {  	[smem:$0x3FAA] =	sst s10  }
0x35: {  	s10 =	sld [smem:$0x3FA9];
	_ =	sdelay $0x3  }
0x36: {  	p1 =	seq.s32 s10, $0x1;
	s10 =	sld [smem:$0x3FAA];
	_ =	sdelay $0x3  }
0x37: {  	[smem:$0x3FAA] =	sst s10  }
0x38: {  	s10 =	sld [smem:$0x3FAB]  }
0x39: {  	_ = 	snop;
	(pc) =	sbr.ind lr, $3  }
0x3a: {  	_ = 	snop  }
0x3b: {  	_ = 	snop  }
0x3c: {  	p2 =	seq.s32 s10, $0x1;
	s10 =	sld [smem:$0x3FAA]  }
0x3d: {  	_ =	shalt  }
0x3e: {  	_ =	shalt  }
0x3f: {  	_ =	shalt  }
0x40: {  	_ =	shalt  }
0x41: {  	_ =	shalt  }
0x42: {  	_ =	shalt  }
0x43: {  	_ =	shalt  }
0x44: {  	_ =	shalt  }
0x45: {  	_ =	shalt  }
0x46: {  	_ =	shalt  }
0x47: {  	_ =	shalt  }
0x48: {  	_ =	shalt  }
0x49: {  	_ =	shalt  }
0x4a: {  	_ =	shalt  }
0x4b: {  	_ =	shalt  }
0x4c: {  	_ =	shalt  }
0x4d: {  	_ =	shalt  }
0x4e: {  	_ =	shalt  }
0x4f: {  	_ =	shalt  }
0x50: {  	_ =	shalt  }
0x51: {  	_ =	shalt  }
0x52: {  	_ =	shalt  }
0x53: {  	_ =	shalt  }
0x54: {  	_ =	shalt  }
0x55: {  	_ =	shalt  }
0x56: {  	_ =	shalt  }
0x57: {  	_ =	shalt  }
0x58: {  	_ =	shalt  }
0x59: {  	_ =	shalt  }
0x5a: {  	_ =	shalt  }
0x5b: {  	_ =	shalt  }
0x5c: {  	_ =	shalt  }
0x5d: {  	_ =	shalt  }
0x5e: {  	_ =	shalt  }
0x5f: {  	_ =	shalt  }
0x60: {  	_ =	shalt  }
0x61: {  	_ =	shalt  }
0x62: {  	_ =	shalt  }
0x63: {  	_ =	shalt  }
0x64: {  	_ =	shalt  }
0x65: {  	_ =	shalt  }
0x66: {  	_ =	shalt  }
0x67: {  	_ =	shalt  }
0x68: {  	_ =	shalt  }
0x69: {  	_ =	shalt  }
0x6a: {  	_ =	shalt  }
0x6b: {  	_ =	shalt  }
0x6c: {  	_ =	shalt  }
0x6d: {  	_ =	shalt  }
0x6e: {  	_ =	shalt  }
0x6f: {  	_ =	shalt  }
0x70: {  	_ =	shalt  }
0x71: {  	_ =	shalt  }
0x72: {  	_ =	shalt  }
0x73: {  	_ =	shalt  }
0x74: {  	_ =	shalt  }
0x75: {  	_ =	shalt  }
0x76: {  	_ =	shalt  }
0x77: {  	_ =	shalt  }
0x78: {  	_ =	shalt  }
0x79: {  	_ =	shalt  }
0x7a: {  	_ =	shalt  }
0x7b: {  	_ =	shalt  }
0x7c: {  	_ =	shalt  }
0x7d: {  	_ =	shalt  }
0x7e: {  	_ =	shalt  }
0x7f: {  	_ =	shalt  }
0x80: {  	_ =	shalt  }
0x81: {  	_ =	shalt  }
0x82: {  	_ =	shalt  }
0x83: {  	_ =	shalt  }
0x84: {  	_ =	shalt  }
0x85: {  	_ =	shalt  }
0x86: {  	_ =	shalt  }
0x87: {  	_ =	shalt  }
.Lfunc_end0:
.L_simem_size_0:
called_computation_lowered:
.L_overlay_start_0:
0x88: {  	s2 =	sld [smem:$0x3FD9]  }
0x89: {  	s3 =	sld [smem:$0x3FFE];
	_ =	sdelay $0x1  }
0x8a: {  	s1 =	srdreg.scid  }
0x8b: {  	s0 =	sand.u32 $0x1, s1  }
0x8c: {  	s16 =	sshll.u32 s0, $0xA;
	s2 =	sadd.s32 s3, s2  }
0x8d: {  	s2 =	sadd.s32 s2, s16  }
0x8e: {  	[smem:$0x3FB6] =	sst s2  }
0x8f: {  	_ = 	snop  }
0x90: {  	(tm) =	ssettm $0x1  }
0x91: {  	s17 =	sld [smem:$0x3FFB];
	_ =	sdelay $0x3  }
0x92: {  	_ =	strace s17  }
0x93: {  	s2 =	sld [smem:$0x3FFC];
	_ =	sdelay $0x3  }
0x94: {  	_ =	strace s2  }
0x95: {  	s2 =	sld [smem:$0x3FFD];
	_ =	sdelay $0x3  }
0x96: {  	_ =	strace s2  }
0x97: {  	_ =	strace $0x8FFFFFFF  }
0x98: {  	s18 =	sld [smem:$0x3FDB];
	_ =	sdelay $0x1  }
0x99: {  	s19 =	simm.s32 $_scs_section_size  }
0x9a: {  	s4 =	simm.s32 $_size__tile_overlayer_lowered;
	s5 =	simm.s32 $_tile_overlayer_lowered  }
0x9b: {  	s22 =	simm.s32 $0x1BFF;
	s21 =	sshll.u32 s5, $0x1;
	s2 =	sadd.s32 s19, s18  }
0x9c: {  	s6 =	simm.s32 $0x0;
	s20 =	sshll.u32 s4, $0x1;
	s4 =	sadd.s32 s21, s2  }
0x9d: {  	[timem:s6], [sflag:s22] =	dma.local [hbm:s4], s20  }
0x9e: {  	_ =	swait.ge [sflag:s22], s20  }
0x9f: {  	s3 =	ssub.s32 $0x0, s20;
	[sflag:s22] =	ssyncset.done $0x0  }
0xa0: {  	[sflag:s22] =	ssyncadd.s32 s3;
	_ =	sdelay $0x1  }
0xa1: {  	s23 =	simm.s32 $0x1B8B  }
0xa2: {  	_ =	swait.ge [sflag:s23], $0x1  }
0xa3: {  	[sflag:s23] =	ssyncset.done $0x0  }
0xa4: {  	s25 =	simm.s32 $0x1B8E;
	s24 =	sld [smem:$0x3FFE];
	[sflag:s23] =	ssyncadd.s32 $0xFFFFFFFF  }
0xa5: {  	s26 =	simm.s32 $execute0_lowered;
	[smem:$0x3FD2] =	sst s25  }
0xa6: {  	s4 =	sshll.u32 s26, $0x1;
	_ =	strace $0x80000046;
	[dreg:$0x1] =	wrdreg $0xFFFFFFFF  }
0xa7: {  	s28 =	simm.s32 $_size_execute0_lowered;
	s2 =	sadd.s32 s2, s4;
	[dreg:$0x0] =	wrdreg $0x0  }
0xa8: {  	s4 =	sshll.u32 s28, $0x1;
	[dreg:$0x2] =	wrdreg s2  }
0xa9: {  	[dreg:$0x3] =	wrdreg s4  }
0xaa: {  	[dreg:$0x4] =	wrdreg $0xC0  }
0xab: {  	_ =	task [dreg:s6], $0x5FFFF  }
0xac: {  	[dreg:$0x1] =	wrdreg $0xFFFFFFFF  }
0xad: {  	[dreg:$0x0] =	wrdreg $0x60  }
0xae: {  	[dreg:$0x2] =	wrdreg s24  }
0xaf: {  	[dreg:$0x3] =	wrdreg $0xC2000  }
0xb0: {  	[dreg:$0x4] =	wrdreg $0x9  }
0xb1: {  	_ =	task.clear_ibuf [dreg:s6], $0x5FFFF;
	_ =	strace $0x90000046  }
0xb2: {  	s29 =	simm.s32 $0x9;
	_ =	strace $0x80000048  }
0xb3: {  	_ =	swait.ge [sflag:s29], $0x1  }
0xb4: {  	[sflag:s29] =	ssyncadd.s32 $0xFFFFFFFF  }
0xb5: {  	_ =	strace $0x90000048  }
0xb6: {  	_ =	sfence  }
0xb7: {  	s30 =	sld [smem:$0x0];
	_ =	sdelay $0x2  }
0xb8: {  	s31 =	sshll.u32 s1, $0xD;
	s1 =	sshrl.u32 s1, $0x2  }
0xb9: {  	s3 =	sand.u32 $0x4000, s31;
	s1 =	sadd.s32 s1, s30  }
0xba: {  	s0 =	sor.u32 s3, s0;
	s1 =	sshll.u32 s1, $0x11  }
0xbb: {  	s0 =	sor.u32 s1, s0  }
0xbc: {  	s0 =	sadd.s32 $0x8F2B, s0  }
0xbd: {  	[sflag:s0] =	ssyncadd.remote.s32 $0x1  }
0xbe: {  	_ =	sfence.sel $0xFFFF  }
0xbf: {  	[dreg:$0x0] =	wrdreg $0xFFFFFFFF;
	(pc) =	sbr.abs _section_cstart, $3  }
0xc0: {  	[dreg:$0x1] =	wrdreg $0xFFFFFFFF  }
0xc1: {  	_ =	task.clear_ibuf [dreg:s6], $0x2FFFF;
	_ =	strace $0x9FFFFFFF  }
0xc2: {  	(tm) =	ssettm $0x7FFFFFFF  }
0xc3: {  	_ =	shalt  }
tec
execute0_lowered:
.L_overlay_start_1:
0x0: {  	(tag) =	ssettag $0x1  }
0x1: {  	s0 =	rddreg [dreg:$0x0]  }
0x2: {  	s1 =	rddreg [dreg:$0x1]  }
0x3: {  	s2 =	srdreg.scid;
	s3 =	simm.s32 $0x0;
	s8 =	stileid.u32  }
0x4: {  	s31 =	simm.s32 $0x7;
	s2 =	sand.u32 $0x1, s2;
	s6 =	sadd.s32 $0x337A00, s0  }
0x5: {  	[smem:$0x7FF] =	sst s3;
	s20 =	sadd.s32 $0x52BA00, s0;
	s24 =	smul.u32 $0x280, s8  }
0x6: {  	s4 =	sshll.u32 s2, $0x4;
	_ =	strace $0x80000047;
	[dreg:$0x3] =	wrdreg s6  }
0x7: {  	s21 =	ssub.s32 $0x2, s2;
	s2 =	smul.u32 $0xFA0000, s2;
	s4 =	sor.u32 s8, s4  }
0x8: {  	s22 =	sadd.s32 $0xDA00, s0;
	[dreg:$0x6] =	wrdreg s20;
	s5 =	smul.u32 $0x2A0, s4  }
0x9: {  	s23 =	sadd.s32 $0x12A00, s0;
	[dreg:$0x4] =	wrdreg s22;
	s7 =	smul.u32 $0x15000, s4  }
0xa: {  	s9 =	sadd.s32 $0x17A00, s0;
	[dreg:$0x7] =	wrdreg s2;
	s2 =	smul.u32 $0xC800, s8  }
0xb: {  	[dreg:$0x5] =	wrdreg s23;
	s25 =	sshrl.u32 s21, $0x1;
	s8 =	smul.u32 $0x32000, s8  }
0xc: {  	s6 =	sadd.s32 $0x80, s24;
	s5 =	sadd.s32 s5, s0;
	s0 =	ssub.s32 s21, s25  }
0xd: {  	s28 =	sshrl.u32 s7, $0x3;
	s10 =	sadd.s32 s2, s1;
	s11 =	sshrl.u32 s8, $0x2  }
0xe: {  	s13 =	sadd.s32 $0x14000, s8;
	s15 =	sadd.s32 $0x1E000, s8;
	s16 =	sadd.s32 $0x28000, s8  }
0xf: {  	s20 =	sadd.s32 $0x5000, s2;
	s25 =	sshrl.u32 s2, $0x3;
	s8 =	simm.s32 $0x3  }
0x10: {  	s26 =	sadd.s32 $0x8600, s5;
	s5 =	sadd.s32 $0x3200, s5;
	[dreg:$0xc] =	wrdreg s10  }
0x11: {  	s4 =	sadd.s32 s9, s28;
	s0 =	smax.u32 s0, $0x1;
	[dreg:$0x16] =	wrdreg s25  }
0x12: {  	s14 =	sshrl.u32 s13, $0x2;
	s18 =	sshrl.u32 s16, $0x2;
	[dreg:$0x8] =	wrdreg s26  }
0x13: {  	s24 =	sadd.s32 s20, s1;
	s25 =	simm.s32 $0x3200;
	[dreg:$0x9] =	wrdreg s5  }
0x14: {  	s10 =	simm.s32 $0x4;
	s13 =	simm.s32 $0x5;
	[dreg:$0xa] =	wrdreg s4  }
0x15: {  	s5 =	smul.u32 $0x140, s6;
	[dreg:$0xb] =	wrdreg s0;
	s0 =	sadd.s32 s11, s1  }
0x16: {  	s4 =	sshrl.u32 s15, $0x2;
	s6 =	smul.u32 $0x50, s6;
	[dreg:$0x14] =	wrdreg s24  }
0x17: {  	s26 =	sadd.s32 $0x7800, s2;
	s2 =	sadd.s32 $0xA000, s2;
	s24 =	simm.s32 $0x2A00  }
0x18: {  	s11 =	simm.s32 $0x9A00;
	s15 =	simm.s32 $0x6;
	[dreg:$0xd] =	wrdreg s0  }
0x19: {  	s17 =	sadd.s32 s4, s1;
	s28 =	sadd.s32 s26, s1;
	s29 =	sadd.s32 s2, s1  }
0x1a: {  	s30 =	sshrl.u32 s2, $0x3;
	s2 =	simm.s32 $0x80;
	[dreg:$0x10] =	wrdreg s17  }
0x1b: {  	s4 =	simm.s32 $0x4A00;
	s19 =	sadd.s32 s6, s1;
	[dreg:$0x17] =	wrdreg s28  }
0x1c: {  	s12 =	sshrl.u32 s5, $0x2;
	s21 =	sshrl.u32 s6, $0x3;
	[dreg:$0x12] =	wrdreg s19  }
0x1d: {  	s5 =	simm.s32 $0x4200;
	s0 =	sadd.s32 s12, s1;
	[dreg:$0x13] =	wrdreg s21  }
.Ltmp0:
0x1e: {  	[dreg:$0xe] =	wrdreg s0;
	s0 =	sadd.s32 s14, s1;
	(pc) =	sbr.rel .LBB2_1-.Ltmp0, $4  }
0x1f: {  	s6 =	simm.s32 $0x7200;
	[dreg:$0xf] =	wrdreg s0;
	s0 =	sadd.s32 s18, s1  }
0x20: {  	s17 =	simm.s32 $0x0;
	[dreg:$0x11] =	wrdreg s0;
	s0 =	sshrl.u32 s20, $0x3  }
0x21: {  	s12 =	simm.s32 $0x1;
	[dreg:$0x15] =	wrdreg s0;
	s0 =	sshrl.u32 s26, $0x3  }
0x22: {  	v0 =	vimm.f32 $0.0e+00;
	s14 =	simm.s32 $0x2;
	[dreg:$0x18] =	wrdreg s0;
	s0 =	simm.s32 $0x3A00  }
.LBB2_16:
0x23: {  	s17 =	rddreg [dreg:$0x19]  }
0x24: {  	s16 =	rddreg [dreg:$0xb];
	s17 =	sadd.s32 $0x1, s17  }
0x25: {  	p0 =	sne.s32 s17, s16  }
.Ltmp1:
0x26: {  	_ = 	snop;
	(pc) =	sbr.rel @!p0 .LBB2_17-.Ltmp1, $3  }
0x27: {  	_ =	sdelay $0x1  }
0x28: {  	s22 =	rddreg [dreg:$0x4]  }
0x29: {  	s23 =	rddreg [dreg:$0x5];
	s24 =	simm.s32 $0x2A00;
	s25 =	simm.s32 $0x3200  }
.LBB2_1:
0x2a: {  	[dreg:$0x19] =	wrdreg s17;
	s17 =	simm.s32 $0x140;
	s16 =	simm.s32 $0x0  }
.LBB2_2:
0x2b: {  	p0 =	sne.s32 s17, $0x9EC0;
	[tilespmem:s16+$0x9A40] =	vst v0;
	s18 =	smov.u32 s17;
	s17 =	sadd.s32 $0x140, s17  }
.Ltmp2:
0x2c: {  	[tilespmem:s16+$0x9A30] =	vst v0;
	(pc) =	sbr.rel @p0 .LBB2_2-.Ltmp2, $4  }
0x2d: {  	[tilespmem:s16+$0x9A20] =	vst v0  }
0x2e: {  	[tilespmem:s16+$0x9A00] =	vst v0  }
0x2f: {  	[tilespmem:s16+$0x9A10] =	vst v0  }
0x30: {  	s16 =	sshra.s32 s18, $0x2  }
0x31: {  	[tilespmem:s16+$0x9A40] =	vst v0  }
0x32: {  	[tilespmem:s16+$0x9A30] =	vst v0  }
0x33: {  	[tilespmem:s16+$0x9A20] =	vst v0  }
0x34: {  	[tilespmem:s16+$0x9A00] =	vst v0  }
0x35: {  	[tilespmem:s16+$0x9A10] =	vst v0;
	s17 =	simm.s32 $0x0;
	s26 =	rddreg [dreg:$0x8]  }
0x36: {  	[tilespmem:s17], [sflag:$0x7] =	stream.linear.gather [hbm4b:s26+s17], $0x1500, $0x38;
	[tilespmem:$0x18A00] =	vst v63  }
0x37: {  	_ =	swait.ge [sflag:s31], $0x1500  }
0x38: {  	[sflag:s31] =	ssyncset.done $0x0  }
0x39: {  	s18 =	simm.s32 $0x1500;
	s28 =	rddreg [dreg:$0x9];
	[sflag:s31] =	ssyncadd.s32 $0xFFFFEB00  }
0x3a: {  	[tilespmem:s18], [sflag:$0x7] =	stream.linear.gather [hbm4b:s28+s17], $0x1500, $0x38;
	[tilespmem:$0x18A00] =	vst v63  }
0x3b: {  	_ =	swait.ge [sflag:s31], $0x1500  }
0x3c: {  	[sflag:s31] =	ssyncset.done $0x0  }
0x3d: {  	[sflag:s31] =	ssyncadd.s32 $0xFFFFEB00  }
.LBB2_4:
0x3e: {  	s16 =	sshll.u32 s17, $0x7  }
0x3f: {  	[tilespmem:s24], [sflag:$0x1] =	stream.indirect.gather [hbm4b:s22+s2], $0x10, s16, s2, $0xb8;
	[tilespmem:$0x18A00] =	vst v63  }
0x40: {  	s16 =	sadd.s32 $0x1500, s16  }
0x41: {  	[tilespmem:s25], [sflag:$0x2] =	stream.indirect.gather [hbm4b:s23+s2], $0x10, s16, s2, $0xb8;
	[tilespmem:$0x18A00] =	vst v63  }
0x42: {  	_ =	swait.ge [sflag:s12], $0x800  }
0x43: {  	[sflag:s12] =	ssyncset.done $0x0  }
0x44: {  	[sflag:s12] =	ssyncadd.s32 $0xFFFFF800  }
0x45: {  	_ =	swait.ge [sflag:s14], $0x800  }
0x46: {  	[sflag:s14] =	ssyncset.done $0x0  }
0x47: {  	s19 =	simm.s32 $0x2A20;
	[sflag:s14] =	ssyncadd.s32 $0xFFFFF800  }
0x48: {  	s16 =	simm.s32 $0x3220;
	v1 =	vld [tilespmem:s19+$0xFFFFFFE0]  }
0x49: {  	v2 =	vld [tilespmem:s16+$0xFFFFFFE0];
	_ =	sdelay $0x4  }
0x4a: {  	v1 =	vadd.f32 v2, v1;
	_ =	sdelay $0x1  }
0x4b: {  	v2 =	vmul.f32 $2.000000030e-01, v1  }
0x4c: {  	vm0 =	vge.f32 v1, $0.0e+00  }
0x4d: {  	v1 =	vsel vm0, v1, v2  }
0x4e: {  	v1 =	vmul.f32 $1.442695020e+00, v1;
	_ =	sdelay $0x1  }
0x4f: {  	(erf) = vpow2.f32 v1;
	_ =	sdelay $0x8  }
0x50: {  	s18 =	simm.s32 $0x3A20;
	v1 =	vpop (erf)  }
0x51: {  	[tilespmem:s18+$0xFFFFFFE0] =	vst v1  }
0x52: {  	v1 =	vld [tilespmem:s19+$0xFFFFFFF0]  }
0x53: {  	v2 =	vld [tilespmem:s16+$0xFFFFFFF0];
	_ =	sdelay $0x4  }
0x54: {  	v1 =	vadd.f32 v2, v1;
	_ =	sdelay $0x1  }
0x55: {  	v2 =	vmul.f32 $2.000000030e-01, v1  }
0x56: {  	vm13 =	vge.f32 v1, $0.0e+00  }
0x57: {  	v1 =	vsel vm13, v1, v2  }
0x58: {  	v1 =	vmul.f32 $1.442695020e+00, v1;
	_ =	sdelay $0x1  }
0x59: {  	(erf) = vpow2.f32 v1;
	_ =	sdelay $0x8  }
0x5a: {  	v1 =	vpop (erf)  }
0x5b: {  	[tilespmem:s18+$0xFFFFFFF0] =	vst v1  }
0x5c: {  	v1 =	vld [tilespmem:s19+$0x0]  }
0x5d: {  	v2 =	vld [tilespmem:s16+$0x0];
	_ =	sdelay $0x4  }
0x5e: {  	v1 =	vadd.f32 v2, v1;
	_ =	sdelay $0x1  }
0x5f: {  	v2 =	vmul.f32 $2.000000030e-01, v1  }
0x60: {  	vm14 =	vge.f32 v1, $0.0e+00  }
0x61: {  	v1 =	vsel vm14, v1, v2  }
0x62: {  	v1 =	vmul.f32 $1.442695020e+00, v1;
	_ =	sdelay $0x1  }
0x63: {  	(erf) = vpow2.f32 v1;
	_ =	sdelay $0x8  }
0x64: {  	v1 =	vpop (erf)  }
0x65: {  	[tilespmem:s18+$0x0] =	vst v1  }
0x66: {  	v1 =	vld [tilespmem:s19+$0x10]  }
0x67: {  	v2 =	vld [tilespmem:s16+$0x10];
	_ =	sdelay $0x4  }
0x68: {  	v1 =	vadd.f32 v2, v1;
	_ =	sdelay $0x1  }
0x69: {  	v2 =	vmul.f32 $2.000000030e-01, v1  }
0x6a: {  	vm15 =	vge.f32 v1, $0.0e+00  }
0x6b: {  	v1 =	vsel vm15, v1, v2  }
0x6c: {  	v1 =	vmul.f32 $1.442695020e+00, v1;
	_ =	sdelay $0x1  }
0x6d: {  	(erf) = vpow2.f32 v1;
	_ =	sdelay $0x5  }
0x6e: {  	s20 =	simm.s32 $0x0;
	s21 =	simm.s32 $0x2A60;
	s19 =	simm.s32 $0x3A20  }
.LBB2_5:
0x6f: {  	s20 =	sadd.s32 $0x4, s20;
	s18 =	sadd.s32 $0x40, s18;
	s16 =	sadd.s32 $0x40, s16  }
0x70: {  	p0 =	slt.u32 s20, $0x7C  }
0x71: {  	v1 =	vpop (erf)  }
0x72: {  	[tilespmem:s19+$0x10] =	vst v1;
	s19 =	smov.u32 s18  }
0x73: {  	v1 =	vld [tilespmem:s21+$0xFFFFFFE0]  }
0x74: {  	v2 =	vld [tilespmem:s16+$0xFFFFFFE0];
	_ =	sdelay $0x4  }
0x75: {  	v1 =	vadd.f32 v2, v1;
	_ =	sdelay $0x1  }
0x76: {  	v2 =	vmul.f32 $2.000000030e-01, v1  }
0x77: {  	vm0 =	vge.f32 v1, $0.0e+00  }
0x78: {  	v1 =	vsel vm0, v1, v2  }
0x79: {  	v1 =	vmul.f32 $1.442695020e+00, v1;
	_ =	sdelay $0x1  }
0x7a: {  	(erf) = vpow2.f32 v1;
	_ =	sdelay $0x8  }
0x7b: {  	v1 =	vpop (erf)  }
0x7c: {  	[tilespmem:s18+$0xFFFFFFE0] =	vst v1  }
0x7d: {  	v1 =	vld [tilespmem:s21+$0xFFFFFFF0]  }
0x7e: {  	v2 =	vld [tilespmem:s16+$0xFFFFFFF0];
	_ =	sdelay $0x4  }
0x7f: {  	v1 =	vadd.f32 v2, v1;
	_ =	sdelay $0x1  }
0x80: {  	vm0 =	vge.f32 v1, $0.0e+00;
	v2 =	vmul.f32 $2.000000030e-01, v1;
	_ =	sdelay $0x1  }
0x81: {  	v1 =	vsel vm0, v1, v2  }
0x82: {  	v1 =	vmul.f32 $1.442695020e+00, v1;
	_ =	sdelay $0x1  }
0x83: {  	(erf) = vpow2.f32 v1;
	_ =	sdelay $0x8  }
0x84: {  	v1 =	vpop (erf)  }
0x85: {  	[tilespmem:s18+$0xFFFFFFF0] =	vst v1  }
0x86: {  	v1 =	vld [tilespmem:s21+$0x0]  }
0x87: {  	v2 =	vld [tilespmem:s16+$0x0];
	_ =	sdelay $0x4  }
0x88: {  	v1 =	vadd.f32 v2, v1;
	_ =	sdelay $0x1  }
0x89: {  	vm0 =	vge.f32 v1, $0.0e+00;
	v2 =	vmul.f32 $2.000000030e-01, v1;
	_ =	sdelay $0x1  }
0x8a: {  	v1 =	vsel vm0, v1, v2  }
0x8b: {  	v1 =	vmul.f32 $1.442695020e+00, v1;
	_ =	sdelay $0x1  }
0x8c: {  	(erf) = vpow2.f32 v1;
	_ =	sdelay $0x8  }
0x8d: {  	v1 =	vpop (erf)  }
0x8e: {  	[tilespmem:s18+$0x0] =	vst v1  }
0x8f: {  	v1 =	vld [tilespmem:s21+$0x10]  }
0x90: {  	v2 =	vld [tilespmem:s16+$0x10];
	_ =	sdelay $0x4  }
0x91: {  	v1 =	vadd.f32 v2, v1;
	_ =	sdelay $0x1  }
0x92: {  	vm0 =	vge.f32 v1, $0.0e+00;
	v2 =	vmul.f32 $2.000000030e-01, v1;
	_ =	sdelay $0x1  }
0x93: {  	v1 =	vsel vm0, v1, v2  }
0x94: {  	v1 =	vmul.f32 $1.442695020e+00, v1;
	_ =	sdelay $0x1  }
0x95: {  	(erf) = vpow2.f32 v1;
	_ =	sdelay $0x1  }
.Ltmp3:
0x96: {  	(pc) =	sbr.rel @p0 .LBB2_5-.Ltmp3, $2  }
0x97: {  	_ =	sdelay $0x2  }
0x98: {  	s21 =	sadd.s32 $0x40, s21  }
0x99: {  	s16 =	sshll.u32 s17, $0xB  }
0x9a: {  	s17 =	sadd.s32 $0x1, s17;
	s16 =	sadd.s32 s7, s16  }
0x9b: {  	p0 =	sne.s32 s17, $0x2A;
	v1 =	vpop (erf);
	s16 =	sshrl.u32 s16, $0x3  }
.Ltmp4:
0x9c: {  	[tilespmem:s19+$0x10] =	vst v1;
	s18 =	sadd.s32 s9, s16;
	s16 =	simm.s32 $0x0;
	(pc) =	sbr.rel @p0 .LBB2_4-.Ltmp4, $4  }
0x9d: {  	[hbm4b:s18+s16] =	stream.linear.scatter [tilespmem:s0], [sflag:$0x7], $0x800, $0x38;
	[tilespmem:$0x18A00] =	vst v63  }
0x9e: {  	_ =	swait.ge [sflag:s31], $0x800  }
0x9f: {  	[sflag:s31] =	ssyncset.done $0x0  }
0xa0: {  	[sflag:s31] =	ssyncadd.s32 $0xFFFFF800  }
.Ltmp5:
0xa1: {  	(pc) =	sbr.rel .LBB2_8-.Ltmp5, $2  }
0xa2: {  	_ =	sdelay $0x2  }
0xa3: {  	s17 =	simm.s32 $0x0  }
.LBB2_15:
0xa4: {  	[spmem:s1] =	stream.indirect.scatter.add.f32 [tilespmem:s6], [sflag:$0x6], $0x50, s22, s2, $0xb8;
	[tilespmem:$0x18A00] =	vst v63  }
0xa5: {  	_ =	swait.ge [sflag:s15], $0x2800  }
0xa6: {  	[sflag:s15] =	ssyncset.done $0x0  }
0xa7: {  	[sflag:s15] =	ssyncadd.s32 $0xFFFFD800  }
0xa8: {  	[bflag:$0x0] =	sbarrier.arrive $0xFFFF  }
0xa9: {  	s19 =	rddreg [dreg:$0x7]  }
0xaa: {  	s28 =	rddreg [dreg:$0xc]  }
0xab: {  	[tilespmem:s4], [sflag:$0x7] =	stream.linear.gather [spmem:s28], $0x2800, $0x38;
	[tilespmem:$0x18A00] =	vst v63  }
0xac: {  	s18 =	sadd.s32 s19, s18;
	_ =	swait.ge [sflag:s31], $0x2800  }
0xad: {  	s18 =	sshrl.u32 s18, $0x3;
	s20 =	rddreg [dreg:$0x6]  }
0xae: {  	[sflag:s31] =	ssyncset.done $0x0;
	s21 =	rddreg [dreg:$0x16];
	s18 =	sadd.s32 s20, s18  }
0xaf: {  	[sflag:s31] =	ssyncadd.s32 $0xFFFFD800;
	s19 =	sadd.s32 s21, s18  }
0xb0: {  	[hbm4b:s19+s3] =	stream.linear.scatter [tilespmem:s4], [sflag:$0x7], $0x2800, $0x38;
	[tilespmem:$0x18A00] =	vst v63  }
0xb1: {  	_ =	swait.ge [sflag:s31], $0x2800  }
0xb2: {  	[sflag:s31] =	ssyncset.done $0x0  }
0xb3: {  	s22 =	rddreg [dreg:$0x12];
	[sflag:s31] =	ssyncadd.s32 $0xFFFFD800  }
0xb4: {  	[tilespmem:s4], [sflag:$0x7] =	stream.linear.gather [spmem:s22], $0x2800, $0x38;
	[tilespmem:$0x18A00] =	vst v63  }
0xb5: {  	_ =	swait.ge [sflag:s31], $0x2800  }
0xb6: {  	[sflag:s31] =	ssyncset.done $0x0;
	s23 =	rddreg [dreg:$0x13]  }
0xb7: {  	[sflag:s31] =	ssyncadd.s32 $0xFFFFD800;
	s19 =	sadd.s32 s23, s18  }
0xb8: {  	[hbm4b:s19+s3] =	stream.linear.scatter [tilespmem:s4], [sflag:$0x7], $0x2800, $0x38;
	[tilespmem:$0x18A00] =	vst v63  }
0xb9: {  	_ =	swait.ge [sflag:s31], $0x2800  }
0xba: {  	[sflag:s31] =	ssyncset.done $0x0  }
0xbb: {  	s24 =	rddreg [dreg:$0x14];
	[sflag:s31] =	ssyncadd.s32 $0xFFFFD800  }
0xbc: {  	[tilespmem:s4], [sflag:$0x7] =	stream.linear.gather [spmem:s24], $0x2800, $0x38;
	[tilespmem:$0x18A00] =	vst v63  }
0xbd: {  	_ =	swait.ge [sflag:s31], $0x2800  }
0xbe: {  	[sflag:s31] =	ssyncset.done $0x0;
	s25 =	rddreg [dreg:$0x15]  }
0xbf: {  	[sflag:s31] =	ssyncadd.s32 $0xFFFFD800;
	s19 =	sadd.s32 s25, s18  }
0xc0: {  	[hbm4b:s19+s3] =	stream.linear.scatter [tilespmem:s4], [sflag:$0x7], $0x2800, $0x38;
	[tilespmem:$0x18A00] =	vst v63  }
0xc1: {  	_ =	swait.ge [sflag:s31], $0x2800  }
0xc2: {  	[sflag:s31] =	ssyncset.done $0x0  }
0xc3: {  	s26 =	rddreg [dreg:$0x17];
	[sflag:s31] =	ssyncadd.s32 $0xFFFFD800  }
0xc4: {  	[tilespmem:s4], [sflag:$0x7] =	stream.linear.gather [spmem:s26], $0x2800, $0x38;
	[tilespmem:$0x18A00] =	vst v63  }
0xc5: {  	_ =	swait.ge [sflag:s31], $0x2800  }
0xc6: {  	[sflag:s31] =	ssyncset.done $0x0;
	s28 =	rddreg [dreg:$0x18]  }
0xc7: {  	[sflag:s31] =	ssyncadd.s32 $0xFFFFD800;
	s19 =	sadd.s32 s28, s18  }
0xc8: {  	[hbm4b:s19+s3] =	stream.linear.scatter [tilespmem:s4], [sflag:$0x7], $0x2800, $0x38;
	[tilespmem:$0x18A00] =	vst v63  }
0xc9: {  	_ =	swait.ge [sflag:s31], $0x2800  }
0xca: {  	[sflag:s31] =	ssyncset.done $0x0  }
0xcb: {  	[sflag:s31] =	ssyncadd.s32 $0xFFFFD800  }
0xcc: {  	[tilespmem:s4], [sflag:$0x7] =	stream.linear.gather [spmem:s29], $0x2800, $0x38;
	[tilespmem:$0x18A00] =	vst v63  }
0xcd: {  	_ =	swait.ge [sflag:s31], $0x2800  }
0xce: {  	s17 =	sadd.s32 $0x1, s17;
	[sflag:s31] =	ssyncset.done $0x0  }
0xcf: {  	p0 =	sne.s32 s17, $0x14;
	s18 =	sadd.s32 s30, s18;
	[sflag:s31] =	ssyncadd.s32 $0xFFFFD800  }
0xd0: {  	[hbm4b:s18+s3] =	stream.linear.scatter [tilespmem:s4], [sflag:$0x7], $0x2800, $0x38;
	[tilespmem:$0x18A00] =	vst v63  }
.Ltmp6:
0xd1: {  	_ =	swait.ge [sflag:s31], $0x2800;
	(pc) =	sbr.rel @!p0 .LBB2_16-.Ltmp6, $3  }
0xd2: {  	[sflag:s31] =	ssyncset.done $0x0  }
0xd3: {  	[sflag:s31] =	ssyncadd.s32 $0xFFFFD800  }
0xd4: {  	[bflag:$0x0] =	sbarrier.arrive $0xFFFF;
	_ =	sdelay $0x1  }
.LBB2_8:
0xd5: {  	s18 =	rddreg [dreg:$0xd]  }
0xd6: {  	[spmem:s18] =	stream.linear.scatter [tilespmem:s11], [sflag:$0x7], $0x2800, $0x38;
	[tilespmem:$0x18A00] =	vst v63  }
0xd7: {  	_ =	swait.ge [sflag:s31], $0x2800  }
0xd8: {  	[sflag:s31] =	ssyncset.done $0x0  }
0xd9: {  	s22 =	rddreg [dreg:$0xe];
	[sflag:s31] =	ssyncadd.s32 $0xFFFFD800  }
0xda: {  	[spmem:s22] =	stream.linear.scatter [tilespmem:s11], [sflag:$0x7], $0x2800, $0x38;
	[tilespmem:$0x18A00] =	vst v63  }
0xdb: {  	_ =	swait.ge [sflag:s31], $0x2800  }
0xdc: {  	[sflag:s31] =	ssyncset.done $0x0  }
0xdd: {  	s23 =	rddreg [dreg:$0xf];
	[sflag:s31] =	ssyncadd.s32 $0xFFFFD800  }
0xde: {  	[spmem:s23] =	stream.linear.scatter [tilespmem:s11], [sflag:$0x7], $0x2800, $0x38;
	[tilespmem:$0x18A00] =	vst v63  }
0xdf: {  	_ =	swait.ge [sflag:s31], $0x2800  }
0xe0: {  	[sflag:s31] =	ssyncset.done $0x0  }
0xe1: {  	s24 =	rddreg [dreg:$0x10];
	[sflag:s31] =	ssyncadd.s32 $0xFFFFD800  }
0xe2: {  	[spmem:s24] =	stream.linear.scatter [tilespmem:s11], [sflag:$0x7], $0x2800, $0x38;
	[tilespmem:$0x18A00] =	vst v63  }
0xe3: {  	_ =	swait.ge [sflag:s31], $0x2800  }
0xe4: {  	[sflag:s31] =	ssyncset.done $0x0  }
0xe5: {  	s25 =	rddreg [dreg:$0x11];
	[sflag:s31] =	ssyncadd.s32 $0xFFFFD800  }
0xe6: {  	[spmem:s25] =	stream.linear.scatter [tilespmem:s11], [sflag:$0x7], $0x2800, $0x38;
	[tilespmem:$0x18A00] =	vst v63  }
0xe7: {  	_ =	swait.ge [sflag:s31], $0x2800  }
0xe8: {  	[sflag:s31] =	ssyncset.done $0x0  }
0xe9: {  	[sflag:s31] =	ssyncadd.s32 $0xFFFFD800  }
0xea: {  	s18 =	smul.u32 $0xC8000, s17;
	[bflag:$0x0] =	sbarrier.arrive $0xFFFF  }
0xeb: {  	s19 =	rddreg [dreg:$0xa]  }
0xec: {  	s26 =	sshrl.u32 s18, $0x3;
	s20 =	rddreg [dreg:$0x3]  }
0xed: {  	[tilespmem:s0], [sflag:$0x3] =	stream.linear.gather [hbm4b:s19+s16], $0x800, $0x38;
	[tilespmem:$0x18A00] =	vst v63  }
0xee: {  	s28 =	sshrl.u32 s17, $0x1;
	s19 =	sadd.s32 s20, s26;
	s20 =	simm.s32 $0x0  }
0xef: {  	v1 =	vmov s28;
	[tilespmem:s4], [sflag:$0x1] =	stream.indirect.gather [hbm4b:s19+s2], $0x50, s16, s2, $0xb8;
	[tilespmem:$0x18A00] =	vst v63  }
.LBB2_9:
0xf0: {  	s21 =	sshll.u32 s20, $0x1  }
0xf1: {  	p0 =	seq.s32 s20, $0x0;
	s22 =	sor.u32 $0x1, s21  }
0xf2: {  	s23 =	simm.s32 @!p0 $0x6;
	s24 =	sshll.u32 s22, $0xB  }
0xf3: {  	_ =	swait.ge @!p0 [sflag:s23], $0x2800;
	s24 =	sadd.s32 s7, s24  }
0xf4: {  	[sflag:s23] =	ssyncset.done @!p0 $0x0;
	s24 =	sshrl.u32 s24, $0x3  }
0xf5: {  	[sflag:s23] =	ssyncadd.s32 @!p0 $0xFFFFD800;
	s26 =	sadd.s32 s9, s24  }
0xf6: {  	[tilespmem:s5], [sflag:$0x4] =	stream.linear.gather [hbm4b:s26+s3], $0x800, $0x38;
	[tilespmem:$0x18A00] =	vst v63  }
0xf7: {  	s22 =	sshll.u32 s22, $0x7  }
0xf8: {  	[tilespmem:s6], [sflag:$0x2] =	stream.indirect.gather [hbm4b:s19+s2], $0x50, s22, s2, $0xb8;
	[tilespmem:$0x18A00] =	vst v63  }
0xf9: {  	_ =	swait.ge [sflag:s8], $0x800  }
0xfa: {  	[sflag:s8] =	ssyncset.done $0x0  }
0xfb: {  	[sflag:s8] =	ssyncadd.s32 $0xFFFFF800  }
0xfc: {  	_ =	swait.ge [sflag:s12], $0x2800  }
0xfd: {  	[sflag:s12] =	ssyncset.done $0x0  }
0xfe: {  	s24 =	simm.s32 $0x3A20;
	[sflag:s12] =	ssyncadd.s32 $0xFFFFD800  }
0xff: {  	v2 =	vld [tilespmem:s24+$0xFFFFFFE0]  }
0x100: {  	s23 =	simm.s32 $0x4AA0  }
0x101: {  	v3 =	vld [tilespmem:s23+$0xFFFFFF60]  }
0x102: {  	v4 =	vld [tilespmem:s23+$0xFFFFFFA0]  }
0x103: {  	v5 =	vld [tilespmem:s23+$0xFFFFFF90]  }
0x104: {  	v6 =	vld [tilespmem:s23+$0xFFFFFF70];
	v2 =	vperm.xlane v2, v1  }
0x105: {  	v7 =	vld [tilespmem:s23+$0xFFFFFF80]  }
0x106: {  	v3 =	vmul.f32 v3, v2  }
0x107: {  	v4 =	vmul.f32 v4, v2  }
0x108: {  	v5 =	vmul.f32 v5, v2;
	[tilespmem:s23+$0xFFFFFF60] =	vst v3  }
0x109: {  	v3 =	vmul.f32 v6, v2;
	[tilespmem:s23+$0xFFFFFFA0] =	vst v4  }
0x10a: {  	v2 =	vmul.f32 v7, v2;
	[tilespmem:s23+$0xFFFFFF90] =	vst v5  }
0x10b: {  	[tilespmem:s23+$0xFFFFFF70] =	vst v3  }
0x10c: {  	[tilespmem:s23+$0xFFFFFF80] =	vst v2  }
0x10d: {  	v2 =	vld [tilespmem:s24+$0xFFFFFFF0];
	_ =	sdelay $0x1  }
0x10e: {  	v3 =	vld [tilespmem:s23+$0xFFFFFFB0]  }
0x10f: {  	v4 =	vld [tilespmem:s23+$0xFFFFFFC0]  }
0x110: {  	v5 =	vld [tilespmem:s23+$0xFFFFFFD0]  }
0x111: {  	v6 =	vld [tilespmem:s23+$0xFFFFFFF0];
	v2 =	vperm.xlane v2, v1  }
0x112: {  	v7 =	vld [tilespmem:s23+$0xFFFFFFE0]  }
0x113: {  	v3 =	vmul.f32 v3, v2  }
0x114: {  	v4 =	vmul.f32 v4, v2  }
0x115: {  	v5 =	vmul.f32 v5, v2;
	[tilespmem:s23+$0xFFFFFFB0] =	vst v3  }
0x116: {  	v3 =	vmul.f32 v6, v2;
	[tilespmem:s23+$0xFFFFFFC0] =	vst v4  }
0x117: {  	v2 =	vmul.f32 v7, v2;
	[tilespmem:s23+$0xFFFFFFD0] =	vst v5  }
0x118: {  	[tilespmem:s23+$0xFFFFFFF0] =	vst v3  }
0x119: {  	[tilespmem:s23+$0xFFFFFFE0] =	vst v2  }
0x11a: {  	v2 =	vld [tilespmem:s24+$0x0]  }
0x11b: {  	v4 =	vld [tilespmem:s23+$0x40]  }
0x11c: {  	v5 =	vld [tilespmem:s23+$0x0]  }
0x11d: {  	v6 =	vld [tilespmem:s23+$0x30]  }
0x11e: {  	v3 =	vld [tilespmem:s23+$0x20]  }
0x11f: {  	v7 =	vld [tilespmem:s23+$0x10];
	v8 =	vperm.xlane v2, v1;
	_ =	sdelay $0x1  }
0x120: {  	v2 =	vmul.f32 v4, v8  }
0x121: {  	v5 =	vmul.f32 v5, v8  }
0x122: {  	v3 =	vmul.f32 v3, v8;
	[tilespmem:s23+$0x40] =	vst v2  }
0x123: {  	s25 =	simm.s32 $0x0;
	s28 =	simm.s32 $0x4AA0;
	s26 =	simm.s32 $0x3A20;
	v4 =	vmul.f32 v7, v8;
	v2 =	vmul.f32 v6, v8;
	[tilespmem:s23+$0x0] =	vst v5  }
.LBB2_10:
0x124: {  	s25 =	sadd.s32 $0x4, s25;
	[tilespmem:s23+$0x20] =	vst v3;
	s24 =	sadd.s32 $0x40, s24;
	s28 =	sadd.s32 $0x140, s28  }
0x125: {  	p0 =	slt.u32 s25, $0x7C;
	[tilespmem:s23+$0x10] =	vst v4  }
0x126: {  	[tilespmem:s23+$0x30] =	vst v2;
	v2 =	vld [tilespmem:s23+$0x50]  }
0x127: {  	v3 =	vld [tilespmem:s26+$0x10];
	s26 =	smov.u32 s24  }
0x128: {  	v4 =	vld [tilespmem:s23+$0x80]  }
0x129: {  	v5 =	vld [tilespmem:s23+$0x60]  }
0x12a: {  	v6 =	vld [tilespmem:s23+$0x70]  }
0x12b: {  	v7 =	vld [tilespmem:s23+$0x90]  }
0x12c: {  	v3 =	vperm.xlane v3, v1;
	_ =	sdelay $0x1  }
0x12d: {  	v2 =	vmul.f32 v2, v3;
	v5 =	vmul.f32 v5, v3  }
0x12e: {  	v4 =	vmul.f32 v4, v3;
	v6 =	vmul.f32 v6, v3  }
0x12f: {  	[tilespmem:s23+$0x50] =	vst v2;
	v2 =	vmul.f32 v7, v3  }
0x130: {  	[tilespmem:s23+$0x80] =	vst v4  }
0x131: {  	[tilespmem:s23+$0x60] =	vst v5  }
0x132: {  	[tilespmem:s23+$0x90] =	vst v2  }
0x133: {  	v2 =	vld [tilespmem:s28+$0xFFFFFF90];
	[tilespmem:s23+$0x70] =	vst v6;
	s23 =	smov.u32 s28  }
0x134: {  	v3 =	vld [tilespmem:s24+$0xFFFFFFE0]  }
0x135: {  	v4 =	vld [tilespmem:s28+$0xFFFFFFA0]  }
0x136: {  	v5 =	vld [tilespmem:s28+$0xFFFFFF60]  }
0x137: {  	v6 =	vld [tilespmem:s28+$0xFFFFFF80]  }
0x138: {  	v7 =	vld [tilespmem:s28+$0xFFFFFF70]  }
0x139: {  	v3 =	vperm.xlane v3, v1;
	_ =	sdelay $0x1  }
0x13a: {  	v5 =	vmul.f32 v5, v3;
	v4 =	vmul.f32 v4, v3  }
0x13b: {  	v2 =	vmul.f32 v2, v3;
	v6 =	vmul.f32 v6, v3  }
0x13c: {  	[tilespmem:s28+$0xFFFFFF60] =	vst v5;
	v3 =	vmul.f32 v7, v3  }
0x13d: {  	[tilespmem:s28+$0xFFFFFFA0] =	vst v4  }
0x13e: {  	[tilespmem:s28+$0xFFFFFF90] =	vst v2  }
0x13f: {  	[tilespmem:s28+$0xFFFFFF70] =	vst v3  }
0x140: {  	[tilespmem:s28+$0xFFFFFF80] =	vst v6;
	v2 =	vld [tilespmem:s28+$0xFFFFFFE0]  }
0x141: {  	v3 =	vld [tilespmem:s24+$0xFFFFFFF0]  }
0x142: {  	v4 =	vld [tilespmem:s28+$0xFFFFFFC0]  }
0x143: {  	v5 =	vld [tilespmem:s28+$0xFFFFFFB0]  }
0x144: {  	v6 =	vld [tilespmem:s28+$0xFFFFFFD0]  }
0x145: {  	v7 =	vld [tilespmem:s28+$0xFFFFFFF0]  }
0x146: {  	v3 =	vperm.xlane v3, v1;
	_ =	sdelay $0x1  }
0x147: {  	v5 =	vmul.f32 v5, v3;
	v4 =	vmul.f32 v4, v3  }
0x148: {  	v2 =	vmul.f32 v2, v3;
	v6 =	vmul.f32 v6, v3  }
0x149: {  	[tilespmem:s28+$0xFFFFFFB0] =	vst v5;
	v3 =	vmul.f32 v7, v3  }
0x14a: {  	[tilespmem:s28+$0xFFFFFFC0] =	vst v4  }
0x14b: {  	[tilespmem:s28+$0xFFFFFFD0] =	vst v6  }
0x14c: {  	[tilespmem:s28+$0xFFFFFFF0] =	vst v3  }
0x14d: {  	[tilespmem:s28+$0xFFFFFFE0] =	vst v2;
	v2 =	vld [tilespmem:s28+$0x20]  }
0x14e: {  	v3 =	vld [tilespmem:s24+$0x0]  }
0x14f: {  	v4 =	vld [tilespmem:s28+$0x40]  }
0x150: {  	v5 =	vld [tilespmem:s28+$0x0]  }
0x151: {  	v6 =	vld [tilespmem:s28+$0x30]  }
0x152: {  	v7 =	vld [tilespmem:s28+$0x10]  }
0x153: {  	v8 =	vperm.xlane v3, v1  }
.Ltmp7:
0x154: {  	(pc) =	sbr.rel @p0 .LBB2_10-.Ltmp7, $4  }
0x155: {  	v5 =	vmul.f32 v5, v8;
	v9 =	vmul.f32 v4, v8  }
0x156: {  	v3 =	vmul.f32 v2, v8;
	v2 =	vmul.f32 v6, v8  }
0x157: {  	v4 =	vmul.f32 v7, v8;
	[tilespmem:s28+$0x40] =	vst v9  }
0x158: {  	[tilespmem:s28+$0x0] =	vst v5  }
0x159: {  	[tilespmem:s23+$0x20] =	vst v3  }
0x15a: {  	[tilespmem:s23+$0x10] =	vst v4  }
0x15b: {  	[tilespmem:s23+$0x30] =	vst v2  }
0x15c: {  	v2 =	vld [tilespmem:s26+$0x10];
	_ =	sdelay $0x1  }
0x15d: {  	v3 =	vld [tilespmem:s23+$0x50]  }
0x15e: {  	v4 =	vld [tilespmem:s23+$0x80]  }
0x15f: {  	v5 =	vld [tilespmem:s23+$0x60]  }
0x160: {  	v6 =	vld [tilespmem:s23+$0x90];
	v2 =	vperm.xlane v2, v1  }
0x161: {  	v7 =	vld [tilespmem:s23+$0x70]  }
0x162: {  	v3 =	vmul.f32 v3, v2  }
0x163: {  	v4 =	vmul.f32 v4, v2  }
0x164: {  	v5 =	vmul.f32 v5, v2;
	[tilespmem:s23+$0x50] =	vst v3  }
0x165: {  	v3 =	vmul.f32 v6, v2;
	[tilespmem:s23+$0x80] =	vst v4  }
0x166: {  	s24 =	sshll.u32 s20, $0x8;
	v2 =	vmul.f32 v7, v2;
	[tilespmem:s23+$0x60] =	vst v5  }
0x167: {  	s24 =	sand.u32 $0x3FFFFF00, s24;
	[tilespmem:s23+$0x90] =	vst v3  }
0x168: {  	s26 =	sadd.s32 $0x1500, s24;
	[tilespmem:s23+$0x70] =	vst v2  }
0x169: {  	[spmem:s1] =	stream.indirect.scatter.add.f32 [tilespmem:s4], [sflag:$0x5], $0x50, s26, s2, $0xb8;
	[tilespmem:$0x18A00] =	vst v63  }
0x16a: {  	_ =	swait.ge [sflag:s10], $0x800  }
0x16b: {  	[sflag:s10] =	ssyncset.done $0x0  }
0x16c: {  	[sflag:s10] =	ssyncadd.s32 $0xFFFFF800  }
0x16d: {  	_ =	swait.ge [sflag:s14], $0x2800  }
0x16e: {  	[sflag:s14] =	ssyncset.done $0x0  }
0x16f: {  	s24 =	simm.s32 $0x4220;
	[sflag:s14] =	ssyncadd.s32 $0xFFFFD800  }
0x170: {  	v2 =	vld [tilespmem:s24+$0xFFFFFFE0]  }
0x171: {  	s23 =	simm.s32 $0x72A0  }
0x172: {  	v3 =	vld [tilespmem:s23+$0xFFFFFF60]  }
0x173: {  	v4 =	vld [tilespmem:s23+$0xFFFFFFA0]  }
0x174: {  	v5 =	vld [tilespmem:s23+$0xFFFFFF90]  }
0x175: {  	v6 =	vld [tilespmem:s23+$0xFFFFFF70];
	v2 =	vperm.xlane v2, v1  }
0x176: {  	v7 =	vld [tilespmem:s23+$0xFFFFFF80]  }
0x177: {  	v3 =	vmul.f32 v3, v2  }
0x178: {  	v4 =	vmul.f32 v4, v2  }
0x179: {  	v5 =	vmul.f32 v5, v2;
	[tilespmem:s23+$0xFFFFFF60] =	vst v3  }
0x17a: {  	v3 =	vmul.f32 v6, v2;
	[tilespmem:s23+$0xFFFFFFA0] =	vst v4  }
0x17b: {  	v2 =	vmul.f32 v7, v2;
	[tilespmem:s23+$0xFFFFFF90] =	vst v5  }
0x17c: {  	[tilespmem:s23+$0xFFFFFF70] =	vst v3  }
0x17d: {  	[tilespmem:s23+$0xFFFFFF80] =	vst v2  }
0x17e: {  	v2 =	vld [tilespmem:s24+$0xFFFFFFF0];
	_ =	sdelay $0x1  }
0x17f: {  	v3 =	vld [tilespmem:s23+$0xFFFFFFB0]  }
0x180: {  	v4 =	vld [tilespmem:s23+$0xFFFFFFC0]  }
0x181: {  	v5 =	vld [tilespmem:s23+$0xFFFFFFD0]  }
0x182: {  	v6 =	vld [tilespmem:s23+$0xFFFFFFF0];
	v2 =	vperm.xlane v2, v1  }
0x183: {  	v7 =	vld [tilespmem:s23+$0xFFFFFFE0]  }
0x184: {  	v3 =	vmul.f32 v3, v2  }
0x185: {  	v4 =	vmul.f32 v4, v2  }
0x186: {  	v5 =	vmul.f32 v5, v2;
	[tilespmem:s23+$0xFFFFFFB0] =	vst v3  }
0x187: {  	v3 =	vmul.f32 v6, v2;
	[tilespmem:s23+$0xFFFFFFC0] =	vst v4  }
0x188: {  	v2 =	vmul.f32 v7, v2;
	[tilespmem:s23+$0xFFFFFFD0] =	vst v5  }
0x189: {  	[tilespmem:s23+$0xFFFFFFF0] =	vst v3  }
0x18a: {  	[tilespmem:s23+$0xFFFFFFE0] =	vst v2  }
0x18b: {  	v2 =	vld [tilespmem:s24+$0x0]  }
0x18c: {  	v4 =	vld [tilespmem:s23+$0x40]  }
0x18d: {  	v5 =	vld [tilespmem:s23+$0x0]  }
0x18e: {  	v6 =	vld [tilespmem:s23+$0x30]  }
0x18f: {  	v3 =	vld [tilespmem:s23+$0x20]  }
0x190: {  	v7 =	vld [tilespmem:s23+$0x10];
	v8 =	vperm.xlane v2, v1;
	_ =	sdelay $0x1  }
0x191: {  	v2 =	vmul.f32 v4, v8  }
0x192: {  	v5 =	vmul.f32 v5, v8  }
0x193: {  	v3 =	vmul.f32 v3, v8;
	[tilespmem:s23+$0x40] =	vst v2  }
0x194: {  	s25 =	simm.s32 $0x0;
	s28 =	simm.s32 $0x72A0;
	s26 =	simm.s32 $0x4220;
	v4 =	vmul.f32 v7, v8;
	v2 =	vmul.f32 v6, v8;
	[tilespmem:s23+$0x0] =	vst v5  }
.LBB2_12:
0x195: {  	s25 =	sadd.s32 $0x4, s25;
	[tilespmem:s23+$0x20] =	vst v3;
	s24 =	sadd.s32 $0x40, s24;
	s28 =	sadd.s32 $0x140, s28  }
0x196: {  	p0 =	slt.u32 s25, $0x7C;
	[tilespmem:s23+$0x10] =	vst v4  }
0x197: {  	[tilespmem:s23+$0x30] =	vst v2;
	v2 =	vld [tilespmem:s23+$0x50]  }
0x198: {  	v3 =	vld [tilespmem:s26+$0x10];
	s26 =	smov.u32 s24  }
0x199: {  	v4 =	vld [tilespmem:s23+$0x80]  }
0x19a: {  	v5 =	vld [tilespmem:s23+$0x60]  }
0x19b: {  	v6 =	vld [tilespmem:s23+$0x70]  }
0x19c: {  	v7 =	vld [tilespmem:s23+$0x90]  }
0x19d: {  	v3 =	vperm.xlane v3, v1;
	_ =	sdelay $0x1  }
0x19e: {  	v2 =	vmul.f32 v2, v3;
	v5 =	vmul.f32 v5, v3  }
0x19f: {  	v4 =	vmul.f32 v4, v3;
	v6 =	vmul.f32 v6, v3  }
0x1a0: {  	[tilespmem:s23+$0x50] =	vst v2;
	v2 =	vmul.f32 v7, v3  }
0x1a1: {  	[tilespmem:s23+$0x80] =	vst v4  }
0x1a2: {  	[tilespmem:s23+$0x60] =	vst v5  }
0x1a3: {  	[tilespmem:s23+$0x90] =	vst v2  }
0x1a4: {  	v2 =	vld [tilespmem:s28+$0xFFFFFF90];
	[tilespmem:s23+$0x70] =	vst v6;
	s23 =	smov.u32 s28  }
0x1a5: {  	v3 =	vld [tilespmem:s24+$0xFFFFFFE0]  }
0x1a6: {  	v4 =	vld [tilespmem:s28+$0xFFFFFFA0]  }
0x1a7: {  	v5 =	vld [tilespmem:s28+$0xFFFFFF60]  }
0x1a8: {  	v6 =	vld [tilespmem:s28+$0xFFFFFF80]  }
0x1a9: {  	v7 =	vld [tilespmem:s28+$0xFFFFFF70]  }
0x1aa: {  	v3 =	vperm.xlane v3, v1;
	_ =	sdelay $0x1  }
0x1ab: {  	v5 =	vmul.f32 v5, v3;
	v4 =	vmul.f32 v4, v3  }
0x1ac: {  	v2 =	vmul.f32 v2, v3;
	v6 =	vmul.f32 v6, v3  }
0x1ad: {  	[tilespmem:s28+$0xFFFFFF60] =	vst v5;
	v3 =	vmul.f32 v7, v3  }
0x1ae: {  	[tilespmem:s28+$0xFFFFFFA0] =	vst v4  }
0x1af: {  	[tilespmem:s28+$0xFFFFFF90] =	vst v2  }
0x1b0: {  	[tilespmem:s28+$0xFFFFFF70] =	vst v3  }
0x1b1: {  	[tilespmem:s28+$0xFFFFFF80] =	vst v6;
	v2 =	vld [tilespmem:s28+$0xFFFFFFE0]  }
0x1b2: {  	v3 =	vld [tilespmem:s24+$0xFFFFFFF0]  }
0x1b3: {  	v4 =	vld [tilespmem:s28+$0xFFFFFFC0]  }
0x1b4: {  	v5 =	vld [tilespmem:s28+$0xFFFFFFB0]  }
0x1b5: {  	v6 =	vld [tilespmem:s28+$0xFFFFFFD0]  }
0x1b6: {  	v7 =	vld [tilespmem:s28+$0xFFFFFFF0]  }
0x1b7: {  	v3 =	vperm.xlane v3, v1;
	_ =	sdelay $0x1  }
0x1b8: {  	v5 =	vmul.f32 v5, v3;
	v4 =	vmul.f32 v4, v3  }
0x1b9: {  	v2 =	vmul.f32 v2, v3;
	v6 =	vmul.f32 v6, v3  }
0x1ba: {  	[tilespmem:s28+$0xFFFFFFB0] =	vst v5;
	v3 =	vmul.f32 v7, v3  }
0x1bb: {  	[tilespmem:s28+$0xFFFFFFC0] =	vst v4  }
0x1bc: {  	[tilespmem:s28+$0xFFFFFFD0] =	vst v6  }
0x1bd: {  	[tilespmem:s28+$0xFFFFFFF0] =	vst v3  }
0x1be: {  	[tilespmem:s28+$0xFFFFFFE0] =	vst v2;
	v2 =	vld [tilespmem:s28+$0x20]  }
0x1bf: {  	v3 =	vld [tilespmem:s24+$0x0]  }
0x1c0: {  	v4 =	vld [tilespmem:s28+$0x40]  }
0x1c1: {  	v5 =	vld [tilespmem:s28+$0x0]  }
0x1c2: {  	v6 =	vld [tilespmem:s28+$0x30]  }
0x1c3: {  	v7 =	vld [tilespmem:s28+$0x10]  }
0x1c4: {  	v8 =	vperm.xlane v3, v1  }
.Ltmp8:
0x1c5: {  	(pc) =	sbr.rel @p0 .LBB2_12-.Ltmp8, $4  }
0x1c6: {  	v5 =	vmul.f32 v5, v8;
	v9 =	vmul.f32 v4, v8  }
0x1c7: {  	v3 =	vmul.f32 v2, v8;
	v2 =	vmul.f32 v6, v8  }
0x1c8: {  	v4 =	vmul.f32 v7, v8;
	[tilespmem:s28+$0x40] =	vst v9  }
0x1c9: {  	[tilespmem:s28+$0x0] =	vst v5  }
0x1ca: {  	[tilespmem:s23+$0x20] =	vst v3  }
0x1cb: {  	[tilespmem:s23+$0x10] =	vst v4  }
0x1cc: {  	[tilespmem:s23+$0x30] =	vst v2  }
0x1cd: {  	v2 =	vld [tilespmem:s26+$0x10];
	_ =	sdelay $0x1  }
0x1ce: {  	v3 =	vld [tilespmem:s23+$0x50]  }
0x1cf: {  	v63 =	vld [tilespmem:s23+$0x80]  }
0x1d0: {  	v5 =	vld [tilespmem:s23+$0x60]  }
0x1d1: {  	v6 =	vld [tilespmem:s23+$0x90];
	v2 =	vperm.xlane v2, v1  }
0x1d2: {  	v7 =	vld [tilespmem:s23+$0x70]  }
0x1d3: {  	v3 =	vmul.f32 v3, v2  }
0x1d4: {  	v4 =	vmul.f32 v63, v2  }
0x1d5: {  	v5 =	vmul.f32 v5, v2;
	[tilespmem:s23+$0x50] =	vst v3  }
0x1d6: {  	v3 =	vmul.f32 v6, v2;
	[tilespmem:s23+$0x80] =	vst v4  }
0x1d7: {  	p0 =	seq.s32 s20, $0x14;
	v2 =	vmul.f32 v7, v2;
	[tilespmem:s23+$0x60] =	vst v5  }
.Ltmp9:
0x1d8: {  	[tilespmem:s23+$0x90] =	vst v3;
	(pc) =	sbr.rel @p0 .LBB2_15-.Ltmp9, $4  }
0x1d9: {  	[tilespmem:s23+$0x70] =	vst v2  }
0x1da: {  	_ =	swait.ge [sflag:s13], $0x2800  }
0x1db: {  	[sflag:s13] =	ssyncset.done $0x0  }
0x1dc: {  	s22 =	sadd.s32 $0x1500, s22;
	[sflag:s13] =	ssyncadd.s32 $0xFFFFD800  }
0x1dd: {  	s21 =	sadd.s32 $0x2, s21  }
0x1de: {  	s23 =	sshll.u32 s21, $0xB  }
0x1df: {  	s23 =	sadd.s32 s7, s23  }
0x1e0: {  	s23 =	sshrl.u32 s23, $0x3  }
0x1e1: {  	s23 =	sadd.s32 s9, s23  }
0x1e2: {  	[tilespmem:s0], [sflag:$0x3] =	stream.linear.gather [hbm4b:s23+s3], $0x800, $0x38;
	[tilespmem:$0x18A00] =	vst v63  }
.Ltmp10:
0x1e3: {  	s21 =	sshll.u32 s21, $0x7;
	(pc) =	sbr.rel .LBB2_9-.Ltmp10, $4  }
0x1e4: {  	s21 =	sand.u32 $0x3FFFFF80, s21  }
0x1e5: {  	[tilespmem:s4], [sflag:$0x1] =	stream.indirect.gather [hbm4b:s19+s2], $0x50, s21, s2, $0xb8;
	[tilespmem:$0x18A00] =	vst v63  }
0x1e6: {  	s20 =	sadd.s32 $0x1, s20  }
0x1e7: {  	[spmem:s1] =	stream.indirect.scatter.add.f32 [tilespmem:s6], [sflag:$0x6], $0x50, s22, s2, $0xb8;
	[tilespmem:$0x18A00] =	vst v63  }
.LBB2_17:
0x1e8: {  	_ =	sfence.sel $0x180000  }
0x1e9: {  	[bflag:$0x0] =	sbarrier.arrive $0xFFFF  }
0x1ea: {  	_ =	strace $0x90000047  }
0x1eb: {  	s0 =	stileid.u32;
	[bflag:$0x2] =	sbarrier.arrive $0xFFFF  }
0x1ec: {  	p0 =	sne.s32 s0, $0x0;
	s0 =	rddreg [dreg:$0x2]  }
0x1ed: {  	s0 =	sadd.s32 @!p0 $0x100000, s0  }
0x1ee: {  	[sflag:s0] =	ssyncadd.tile.s32 @!p0 $0x1;
	_ =	shalt  }
.Lfunc_end2:
_tile_overlayer_lowered:
.L_overlay_start_2:
0x1ef: {  	(tag) =	ssettag $0x2  }
0x1f0: {  	s0 =	rddreg [dreg:$0x0];
	s2 =	stileid.u32  }
0x1f1: {  	s1 =	rddreg [dreg:$0x1];
	p0 =	sne.s32 s2, $0x0  }
0x1f2: {  	s3 =	rddreg [dreg:$0x2];
	[bflag:$0x3] =	sbarrier.arrive $0xFFFF;
	s2 =	simm.s32 @!p0 $0x1C07  }
0x1f3: {  	[timem:s3], [sflag:s2] =	dma.local @!p0 [hbm:s0], s1  }
0x1f4: {  	s0 =	simm.s32 @!p0 $0x7  }
0x1f5: {  	_ =	swait.ge @!p0 [sflag:s0], s1  }
0x1f6: {  	s1 =	ssub.s32 @!p0 $0x0, s1;
	[sflag:s0] =	ssyncset.done @!p0 $0x0  }
0x1f7: {  	[sflag:s0] =	ssyncadd.s32 @!p0 s1  }
0x1f8: {  	[bflag:$0x3] =	sbarrier.arrive $0xFFFF  }
0x1f9: {  	_ =	shalt  }

</sc_bundles>
